<compile_context>
chip_gen: v7x
topology: tpu7x:2x2x1
jax: 0.10.2.dev20260603
libtpu: 0.0.44.dev20260713+nightly
codegen_flags: <defaults>
</compile_context>

<pallas_src>
import functools

import jax
import jax.numpy as jnp
from jax import lax
from jax.experimental import pallas as pl
from jax.experimental.pallas import tpu as pltpu
from jax.experimental.pallas import tpu_sc as plsc

_N = 10000
_E = 320000
_D = 128
_K = 4
_NPAD = 10240
_EC = 128
_ECD = 80
_NCORE = 2
_NSUB = 16
_NW = _NCORE * _NSUB
_EPAD = _NW * 80 * _EC
_EPW = _EPAD // _NW
_NCH = _EPW // _EC
_NST = 2
_SCH = _NCH // _NST
_EPS = _E // _NSUB
_DCH = _EPS // _ECD
_RPS = _NPAD // _NSUB
_DPS = _NPAD // _NSUB
_RB = 2048


def _sc_mesh():
    return plsc.VectorSubcoreMesh(core_axis_name="c", subcore_axis_name="s")


def _degrees(edges4, zeros_d8, ones8):
    @functools.partial(
        pl.kernel,
        out_type=jax.ShapeDtypeStruct((_NCORE, _NPAD, _D), jnp.float32),
        mesh=_sc_mesh(),
        scratch_types=[
            pltpu.VMEM((_DCH, _ECD), jnp.int32),
            pltpu.VMEM((_ECD, _D), jnp.float32),
            pltpu.VMEM_SHARED((_NPAD, _D), jnp.float32),
            pltpu.SemaphoreType.DMA,
            pltpu.SemaphoreType.DMA,
        ],
    )
    def deg_kernel(e_hbm, z_hbm, ones_hbm, out_hbm, idxv, onesv, deg_sp,
                   sem_a, sem_b):
        c = lax.axis_index("c")
        s = lax.axis_index("s")
        pltpu.sync_copy(z_hbm.at[pl.ds(s * _DPS, _DPS)],
                        deg_sp.at[pl.ds(s * _DPS, _DPS)])
        pltpu.sync_copy(e_hbm.at[c, s], idxv)
        pltpu.sync_copy(ones_hbm, onesv)
        plsc.subcore_barrier()

        def pair(j, carry):
            @pl.when(j >= 1)
            def _():
                pltpu.make_async_copy(
                    onesv, deg_sp.at[idxv.at[2 * j - 2]], sem_a).wait()

            pltpu.async_copy(onesv, deg_sp.at[idxv.at[2 * j]],
                             sem_a, add=True)

            @pl.when(j >= 1)
            def _():
                pltpu.make_async_copy(
                    onesv, deg_sp.at[idxv.at[2 * j - 1]], sem_b).wait()

            pltpu.async_copy(onesv, deg_sp.at[idxv.at[2 * j + 1]],
                             sem_b, add=True)
            return carry

        lax.fori_loop(0, _DCH // 2, pair, 0)
        pltpu.make_async_copy(onesv, deg_sp.at[idxv.at[_DCH - 2]],
                              sem_a).wait()
        pltpu.make_async_copy(onesv, deg_sp.at[idxv.at[_DCH - 1]],
                              sem_b).wait()
        plsc.subcore_barrier()
        pltpu.sync_copy(deg_sp.at[pl.ds(s * _DPS, _DPS)],
                        out_hbm.at[c, pl.ds(s * _DPS, _DPS)])

    return deg_kernel(edges4, zeros_d8, ones8)


def _prop(g, src3, dst3, zeros_nd):
    @functools.partial(
        pl.kernel,
        out_type=jax.ShapeDtypeStruct((_NCORE, _NPAD, _D), jnp.float32),
        mesh=_sc_mesh(),
        scratch_types=[
            pltpu.VMEM((_SCH, _EC), jnp.int32),
            pltpu.VMEM((_SCH, _EC), jnp.int32),
            pltpu.VMEM((_EC, _D), jnp.float32),
            pltpu.VMEM((_EC, _D), jnp.float32),
            pltpu.VMEM_SHARED((_NPAD, _D), jnp.float32),
            pltpu.SemaphoreType.DMA,
            pltpu.SemaphoreType.DMA,
            pltpu.SemaphoreType.DMA,
            pltpu.SemaphoreType.DMA,
        ],
    )
    def prop_kernel(g_hbm, src_hbm, dst_hbm, z_hbm, out_hbm,
                    srcv, dstv, rows_a, rows_b, agg_sp,
                    gsem_a, gsem_b, ssem_a, ssem_b):
        c = lax.axis_index("c")
        s = lax.axis_index("s")
        w = c * _NSUB + s
        pltpu.sync_copy(z_hbm.at[pl.ds(s * _RPS, _RPS)],
                        agg_sp.at[pl.ds(s * _RPS, _RPS)])
        plsc.subcore_barrier()

        for stage in range(_NST):
            base = stage * _SCH
            pltpu.sync_copy(src_hbm.at[w, pl.ds(base, _SCH)], srcv)
            pltpu.sync_copy(dst_hbm.at[w, pl.ds(base, _SCH)], dstv)
            pltpu.async_copy(g_hbm.at[srcv.at[0]], rows_a, gsem_a)

            def pair(j, carry):
                @pl.when(j >= 1)
                def _():
                    pltpu.make_async_copy(rows_b,
                                          agg_sp.at[dstv.at[2 * j - 1]],
                                          ssem_b).wait()

                pltpu.async_copy(g_hbm.at[srcv.at[2 * j + 1]], rows_b, gsem_b)
                pltpu.make_async_copy(g_hbm.at[srcv.at[2 * j]],
                                      rows_a, gsem_a).wait()
                pltpu.async_copy(rows_a, agg_sp.at[dstv.at[2 * j]],
                                 ssem_a, add=True)

                pltpu.make_async_copy(rows_a, agg_sp.at[dstv.at[2 * j]],
                                      ssem_a).wait()

                @pl.when(j + 1 < _SCH // 2)
                def _():
                    pltpu.async_copy(g_hbm.at[srcv.at[2 * j + 2]],
                                     rows_a, gsem_a)

                pltpu.make_async_copy(g_hbm.at[srcv.at[2 * j + 1]],
                                      rows_b, gsem_b).wait()
                pltpu.async_copy(rows_b, agg_sp.at[dstv.at[2 * j + 1]],
                                 ssem_b, add=True)
                return carry

            lax.fori_loop(0, _SCH // 2, pair, 0)
            pltpu.make_async_copy(rows_b, agg_sp.at[dstv.at[_SCH - 1]],
                                  ssem_b).wait()
        plsc.subcore_barrier()
        pltpu.sync_copy(agg_sp.at[pl.ds(s * _RPS, _RPS)],
                        out_hbm.at[c, pl.ds(s * _RPS, _RPS)])

    return prop_kernel(g, src3, dst3, zeros_nd)


def _norm_col(d_ref):
    d = d_ref[:, 0:1]
    return jnp.where(d > 0.0, lax.rsqrt(d), 0.0)


def _row_spec():
    return pl.BlockSpec((_RB, _D), lambda i: (i, 0))


def _deg_spec():
    return pl.BlockSpec((_RB, _D), lambda i: (i, 0))


def _agg_spec():
    return pl.BlockSpec((_NCORE, _RB, _D), lambda i: (0, i, 0))


def _mat_spec():
    return pl.BlockSpec((_D, _D), lambda i: (0, 0))


def _bias_spec():
    return pl.BlockSpec((1, _D), lambda i: (0, 0))


_OUT_ND = jax.ShapeDtypeStruct((_NPAD, _D), jnp.float32)
_GRID = (_NPAD // _RB,)


def _mm1(x, w1, dq_out):
    def body(x_ref, w_ref, do_ref, o_ref):
        no = _norm_col(do_ref)
        o_ref[...] = jnp.dot(x_ref[...], w_ref[...],
                             preferred_element_type=jnp.float32) * no

    return pl.pallas_call(
        body, grid=_GRID,
        in_specs=[_row_spec(), _mat_spec(), _deg_spec()],
        out_specs=_row_spec(), out_shape=_OUT_ND,
    )(x, w1, dq_out)


def _hop(agg, dq_out, dq_in, bias):
    with_bias = bias is not None

    def body(a_ref, do_ref, di_ref, *rest):
        o_ref = rest[-1]
        a = a_ref[0] + a_ref[1]
        no = _norm_col(do_ref)
        ni = _norm_col(di_ref)
        g = a * (no * ni)
        if with_bias:
            g = g + no * rest[0][...]
        o_ref[...] = g

    in_specs = [_agg_spec(), _deg_spec(), _deg_spec()]
    args = [agg, dq_out, dq_in]
    if with_bias:
        in_specs.append(_bias_spec())
        args.append(bias)
    return pl.pallas_call(
        body, grid=_GRID, in_specs=in_specs,
        out_specs=_row_spec(), out_shape=_OUT_ND,
    )(*args)


def _mm2(agg, dq_in, dq_out, w3):
    def body(a_ref, di_ref, do_ref, w_ref, o_ref):
        a = a_ref[0] + a_ref[1]
        h = a * _norm_col(di_ref)
        o_ref[...] = jnp.dot(h, w_ref[...],
                             preferred_element_type=jnp.float32) * _norm_col(do_ref)

    return pl.pallas_call(
        body, grid=_GRID,
        in_specs=[_agg_spec(), _deg_spec(), _deg_spec(), _mat_spec()],
        out_specs=_row_spec(), out_shape=_OUT_ND,
    )(agg, dq_in, dq_out, w3)


def _final(agg, dq_in, bias):
    def body(a_ref, di_ref, b_ref, o_ref):
        a = a_ref[0] + a_ref[1]
        o_ref[...] = a * _norm_col(di_ref) + b_ref[...]

    return pl.pallas_call(
        body, grid=_GRID,
        in_specs=[_agg_spec(), _deg_spec(), _bias_spec()],
        out_specs=_row_spec(), out_shape=_OUT_ND,
    )(agg, dq_in, bias)


def kernel(features, edge_index, W1, b1, W3, b3):
    sink = (_N + (jnp.arange(_EPAD - _E, dtype=jnp.int32)
                  % (_NPAD - _N))).astype(jnp.int32)
    src3 = jnp.concatenate([edge_index[0], sink]).reshape(_NW, _NCH, _EC)
    dst3 = jnp.concatenate([edge_index[1], sink]).reshape(_NW, _NCH, _EC)
    edges4 = edge_index.reshape(2, _NSUB, _DCH, _ECD)
    zeros_nd = jnp.zeros((_NPAD, _D), jnp.float32)
    ones_d = jnp.ones((_ECD, _D), jnp.float32)
    xp = jnp.concatenate(
        [features, jnp.zeros((_NPAD - _N, _D), jnp.float32)])

    deg = _degrees(edges4, zeros_nd, ones_d)
    dq_out = deg[0]
    dq_in = deg[1]

    b1r = b1.reshape(1, _D)
    b3r = b3.reshape(1, _D)

    g = _mm1(xp, W1, dq_out)
    a = _prop(g, src3, dst3, zeros_nd)
    g = _hop(a, dq_out, dq_in, b1r)
    for _ in range(_K - 1):
        a = _prop(g, src3, dst3, zeros_nd)
        g = _hop(a, dq_out, dq_in, None)
    a = _prop(g, src3, dst3, zeros_nd)
    g = _mm2(a, dq_in, dq_out, W3)
    a = _prop(g, src3, dst3, zeros_nd)
    return _final(a, dq_in, b3r)[:_N]

# --- scband reference (transcript-rebuilt; emitter-appended) ---
"""Pipeline reference for scband-appnp-40415642255917 (READ-ONLY COPY).

The authoritative reference and input builder live on the scoring server;
editing this copy changes nothing except your own understanding.
"""

import jax, jax.numpy as jnp
import numpy as np

N = 10000
E = 320000
D_IN = 128
D_HID = 128
D_OUT = 128
K = 4
ALPHA = 0.0

def setup_inputs(seed: int = 0) -> dict:
    key = jax.random.key(seed)
    k1, k2, k3, k4 = jax.random.split(key, 4)
    features = jax.random.normal(k1, (N, D_IN), dtype=jnp.float32)
    edge_index = jax.random.randint(k2, (2, E), 0, N, dtype=jnp.int32)
    W1 = jax.random.normal(k3, (D_IN, D_HID), dtype=jnp.float32) * 0.05
    b1 = jnp.zeros((D_HID,), dtype=jnp.float32)
    W3 = jax.random.normal(k4, (D_HID, D_OUT), dtype=jnp.float32) * 0.05
    b3 = jnp.zeros((D_OUT,), dtype=jnp.float32)
    return {"features": features, "edge_index": edge_index, "W1": W1, "b1": b1, "W3": W3, "b3": b3}

def reference(features, edge_index, W1, b1, W3, b3):
    src = edge_index[0]
    dst = edge_index[1]
    ones = jnp.ones((E,), dtype=jnp.float32)
    deg_out = jax.ops.segment_sum(ones, src, num_segments=N)
    deg_in = jax.ops.segment_sum(ones, dst, num_segments=N)
    norm_out = jnp.where(deg_out > 0, deg_out ** -0.5, 0.0)
    norm_in = jnp.where(deg_in > 0, deg_in ** -0.5, 0.0)

    def prop(h):
        m = (h * norm_out[:, None])[src]
        agg = jax.ops.segment_sum(m, dst, num_segments=N)
        return agg * norm_in[:, None]

    # GraphConv 1 (norm='both', eval mode so dropout is identity)
    h1 = prop(features @ W1) + b1
    # APPNPConv k=4, alpha=0.0: h <- (1-alpha)*prop(h) + alpha*h0
    h = h1
    for _ in range(K):
        h = (1.0 - ALPHA) * prop(h) + ALPHA * h1
    # GraphConv 3
    out = prop(h @ W3) + b3
    return out

if __name__ == "__main__":
    import jax
    _d = setup_inputs()
    print(jax.jit(kernel)(*tuple(_d.values())))

</pallas_src>

<mosaic_0001>
#map = affine_map<(d0, d1) -> (0, 0)>
#map1 = affine_map<(d0, d1) -> (0, 0, 0)>
module attributes {stable_mosaic.version = 14 : i64} {
  func.func @prop_kernel(%arg0: i32, %arg1: i32, %arg2: memref<10240x128xf32, #tpu.memory_space<hbm>>, %arg3: memref<32x80x128xi32, #tpu.memory_space<hbm>>, %arg4: memref<32x80x128xi32, #tpu.memory_space<hbm>>, %arg5: memref<10240x128xf32, #tpu.memory_space<hbm>>, %arg6: memref<2x10240x128xf32, #tpu.memory_space<hbm>>, %arg7: memref<40x128xi32, #tpu.memory_space<vmem>>, %arg8: memref<40x128xi32, #tpu.memory_space<vmem>>, %arg9: memref<128x128xf32, #tpu.memory_space<vmem>>, %arg10: memref<128x128xf32, #tpu.memory_space<vmem>>, %arg11: memref<10240x128xf32, #tpu.memory_space<vmem_shared>>, %arg12: memref<!tpu.dma_semaphore, #tpu.memory_space<semaphore_mem>>, %arg13: memref<!tpu.dma_semaphore, #tpu.memory_space<semaphore_mem>>, %arg14: memref<!tpu.dma_semaphore, #tpu.memory_space<semaphore_mem>>, %arg15: memref<!tpu.dma_semaphore, #tpu.memory_space<semaphore_mem>>) attributes {dimension_semantics = [#tpu.dimension_semantics<core_parallel>, #tpu.dimension_semantics<subcore_parallel>], iteration_bounds = array<i64: 2, 16>, scalar_prefetch = 0 : i64, scratch_operands = 9 : i64, tpu.core_type = #tpu.core_type<sc_vector_subcore>, window_params = [{transform_indices = #map}, {transform_indices = #map1}, {transform_indices = #map1}, {transform_indices = #map}, {transform_indices = #map1}]} {
    %mul3A = arith.constant 16 : i32
    %mul3A_0 = arith.muli %arg0, %mul3A : i32
    %add3A = arith.addi %mul3A_0, %arg1 : i32
    %mul3A_1 = arith.constant 640 : i32
    %mul3A_2 = arith.muli %arg1, %mul3A_1 : i32
    %mul3A_3 = arith.constant 640 : i32
    %mul3A_4 = arith.muli %arg1, %mul3A_3 : i32
    "tpu.region"() ({
      %run_scoped3A = tpu.sem_alloc : memref<!tpu.dma_semaphore, #tpu.memory_space<semaphore_mem>>
      %dma_start3A_47 = arith.constant 0 : i32
      %dma_start3A_48 = tpu.memref_slice %arg11[%mul3A_4, %dma_start3A_47] : memref<10240x128xf32, #tpu.memory_space<vmem_shared>> -> memref<640x128xf32, #tpu.memory_space<vmem_shared>>
      %dma_start3A_49 = arith.constant 0 : i32
      %dma_start3A_50 = tpu.memref_slice %arg5[%mul3A_2, %dma_start3A_49] : memref<10240x128xf32, #tpu.memory_space<hbm>> -> memref<640x128xf32, #tpu.memory_space<hbm>>
      tpu.enqueue_dma source(%dma_start3A_50 : memref<640x128xf32, #tpu.memory_space<hbm>>) target(%dma_start3A_48 : memref<640x128xf32, #tpu.memory_space<vmem_shared>>) target_semaphore(%run_scoped3A : memref<!tpu.dma_semaphore, #tpu.memory_space<semaphore_mem>>)
      %dma_wait3A_51 = arith.constant 0 : i32
      %dma_wait3A_52 = tpu.memref_slice %arg11[%mul3A_4, %dma_wait3A_51] : memref<10240x128xf32, #tpu.memory_space<vmem_shared>> -> memref<640x128xf32, #tpu.memory_space<vmem_shared>>
      %dma_wait3A_53 = arith.constant 0 : i32
      %dma_wait3A_54 = tpu.memref_slice %arg5[%mul3A_2, %dma_wait3A_53] : memref<10240x128xf32, #tpu.memory_space<hbm>> -> memref<640x128xf32, #tpu.memory_space<hbm>>
      tpu.wait_dma2 semaphore(%run_scoped3A : memref<!tpu.dma_semaphore, #tpu.memory_space<semaphore_mem>>) src(%dma_wait3A_54 : memref<640x128xf32, #tpu.memory_space<hbm>>) dst(%dma_wait3A_52 : memref<640x128xf32, #tpu.memory_space<vmem_shared>>)
      tpu.yield
    }) : () -> ()
    %barrier3A = arith.constant 0 : index
    tpu.barrier barrier_id(%barrier3A)
    "tpu.region"() ({
      %run_scoped3A = tpu.sem_alloc : memref<!tpu.dma_semaphore, #tpu.memory_space<semaphore_mem>>
      %dma_start3A_47 = arith.constant 0 : i32
      %dma_start3A_48 = arith.constant 0 : i32
      %dma_start3A_49 = tpu.memref_slice %arg3[%add3A, %dma_start3A_47, %dma_start3A_48] : memref<32x80x128xi32, #tpu.memory_space<hbm>> -> memref<1x40x128xi32, #tpu.memory_space<hbm>>
      %dma_start3A_50 = tpu.memref_squeeze %dma_start3A_49 : memref<1x40x128xi32, #tpu.memory_space<hbm>> -> memref<40x128xi32, #tpu.memory_space<hbm>>
      %dma_start3A_51 = arith.constant 0 : i32
      %dma_start3A_52 = arith.constant 0 : i32
      %dma_start3A_53 = tpu.memref_slice %arg3[%add3A, %dma_start3A_51, %dma_start3A_52] : memref<32x80x128xi32, #tpu.memory_space<hbm>> -> memref<1x40x128xi32, #tpu.memory_space<hbm>>
      %dma_start3A_54 = tpu.memref_squeeze %dma_start3A_53 : memref<1x40x128xi32, #tpu.memory_space<hbm>> -> memref<40x128xi32, #tpu.memory_space<hbm>>
      tpu.enqueue_dma source(%dma_start3A_54 : memref<40x128xi32, #tpu.memory_space<hbm>>) target(%arg7 : memref<40x128xi32, #tpu.memory_space<vmem>>) target_semaphore(%run_scoped3A : memref<!tpu.dma_semaphore, #tpu.memory_space<semaphore_mem>>)
      %dma_wait3A_55 = arith.constant 0 : i32
      %dma_wait3A_56 = arith.constant 0 : i32
      %dma_wait3A_57 = tpu.memref_slice %arg3[%add3A, %dma_wait3A_55, %dma_wait3A_56] : memref<32x80x128xi32, #tpu.memory_space<hbm>> -> memref<1x40x128xi32, #tpu.memory_space<hbm>>
      %dma_wait3A_58 = tpu.memref_squeeze %dma_wait3A_57 : memref<1x40x128xi32, #tpu.memory_space<hbm>> -> memref<40x128xi32, #tpu.memory_space<hbm>>
      %dma_wait3A_59 = arith.constant 0 : i32
      %dma_wait3A_60 = arith.constant 0 : i32
      %dma_wait3A_61 = tpu.memref_slice %arg3[%add3A, %dma_wait3A_59, %dma_wait3A_60] : memref<32x80x128xi32, #tpu.memory_space<hbm>> -> memref<1x40x128xi32, #tpu.memory_space<hbm>>
      %dma_wait3A_62 = tpu.memref_squeeze %dma_wait3A_61 : memref<1x40x128xi32, #tpu.memory_space<hbm>> -> memref<40x128xi32, #tpu.memory_space<hbm>>
      tpu.wait_dma2 semaphore(%run_scoped3A : memref<!tpu.dma_semaphore, #tpu.memory_space<semaphore_mem>>) src(%dma_wait3A_62 : memref<40x128xi32, #tpu.memory_space<hbm>>) dst(%arg7 : memref<40x128xi32, #tpu.memory_space<vmem>>)
      tpu.yield
    }) : () -> ()
    "tpu.region"() ({
      %run_scoped3A = tpu.sem_alloc : memref<!tpu.dma_semaphore, #tpu.memory_space<semaphore_mem>>
      %dma_start3A_47 = arith.constant 0 : i32
      %dma_start3A_48 = arith.constant 0 : i32
      %dma_start3A_49 = tpu.memref_slice %arg4[%add3A, %dma_start3A_47, %dma_start3A_48] : memref<32x80x128xi32, #tpu.memory_space<hbm>> -> memref<1x40x128xi32, #tpu.memory_space<hbm>>
      %dma_start3A_50 = tpu.memref_squeeze %dma_start3A_49 : memref<1x40x128xi32, #tpu.memory_space<hbm>> -> memref<40x128xi32, #tpu.memory_space<hbm>>
      %dma_start3A_51 = arith.constant 0 : i32
      %dma_start3A_52 = arith.constant 0 : i32
      %dma_start3A_53 = tpu.memref_slice %arg4[%add3A, %dma_start3A_51, %dma_start3A_52] : memref<32x80x128xi32, #tpu.memory_space<hbm>> -> memref<1x40x128xi32, #tpu.memory_space<hbm>>
      %dma_start3A_54 = tpu.memref_squeeze %dma_start3A_53 : memref<1x40x128xi32, #tpu.memory_space<hbm>> -> memref<40x128xi32, #tpu.memory_space<hbm>>
      tpu.enqueue_dma source(%dma_start3A_54 : memref<40x128xi32, #tpu.memory_space<hbm>>) target(%arg8 : memref<40x128xi32, #tpu.memory_space<vmem>>) target_semaphore(%run_scoped3A : memref<!tpu.dma_semaphore, #tpu.memory_space<semaphore_mem>>)
      %dma_wait3A_55 = arith.constant 0 : i32
      %dma_wait3A_56 = arith.constant 0 : i32
      %dma_wait3A_57 = tpu.memref_slice %arg4[%add3A, %dma_wait3A_55, %dma_wait3A_56] : memref<32x80x128xi32, #tpu.memory_space<hbm>> -> memref<1x40x128xi32, #tpu.memory_space<hbm>>
      %dma_wait3A_58 = tpu.memref_squeeze %dma_wait3A_57 : memref<1x40x128xi32, #tpu.memory_space<hbm>> -> memref<40x128xi32, #tpu.memory_space<hbm>>
      %dma_wait3A_59 = arith.constant 0 : i32
      %dma_wait3A_60 = arith.constant 0 : i32
      %dma_wait3A_61 = tpu.memref_slice %arg4[%add3A, %dma_wait3A_59, %dma_wait3A_60] : memref<32x80x128xi32, #tpu.memory_space<hbm>> -> memref<1x40x128xi32, #tpu.memory_space<hbm>>
      %dma_wait3A_62 = tpu.memref_squeeze %dma_wait3A_61 : memref<1x40x128xi32, #tpu.memory_space<hbm>> -> memref<40x128xi32, #tpu.memory_space<hbm>>
      tpu.wait_dma2 semaphore(%run_scoped3A : memref<!tpu.dma_semaphore, #tpu.memory_space<semaphore_mem>>) src(%dma_wait3A_62 : memref<40x128xi32, #tpu.memory_space<hbm>>) dst(%arg8 : memref<40x128xi32, #tpu.memory_space<vmem>>)
      tpu.yield
    }) : () -> ()
    %dma_start3A = arith.constant 0 : i32
    %dma_start3A_5 = arith.constant 0 : i32
    %dma_start3A_6 = tpu.memref_slice %arg7[%dma_start3A, %dma_start3A_5] : memref<40x128xi32, #tpu.memory_space<vmem>> -> memref<1x128xi32, #tpu.memory_space<vmem>>
    %dma_start3A_7 = tpu.memref_squeeze %dma_start3A_6 : memref<1x128xi32, #tpu.memory_space<vmem>> -> memref<128xi32, #tpu.memory_space<vmem>>
    %dma_start3A_8 = arith.constant 0 : i32
    %dma_start3A_9 = arith.constant 0 : i32
    %dma_start3A_10 = tpu.memref_slice %arg2[%dma_start3A_8, %dma_start3A_9] : memref<10240x128xf32, #tpu.memory_space<hbm>> -> memref<10240x128xf32, #tpu.memory_space<hbm>>
    tpu.enqueue_indirect_dma source(%dma_start3A_10 : memref<10240x128xf32, #tpu.memory_space<hbm>>) target(%arg9 : memref<128x128xf32, #tpu.memory_space<vmem>>) offsets(%dma_start3A_7 : memref<128xi32, #tpu.memory_space<vmem>>) semaphore(%arg12 : memref<!tpu.dma_semaphore, #tpu.memory_space<semaphore_mem>>)
    %scan3A = arith.constant 0 : i32
    %scan3A_11 = arith.constant 0 : i32
    %scan3A_12 = arith.constant 20 : i32
    %scan3A_13 = arith.addi %scan3A_11, %scan3A_12 : i32
    %scan3A_14 = arith.constant 1 : i32
    scf.for %scan3A_47 = %scan3A_11 to %scan3A_13 step %scan3A_14  : i32 {
      %ge3A = arith.constant 1 : i32
      %ge3A_48 = arith.cmpi sge, %scan3A_47, %ge3A : i32
      %convert_element_type3A = arith.extui %ge3A_48 : i1 to i32
      %cond3A = arith.constant 0 : i32
      %cond3A_49 = arith.cmpi ne, %convert_element_type3A, %cond3A : i32
      scf.if %cond3A_49 {
        %mul3A_110 = arith.constant 2 : i32
        %mul3A_111 = arith.muli %mul3A_110, %scan3A_47 : i32
        %sub3A = arith.constant 1 : i32
        %sub3A_112 = arith.subi %mul3A_111, %sub3A : i32
        %dma_wait3A_113 = arith.constant 0 : i32
        %dma_wait3A_114 = tpu.memref_slice %arg8[%sub3A_112, %dma_wait3A_113] : memref<40x128xi32, #tpu.memory_space<vmem>> -> memref<1x128xi32, #tpu.memory_space<vmem>>
        %dma_wait3A_115 = tpu.memref_squeeze %dma_wait3A_114 : memref<1x128xi32, #tpu.memory_space<vmem>> -> memref<128xi32, #tpu.memory_space<vmem>>
        %dma_wait3A_116 = arith.constant 0 : i32
        %dma_wait3A_117 = arith.constant 0 : i32
        %dma_wait3A_118 = tpu.memref_slice %arg11[%dma_wait3A_116, %dma_wait3A_117] : memref<10240x128xf32, #tpu.memory_space<vmem_shared>> -> memref<10240x128xf32, #tpu.memory_space<vmem_shared>>
        tpu.wait_indirect_dma semaphore(%arg15 : memref<!tpu.dma_semaphore, #tpu.memory_space<semaphore_mem>>) src(%arg10 : memref<128x128xf32, #tpu.memory_space<vmem>>) dst(%dma_wait3A_118 : memref<10240x128xf32, #tpu.memory_space<vmem_shared>>)
      } else {
      }
      %mul3A_50 = arith.constant 2 : i32
      %mul3A_51 = arith.muli %mul3A_50, %scan3A_47 : i32
      %add3A_52 = arith.constant 1 : i32
      %add3A_53 = arith.addi %mul3A_51, %add3A_52 : i32
      %dma_start3A_54 = arith.constant 0 : i32
      %dma_start3A_55 = tpu.memref_slice %arg7[%add3A_53, %dma_start3A_54] : memref<40x128xi32, #tpu.memory_space<vmem>> -> memref<1x128xi32, #tpu.memory_space<vmem>>
      %dma_start3A_56 = tpu.memref_squeeze %dma_start3A_55 : memref<1x128xi32, #tpu.memory_space<vmem>> -> memref<128xi32, #tpu.memory_space<vmem>>
      %dma_start3A_57 = arith.constant 0 : i32
      %dma_start3A_58 = arith.constant 0 : i32
      %dma_start3A_59 = tpu.memref_slice %arg2[%dma_start3A_57, %dma_start3A_58] : memref<10240x128xf32, #tpu.memory_space<hbm>> -> memref<10240x128xf32, #tpu.memory_space<hbm>>
      tpu.enqueue_indirect_dma source(%dma_start3A_59 : memref<10240x128xf32, #tpu.memory_space<hbm>>) target(%arg10 : memref<128x128xf32, #tpu.memory_space<vmem>>) offsets(%dma_start3A_56 : memref<128xi32, #tpu.memory_space<vmem>>) semaphore(%arg13 : memref<!tpu.dma_semaphore, #tpu.memory_space<semaphore_mem>>)
      %mul3A_60 = arith.constant 2 : i32
      %mul3A_61 = arith.muli %mul3A_60, %scan3A_47 : i32
      %dma_wait3A_62 = arith.constant 0 : i32
      %dma_wait3A_63 = tpu.memref_slice %arg7[%mul3A_61, %dma_wait3A_62] : memref<40x128xi32, #tpu.memory_space<vmem>> -> memref<1x128xi32, #tpu.memory_space<vmem>>
      %dma_wait3A_64 = tpu.memref_squeeze %dma_wait3A_63 : memref<1x128xi32, #tpu.memory_space<vmem>> -> memref<128xi32, #tpu.memory_space<vmem>>
      %dma_wait3A_65 = arith.constant 0 : i32
      %dma_wait3A_66 = arith.constant 0 : i32
      %dma_wait3A_67 = tpu.memref_slice %arg2[%dma_wait3A_65, %dma_wait3A_66] : memref<10240x128xf32, #tpu.memory_space<hbm>> -> memref<10240x128xf32, #tpu.memory_space<hbm>>
      tpu.wait_indirect_dma semaphore(%arg12 : memref<!tpu.dma_semaphore, #tpu.memory_space<semaphore_mem>>) src(%dma_wait3A_67 : memref<10240x128xf32, #tpu.memory_space<hbm>>) dst(%arg9 : memref<128x128xf32, #tpu.memory_space<vmem>>)
      %mul3A_68 = arith.constant 2 : i32
      %mul3A_69 = arith.muli %mul3A_68, %scan3A_47 : i32
      %dma_start3A_70 = arith.constant 0 : i32
      %dma_start3A_71 = tpu.memref_slice %arg8[%mul3A_69, %dma_start3A_70] : memref<40x128xi32, #tpu.memory_space<vmem>> -> memref<1x128xi32, #tpu.memory_space<vmem>>
      %dma_start3A_72 = tpu.memref_squeeze %dma_start3A_71 : memref<1x128xi32, #tpu.memory_space<vmem>> -> memref<128xi32, #tpu.memory_space<vmem>>
      %dma_start3A_73 = arith.constant 0 : i32
      %dma_start3A_74 = arith.constant 0 : i32
      %dma_start3A_75 = tpu.memref_slice %arg11[%dma_start3A_73, %dma_start3A_74] : memref<10240x128xf32, #tpu.memory_space<vmem_shared>> -> memref<10240x128xf32, #tpu.memory_space<vmem_shared>>
      tpu.enqueue_indirect_dma source(%arg9 : memref<128x128xf32, #tpu.memory_space<vmem>>) target(%dma_start3A_75 : memref<10240x128xf32, #tpu.memory_space<vmem_shared>>) offsets(%dma_start3A_72 : memref<128xi32, #tpu.memory_space<vmem>>) semaphore(%arg14 : memref<!tpu.dma_semaphore, #tpu.memory_space<semaphore_mem>>) {add = true}
      %mul3A_76 = arith.constant 2 : i32
      %mul3A_77 = arith.muli %mul3A_76, %scan3A_47 : i32
      %dma_wait3A_78 = arith.constant 0 : i32
      %dma_wait3A_79 = tpu.memref_slice %arg8[%mul3A_77, %dma_wait3A_78] : memref<40x128xi32, #tpu.memory_space<vmem>> -> memref<1x128xi32, #tpu.memory_space<vmem>>
      %dma_wait3A_80 = tpu.memref_squeeze %dma_wait3A_79 : memref<1x128xi32, #tpu.memory_space<vmem>> -> memref<128xi32, #tpu.memory_space<vmem>>
      %dma_wait3A_81 = arith.constant 0 : i32
      %dma_wait3A_82 = arith.constant 0 : i32
      %dma_wait3A_83 = tpu.memref_slice %arg11[%dma_wait3A_81, %dma_wait3A_82] : memref<10240x128xf32, #tpu.memory_space<vmem_shared>> -> memref<10240x128xf32, #tpu.memory_space<vmem_shared>>
      tpu.wait_indirect_dma semaphore(%arg14 : memref<!tpu.dma_semaphore, #tpu.memory_space<semaphore_mem>>) src(%arg9 : memref<128x128xf32, #tpu.memory_space<vmem>>) dst(%dma_wait3A_83 : memref<10240x128xf32, #tpu.memory_space<vmem_shared>>)
      %add3A_84 = arith.constant 1 : i32
      %add3A_85 = arith.addi %scan3A_47, %add3A_84 : i32
      %lt3A = arith.constant 20 : i32
      %lt3A_86 = arith.cmpi slt, %add3A_85, %lt3A : i32
      %convert_element_type3A_87 = arith.extui %lt3A_86 : i1 to i32
      %cond3A_88 = arith.constant 0 : i32
      %cond3A_89 = arith.cmpi ne, %convert_element_type3A_87, %cond3A_88 : i32
      scf.if %cond3A_89 {
        %mul3A_110 = arith.constant 2 : i32
        %mul3A_111 = arith.muli %mul3A_110, %scan3A_47 : i32
        %add3A_112 = arith.constant 2 : i32
        %add3A_113 = arith.addi %mul3A_111, %add3A_112 : i32
        %dma_start3A_114 = arith.constant 0 : i32
        %dma_start3A_115 = tpu.memref_slice %arg7[%add3A_113, %dma_start3A_114] : memref<40x128xi32, #tpu.memory_space<vmem>> -> memref<1x128xi32, #tpu.memory_space<vmem>>
        %dma_start3A_116 = tpu.memref_squeeze %dma_start3A_115 : memref<1x128xi32, #tpu.memory_space<vmem>> -> memref<128xi32, #tpu.memory_space<vmem>>
        %dma_start3A_117 = arith.constant 0 : i32
        %dma_start3A_118 = arith.constant 0 : i32
        %dma_start3A_119 = tpu.memref_slice %arg2[%dma_start3A_117, %dma_start3A_118] : memref<10240x128xf32, #tpu.memory_space<hbm>> -> memref<10240x128xf32, #tpu.memory_space<hbm>>
        tpu.enqueue_indirect_dma source(%dma_start3A_119 : memref<10240x128xf32, #tpu.memory_space<hbm>>) target(%arg9 : memref<128x128xf32, #tpu.memory_space<vmem>>) offsets(%dma_start3A_116 : memref<128xi32, #tpu.memory_space<vmem>>) semaphore(%arg12 : memref<!tpu.dma_semaphore, #tpu.memory_space<semaphore_mem>>)
      } else {
      }
      %mul3A_90 = arith.constant 2 : i32
      %mul3A_91 = arith.muli %mul3A_90, %scan3A_47 : i32
      %add3A_92 = arith.constant 1 : i32
      %add3A_93 = arith.addi %mul3A_91, %add3A_92 : i32
      %dma_wait3A_94 = arith.constant 0 : i32
      %dma_wait3A_95 = tpu.memref_slice %arg7[%add3A_93, %dma_wait3A_94] : memref<40x128xi32, #tpu.memory_space<vmem>> -> memref<1x128xi32, #tpu.memory_space<vmem>>
      %dma_wait3A_96 = tpu.memref_squeeze %dma_wait3A_95 : memref<1x128xi32, #tpu.memory_space<vmem>> -> memref<128xi32, #tpu.memory_space<vmem>>
      %dma_wait3A_97 = arith.constant 0 : i32
      %dma_wait3A_98 = arith.constant 0 : i32
      %dma_wait3A_99 = tpu.memref_slice %arg2[%dma_wait3A_97, %dma_wait3A_98] : memref<10240x128xf32, #tpu.memory_space<hbm>> -> memref<10240x128xf32, #tpu.memory_space<hbm>>
      tpu.wait_indirect_dma semaphore(%arg13 : memref<!tpu.dma_semaphore, #tpu.memory_space<semaphore_mem>>) src(%dma_wait3A_99 : memref<10240x128xf32, #tpu.memory_space<hbm>>) dst(%arg10 : memref<128x128xf32, #tpu.memory_space<vmem>>)
      %mul3A_100 = arith.constant 2 : i32
      %mul3A_101 = arith.muli %mul3A_100, %scan3A_47 : i32
      %add3A_102 = arith.constant 1 : i32
      %add3A_103 = arith.addi %mul3A_101, %add3A_102 : i32
      %dma_start3A_104 = arith.constant 0 : i32
      %dma_start3A_105 = tpu.memref_slice %arg8[%add3A_103, %dma_start3A_104] : memref<40x128xi32, #tpu.memory_space<vmem>> -> memref<1x128xi32, #tpu.memory_space<vmem>>
      %dma_start3A_106 = tpu.memref_squeeze %dma_start3A_105 : memref<1x128xi32, #tpu.memory_space<vmem>> -> memref<128xi32, #tpu.memory_space<vmem>>
      %dma_start3A_107 = arith.constant 0 : i32
      %dma_start3A_108 = arith.constant 0 : i32
      %dma_start3A_109 = tpu.memref_slice %arg11[%dma_start3A_107, %dma_start3A_108] : memref<10240x128xf32, #tpu.memory_space<vmem_shared>> -> memref<10240x128xf32, #tpu.memory_space<vmem_shared>>
      tpu.enqueue_indirect_dma source(%arg10 : memref<128x128xf32, #tpu.memory_space<vmem>>) target(%dma_start3A_109 : memref<10240x128xf32, #tpu.memory_space<vmem_shared>>) offsets(%dma_start3A_106 : memref<128xi32, #tpu.memory_space<vmem>>) semaphore(%arg15 : memref<!tpu.dma_semaphore, #tpu.memory_space<semaphore_mem>>) {add = true}
    }
    %scan3A_15 = arith.constant 20 : i32
    %dma_wait3A = arith.constant 39 : i32
    %dma_wait3A_16 = arith.constant 0 : i32
    %dma_wait3A_17 = tpu.memref_slice %arg8[%dma_wait3A, %dma_wait3A_16] : memref<40x128xi32, #tpu.memory_space<vmem>> -> memref<1x128xi32, #tpu.memory_space<vmem>>
    %dma_wait3A_18 = tpu.memref_squeeze %dma_wait3A_17 : memref<1x128xi32, #tpu.memory_space<vmem>> -> memref<128xi32, #tpu.memory_space<vmem>>
    %dma_wait3A_19 = arith.constant 0 : i32
    %dma_wait3A_20 = arith.constant 0 : i32
    %dma_wait3A_21 = tpu.memref_slice %arg11[%dma_wait3A_19, %dma_wait3A_20] : memref<10240x128xf32, #tpu.memory_space<vmem_shared>> -> memref<10240x128xf32, #tpu.memory_space<vmem_shared>>
    tpu.wait_indirect_dma semaphore(%arg15 : memref<!tpu.dma_semaphore, #tpu.memory_space<semaphore_mem>>) src(%arg10 : memref<128x128xf32, #tpu.memory_space<vmem>>) dst(%dma_wait3A_21 : memref<10240x128xf32, #tpu.memory_space<vmem_shared>>)
    "tpu.region"() ({
      %run_scoped3A = tpu.sem_alloc : memref<!tpu.dma_semaphore, #tpu.memory_space<semaphore_mem>>
      %dma_start3A_47 = arith.constant 40 : i32
      %dma_start3A_48 = arith.constant 0 : i32
      %dma_start3A_49 = tpu.memref_slice %arg3[%add3A, %dma_start3A_47, %dma_start3A_48] : memref<32x80x128xi32, #tpu.memory_space<hbm>> -> memref<1x40x128xi32, #tpu.memory_space<hbm>>
      %dma_start3A_50 = tpu.memref_squeeze %dma_start3A_49 : memref<1x40x128xi32, #tpu.memory_space<hbm>> -> memref<40x128xi32, #tpu.memory_space<hbm>>
      %dma_start3A_51 = arith.constant 40 : i32
      %dma_start3A_52 = arith.constant 0 : i32
      %dma_start3A_53 = tpu.memref_slice %arg3[%add3A, %dma_start3A_51, %dma_start3A_52] : memref<32x80x128xi32, #tpu.memory_space<hbm>> -> memref<1x40x128xi32, #tpu.memory_space<hbm>>
      %dma_start3A_54 = tpu.memref_squeeze %dma_start3A_53 : memref<1x40x128xi32, #tpu.memory_space<hbm>> -> memref<40x128xi32, #tpu.memory_space<hbm>>
      tpu.enqueue_dma source(%dma_start3A_54 : memref<40x128xi32, #tpu.memory_space<hbm>>) target(%arg7 : memref<40x128xi32, #tpu.memory_space<vmem>>) target_semaphore(%run_scoped3A : memref<!tpu.dma_semaphore, #tpu.memory_space<semaphore_mem>>)
      %dma_wait3A_55 = arith.constant 40 : i32
      %dma_wait3A_56 = arith.constant 0 : i32
      %dma_wait3A_57 = tpu.memref_slice %arg3[%add3A, %dma_wait3A_55, %dma_wait3A_56] : memref<32x80x128xi32, #tpu.memory_space<hbm>> -> memref<1x40x128xi32, #tpu.memory_space<hbm>>
      %dma_wait3A_58 = tpu.memref_squeeze %dma_wait3A_57 : memref<1x40x128xi32, #tpu.memory_space<hbm>> -> memref<40x128xi32, #tpu.memory_space<hbm>>
      %dma_wait3A_59 = arith.constant 40 : i32
      %dma_wait3A_60 = arith.constant 0 : i32
      %dma_wait3A_61 = tpu.memref_slice %arg3[%add3A, %dma_wait3A_59, %dma_wait3A_60] : memref<32x80x128xi32, #tpu.memory_space<hbm>> -> memref<1x40x128xi32, #tpu.memory_space<hbm>>
      %dma_wait3A_62 = tpu.memref_squeeze %dma_wait3A_61 : memref<1x40x128xi32, #tpu.memory_space<hbm>> -> memref<40x128xi32, #tpu.memory_space<hbm>>
      tpu.wait_dma2 semaphore(%run_scoped3A : memref<!tpu.dma_semaphore, #tpu.memory_space<semaphore_mem>>) src(%dma_wait3A_62 : memref<40x128xi32, #tpu.memory_space<hbm>>) dst(%arg7 : memref<40x128xi32, #tpu.memory_space<vmem>>)
      tpu.yield
    }) : () -> ()
    "tpu.region"() ({
      %run_scoped3A = tpu.sem_alloc : memref<!tpu.dma_semaphore, #tpu.memory_space<semaphore_mem>>
      %dma_start3A_47 = arith.constant 40 : i32
      %dma_start3A_48 = arith.constant 0 : i32
      %dma_start3A_49 = tpu.memref_slice %arg4[%add3A, %dma_start3A_47, %dma_start3A_48] : memref<32x80x128xi32, #tpu.memory_space<hbm>> -> memref<1x40x128xi32, #tpu.memory_space<hbm>>
      %dma_start3A_50 = tpu.memref_squeeze %dma_start3A_49 : memref<1x40x128xi32, #tpu.memory_space<hbm>> -> memref<40x128xi32, #tpu.memory_space<hbm>>
      %dma_start3A_51 = arith.constant 40 : i32
      %dma_start3A_52 = arith.constant 0 : i32
      %dma_start3A_53 = tpu.memref_slice %arg4[%add3A, %dma_start3A_51, %dma_start3A_52] : memref<32x80x128xi32, #tpu.memory_space<hbm>> -> memref<1x40x128xi32, #tpu.memory_space<hbm>>
      %dma_start3A_54 = tpu.memref_squeeze %dma_start3A_53 : memref<1x40x128xi32, #tpu.memory_space<hbm>> -> memref<40x128xi32, #tpu.memory_space<hbm>>
      tpu.enqueue_dma source(%dma_start3A_54 : memref<40x128xi32, #tpu.memory_space<hbm>>) target(%arg8 : memref<40x128xi32, #tpu.memory_space<vmem>>) target_semaphore(%run_scoped3A : memref<!tpu.dma_semaphore, #tpu.memory_space<semaphore_mem>>)
      %dma_wait3A_55 = arith.constant 40 : i32
      %dma_wait3A_56 = arith.constant 0 : i32
      %dma_wait3A_57 = tpu.memref_slice %arg4[%add3A, %dma_wait3A_55, %dma_wait3A_56] : memref<32x80x128xi32, #tpu.memory_space<hbm>> -> memref<1x40x128xi32, #tpu.memory_space<hbm>>
      %dma_wait3A_58 = tpu.memref_squeeze %dma_wait3A_57 : memref<1x40x128xi32, #tpu.memory_space<hbm>> -> memref<40x128xi32, #tpu.memory_space<hbm>>
      %dma_wait3A_59 = arith.constant 40 : i32
      %dma_wait3A_60 = arith.constant 0 : i32
      %dma_wait3A_61 = tpu.memref_slice %arg4[%add3A, %dma_wait3A_59, %dma_wait3A_60] : memref<32x80x128xi32, #tpu.memory_space<hbm>> -> memref<1x40x128xi32, #tpu.memory_space<hbm>>
      %dma_wait3A_62 = tpu.memref_squeeze %dma_wait3A_61 : memref<1x40x128xi32, #tpu.memory_space<hbm>> -> memref<40x128xi32, #tpu.memory_space<hbm>>
      tpu.wait_dma2 semaphore(%run_scoped3A : memref<!tpu.dma_semaphore, #tpu.memory_space<semaphore_mem>>) src(%dma_wait3A_62 : memref<40x128xi32, #tpu.memory_space<hbm>>) dst(%arg8 : memref<40x128xi32, #tpu.memory_space<vmem>>)
      tpu.yield
    }) : () -> ()
    %dma_start3A_22 = arith.constant 0 : i32
    %dma_start3A_23 = arith.constant 0 : i32
    %dma_start3A_24 = tpu.memref_slice %arg7[%dma_start3A_22, %dma_start3A_23] : memref<40x128xi32, #tpu.memory_space<vmem>> -> memref<1x128xi32, #tpu.memory_space<vmem>>
    %dma_start3A_25 = tpu.memref_squeeze %dma_start3A_24 : memref<1x128xi32, #tpu.memory_space<vmem>> -> memref<128xi32, #tpu.memory_space<vmem>>
    %dma_start3A_26 = arith.constant 0 : i32
    %dma_start3A_27 = arith.constant 0 : i32
    %dma_start3A_28 = tpu.memref_slice %arg2[%dma_start3A_26, %dma_start3A_27] : memref<10240x128xf32, #tpu.memory_space<hbm>> -> memref<10240x128xf32, #tpu.memory_space<hbm>>
    tpu.enqueue_indirect_dma source(%dma_start3A_28 : memref<10240x128xf32, #tpu.memory_space<hbm>>) target(%arg9 : memref<128x128xf32, #tpu.memory_space<vmem>>) offsets(%dma_start3A_25 : memref<128xi32, #tpu.memory_space<vmem>>) semaphore(%arg12 : memref<!tpu.dma_semaphore, #tpu.memory_space<semaphore_mem>>)
    %scan3A_29 = arith.constant 0 : i32
    %scan3A_30 = arith.constant 0 : i32
    %scan3A_31 = arith.constant 20 : i32
    %scan3A_32 = arith.addi %scan3A_30, %scan3A_31 : i32
    %scan3A_33 = arith.constant 1 : i32
    scf.for %scan3A_47 = %scan3A_30 to %scan3A_32 step %scan3A_33  : i32 {
      %ge3A = arith.constant 1 : i32
      %ge3A_48 = arith.cmpi sge, %scan3A_47, %ge3A : i32
      %convert_element_type3A = arith.extui %ge3A_48 : i1 to i32
      %cond3A = arith.constant 0 : i32
      %cond3A_49 = arith.cmpi ne, %convert_element_type3A, %cond3A : i32
      scf.if %cond3A_49 {
        %mul3A_110 = arith.constant 2 : i32
        %mul3A_111 = arith.muli %mul3A_110, %scan3A_47 : i32
        %sub3A = arith.constant 1 : i32
        %sub3A_112 = arith.subi %mul3A_111, %sub3A : i32
        %dma_wait3A_113 = arith.constant 0 : i32
        %dma_wait3A_114 = tpu.memref_slice %arg8[%sub3A_112, %dma_wait3A_113] : memref<40x128xi32, #tpu.memory_space<vmem>> -> memref<1x128xi32, #tpu.memory_space<vmem>>
        %dma_wait3A_115 = tpu.memref_squeeze %dma_wait3A_114 : memref<1x128xi32, #tpu.memory_space<vmem>> -> memref<128xi32, #tpu.memory_space<vmem>>
        %dma_wait3A_116 = arith.constant 0 : i32
        %dma_wait3A_117 = arith.constant 0 : i32
        %dma_wait3A_118 = tpu.memref_slice %arg11[%dma_wait3A_116, %dma_wait3A_117] : memref<10240x128xf32, #tpu.memory_space<vmem_shared>> -> memref<10240x128xf32, #tpu.memory_space<vmem_shared>>
        tpu.wait_indirect_dma semaphore(%arg15 : memref<!tpu.dma_semaphore, #tpu.memory_space<semaphore_mem>>) src(%arg10 : memref<128x128xf32, #tpu.memory_space<vmem>>) dst(%dma_wait3A_118 : memref<10240x128xf32, #tpu.memory_space<vmem_shared>>)
      } else {
      }
      %mul3A_50 = arith.constant 2 : i32
      %mul3A_51 = arith.muli %mul3A_50, %scan3A_47 : i32
      %add3A_52 = arith.constant 1 : i32
      %add3A_53 = arith.addi %mul3A_51, %add3A_52 : i32
      %dma_start3A_54 = arith.constant 0 : i32
      %dma_start3A_55 = tpu.memref_slice %arg7[%add3A_53, %dma_start3A_54] : memref<40x128xi32, #tpu.memory_space<vmem>> -> memref<1x128xi32, #tpu.memory_space<vmem>>
      %dma_start3A_56 = tpu.memref_squeeze %dma_start3A_55 : memref<1x128xi32, #tpu.memory_space<vmem>> -> memref<128xi32, #tpu.memory_space<vmem>>
      %dma_start3A_57 = arith.constant 0 : i32
      %dma_start3A_58 = arith.constant 0 : i32
      %dma_start3A_59 = tpu.memref_slice %arg2[%dma_start3A_57, %dma_start3A_58] : memref<10240x128xf32, #tpu.memory_space<hbm>> -> memref<10240x128xf32, #tpu.memory_space<hbm>>
      tpu.enqueue_indirect_dma source(%dma_start3A_59 : memref<10240x128xf32, #tpu.memory_space<hbm>>) target(%arg10 : memref<128x128xf32, #tpu.memory_space<vmem>>) offsets(%dma_start3A_56 : memref<128xi32, #tpu.memory_space<vmem>>) semaphore(%arg13 : memref<!tpu.dma_semaphore, #tpu.memory_space<semaphore_mem>>)
      %mul3A_60 = arith.constant 2 : i32
      %mul3A_61 = arith.muli %mul3A_60, %scan3A_47 : i32
      %dma_wait3A_62 = arith.constant 0 : i32
      %dma_wait3A_63 = tpu.memref_slice %arg7[%mul3A_61, %dma_wait3A_62] : memref<40x128xi32, #tpu.memory_space<vmem>> -> memref<1x128xi32, #tpu.memory_space<vmem>>
      %dma_wait3A_64 = tpu.memref_squeeze %dma_wait3A_63 : memref<1x128xi32, #tpu.memory_space<vmem>> -> memref<128xi32, #tpu.memory_space<vmem>>
      %dma_wait3A_65 = arith.constant 0 : i32
      %dma_wait3A_66 = arith.constant 0 : i32
      %dma_wait3A_67 = tpu.memref_slice %arg2[%dma_wait3A_65, %dma_wait3A_66] : memref<10240x128xf32, #tpu.memory_space<hbm>> -> memref<10240x128xf32, #tpu.memory_space<hbm>>
      tpu.wait_indirect_dma semaphore(%arg12 : memref<!tpu.dma_semaphore, #tpu.memory_space<semaphore_mem>>) src(%dma_wait3A_67 : memref<10240x128xf32, #tpu.memory_space<hbm>>) dst(%arg9 : memref<128x128xf32, #tpu.memory_space<vmem>>)
      %mul3A_68 = arith.constant 2 : i32
      %mul3A_69 = arith.muli %mul3A_68, %scan3A_47 : i32
      %dma_start3A_70 = arith.constant 0 : i32
      %dma_start3A_71 = tpu.memref_slice %arg8[%mul3A_69, %dma_start3A_70] : memref<40x128xi32, #tpu.memory_space<vmem>> -> memref<1x128xi32, #tpu.memory_space<vmem>>
      %dma_start3A_72 = tpu.memref_squeeze %dma_start3A_71 : memref<1x128xi32, #tpu.memory_space<vmem>> -> memref<128xi32, #tpu.memory_space<vmem>>
      %dma_start3A_73 = arith.constant 0 : i32
      %dma_start3A_74 = arith.constant 0 : i32
      %dma_start3A_75 = tpu.memref_slice %arg11[%dma_start3A_73, %dma_start3A_74] : memref<10240x128xf32, #tpu.memory_space<vmem_shared>> -> memref<10240x128xf32, #tpu.memory_space<vmem_shared>>
      tpu.enqueue_indirect_dma source(%arg9 : memref<128x128xf32, #tpu.memory_space<vmem>>) target(%dma_start3A_75 : memref<10240x128xf32, #tpu.memory_space<vmem_shared>>) offsets(%dma_start3A_72 : memref<128xi32, #tpu.memory_space<vmem>>) semaphore(%arg14 : memref<!tpu.dma_semaphore, #tpu.memory_space<semaphore_mem>>) {add = true}
      %mul3A_76 = arith.constant 2 : i32
      %mul3A_77 = arith.muli %mul3A_76, %scan3A_47 : i32
      %dma_wait3A_78 = arith.constant 0 : i32
      %dma_wait3A_79 = tpu.memref_slice %arg8[%mul3A_77, %dma_wait3A_78] : memref<40x128xi32, #tpu.memory_space<vmem>> -> memref<1x128xi32, #tpu.memory_space<vmem>>
      %dma_wait3A_80 = tpu.memref_squeeze %dma_wait3A_79 : memref<1x128xi32, #tpu.memory_space<vmem>> -> memref<128xi32, #tpu.memory_space<vmem>>
      %dma_wait3A_81 = arith.constant 0 : i32
      %dma_wait3A_82 = arith.constant 0 : i32
      %dma_wait3A_83 = tpu.memref_slice %arg11[%dma_wait3A_81, %dma_wait3A_82] : memref<10240x128xf32, #tpu.memory_space<vmem_shared>> -> memref<10240x128xf32, #tpu.memory_space<vmem_shared>>
      tpu.wait_indirect_dma semaphore(%arg14 : memref<!tpu.dma_semaphore, #tpu.memory_space<semaphore_mem>>) src(%arg9 : memref<128x128xf32, #tpu.memory_space<vmem>>) dst(%dma_wait3A_83 : memref<10240x128xf32, #tpu.memory_space<vmem_shared>>)
      %add3A_84 = arith.constant 1 : i32
      %add3A_85 = arith.addi %scan3A_47, %add3A_84 : i32
      %lt3A = arith.constant 20 : i32
      %lt3A_86 = arith.cmpi slt, %add3A_85, %lt3A : i32
      %convert_element_type3A_87 = arith.extui %lt3A_86 : i1 to i32
      %cond3A_88 = arith.constant 0 : i32
      %cond3A_89 = arith.cmpi ne, %convert_element_type3A_87, %cond3A_88 : i32
      scf.if %cond3A_89 {
        %mul3A_110 = arith.constant 2 : i32
        %mul3A_111 = arith.muli %mul3A_110, %scan3A_47 : i32
        %add3A_112 = arith.constant 2 : i32
        %add3A_113 = arith.addi %mul3A_111, %add3A_112 : i32
        %dma_start3A_114 = arith.constant 0 : i32
        %dma_start3A_115 = tpu.memref_slice %arg7[%add3A_113, %dma_start3A_114] : memref<40x128xi32, #tpu.memory_space<vmem>> -> memref<1x128xi32, #tpu.memory_space<vmem>>
        %dma_start3A_116 = tpu.memref_squeeze %dma_start3A_115 : memref<1x128xi32, #tpu.memory_space<vmem>> -> memref<128xi32, #tpu.memory_space<vmem>>
        %dma_start3A_117 = arith.constant 0 : i32
        %dma_start3A_118 = arith.constant 0 : i32
        %dma_start3A_119 = tpu.memref_slice %arg2[%dma_start3A_117, %dma_start3A_118] : memref<10240x128xf32, #tpu.memory_space<hbm>> -> memref<10240x128xf32, #tpu.memory_space<hbm>>
        tpu.enqueue_indirect_dma source(%dma_start3A_119 : memref<10240x128xf32, #tpu.memory_space<hbm>>) target(%arg9 : memref<128x128xf32, #tpu.memory_space<vmem>>) offsets(%dma_start3A_116 : memref<128xi32, #tpu.memory_space<vmem>>) semaphore(%arg12 : memref<!tpu.dma_semaphore, #tpu.memory_space<semaphore_mem>>)
      } else {
      }
      %mul3A_90 = arith.constant 2 : i32
      %mul3A_91 = arith.muli %mul3A_90, %scan3A_47 : i32
      %add3A_92 = arith.constant 1 : i32
      %add3A_93 = arith.addi %mul3A_91, %add3A_92 : i32
      %dma_wait3A_94 = arith.constant 0 : i32
      %dma_wait3A_95 = tpu.memref_slice %arg7[%add3A_93, %dma_wait3A_94] : memref<40x128xi32, #tpu.memory_space<vmem>> -> memref<1x128xi32, #tpu.memory_space<vmem>>
      %dma_wait3A_96 = tpu.memref_squeeze %dma_wait3A_95 : memref<1x128xi32, #tpu.memory_space<vmem>> -> memref<128xi32, #tpu.memory_space<vmem>>
      %dma_wait3A_97 = arith.constant 0 : i32
      %dma_wait3A_98 = arith.constant 0 : i32
      %dma_wait3A_99 = tpu.memref_slice %arg2[%dma_wait3A_97, %dma_wait3A_98] : memref<10240x128xf32, #tpu.memory_space<hbm>> -> memref<10240x128xf32, #tpu.memory_space<hbm>>
      tpu.wait_indirect_dma semaphore(%arg13 : memref<!tpu.dma_semaphore, #tpu.memory_space<semaphore_mem>>) src(%dma_wait3A_99 : memref<10240x128xf32, #tpu.memory_space<hbm>>) dst(%arg10 : memref<128x128xf32, #tpu.memory_space<vmem>>)
      %mul3A_100 = arith.constant 2 : i32
      %mul3A_101 = arith.muli %mul3A_100, %scan3A_47 : i32
      %add3A_102 = arith.constant 1 : i32
      %add3A_103 = arith.addi %mul3A_101, %add3A_102 : i32
      %dma_start3A_104 = arith.constant 0 : i32
      %dma_start3A_105 = tpu.memref_slice %arg8[%add3A_103, %dma_start3A_104] : memref<40x128xi32, #tpu.memory_space<vmem>> -> memref<1x128xi32, #tpu.memory_space<vmem>>
      %dma_start3A_106 = tpu.memref_squeeze %dma_start3A_105 : memref<1x128xi32, #tpu.memory_space<vmem>> -> memref<128xi32, #tpu.memory_space<vmem>>
      %dma_start3A_107 = arith.constant 0 : i32
      %dma_start3A_108 = arith.constant 0 : i32
      %dma_start3A_109 = tpu.memref_slice %arg11[%dma_start3A_107, %dma_start3A_108] : memref<10240x128xf32, #tpu.memory_space<vmem_shared>> -> memref<10240x128xf32, #tpu.memory_space<vmem_shared>>
      tpu.enqueue_indirect_dma source(%arg10 : memref<128x128xf32, #tpu.memory_space<vmem>>) target(%dma_start3A_109 : memref<10240x128xf32, #tpu.memory_space<vmem_shared>>) offsets(%dma_start3A_106 : memref<128xi32, #tpu.memory_space<vmem>>) semaphore(%arg15 : memref<!tpu.dma_semaphore, #tpu.memory_space<semaphore_mem>>) {add = true}
    }
    %scan3A_34 = arith.constant 20 : i32
    %dma_wait3A_35 = arith.constant 39 : i32
    %dma_wait3A_36 = arith.constant 0 : i32
    %dma_wait3A_37 = tpu.memref_slice %arg8[%dma_wait3A_35, %dma_wait3A_36] : memref<40x128xi32, #tpu.memory_space<vmem>> -> memref<1x128xi32, #tpu.memory_space<vmem>>
    %dma_wait3A_38 = tpu.memref_squeeze %dma_wait3A_37 : memref<1x128xi32, #tpu.memory_space<vmem>> -> memref<128xi32, #tpu.memory_space<vmem>>
    %dma_wait3A_39 = arith.constant 0 : i32
    %dma_wait3A_40 = arith.constant 0 : i32
    %dma_wait3A_41 = tpu.memref_slice %arg11[%dma_wait3A_39, %dma_wait3A_40] : memref<10240x128xf32, #tpu.memory_space<vmem_shared>> -> memref<10240x128xf32, #tpu.memory_space<vmem_shared>>
    tpu.wait_indirect_dma semaphore(%arg15 : memref<!tpu.dma_semaphore, #tpu.memory_space<semaphore_mem>>) src(%arg10 : memref<128x128xf32, #tpu.memory_space<vmem>>) dst(%dma_wait3A_41 : memref<10240x128xf32, #tpu.memory_space<vmem_shared>>)
    %barrier3A_42 = arith.constant 0 : index
    tpu.barrier barrier_id(%barrier3A_42)
    %mul3A_43 = arith.constant 640 : i32
    %mul3A_44 = arith.muli %arg1, %mul3A_43 : i32
    %mul3A_45 = arith.constant 640 : i32
    %mul3A_46 = arith.muli %arg1, %mul3A_45 : i32
    "tpu.region"() ({
      %run_scoped3A = tpu.sem_alloc : memref<!tpu.dma_semaphore, #tpu.memory_space<semaphore_mem>>
      %dma_start3A_47 = arith.constant 0 : i32
      %dma_start3A_48 = tpu.memref_slice %arg6[%arg0, %mul3A_46, %dma_start3A_47] : memref<2x10240x128xf32, #tpu.memory_space<hbm>> -> memref<1x640x128xf32, #tpu.memory_space<hbm>>
      %dma_start3A_49 = tpu.memref_squeeze %dma_start3A_48 : memref<1x640x128xf32, #tpu.memory_space<hbm>> -> memref<640x128xf32, #tpu.memory_space<hbm>>
      %dma_start3A_50 = arith.constant 0 : i32
      %dma_start3A_51 = tpu.memref_slice %arg11[%mul3A_44, %dma_start3A_50] : memref<10240x128xf32, #tpu.memory_space<vmem_shared>> -> memref<640x128xf32, #tpu.memory_space<vmem_shared>>
      tpu.enqueue_dma source(%dma_start3A_51 : memref<640x128xf32, #tpu.memory_space<vmem_shared>>) target(%dma_start3A_49 : memref<640x128xf32, #tpu.memory_space<hbm>>) target_semaphore(%run_scoped3A : memref<!tpu.dma_semaphore, #tpu.memory_space<semaphore_mem>>)
      %dma_wait3A_52 = arith.constant 0 : i32
      %dma_wait3A_53 = tpu.memref_slice %arg6[%arg0, %mul3A_46, %dma_wait3A_52] : memref<2x10240x128xf32, #tpu.memory_space<hbm>> -> memref<1x640x128xf32, #tpu.memory_space<hbm>>
      %dma_wait3A_54 = tpu.memref_squeeze %dma_wait3A_53 : memref<1x640x128xf32, #tpu.memory_space<hbm>> -> memref<640x128xf32, #tpu.memory_space<hbm>>
      %dma_wait3A_55 = arith.constant 0 : i32
      %dma_wait3A_56 = tpu.memref_slice %arg11[%mul3A_44, %dma_wait3A_55] : memref<10240x128xf32, #tpu.memory_space<vmem_shared>> -> memref<640x128xf32, #tpu.memory_space<vmem_shared>>
      tpu.wait_dma2 semaphore(%run_scoped3A : memref<!tpu.dma_semaphore, #tpu.memory_space<semaphore_mem>>) src(%dma_wait3A_56 : memref<640x128xf32, #tpu.memory_space<vmem_shared>>) dst(%dma_wait3A_54 : memref<640x128xf32, #tpu.memory_space<hbm>>)
      tpu.yield
    }) : () -> ()
    return
  }
}

#map = affine_map<(d0, d1) -> (0, 0)>
#map1 = affine_map<(d0, d1) -> (0, 0, 0)>
module attributes {stable_mosaic.version = 14 : i64} {
  func.func @prop_kernel(%arg0: i32, %arg1: i32, %arg2: memref<10240x128xf32, #tpu.memory_space<hbm>>, %arg3: memref<32x80x128xi32, #tpu.memory_space<hbm>>, %arg4: memref<32x80x128xi32, #tpu.memory_space<hbm>>, %arg5: memref<10240x128xf32, #tpu.memory_space<hbm>>, %arg6: memref<2x10240x128xf32, #tpu.memory_space<hbm>>, %arg7: memref<40x128xi32, #tpu.memory_space<vmem>>, %arg8: memref<40x128xi32, #tpu.memory_space<vmem>>, %arg9: memref<128x128xf32, #tpu.memory_space<vmem>>, %arg10: memref<128x128xf32, #tpu.memory_space<vmem>>, %arg11: memref<10240x128xf32, #tpu.memory_space<vmem_shared>>, %arg12: memref<!tpu.dma_semaphore, #tpu.memory_space<semaphore_mem>>, %arg13: memref<!tpu.dma_semaphore, #tpu.memory_space<semaphore_mem>>, %arg14: memref<!tpu.dma_semaphore, #tpu.memory_space<semaphore_mem>>, %arg15: memref<!tpu.dma_semaphore, #tpu.memory_space<semaphore_mem>>) attributes {dimension_semantics = [#tpu.dimension_semantics<core_parallel>, #tpu.dimension_semantics<subcore_parallel>], iteration_bounds = array<i64: 2, 16>, scalar_prefetch = 0 : i64, scratch_operands = 9 : i64, tpu.core_type = #tpu.core_type<sc_vector_subcore>, window_params = [{transform_indices = #map}, {transform_indices = #map1}, {transform_indices = #map1}, {transform_indices = #map}, {transform_indices = #map1}]} {
    %mul3A = arith.constant 16 : i32
    %mul3A_0 = arith.muli %arg0, %mul3A : i32
    %add3A = arith.addi %mul3A_0, %arg1 : i32
    %mul3A_1 = arith.constant 640 : i32
    %mul3A_2 = arith.muli %arg1, %mul3A_1 : i32
    %mul3A_3 = arith.constant 640 : i32
    %mul3A_4 = arith.muli %arg1, %mul3A_3 : i32
    "tpu.region"() ({
      %run_scoped3A = tpu.sem_alloc : memref<!tpu.dma_semaphore, #tpu.memory_space<semaphore_mem>>
      %dma_start3A_47 = arith.constant 0 : i32
      %dma_start3A_48 = tpu.memref_slice %arg11[%mul3A_4, %dma_start3A_47] : memref<10240x128xf32, #tpu.memory_space<vmem_shared>> -> memref<640x128xf32, #tpu.memory_space<vmem_shared>>
      %dma_start3A_49 = arith.constant 0 : i32
      %dma_start3A_50 = tpu.memref_slice %arg5[%mul3A_2, %dma_start3A_49] : memref<10240x128xf32, #tpu.memory_space<hbm>> -> memref<640x128xf32, #tpu.memory_space<hbm>>
      tpu.enqueue_dma source(%dma_start3A_50 : memref<640x128xf32, #tpu.memory_space<hbm>>) target(%dma_start3A_48 : memref<640x128xf32, #tpu.memory_space<vmem_shared>>) target_semaphore(%run_scoped3A : memref<!tpu.dma_semaphore, #tpu.memory_space<semaphore_mem>>)
      %dma_wait3A_51 = arith.constant 0 : i32
      %dma_wait3A_52 = tpu.memref_slice %arg11[%mul3A_4, %dma_wait3A_51] : memref<10240x128xf32, #tpu.memory_space<vmem_shared>> -> memref<640x128xf32, #tpu.memory_space<vmem_shared>>
      %dma_wait3A_53 = arith.constant 0 : i32
      %dma_wait3A_54 = tpu.memref_slice %arg5[%mul3A_2, %dma_wait3A_53] : memref<10240x128xf32, #tpu.memory_space<hbm>> -> memref<640x128xf32, #tpu.memory_space<hbm>>
      tpu.wait_dma2 semaphore(%run_scoped3A : memref<!tpu.dma_semaphore, #tpu.memory_space<semaphore_mem>>) src(%dma_wait3A_54 : memref<640x128xf32, #tpu.memory_space<hbm>>) dst(%dma_wait3A_52 : memref<640x128xf32, #tpu.memory_space<vmem_shared>>)
      tpu.yield
    }) : () -> ()
    %barrier3A = arith.constant 0 : index
    tpu.barrier barrier_id(%barrier3A)
    "tpu.region"() ({
      %run_scoped3A = tpu.sem_alloc : memref<!tpu.dma_semaphore, #tpu.memory_space<semaphore_mem>>
      %dma_start3A_47 = arith.constant 0 : i32
      %dma_start3A_48 = arith.constant 0 : i32
      %dma_start3A_49 = tpu.memref_slice %arg3[%add3A, %dma_start3A_47, %dma_start3A_48] : memref<32x80x128xi32, #tpu.memory_space<hbm>> -> memref<1x40x128xi32, #tpu.memory_space<hbm>>
      %dma_start3A_50 = tpu.memref_squeeze %dma_start3A_49 : memref<1x40x128xi32, #tpu.memory_space<hbm>> -> memref<40x128xi32, #tpu.memory_space<hbm>>
      %dma_start3A_51 = arith.constant 0 : i32
      %dma_start3A_52 = arith.constant 0 : i32
      %dma_start3A_53 = tpu.memref_slice %arg3[%add3A, %dma_start3A_51, %dma_start3A_52] : memref<32x80x128xi32, #tpu.memory_space<hbm>> -> memref<1x40x128xi32, #tpu.memory_space<hbm>>
      %dma_start3A_54 = tpu.memref_squeeze %dma_start3A_53 : memref<1x40x128xi32, #tpu.memory_space<hbm>> -> memref<40x128xi32, #tpu.memory_space<hbm>>
      tpu.enqueue_dma source(%dma_start3A_54 : memref<40x128xi32, #tpu.memory_space<hbm>>) target(%arg7 : memref<40x128xi32, #tpu.memory_space<vmem>>) target_semaphore(%run_scoped3A : memref<!tpu.dma_semaphore, #tpu.memory_space<semaphore_mem>>)
      %dma_wait3A_55 = arith.constant 0 : i32
      %dma_wait3A_56 = arith.constant 0 : i32
      %dma_wait3A_57 = tpu.memref_slice %arg3[%add3A, %dma_wait3A_55, %dma_wait3A_56] : memref<32x80x128xi32, #tpu.memory_space<hbm>> -> memref<1x40x128xi32, #tpu.memory_space<hbm>>
      %dma_wait3A_58 = tpu.memref_squeeze %dma_wait3A_57 : memref<1x40x128xi32, #tpu.memory_space<hbm>> -> memref<40x128xi32, #tpu.memory_space<hbm>>
      %dma_wait3A_59 = arith.constant 0 : i32
      %dma_wait3A_60 = arith.constant 0 : i32
      %dma_wait3A_61 = tpu.memref_slice %arg3[%add3A, %dma_wait3A_59, %dma_wait3A_60] : memref<32x80x128xi32, #tpu.memory_space<hbm>> -> memref<1x40x128xi32, #tpu.memory_space<hbm>>
      %dma_wait3A_62 = tpu.memref_squeeze %dma_wait3A_61 : memref<1x40x128xi32, #tpu.memory_space<hbm>> -> memref<40x128xi32, #tpu.memory_space<hbm>>
      tpu.wait_dma2 semaphore(%run_scoped3A : memref<!tpu.dma_semaphore, #tpu.memory_space<semaphore_mem>>) src(%dma_wait3A_62 : memref<40x128xi32, #tpu.memory_space<hbm>>) dst(%arg7 : memref<40x128xi32, #tpu.memory_space<vmem>>)
      tpu.yield
    }) : () -> ()
    "tpu.region"() ({
      %run_scoped3A = tpu.sem_alloc : memref<!tpu.dma_semaphore, #tpu.memory_space<semaphore_mem>>
      %dma_start3A_47 = arith.constant 0 : i32
      %dma_start3A_48 = arith.constant 0 : i32
      %dma_start3A_49 = tpu.memref_slice %arg4[%add3A, %dma_start3A_47, %dma_start3A_48] : memref<32x80x128xi32, #tpu.memory_space<hbm>> -> memref<1x40x128xi32, #tpu.memory_space<hbm>>
      %dma_start3A_50 = tpu.memref_squeeze %dma_start3A_49 : memref<1x40x128xi32, #tpu.memory_space<hbm>> -> memref<40x128xi32, #tpu.memory_space<hbm>>
      %dma_start3A_51 = arith.constant 0 : i32
      %dma_start3A_52 = arith.constant 0 : i32
      %dma_start3A_53 = tpu.memref_slice %arg4[%add3A, %dma_start3A_51, %dma_start3A_52] : memref<32x80x128xi32, #tpu.memory_space<hbm>> -> memref<1x40x128xi32, #tpu.memory_space<hbm>>
      %dma_start3A_54 = tpu.memref_squeeze %dma_start3A_53 : memref<1x40x128xi32, #tpu.memory_space<hbm>> -> memref<40x128xi32, #tpu.memory_space<hbm>>
      tpu.enqueue_dma source(%dma_start3A_54 : memref<40x128xi32, #tpu.memory_space<hbm>>) target(%arg8 : memref<40x128xi32, #tpu.memory_space<vmem>>) target_semaphore(%run_scoped3A : memref<!tpu.dma_semaphore, #tpu.memory_space<semaphore_mem>>)
      %dma_wait3A_55 = arith.constant 0 : i32
      %dma_wait3A_56 = arith.constant 0 : i32
      %dma_wait3A_57 = tpu.memref_slice %arg4[%add3A, %dma_wait3A_55, %dma_wait3A_56] : memref<32x80x128xi32, #tpu.memory_space<hbm>> -> memref<1x40x128xi32, #tpu.memory_space<hbm>>
      %dma_wait3A_58 = tpu.memref_squeeze %dma_wait3A_57 : memref<1x40x128xi32, #tpu.memory_space<hbm>> -> memref<40x128xi32, #tpu.memory_space<hbm>>
      %dma_wait3A_59 = arith.constant 0 : i32
      %dma_wait3A_60 = arith.constant 0 : i32
      %dma_wait3A_61 = tpu.memref_slice %arg4[%add3A, %dma_wait3A_59, %dma_wait3A_60] : memref<32x80x128xi32, #tpu.memory_space<hbm>> -> memref<1x40x128xi32, #tpu.memory_space<hbm>>
      %dma_wait3A_62 = tpu.memref_squeeze %dma_wait3A_61 : memref<1x40x128xi32, #tpu.memory_space<hbm>> -> memref<40x128xi32, #tpu.memory_space<hbm>>
      tpu.wait_dma2 semaphore(%run_scoped3A : memref<!tpu.dma_semaphore, #tpu.memory_space<semaphore_mem>>) src(%dma_wait3A_62 : memref<40x128xi32, #tpu.memory_space<hbm>>) dst(%arg8 : memref<40x128xi32, #tpu.memory_space<vmem>>)
      tpu.yield
    }) : () -> ()
    %dma_start3A = arith.constant 0 : i32
    %dma_start3A_5 = arith.constant 0 : i32
    %dma_start3A_6 = tpu.memref_slice %arg7[%dma_start3A, %dma_start3A_5] : memref<40x128xi32, #tpu.memory_space<vmem>> -> memref<1x128xi32, #tpu.memory_space<vmem>>
    %dma_start3A_7 = tpu.memref_squeeze %dma_start3A_6 : memref<1x128xi32, #tpu.memory_space<vmem>> -> memref<128xi32, #tpu.memory_space<vmem>>
    %dma_start3A_8 = arith.constant 0 : i32
    %dma_start3A_9 = arith.constant 0 : i32
    %dma_start3A_10 = tpu.memref_slice %arg2[%dma_start3A_8, %dma_start3A_9] : memref<10240x128xf32, #tpu.memory_space<hbm>> -> memref<10240x128xf32, #tpu.memory_space<hbm>>
    tpu.enqueue_indirect_dma source(%dma_start3A_10 : memref<10240x128xf32, #tpu.memory_space<hbm>>) target(%arg9 : memref<128x128xf32, #tpu.memory_space<vmem>>) offsets(%dma_start3A_7 : memref<128xi32, #tpu.memory_space<vmem>>) semaphore(%arg12 : memref<!tpu.dma_semaphore, #tpu.memory_space<semaphore_mem>>)
    %scan3A = arith.constant 0 : i32
    %scan3A_11 = arith.constant 0 : i32
    %scan3A_12 = arith.constant 20 : i32
    %scan3A_13 = arith.addi %scan3A_11, %scan3A_12 : i32
    %scan3A_14 = arith.constant 1 : i32
    scf.for %scan3A_47 = %scan3A_11 to %scan3A_13 step %scan3A_14  : i32 {
      %ge3A = arith.constant 1 : i32
      %ge3A_48 = arith.cmpi sge, %scan3A_47, %ge3A : i32
      %convert_element_type3A = arith.extui %ge3A_48 : i1 to i32
      %cond3A = arith.constant 0 : i32
      %cond3A_49 = arith.cmpi ne, %convert_element_type3A, %cond3A : i32
      scf.if %cond3A_49 {
        %mul3A_110 = arith.constant 2 : i32
        %mul3A_111 = arith.muli %mul3A_110, %scan3A_47 : i32
        %sub3A = arith.constant 1 : i32
        %sub3A_112 = arith.subi %mul3A_111, %sub3A : i32
        %dma_wait3A_113 = arith.constant 0 : i32
        %dma_wait3A_114 = tpu.memref_slice %arg8[%sub3A_112, %dma_wait3A_113] : memref<40x128xi32, #tpu.memory_space<vmem>> -> memref<1x128xi32, #tpu.memory_space<vmem>>
        %dma_wait3A_115 = tpu.memref_squeeze %dma_wait3A_114 : memref<1x128xi32, #tpu.memory_space<vmem>> -> memref<128xi32, #tpu.memory_space<vmem>>
        %dma_wait3A_116 = arith.constant 0 : i32
        %dma_wait3A_117 = arith.constant 0 : i32
        %dma_wait3A_118 = tpu.memref_slice %arg11[%dma_wait3A_116, %dma_wait3A_117] : memref<10240x128xf32, #tpu.memory_space<vmem_shared>> -> memref<10240x128xf32, #tpu.memory_space<vmem_shared>>
        tpu.wait_indirect_dma semaphore(%arg15 : memref<!tpu.dma_semaphore, #tpu.memory_space<semaphore_mem>>) src(%arg10 : memref<128x128xf32, #tpu.memory_space<vmem>>) dst(%dma_wait3A_118 : memref<10240x128xf32, #tpu.memory_space<vmem_shared>>)
      } else {
      }
      %mul3A_50 = arith.constant 2 : i32
      %mul3A_51 = arith.muli %mul3A_50, %scan3A_47 : i32
      %add3A_52 = arith.constant 1 : i32
      %add3A_53 = arith.addi %mul3A_51, %add3A_52 : i32
      %dma_start3A_54 = arith.constant 0 : i32
      %dma_start3A_55 = tpu.memref_slice %arg7[%add3A_53, %dma_start3A_54] : memref<40x128xi32, #tpu.memory_space<vmem>> -> memref<1x128xi32, #tpu.memory_space<vmem>>
      %dma_start3A_56 = tpu.memref_squeeze %dma_start3A_55 : memref<1x128xi32, #tpu.memory_space<vmem>> -> memref<128xi32, #tpu.memory_space<vmem>>
      %dma_start3A_57 = arith.constant 0 : i32
      %dma_start3A_58 = arith.constant 0 : i32
      %dma_start3A_59 = tpu.memref_slice %arg2[%dma_start3A_57, %dma_start3A_58] : memref<10240x128xf32, #tpu.memory_space<hbm>> -> memref<10240x128xf32, #tpu.memory_space<hbm>>
      tpu.enqueue_indirect_dma source(%dma_start3A_59 : memref<10240x128xf32, #tpu.memory_space<hbm>>) target(%arg10 : memref<128x128xf32, #tpu.memory_space<vmem>>) offsets(%dma_start3A_56 : memref<128xi32, #tpu.memory_space<vmem>>) semaphore(%arg13 : memref<!tpu.dma_semaphore, #tpu.memory_space<semaphore_mem>>)
      %mul3A_60 = arith.constant 2 : i32
      %mul3A_61 = arith.muli %mul3A_60, %scan3A_47 : i32
      %dma_wait3A_62 = arith.constant 0 : i32
      %dma_wait3A_63 = tpu.memref_slice %arg7[%mul3A_61, %dma_wait3A_62] : memref<40x128xi32, #tpu.memory_space<vmem>> -> memref<1x128xi32, #tpu.memory_space<vmem>>
      %dma_wait3A_64 = tpu.memref_squeeze %dma_wait3A_63 : memref<1x128xi32, #tpu.memory_space<vmem>> -> memref<128xi32, #tpu.memory_space<vmem>>
      %dma_wait3A_65 = arith.constant 0 : i32
      %dma_wait3A_66 = arith.constant 0 : i32
      %dma_wait3A_67 = tpu.memref_slice %arg2[%dma_wait3A_65, %dma_wait3A_66] : memref<10240x128xf32, #tpu.memory_space<hbm>> -> memref<10240x128xf32, #tpu.memory_space<hbm>>
      tpu.wait_indirect_dma semaphore(%arg12 : memref<!tpu.dma_semaphore, #tpu.memory_space<semaphore_mem>>) src(%dma_wait3A_67 : memref<10240x128xf32, #tpu.memory_space<hbm>>) dst(%arg9 : memref<128x128xf32, #tpu.memory_space<vmem>>)
      %mul3A_68 = arith.constant 2 : i32
      %mul3A_69 = arith.muli %mul3A_68, %scan3A_47 : i32
      %dma_start3A_70 = arith.constant 0 : i32
      %dma_start3A_71 = tpu.memref_slice %arg8[%mul3A_69, %dma_start3A_70] : memref<40x128xi32, #tpu.memory_space<vmem>> -> memref<1x128xi32, #tpu.memory_space<vmem>>
      %dma_start3A_72 = tpu.memref_squeeze %dma_start3A_71 : memref<1x128xi32, #tpu.memory_space<vmem>> -> memref<128xi32, #tpu.memory_space<vmem>>
      %dma_start3A_73 = arith.constant 0 : i32
      %dma_start3A_74 = arith.constant 0 : i32
      %dma_start3A_75 = tpu.memref_slice %arg11[%dma_start3A_73, %dma_start3A_74] : memref<10240x128xf32, #tpu.memory_space<vmem_shared>> -> memref<10240x128xf32, #tpu.memory_space<vmem_shared>>
      tpu.enqueue_indirect_dma source(%arg9 : memref<128x128xf32, #tpu.memory_space<vmem>>) target(%dma_start3A_75 : memref<10240x128xf32, #tpu.memory_space<vmem_shared>>) offsets(%dma_start3A_72 : memref<128xi32, #tpu.memory_space<vmem>>) semaphore(%arg14 : memref<!tpu.dma_semaphore, #tpu.memory_space<semaphore_mem>>) {add = true}
      %mul3A_76 = arith.constant 2 : i32
      %mul3A_77 = arith.muli %mul3A_76, %scan3A_47 : i32
      %dma_wait3A_78 = arith.constant 0 : i32
      %dma_wait3A_79 = tpu.memref_slice %arg8[%mul3A_77, %dma_wait3A_78] : memref<40x128xi32, #tpu.memory_space<vmem>> -> memref<1x128xi32, #tpu.memory_space<vmem>>
      %dma_wait3A_80 = tpu.memref_squeeze %dma_wait3A_79 : memref<1x128xi32, #tpu.memory_space<vmem>> -> memref<128xi32, #tpu.memory_space<vmem>>
      %dma_wait3A_81 = arith.constant 0 : i32
      %dma_wait3A_82 = arith.constant 0 : i32
      %dma_wait3A_83 = tpu.memref_slice %arg11[%dma_wait3A_81, %dma_wait3A_82] : memref<10240x128xf32, #tpu.memory_space<vmem_shared>> -> memref<10240x128xf32, #tpu.memory_space<vmem_shared>>
      tpu.wait_indirect_dma semaphore(%arg14 : memref<!tpu.dma_semaphore, #tpu.memory_space<semaphore_mem>>) src(%arg9 : memref<128x128xf32, #tpu.memory_space<vmem>>) dst(%dma_wait3A_83 : memref<10240x128xf32, #tpu.memory_space<vmem_shared>>)
      %add3A_84 = arith.constant 1 : i32
      %add3A_85 = arith.addi %scan3A_47, %add3A_84 : i32
      %lt3A = arith.constant 20 : i32
      %lt3A_86 = arith.cmpi slt, %add3A_85, %lt3A : i32
      %convert_element_type3A_87 = arith.extui %lt3A_86 : i1 to i32
      %cond3A_88 = arith.constant 0 : i32
      %cond3A_89 = arith.cmpi ne, %convert_element_type3A_87, %cond3A_88 : i32
      scf.if %cond3A_89 {
        %mul3A_110 = arith.constant 2 : i32
        %mul3A_111 = arith.muli %mul3A_110, %scan3A_47 : i32
        %add3A_112 = arith.constant 2 : i32
        %add3A_113 = arith.addi %mul3A_111, %add3A_112 : i32
        %dma_start3A_114 = arith.constant 0 : i32
        %dma_start3A_115 = tpu.memref_slice %arg7[%add3A_113, %dma_start3A_114] : memref<40x128xi32, #tpu.memory_space<vmem>> -> memref<1x128xi32, #tpu.memory_space<vmem>>
        %dma_start3A_116 = tpu.memref_squeeze %dma_start3A_115 : memref<1x128xi32, #tpu.memory_space<vmem>> -> memref<128xi32, #tpu.memory_space<vmem>>
        %dma_start3A_117 = arith.constant 0 : i32
        %dma_start3A_118 = arith.constant 0 : i32
        %dma_start3A_119 = tpu.memref_slice %arg2[%dma_start3A_117, %dma_start3A_118] : memref<10240x128xf32, #tpu.memory_space<hbm>> -> memref<10240x128xf32, #tpu.memory_space<hbm>>
        tpu.enqueue_indirect_dma source(%dma_start3A_119 : memref<10240x128xf32, #tpu.memory_space<hbm>>) target(%arg9 : memref<128x128xf32, #tpu.memory_space<vmem>>) offsets(%dma_start3A_116 : memref<128xi32, #tpu.memory_space<vmem>>) semaphore(%arg12 : memref<!tpu.dma_semaphore, #tpu.memory_space<semaphore_mem>>)
      } else {
      }
      %mul3A_90 = arith.constant 2 : i32
      %mul3A_91 = arith.muli %mul3A_90, %scan3A_47 : i32
      %add3A_92 = arith.constant 1 : i32
      %add3A_93 = arith.addi %mul3A_91, %add3A_92 : i32
      %dma_wait3A_94 = arith.constant 0 : i32
      %dma_wait3A_95 = tpu.memref_slice %arg7[%add3A_93, %dma_wait3A_94] : memref<40x128xi32, #tpu.memory_space<vmem>> -> memref<1x128xi32, #tpu.memory_space<vmem>>
      %dma_wait3A_96 = tpu.memref_squeeze %dma_wait3A_95 : memref<1x128xi32, #tpu.memory_space<vmem>> -> memref<128xi32, #tpu.memory_space<vmem>>
      %dma_wait3A_97 = arith.constant 0 : i32
      %dma_wait3A_98 = arith.constant 0 : i32
      %dma_wait3A_99 = tpu.memref_slice %arg2[%dma_wait3A_97, %dma_wait3A_98] : memref<10240x128xf32, #tpu.memory_space<hbm>> -> memref<10240x128xf32, #tpu.memory_space<hbm>>
      tpu.wait_indirect_dma semaphore(%arg13 : memref<!tpu.dma_semaphore, #tpu.memory_space<semaphore_mem>>) src(%dma_wait3A_99 : memref<10240x128xf32, #tpu.memory_space<hbm>>) dst(%arg10 : memref<128x128xf32, #tpu.memory_space<vmem>>)
      %mul3A_100 = arith.constant 2 : i32
      %mul3A_101 = arith.muli %mul3A_100, %scan3A_47 : i32
      %add3A_102 = arith.constant 1 : i32
      %add3A_103 = arith.addi %mul3A_101, %add3A_102 : i32
      %dma_start3A_104 = arith.constant 0 : i32
      %dma_start3A_105 = tpu.memref_slice %arg8[%add3A_103, %dma_start3A_104] : memref<40x128xi32, #tpu.memory_space<vmem>> -> memref<1x128xi32, #tpu.memory_space<vmem>>
      %dma_start3A_106 = tpu.memref_squeeze %dma_start3A_105 : memref<1x128xi32, #tpu.memory_space<vmem>> -> memref<128xi32, #tpu.memory_space<vmem>>
      %dma_start3A_107 = arith.constant 0 : i32
      %dma_start3A_108 = arith.constant 0 : i32
      %dma_start3A_109 = tpu.memref_slice %arg11[%dma_start3A_107, %dma_start3A_108] : memref<10240x128xf32, #tpu.memory_space<vmem_shared>> -> memref<10240x128xf32, #tpu.memory_space<vmem_shared>>
      tpu.enqueue_indirect_dma source(%arg10 : memref<128x128xf32, #tpu.memory_space<vmem>>) target(%dma_start3A_109 : memref<10240x128xf32, #tpu.memory_space<vmem_shared>>) offsets(%dma_start3A_106 : memref<128xi32, #tpu.memory_space<vmem>>) semaphore(%arg15 : memref<!tpu.dma_semaphore, #tpu.memory_space<semaphore_mem>>) {add = true}
    }
    %scan3A_15 = arith.constant 20 : i32
    %dma_wait3A = arith.constant 39 : i32
    %dma_wait3A_16 = arith.constant 0 : i32
    %dma_wait3A_17 = tpu.memref_slice %arg8[%dma_wait3A, %dma_wait3A_16] : memref<40x128xi32, #tpu.memory_space<vmem>> -> memref<1x128xi32, #tpu.memory_space<vmem>>
    %dma_wait3A_18 = tpu.memref_squeeze %dma_wait3A_17 : memref<1x128xi32, #tpu.memory_space<vmem>> -> memref<128xi32, #tpu.memory_space<vmem>>
    %dma_wait3A_19 = arith.constant 0 : i32
    %dma_wait3A_20 = arith.constant 0 : i32
    %dma_wait3A_21 = tpu.memref_slice %arg11[%dma_wait3A_19, %dma_wait3A_20] : memref<10240x128xf32, #tpu.memory_space<vmem_shared>> -> memref<10240x128xf32, #tpu.memory_space<vmem_shared>>
    tpu.wait_indirect_dma semaphore(%arg15 : memref<!tpu.dma_semaphore, #tpu.memory_space<semaphore_mem>>) src(%arg10 : memref<128x128xf32, #tpu.memory_space<vmem>>) dst(%dma_wait3A_21 : memref<10240x128xf32, #tpu.memory_space<vmem_shared>>)
    "tpu.region"() ({
      %run_scoped3A = tpu.sem_alloc : memref<!tpu.dma_semaphore, #tpu.memory_space<semaphore_mem>>
      %dma_start3A_47 = arith.constant 40 : i32
      %dma_start3A_48 = arith.constant 0 : i32
      %dma_start3A_49 = tpu.memref_slice %arg3[%add3A, %dma_start3A_47, %dma_start3A_48] : memref<32x80x128xi32, #tpu.memory_space<hbm>> -> memref<1x40x128xi32, #tpu.memory_space<hbm>>
      %dma_start3A_50 = tpu.memref_squeeze %dma_start3A_49 : memref<1x40x128xi32, #tpu.memory_space<hbm>> -> memref<40x128xi32, #tpu.memory_space<hbm>>
      %dma_start3A_51 = arith.constant 40 : i32
      %dma_start3A_52 = arith.constant 0 : i32
      %dma_start3A_53 = tpu.memref_slice %arg3[%add3A, %dma_start3A_51, %dma_start3A_52] : memref<32x80x128xi32, #tpu.memory_space<hbm>> -> memref<1x40x128xi32, #tpu.memory_space<hbm>>
      %dma_start3A_54 = tpu.memref_squeeze %dma_start3A_53 : memref<1x40x128xi32, #tpu.memory_space<hbm>> -> memref<40x128xi32, #tpu.memory_space<hbm>>
      tpu.enqueue_dma source(%dma_start3A_54 : memref<40x128xi32, #tpu.memory_space<hbm>>) target(%arg7 : memref<40x128xi32, #tpu.memory_space<vmem>>) target_semaphore(%run_scoped3A : memref<!tpu.dma_semaphore, #tpu.memory_space<semaphore_mem>>)
      %dma_wait3A_55 = arith.constant 40 : i32
      %dma_wait3A_56 = arith.constant 0 : i32
      %dma_wait3A_57 = tpu.memref_slice %arg3[%add3A, %dma_wait3A_55, %dma_wait3A_56] : memref<32x80x128xi32, #tpu.memory_space<hbm>> -> memref<1x40x128xi32, #tpu.memory_space<hbm>>
      %dma_wait3A_58 = tpu.memref_squeeze %dma_wait3A_57 : memref<1x40x128xi32, #tpu.memory_space<hbm>> -> memref<40x128xi32, #tpu.memory_space<hbm>>
      %dma_wait3A_59 = arith.constant 40 : i32
      %dma_wait3A_60 = arith.constant 0 : i32
      %dma_wait3A_61 = tpu.memref_slice %arg3[%add3A, %dma_wait3A_59, %dma_wait3A_60] : memref<32x80x128xi32, #tpu.memory_space<hbm>> -> memref<1x40x128xi32, #tpu.memory_space<hbm>>
      %dma_wait3A_62 = tpu.memref_squeeze %dma_wait3A_61 : memref<1x40x128xi32, #tpu.memory_space<hbm>> -> memref<40x128xi32, #tpu.memory_space<hbm>>
      tpu.wait_dma2 semaphore(%run_scoped3A : memref<!tpu.dma_semaphore, #tpu.memory_space<semaphore_mem>>) src(%dma_wait3A_62 : memref<40x128xi32, #tpu.memory_space<hbm>>) dst(%arg7 : memref<40x128xi32, #tpu.memory_space<vmem>>)
      tpu.yield
    }) : () -> ()
    "tpu.region"() ({
      %run_scoped3A = tpu.sem_alloc : memref<!tpu.dma_semaphore, #tpu.memory_space<semaphore_mem>>
      %dma_start3A_47 = arith.constant 40 : i32
      %dma_start3A_48 = arith.constant 0 : i32
      %dma_start3A_49 = tpu.memref_slice %arg4[%add3A, %dma_start3A_47, %dma_start3A_48] : memref<32x80x128xi32, #tpu.memory_space<hbm>> -> memref<1x40x128xi32, #tpu.memory_space<hbm>>
      %dma_start3A_50 = tpu.memref_squeeze %dma_start3A_49 : memref<1x40x128xi32, #tpu.memory_space<hbm>> -> memref<40x128xi32, #tpu.memory_space<hbm>>
      %dma_start3A_51 = arith.constant 40 : i32
      %dma_start3A_52 = arith.constant 0 : i32
      %dma_start3A_53 = tpu.memref_slice %arg4[%add3A, %dma_start3A_51, %dma_start3A_52] : memref<32x80x128xi32, #tpu.memory_space<hbm>> -> memref<1x40x128xi32, #tpu.memory_space<hbm>>
      %dma_start3A_54 = tpu.memref_squeeze %dma_start3A_53 : memref<1x40x128xi32, #tpu.memory_space<hbm>> -> memref<40x128xi32, #tpu.memory_space<hbm>>
      tpu.enqueue_dma source(%dma_start3A_54 : memref<40x128xi32, #tpu.memory_space<hbm>>) target(%arg8 : memref<40x128xi32, #tpu.memory_space<vmem>>) target_semaphore(%run_scoped3A : memref<!tpu.dma_semaphore, #tpu.memory_space<semaphore_mem>>)
      %dma_wait3A_55 = arith.constant 40 : i32
      %dma_wait3A_56 = arith.constant 0 : i32
      %dma_wait3A_57 = tpu.memref_slice %arg4[%add3A, %dma_wait3A_55, %dma_wait3A_56] : memref<32x80x128xi32, #tpu.memory_space<hbm>> -> memref<1x40x128xi32, #tpu.memory_space<hbm>>
      %dma_wait3A_58 = tpu.memref_squeeze %dma_wait3A_57 : memref<1x40x128xi32, #tpu.memory_space<hbm>> -> memref<40x128xi32, #tpu.memory_space<hbm>>
      %dma_wait3A_59 = arith.constant 40 : i32
      %dma_wait3A_60 = arith.constant 0 : i32
      %dma_wait3A_61 = tpu.memref_slice %arg4[%add3A, %dma_wait3A_59, %dma_wait3A_60] : memref<32x80x128xi32, #tpu.memory_space<hbm>> -> memref<1x40x128xi32, #tpu.memory_space<hbm>>
      %dma_wait3A_62 = tpu.memref_squeeze %dma_wait3A_61 : memref<1x40x128xi32, #tpu.memory_space<hbm>> -> memref<40x128xi32, #tpu.memory_space<hbm>>
      tpu.wait_dma2 semaphore(%run_scoped3A : memref<!tpu.dma_semaphore, #tpu.memory_space<semaphore_mem>>) src(%dma_wait3A_62 : memref<40x128xi32, #tpu.memory_space<hbm>>) dst(%arg8 : memref<40x128xi32, #tpu.memory_space<vmem>>)
      tpu.yield
    }) : () -> ()
    %dma_start3A_22 = arith.constant 0 : i32
    %dma_start3A_23 = arith.constant 0 : i32
    %dma_start3A_24 = tpu.memref_slice %arg7[%dma_start3A_22, %dma_start3A_23] : memref<40x128xi32, #tpu.memory_space<vmem>> -> memref<1x128xi32, #tpu.memory_space<vmem>>
    %dma_start3A_25 = tpu.memref_squeeze %dma_start3A_24 : memref<1x128xi32, #tpu.memory_space<vmem>> -> memref<128xi32, #tpu.memory_space<vmem>>
    %dma_start3A_26 = arith.constant 0 : i32
    %dma_start3A_27 = arith.constant 0 : i32
    %dma_start3A_28 = tpu.memref_slice %arg2[%dma_start3A_26, %dma_start3A_27] : memref<10240x128xf32, #tpu.memory_space<hbm>> -> memref<10240x128xf32, #tpu.memory_space<hbm>>
    tpu.enqueue_indirect_dma source(%dma_start3A_28 : memref<10240x128xf32, #tpu.memory_space<hbm>>) target(%arg9 : memref<128x128xf32, #tpu.memory_space<vmem>>) offsets(%dma_start3A_25 : memref<128xi32, #tpu.memory_space<vmem>>) semaphore(%arg12 : memref<!tpu.dma_semaphore, #tpu.memory_space<semaphore_mem>>)
    %scan3A_29 = arith.constant 0 : i32
    %scan3A_30 = arith.constant 0 : i32
    %scan3A_31 = arith.constant 20 : i32
    %scan3A_32 = arith.addi %scan3A_30, %scan3A_31 : i32
    %scan3A_33 = arith.constant 1 : i32
    scf.for %scan3A_47 = %scan3A_30 to %scan3A_32 step %scan3A_33  : i32 {
      %ge3A = arith.constant 1 : i32
      %ge3A_48 = arith.cmpi sge, %scan3A_47, %ge3A : i32
      %convert_element_type3A = arith.extui %ge3A_48 : i1 to i32
      %cond3A = arith.constant 0 : i32
      %cond3A_49 = arith.cmpi ne, %convert_element_type3A, %cond3A : i32
      scf.if %cond3A_49 {
        %mul3A_110 = arith.constant 2 : i32
        %mul3A_111 = arith.muli %mul3A_110, %scan3A_47 : i32
        %sub3A = arith.constant 1 : i32
        %sub3A_112 = arith.subi %mul3A_111, %sub3A : i32
        %dma_wait3A_113 = arith.constant 0 : i32
        %dma_wait3A_114 = tpu.memref_slice %arg8[%sub3A_112, %dma_wait3A_113] : memref<40x128xi32, #tpu.memory_space<vmem>> -> memref<1x128xi32, #tpu.memory_space<vmem>>
        %dma_wait3A_115 = tpu.memref_squeeze %dma_wait3A_114 : memref<1x128xi32, #tpu.memory_space<vmem>> -> memref<128xi32, #tpu.memory_space<vmem>>
        %dma_wait3A_116 = arith.constant 0 : i32
        %dma_wait3A_117 = arith.constant 0 : i32
        %dma_wait3A_118 = tpu.memref_slice %arg11[%dma_wait3A_116, %dma_wait3A_117] : memref<10240x128xf32, #tpu.memory_space<vmem_shared>> -> memref<10240x128xf32, #tpu.memory_space<vmem_shared>>
        tpu.wait_indirect_dma semaphore(%arg15 : memref<!tpu.dma_semaphore, #tpu.memory_space<semaphore_mem>>) src(%arg10 : memref<128x128xf32, #tpu.memory_space<vmem>>) dst(%dma_wait3A_118 : memref<10240x128xf32, #tpu.memory_space<vmem_shared>>)
      } else {
      }
      %mul3A_50 = arith.constant 2 : i32
      %mul3A_51 = arith.muli %mul3A_50, %scan3A_47 : i32
      %add3A_52 = arith.constant 1 : i32
      %add3A_53 = arith.addi %mul3A_51, %add3A_52 : i32
      %dma_start3A_54 = arith.constant 0 : i32
      %dma_start3A_55 = tpu.memref_slice %arg7[%add3A_53, %dma_start3A_54] : memref<40x128xi32, #tpu.memory_space<vmem>> -> memref<1x128xi32, #tpu.memory_space<vmem>>
      %dma_start3A_56 = tpu.memref_squeeze %dma_start3A_55 : memref<1x128xi32, #tpu.memory_space<vmem>> -> memref<128xi32, #tpu.memory_space<vmem>>
      %dma_start3A_57 = arith.constant 0 : i32
      %dma_start3A_58 = arith.constant 0 : i32
      %dma_start3A_59 = tpu.memref_slice %arg2[%dma_start3A_57, %dma_start3A_58] : memref<10240x128xf32, #tpu.memory_space<hbm>> -> memref<10240x128xf32, #tpu.memory_space<hbm>>
      tpu.enqueue_indirect_dma source(%dma_start3A_59 : memref<10240x128xf32, #tpu.memory_space<hbm>>) target(%arg10 : memref<128x128xf32, #tpu.memory_space<vmem>>) offsets(%dma_start3A_56 : memref<128xi32, #tpu.memory_space<vmem>>) semaphore(%arg13 : memref<!tpu.dma_semaphore, #tpu.memory_space<semaphore_mem>>)
      %mul3A_60 = arith.constant 2 : i32
      %mul3A_61 = arith.muli %mul3A_60, %scan3A_47 : i32
      %dma_wait3A_62 = arith.constant 0 : i32
      %dma_wait3A_63 = tpu.memref_slice %arg7[%mul3A_61, %dma_wait3A_62] : memref<40x128xi32, #tpu.memory_space<vmem>> -> memref<1x128xi32, #tpu.memory_space<vmem>>
      %dma_wait3A_64 = tpu.memref_squeeze %dma_wait3A_63 : memref<1x128xi32, #tpu.memory_space<vmem>> -> memref<128xi32, #tpu.memory_space<vmem>>
      %dma_wait3A_65 = arith.constant 0 : i32
      %dma_wait3A_66 = arith.constant 0 : i32
      %dma_wait3A_67 = tpu.memref_slice %arg2[%dma_wait3A_65, %dma_wait3A_66] : memref<10240x128xf32, #tpu.memory_space<hbm>> -> memref<10240x128xf32, #tpu.memory_space<hbm>>
      tpu.wait_indirect_dma semaphore(%arg12 : memref<!tpu.dma_semaphore, #tpu.memory_space<semaphore_mem>>) src(%dma_wait3A_67 : memref<10240x128xf32, #tpu.memory_space<hbm>>) dst(%arg9 : memref<128x128xf32, #tpu.memory_space<vmem>>)
      %mul3A_68 = arith.constant 2 : i32
      %mul3A_69 = arith.muli %mul3A_68, %scan3A_47 : i32
      %dma_start3A_70 = arith.constant 0 : i32
      %dma_start3A_71 = tpu.memref_slice %arg8[%mul3A_69, %dma_start3A_70] : memref<40x128xi32, #tpu.memory_space<vmem>> -> memref<1x128xi32, #tpu.memory_space<vmem>>
      %dma_start3A_72 = tpu.memref_squeeze %dma_start3A_71 : memref<1x128xi32, #tpu.memory_space<vmem>> -> memref<128xi32, #tpu.memory_space<vmem>>
      %dma_start3A_73 = arith.constant 0 : i32
      %dma_start3A_74 = arith.constant 0 : i32
      %dma_start3A_75 = tpu.memref_slice %arg11[%dma_start3A_73, %dma_start3A_74] : memref<10240x128xf32, #tpu.memory_space<vmem_shared>> -> memref<10240x128xf32, #tpu.memory_space<vmem_shared>>
      tpu.enqueue_indirect_dma source(%arg9 : memref<128x128xf32, #tpu.memory_space<vmem>>) target(%dma_start3A_75 : memref<10240x128xf32, #tpu.memory_space<vmem_shared>>) offsets(%dma_start3A_72 : memref<128xi32, #tpu.memory_space<vmem>>) semaphore(%arg14 : memref<!tpu.dma_semaphore, #tpu.memory_space<semaphore_mem>>) {add = true}
      %mul3A_76 = arith.constant 2 : i32
      %mul3A_77 = arith.muli %mul3A_76, %scan3A_47 : i32
      %dma_wait3A_78 = arith.constant 0 : i32
      %dma_wait3A_79 = tpu.memref_slice %arg8[%mul3A_77, %dma_wait3A_78] : memref<40x128xi32, #tpu.memory_space<vmem>> -> memref<1x128xi32, #tpu.memory_space<vmem>>
      %dma_wait3A_80 = tpu.memref_squeeze %dma_wait3A_79 : memref<1x128xi32, #tpu.memory_space<vmem>> -> memref<128xi32, #tpu.memory_space<vmem>>
      %dma_wait3A_81 = arith.constant 0 : i32
      %dma_wait3A_82 = arith.constant 0 : i32
      %dma_wait3A_83 = tpu.memref_slice %arg11[%dma_wait3A_81, %dma_wait3A_82] : memref<10240x128xf32, #tpu.memory_space<vmem_shared>> -> memref<10240x128xf32, #tpu.memory_space<vmem_shared>>
      tpu.wait_indirect_dma semaphore(%arg14 : memref<!tpu.dma_semaphore, #tpu.memory_space<semaphore_mem>>) src(%arg9 : memref<128x128xf32, #tpu.memory_space<vmem>>) dst(%dma_wait3A_83 : memref<10240x128xf32, #tpu.memory_space<vmem_shared>>)
      %add3A_84 = arith.constant 1 : i32
      %add3A_85 = arith.addi %scan3A_47, %add3A_84 : i32
      %lt3A = arith.constant 20 : i32
      %lt3A_86 = arith.cmpi slt, %add3A_85, %lt3A : i32
      %convert_element_type3A_87 = arith.extui %lt3A_86 : i1 to i32
      %cond3A_88 = arith.constant 0 : i32
      %cond3A_89 = arith.cmpi ne, %convert_element_type3A_87, %cond3A_88 : i32
      scf.if %cond3A_89 {
        %mul3A_110 = arith.constant 2 : i32
        %mul3A_111 = arith.muli %mul3A_110, %scan3A_47 : i32
        %add3A_112 = arith.constant 2 : i32
        %add3A_113 = arith.addi %mul3A_111, %add3A_112 : i32
        %dma_start3A_114 = arith.constant 0 : i32
        %dma_start3A_115 = tpu.memref_slice %arg7[%add3A_113, %dma_start3A_114] : memref<40x128xi32, #tpu.memory_space<vmem>> -> memref<1x128xi32, #tpu.memory_space<vmem>>
        %dma_start3A_116 = tpu.memref_squeeze %dma_start3A_115 : memref<1x128xi32, #tpu.memory_space<vmem>> -> memref<128xi32, #tpu.memory_space<vmem>>
        %dma_start3A_117 = arith.constant 0 : i32
        %dma_start3A_118 = arith.constant 0 : i32
        %dma_start3A_119 = tpu.memref_slice %arg2[%dma_start3A_117, %dma_start3A_118] : memref<10240x128xf32, #tpu.memory_space<hbm>> -> memref<10240x128xf32, #tpu.memory_space<hbm>>
        tpu.enqueue_indirect_dma source(%dma_start3A_119 : memref<10240x128xf32, #tpu.memory_space<hbm>>) target(%arg9 : memref<128x128xf32, #tpu.memory_space<vmem>>) offsets(%dma_start3A_116 : memref<128xi32, #tpu.memory_space<vmem>>) semaphore(%arg12 : memref<!tpu.dma_semaphore, #tpu.memory_space<semaphore_mem>>)
      } else {
      }
      %mul3A_90 = arith.constant 2 : i32
      %mul3A_91 = arith.muli %mul3A_90, %scan3A_47 : i32
      %add3A_92 = arith.constant 1 : i32
      %add3A_93 = arith.addi %mul3A_91, %add3A_92 : i32
      %dma_wait3A_94 = arith.constant 0 : i32
      %dma_wait3A_95 = tpu.memref_slice %arg7[%add3A_93, %dma_wait3A_94] : memref<40x128xi32, #tpu.memory_space<vmem>> -> memref<1x128xi32, #tpu.memory_space<vmem>>
      %dma_wait3A_96 = tpu.memref_squeeze %dma_wait3A_95 : memref<1x128xi32, #tpu.memory_space<vmem>> -> memref<128xi32, #tpu.memory_space<vmem>>
      %dma_wait3A_97 = arith.constant 0 : i32
      %dma_wait3A_98 = arith.constant 0 : i32
      %dma_wait3A_99 = tpu.memref_slice %arg2[%dma_wait3A_97, %dma_wait3A_98] : memref<10240x128xf32, #tpu.memory_space<hbm>> -> memref<10240x128xf32, #tpu.memory_space<hbm>>
      tpu.wait_indirect_dma semaphore(%arg13 : memref<!tpu.dma_semaphore, #tpu.memory_space<semaphore_mem>>) src(%dma_wait3A_99 : memref<10240x128xf32, #tpu.memory_space<hbm>>) dst(%arg10 : memref<128x128xf32, #tpu.memory_space<vmem>>)
      %mul3A_100 = arith.constant 2 : i32
      %mul3A_101 = arith.muli %mul3A_100, %scan3A_47 : i32
      %add3A_102 = arith.constant 1 : i32
      %add3A_103 = arith.addi %mul3A_101, %add3A_102 : i32
      %dma_start3A_104 = arith.constant 0 : i32
      %dma_start3A_105 = tpu.memref_slice %arg8[%add3A_103, %dma_start3A_104] : memref<40x128xi32, #tpu.memory_space<vmem>> -> memref<1x128xi32, #tpu.memory_space<vmem>>
      %dma_start3A_106 = tpu.memref_squeeze %dma_start3A_105 : memref<1x128xi32, #tpu.memory_space<vmem>> -> memref<128xi32, #tpu.memory_space<vmem>>
      %dma_start3A_107 = arith.constant 0 : i32
      %dma_start3A_108 = arith.constant 0 : i32
      %dma_start3A_109 = tpu.memref_slice %arg11[%dma_start3A_107, %dma_start3A_108] : memref<10240x128xf32, #tpu.memory_space<vmem_shared>> -> memref<10240x128xf32, #tpu.memory_space<vmem_shared>>
      tpu.enqueue_indirect_dma source(%arg10 : memref<128x128xf32, #tpu.memory_space<vmem>>) target(%dma_start3A_109 : memref<10240x128xf32, #tpu.memory_space<vmem_shared>>) offsets(%dma_start3A_106 : memref<128xi32, #tpu.memory_space<vmem>>) semaphore(%arg15 : memref<!tpu.dma_semaphore, #tpu.memory_space<semaphore_mem>>) {add = true}
    }
    %scan3A_34 = arith.constant 20 : i32
    %dma_wait3A_35 = arith.constant 39 : i32
    %dma_wait3A_36 = arith.constant 0 : i32
    %dma_wait3A_37 = tpu.memref_slice %arg8[%dma_wait3A_35, %dma_wait3A_36] : memref<40x128xi32, #tpu.memory_space<vmem>> -> memref<1x128xi32, #tpu.memory_space<vmem>>
    %dma_wait3A_38 = tpu.memref_squeeze %dma_wait3A_37 : memref<1x128xi32, #tpu.memory_space<vmem>> -> memref<128xi32, #tpu.memory_space<vmem>>
    %dma_wait3A_39 = arith.constant 0 : i32
    %dma_wait3A_40 = arith.constant 0 : i32
    %dma_wait3A_41 = tpu.memref_slice %arg11[%dma_wait3A_39, %dma_wait3A_40] : memref<10240x128xf32, #tpu.memory_space<vmem_shared>> -> memref<10240x128xf32, #tpu.memory_space<vmem_shared>>
    tpu.wait_indirect_dma semaphore(%arg15 : memref<!tpu.dma_semaphore, #tpu.memory_space<semaphore_mem>>) src(%arg10 : memref<128x128xf32, #tpu.memory_space<vmem>>) dst(%dma_wait3A_41 : memref<10240x128xf32, #tpu.memory_space<vmem_shared>>)
    %barrier3A_42 = arith.constant 0 : index
    tpu.barrier barrier_id(%barrier3A_42)
    %mul3A_43 = arith.constant 640 : i32
    %mul3A_44 = arith.muli %arg1, %mul3A_43 : i32
    %mul3A_45 = arith.constant 640 : i32
    %mul3A_46 = arith.muli %arg1, %mul3A_45 : i32
    "tpu.region"() ({
      %run_scoped3A = tpu.sem_alloc : memref<!tpu.dma_semaphore, #tpu.memory_space<semaphore_mem>>
      %dma_start3A_47 = arith.constant 0 : i32
      %dma_start3A_48 = tpu.memref_slice %arg6[%arg0, %mul3A_46, %dma_start3A_47] : memref<2x10240x128xf32, #tpu.memory_space<hbm>> -> memref<1x640x128xf32, #tpu.memory_space<hbm>>
      %dma_start3A_49 = tpu.memref_squeeze %dma_start3A_48 : memref<1x640x128xf32, #tpu.memory_space<hbm>> -> memref<640x128xf32, #tpu.memory_space<hbm>>
      %dma_start3A_50 = arith.constant 0 : i32
      %dma_start3A_51 = tpu.memref_slice %arg11[%mul3A_44, %dma_start3A_50] : memref<10240x128xf32, #tpu.memory_space<vmem_shared>> -> memref<640x128xf32, #tpu.memory_space<vmem_shared>>
      tpu.enqueue_dma source(%dma_start3A_51 : memref<640x128xf32, #tpu.memory_space<vmem_shared>>) target(%dma_start3A_49 : memref<640x128xf32, #tpu.memory_space<hbm>>) target_semaphore(%run_scoped3A : memref<!tpu.dma_semaphore, #tpu.memory_space<semaphore_mem>>)
      %dma_wait3A_52 = arith.constant 0 : i32
      %dma_wait3A_53 = tpu.memref_slice %arg6[%arg0, %mul3A_46, %dma_wait3A_52] : memref<2x10240x128xf32, #tpu.memory_space<hbm>> -> memref<1x640x128xf32, #tpu.memory_space<hbm>>
      %dma_wait3A_54 = tpu.memref_squeeze %dma_wait3A_53 : memref<1x640x128xf32, #tpu.memory_space<hbm>> -> memref<640x128xf32, #tpu.memory_space<hbm>>
      %dma_wait3A_55 = arith.constant 0 : i32
      %dma_wait3A_56 = tpu.memref_slice %arg11[%mul3A_44, %dma_wait3A_55] : memref<10240x128xf32, #tpu.memory_space<vmem_shared>> -> memref<640x128xf32, #tpu.memory_space<vmem_shared>>
      tpu.wait_dma2 semaphore(%run_scoped3A : memref<!tpu.dma_semaphore, #tpu.memory_space<semaphore_mem>>) src(%dma_wait3A_56 : memref<640x128xf32, #tpu.memory_space<vmem_shared>>) dst(%dma_wait3A_54 : memref<640x128xf32, #tpu.memory_space<hbm>>)
      tpu.yield
    }) : () -> ()
    return
  }
}

#map = affine_map<(d0, d1) -> (0, 0, 0, 0)>
#map1 = affine_map<(d0, d1) -> (0, 0)>
#map2 = affine_map<(d0, d1) -> (0, 0, 0)>
module attributes {stable_mosaic.version = 14 : i64} {
  func.func @deg_kernel(%arg0: i32, %arg1: i32, %arg2: memref<2x16x250x80xi32, #tpu.memory_space<hbm>>, %arg3: memref<10240x128xf32, #tpu.memory_space<hbm>>, %arg4: memref<80x128xf32, #tpu.memory_space<hbm>>, %arg5: memref<2x10240x128xf32, #tpu.memory_space<hbm>>, %arg6: memref<250x80xi32, #tpu.memory_space<vmem>>, %arg7: memref<80x128xf32, #tpu.memory_space<vmem>>, %arg8: memref<10240x128xf32, #tpu.memory_space<vmem_shared>>, %arg9: memref<!tpu.dma_semaphore, #tpu.memory_space<semaphore_mem>>, %arg10: memref<!tpu.dma_semaphore, #tpu.memory_space<semaphore_mem>>) attributes {dimension_semantics = [#tpu.dimension_semantics<core_parallel>, #tpu.dimension_semantics<subcore_parallel>], iteration_bounds = array<i64: 2, 16>, scalar_prefetch = 0 : i64, scratch_operands = 5 : i64, tpu.core_type = #tpu.core_type<sc_vector_subcore>, window_params = [{transform_indices = #map}, {transform_indices = #map1}, {transform_indices = #map1}, {transform_indices = #map2}]} {
    %mul3A = arith.constant 640 : i32
    %mul3A_0 = arith.muli %arg1, %mul3A : i32
    %mul3A_1 = arith.constant 640 : i32
    %mul3A_2 = arith.muli %arg1, %mul3A_1 : i32
    "tpu.region"() ({
      %run_scoped3A = tpu.sem_alloc : memref<!tpu.dma_semaphore, #tpu.memory_space<semaphore_mem>>
      %dma_start3A = arith.constant 0 : i32
      %dma_start3A_26 = tpu.memref_slice %arg8[%mul3A_2, %dma_start3A] : memref<10240x128xf32, #tpu.memory_space<vmem_shared>> -> memref<640x128xf32, #tpu.memory_space<vmem_shared>>
      %dma_start3A_27 = arith.constant 0 : i32
      %dma_start3A_28 = tpu.memref_slice %arg3[%mul3A_0, %dma_start3A_27] : memref<10240x128xf32, #tpu.memory_space<hbm>> -> memref<640x128xf32, #tpu.memory_space<hbm>>
      tpu.enqueue_dma source(%dma_start3A_28 : memref<640x128xf32, #tpu.memory_space<hbm>>) target(%dma_start3A_26 : memref<640x128xf32, #tpu.memory_space<vmem_shared>>) target_semaphore(%run_scoped3A : memref<!tpu.dma_semaphore, #tpu.memory_space<semaphore_mem>>)
      %dma_wait3A_29 = arith.constant 0 : i32
      %dma_wait3A_30 = tpu.memref_slice %arg8[%mul3A_2, %dma_wait3A_29] : memref<10240x128xf32, #tpu.memory_space<vmem_shared>> -> memref<640x128xf32, #tpu.memory_space<vmem_shared>>
      %dma_wait3A_31 = arith.constant 0 : i32
      %dma_wait3A_32 = tpu.memref_slice %arg3[%mul3A_0, %dma_wait3A_31] : memref<10240x128xf32, #tpu.memory_space<hbm>> -> memref<640x128xf32, #tpu.memory_space<hbm>>
      tpu.wait_dma2 semaphore(%run_scoped3A : memref<!tpu.dma_semaphore, #tpu.memory_space<semaphore_mem>>) src(%dma_wait3A_32 : memref<640x128xf32, #tpu.memory_space<hbm>>) dst(%dma_wait3A_30 : memref<640x128xf32, #tpu.memory_space<vmem_shared>>)
      tpu.yield
    }) : () -> ()
    "tpu.region"() ({
      %run_scoped3A = tpu.sem_alloc : memref<!tpu.dma_semaphore, #tpu.memory_space<semaphore_mem>>
      %dma_start3A = arith.constant 0 : i32
      %dma_start3A_26 = arith.constant 0 : i32
      %dma_start3A_27 = tpu.memref_slice %arg2[%arg0, %arg1, %dma_start3A, %dma_start3A_26] : memref<2x16x250x80xi32, #tpu.memory_space<hbm>> -> memref<1x1x250x80xi32, #tpu.memory_space<hbm>>
      %dma_start3A_28 = tpu.memref_squeeze %dma_start3A_27 : memref<1x1x250x80xi32, #tpu.memory_space<hbm>> -> memref<250x80xi32, #tpu.memory_space<hbm>>
      %dma_start3A_29 = arith.constant 0 : i32
      %dma_start3A_30 = arith.constant 0 : i32
      %dma_start3A_31 = tpu.memref_slice %arg2[%arg0, %arg1, %dma_start3A_29, %dma_start3A_30] : memref<2x16x250x80xi32, #tpu.memory_space<hbm>> -> memref<1x1x250x80xi32, #tpu.memory_space<hbm>>
      %dma_start3A_32 = tpu.memref_squeeze %dma_start3A_31 : memref<1x1x250x80xi32, #tpu.memory_space<hbm>> -> memref<250x80xi32, #tpu.memory_space<hbm>>
      tpu.enqueue_dma source(%dma_start3A_32 : memref<250x80xi32, #tpu.memory_space<hbm>>) target(%arg6 : memref<250x80xi32, #tpu.memory_space<vmem>>) target_semaphore(%run_scoped3A : memref<!tpu.dma_semaphore, #tpu.memory_space<semaphore_mem>>)
      %dma_wait3A_33 = arith.constant 0 : i32
      %dma_wait3A_34 = arith.constant 0 : i32
      %dma_wait3A_35 = tpu.memref_slice %arg2[%arg0, %arg1, %dma_wait3A_33, %dma_wait3A_34] : memref<2x16x250x80xi32, #tpu.memory_space<hbm>> -> memref<1x1x250x80xi32, #tpu.memory_space<hbm>>
      %dma_wait3A_36 = tpu.memref_squeeze %dma_wait3A_35 : memref<1x1x250x80xi32, #tpu.memory_space<hbm>> -> memref<250x80xi32, #tpu.memory_space<hbm>>
      %dma_wait3A_37 = arith.constant 0 : i32
      %dma_wait3A_38 = arith.constant 0 : i32
      %dma_wait3A_39 = tpu.memref_slice %arg2[%arg0, %arg1, %dma_wait3A_37, %dma_wait3A_38] : memref<2x16x250x80xi32, #tpu.memory_space<hbm>> -> memref<1x1x250x80xi32, #tpu.memory_space<hbm>>
      %dma_wait3A_40 = tpu.memref_squeeze %dma_wait3A_39 : memref<1x1x250x80xi32, #tpu.memory_space<hbm>> -> memref<250x80xi32, #tpu.memory_space<hbm>>
      tpu.wait_dma2 semaphore(%run_scoped3A : memref<!tpu.dma_semaphore, #tpu.memory_space<semaphore_mem>>) src(%dma_wait3A_40 : memref<250x80xi32, #tpu.memory_space<hbm>>) dst(%arg6 : memref<250x80xi32, #tpu.memory_space<vmem>>)
      tpu.yield
    }) : () -> ()
    "tpu.region"() ({
      %run_scoped3A = tpu.sem_alloc : memref<!tpu.dma_semaphore, #tpu.memory_space<semaphore_mem>>
      tpu.enqueue_dma source(%arg4 : memref<80x128xf32, #tpu.memory_space<hbm>>) target(%arg7 : memref<80x128xf32, #tpu.memory_space<vmem>>) target_semaphore(%run_scoped3A : memref<!tpu.dma_semaphore, #tpu.memory_space<semaphore_mem>>)
      tpu.wait_dma2 semaphore(%run_scoped3A : memref<!tpu.dma_semaphore, #tpu.memory_space<semaphore_mem>>) src(%arg4 : memref<80x128xf32, #tpu.memory_space<hbm>>) dst(%arg7 : memref<80x128xf32, #tpu.memory_space<vmem>>)
      tpu.yield
    }) : () -> ()
    %barrier3A = arith.constant 0 : index
    tpu.barrier barrier_id(%barrier3A)
    %scan3A = arith.constant 0 : i32
    %scan3A_3 = arith.constant 0 : i32
    %scan3A_4 = arith.constant 125 : i32
    %scan3A_5 = arith.addi %scan3A_3, %scan3A_4 : i32
    %scan3A_6 = arith.constant 1 : i32
    scf.for %scan3A_26 = %scan3A_3 to %scan3A_5 step %scan3A_6  : i32 {
      %ge3A = arith.constant 1 : i32
      %ge3A_27 = arith.cmpi sge, %scan3A_26, %ge3A : i32
      %convert_element_type3A = arith.extui %ge3A_27 : i1 to i32
      %cond3A = arith.constant 0 : i32
      %cond3A_28 = arith.cmpi ne, %convert_element_type3A, %cond3A : i32
      scf.if %cond3A_28 {
        %mul3A_50 = arith.constant 2 : i32
        %mul3A_51 = arith.muli %mul3A_50, %scan3A_26 : i32
        %sub3A = arith.constant 2 : i32
        %sub3A_52 = arith.subi %mul3A_51, %sub3A : i32
        %dma_wait3A_53 = arith.constant 0 : i32
        %dma_wait3A_54 = tpu.memref_slice %arg6[%sub3A_52, %dma_wait3A_53] : memref<250x80xi32, #tpu.memory_space<vmem>> -> memref<1x80xi32, #tpu.memory_space<vmem>>
        %dma_wait3A_55 = tpu.memref_squeeze %dma_wait3A_54 : memref<1x80xi32, #tpu.memory_space<vmem>> -> memref<80xi32, #tpu.memory_space<vmem>>
        %dma_wait3A_56 = arith.constant 0 : i32
        %dma_wait3A_57 = arith.constant 0 : i32
        %dma_wait3A_58 = tpu.memref_slice %arg8[%dma_wait3A_56, %dma_wait3A_57] : memref<10240x128xf32, #tpu.memory_space<vmem_shared>> -> memref<10240x128xf32, #tpu.memory_space<vmem_shared>>
        tpu.wait_indirect_dma semaphore(%arg9 : memref<!tpu.dma_semaphore, #tpu.memory_space<semaphore_mem>>) src(%arg7 : memref<80x128xf32, #tpu.memory_space<vmem>>) dst(%dma_wait3A_58 : memref<10240x128xf32, #tpu.memory_space<vmem_shared>>)
      } else {
      }
      %mul3A_29 = arith.constant 2 : i32
      %mul3A_30 = arith.muli %mul3A_29, %scan3A_26 : i32
      %dma_start3A = arith.constant 0 : i32
      %dma_start3A_31 = tpu.memref_slice %arg6[%mul3A_30, %dma_start3A] : memref<250x80xi32, #tpu.memory_space<vmem>> -> memref<1x80xi32, #tpu.memory_space<vmem>>
      %dma_start3A_32 = tpu.memref_squeeze %dma_start3A_31 : memref<1x80xi32, #tpu.memory_space<vmem>> -> memref<80xi32, #tpu.memory_space<vmem>>
      %dma_start3A_33 = arith.constant 0 : i32
      %dma_start3A_34 = arith.constant 0 : i32
      %dma_start3A_35 = tpu.memref_slice %arg8[%dma_start3A_33, %dma_start3A_34] : memref<10240x128xf32, #tpu.memory_space<vmem_shared>> -> memref<10240x128xf32, #tpu.memory_space<vmem_shared>>
      tpu.enqueue_indirect_dma source(%arg7 : memref<80x128xf32, #tpu.memory_space<vmem>>) target(%dma_start3A_35 : memref<10240x128xf32, #tpu.memory_space<vmem_shared>>) offsets(%dma_start3A_32 : memref<80xi32, #tpu.memory_space<vmem>>) semaphore(%arg9 : memref<!tpu.dma_semaphore, #tpu.memory_space<semaphore_mem>>) {add = true}
      %ge3A_36 = arith.constant 1 : i32
      %ge3A_37 = arith.cmpi sge, %scan3A_26, %ge3A_36 : i32
      %convert_element_type3A_38 = arith.extui %ge3A_37 : i1 to i32
      %cond3A_39 = arith.constant 0 : i32
      %cond3A_40 = arith.cmpi ne, %convert_element_type3A_38, %cond3A_39 : i32
      scf.if %cond3A_40 {
        %mul3A_50 = arith.constant 2 : i32
        %mul3A_51 = arith.muli %mul3A_50, %scan3A_26 : i32
        %sub3A = arith.constant 1 : i32
        %sub3A_52 = arith.subi %mul3A_51, %sub3A : i32
        %dma_wait3A_53 = arith.constant 0 : i32
        %dma_wait3A_54 = tpu.memref_slice %arg6[%sub3A_52, %dma_wait3A_53] : memref<250x80xi32, #tpu.memory_space<vmem>> -> memref<1x80xi32, #tpu.memory_space<vmem>>
        %dma_wait3A_55 = tpu.memref_squeeze %dma_wait3A_54 : memref<1x80xi32, #tpu.memory_space<vmem>> -> memref<80xi32, #tpu.memory_space<vmem>>
        %dma_wait3A_56 = arith.constant 0 : i32
        %dma_wait3A_57 = arith.constant 0 : i32
        %dma_wait3A_58 = tpu.memref_slice %arg8[%dma_wait3A_56, %dma_wait3A_57] : memref<10240x128xf32, #tpu.memory_space<vmem_shared>> -> memref<10240x128xf32, #tpu.memory_space<vmem_shared>>
        tpu.wait_indirect_dma semaphore(%arg10 : memref<!tpu.dma_semaphore, #tpu.memory_space<semaphore_mem>>) src(%arg7 : memref<80x128xf32, #tpu.memory_space<vmem>>) dst(%dma_wait3A_58 : memref<10240x128xf32, #tpu.memory_space<vmem_shared>>)
      } else {
      }
      %mul3A_41 = arith.constant 2 : i32
      %mul3A_42 = arith.muli %mul3A_41, %scan3A_26 : i32
      %add3A = arith.constant 1 : i32
      %add3A_43 = arith.addi %mul3A_42, %add3A : i32
      %dma_start3A_44 = arith.constant 0 : i32
      %dma_start3A_45 = tpu.memref_slice %arg6[%add3A_43, %dma_start3A_44] : memref<250x80xi32, #tpu.memory_space<vmem>> -> memref<1x80xi32, #tpu.memory_space<vmem>>
      %dma_start3A_46 = tpu.memref_squeeze %dma_start3A_45 : memref<1x80xi32, #tpu.memory_space<vmem>> -> memref<80xi32, #tpu.memory_space<vmem>>
      %dma_start3A_47 = arith.constant 0 : i32
      %dma_start3A_48 = arith.constant 0 : i32
      %dma_start3A_49 = tpu.memref_slice %arg8[%dma_start3A_47, %dma_start3A_48] : memref<10240x128xf32, #tpu.memory_space<vmem_shared>> -> memref<10240x128xf32, #tpu.memory_space<vmem_shared>>
      tpu.enqueue_indirect_dma source(%arg7 : memref<80x128xf32, #tpu.memory_space<vmem>>) target(%dma_start3A_49 : memref<10240x128xf32, #tpu.memory_space<vmem_shared>>) offsets(%dma_start3A_46 : memref<80xi32, #tpu.memory_space<vmem>>) semaphore(%arg10 : memref<!tpu.dma_semaphore, #tpu.memory_space<semaphore_mem>>) {add = true}
    }
    %scan3A_7 = arith.constant 125 : i32
    %dma_wait3A = arith.constant 248 : i32
    %dma_wait3A_8 = arith.constant 0 : i32
    %dma_wait3A_9 = tpu.memref_slice %arg6[%dma_wait3A, %dma_wait3A_8] : memref<250x80xi32, #tpu.memory_space<vmem>> -> memref<1x80xi32, #tpu.memory_space<vmem>>
    %dma_wait3A_10 = tpu.memref_squeeze %dma_wait3A_9 : memref<1x80xi32, #tpu.memory_space<vmem>> -> memref<80xi32, #tpu.memory_space<vmem>>
    %dma_wait3A_11 = arith.constant 0 : i32
    %dma_wait3A_12 = arith.constant 0 : i32
    %dma_wait3A_13 = tpu.memref_slice %arg8[%dma_wait3A_11, %dma_wait3A_12] : memref<10240x128xf32, #tpu.memory_space<vmem_shared>> -> memref<10240x128xf32, #tpu.memory_space<vmem_shared>>
    tpu.wait_indirect_dma semaphore(%arg9 : memref<!tpu.dma_semaphore, #tpu.memory_space<semaphore_mem>>) src(%arg7 : memref<80x128xf32, #tpu.memory_space<vmem>>) dst(%dma_wait3A_13 : memref<10240x128xf32, #tpu.memory_space<vmem_shared>>)
    %dma_wait3A_14 = arith.constant 249 : i32
    %dma_wait3A_15 = arith.constant 0 : i32
    %dma_wait3A_16 = tpu.memref_slice %arg6[%dma_wait3A_14, %dma_wait3A_15] : memref<250x80xi32, #tpu.memory_space<vmem>> -> memref<1x80xi32, #tpu.memory_space<vmem>>
    %dma_wait3A_17 = tpu.memref_squeeze %dma_wait3A_16 : memref<1x80xi32, #tpu.memory_space<vmem>> -> memref<80xi32, #tpu.memory_space<vmem>>
    %dma_wait3A_18 = arith.constant 0 : i32
    %dma_wait3A_19 = arith.constant 0 : i32
    %dma_wait3A_20 = tpu.memref_slice %arg8[%dma_wait3A_18, %dma_wait3A_19] : memref<10240x128xf32, #tpu.memory_space<vmem_shared>> -> memref<10240x128xf32, #tpu.memory_space<vmem_shared>>
    tpu.wait_indirect_dma semaphore(%arg10 : memref<!tpu.dma_semaphore, #tpu.memory_space<semaphore_mem>>) src(%arg7 : memref<80x128xf32, #tpu.memory_space<vmem>>) dst(%dma_wait3A_20 : memref<10240x128xf32, #tpu.memory_space<vmem_shared>>)
    %barrier3A_21 = arith.constant 0 : index
    tpu.barrier barrier_id(%barrier3A_21)
    %mul3A_22 = arith.constant 640 : i32
    %mul3A_23 = arith.muli %arg1, %mul3A_22 : i32
    %mul3A_24 = arith.constant 640 : i32
    %mul3A_25 = arith.muli %arg1, %mul3A_24 : i32
    "tpu.region"() ({
      %run_scoped3A = tpu.sem_alloc : memref<!tpu.dma_semaphore, #tpu.memory_space<semaphore_mem>>
      %dma_start3A = arith.constant 0 : i32
      %dma_start3A_26 = tpu.memref_slice %arg5[%arg0, %mul3A_25, %dma_start3A] : memref<2x10240x128xf32, #tpu.memory_space<hbm>> -> memref<1x640x128xf32, #tpu.memory_space<hbm>>
      %dma_start3A_27 = tpu.memref_squeeze %dma_start3A_26 : memref<1x640x128xf32, #tpu.memory_space<hbm>> -> memref<640x128xf32, #tpu.memory_space<hbm>>
      %dma_start3A_28 = arith.constant 0 : i32
      %dma_start3A_29 = tpu.memref_slice %arg8[%mul3A_23, %dma_start3A_28] : memref<10240x128xf32, #tpu.memory_space<vmem_shared>> -> memref<640x128xf32, #tpu.memory_space<vmem_shared>>
      tpu.enqueue_dma source(%dma_start3A_29 : memref<640x128xf32, #tpu.memory_space<vmem_shared>>) target(%dma_start3A_27 : memref<640x128xf32, #tpu.memory_space<hbm>>) target_semaphore(%run_scoped3A : memref<!tpu.dma_semaphore, #tpu.memory_space<semaphore_mem>>)
      %dma_wait3A_30 = arith.constant 0 : i32
      %dma_wait3A_31 = tpu.memref_slice %arg5[%arg0, %mul3A_25, %dma_wait3A_30] : memref<2x10240x128xf32, #tpu.memory_space<hbm>> -> memref<1x640x128xf32, #tpu.memory_space<hbm>>
      %dma_wait3A_32 = tpu.memref_squeeze %dma_wait3A_31 : memref<1x640x128xf32, #tpu.memory_space<hbm>> -> memref<640x128xf32, #tpu.memory_space<hbm>>
      %dma_wait3A_33 = arith.constant 0 : i32
      %dma_wait3A_34 = tpu.memref_slice %arg8[%mul3A_23, %dma_wait3A_33] : memref<10240x128xf32, #tpu.memory_space<vmem_shared>> -> memref<640x128xf32, #tpu.memory_space<vmem_shared>>
      tpu.wait_dma2 semaphore(%run_scoped3A : memref<!tpu.dma_semaphore, #tpu.memory_space<semaphore_mem>>) src(%dma_wait3A_34 : memref<640x128xf32, #tpu.memory_space<vmem_shared>>) dst(%dma_wait3A_32 : memref<640x128xf32, #tpu.memory_space<hbm>>)
      tpu.yield
    }) : () -> ()
    return
  }
}

#map = affine_map<(d0, d1) -> (0, 0)>
#map1 = affine_map<(d0, d1) -> (0, 0, 0)>
module attributes {stable_mosaic.version = 14 : i64} {
  func.func @prop_kernel(%arg0: i32, %arg1: i32, %arg2: memref<10240x128xf32, #tpu.memory_space<hbm>>, %arg3: memref<32x80x128xi32, #tpu.memory_space<hbm>>, %arg4: memref<32x80x128xi32, #tpu.memory_space<hbm>>, %arg5: memref<10240x128xf32, #tpu.memory_space<hbm>>, %arg6: memref<2x10240x128xf32, #tpu.memory_space<hbm>>, %arg7: memref<40x128xi32, #tpu.memory_space<vmem>>, %arg8: memref<40x128xi32, #tpu.memory_space<vmem>>, %arg9: memref<128x128xf32, #tpu.memory_space<vmem>>, %arg10: memref<128x128xf32, #tpu.memory_space<vmem>>, %arg11: memref<10240x128xf32, #tpu.memory_space<vmem_shared>>, %arg12: memref<!tpu.dma_semaphore, #tpu.memory_space<semaphore_mem>>, %arg13: memref<!tpu.dma_semaphore, #tpu.memory_space<semaphore_mem>>, %arg14: memref<!tpu.dma_semaphore, #tpu.memory_space<semaphore_mem>>, %arg15: memref<!tpu.dma_semaphore, #tpu.memory_space<semaphore_mem>>) attributes {dimension_semantics = [#tpu.dimension_semantics<core_parallel>, #tpu.dimension_semantics<subcore_parallel>], iteration_bounds = array<i64: 2, 16>, scalar_prefetch = 0 : i64, scratch_operands = 9 : i64, tpu.core_type = #tpu.core_type<sc_vector_subcore>, window_params = [{transform_indices = #map}, {transform_indices = #map1}, {transform_indices = #map1}, {transform_indices = #map}, {transform_indices = #map1}]} {
    %mul3A = arith.constant 16 : i32
    %mul3A_0 = arith.muli %arg0, %mul3A : i32
    %add3A = arith.addi %mul3A_0, %arg1 : i32
    %mul3A_1 = arith.constant 640 : i32
    %mul3A_2 = arith.muli %arg1, %mul3A_1 : i32
    %mul3A_3 = arith.constant 640 : i32
    %mul3A_4 = arith.muli %arg1, %mul3A_3 : i32
    "tpu.region"() ({
      %run_scoped3A = tpu.sem_alloc : memref<!tpu.dma_semaphore, #tpu.memory_space<semaphore_mem>>
      %dma_start3A_47 = arith.constant 0 : i32
      %dma_start3A_48 = tpu.memref_slice %arg11[%mul3A_4, %dma_start3A_47] : memref<10240x128xf32, #tpu.memory_space<vmem_shared>> -> memref<640x128xf32, #tpu.memory_space<vmem_shared>>
      %dma_start3A_49 = arith.constant 0 : i32
      %dma_start3A_50 = tpu.memref_slice %arg5[%mul3A_2, %dma_start3A_49] : memref<10240x128xf32, #tpu.memory_space<hbm>> -> memref<640x128xf32, #tpu.memory_space<hbm>>
      tpu.enqueue_dma source(%dma_start3A_50 : memref<640x128xf32, #tpu.memory_space<hbm>>) target(%dma_start3A_48 : memref<640x128xf32, #tpu.memory_space<vmem_shared>>) target_semaphore(%run_scoped3A : memref<!tpu.dma_semaphore, #tpu.memory_space<semaphore_mem>>)
      %dma_wait3A_51 = arith.constant 0 : i32
      %dma_wait3A_52 = tpu.memref_slice %arg11[%mul3A_4, %dma_wait3A_51] : memref<10240x128xf32, #tpu.memory_space<vmem_shared>> -> memref<640x128xf32, #tpu.memory_space<vmem_shared>>
      %dma_wait3A_53 = arith.constant 0 : i32
      %dma_wait3A_54 = tpu.memref_slice %arg5[%mul3A_2, %dma_wait3A_53] : memref<10240x128xf32, #tpu.memory_space<hbm>> -> memref<640x128xf32, #tpu.memory_space<hbm>>
      tpu.wait_dma2 semaphore(%run_scoped3A : memref<!tpu.dma_semaphore, #tpu.memory_space<semaphore_mem>>) src(%dma_wait3A_54 : memref<640x128xf32, #tpu.memory_space<hbm>>) dst(%dma_wait3A_52 : memref<640x128xf32, #tpu.memory_space<vmem_shared>>)
      tpu.yield
    }) : () -> ()
    %barrier3A = arith.constant 0 : index
    tpu.barrier barrier_id(%barrier3A)
    "tpu.region"() ({
      %run_scoped3A = tpu.sem_alloc : memref<!tpu.dma_semaphore, #tpu.memory_space<semaphore_mem>>
      %dma_start3A_47 = arith.constant 0 : i32
      %dma_start3A_48 = arith.constant 0 : i32
      %dma_start3A_49 = tpu.memref_slice %arg3[%add3A, %dma_start3A_47, %dma_start3A_48] : memref<32x80x128xi32, #tpu.memory_space<hbm>> -> memref<1x40x128xi32, #tpu.memory_space<hbm>>
      %dma_start3A_50 = tpu.memref_squeeze %dma_start3A_49 : memref<1x40x128xi32, #tpu.memory_space<hbm>> -> memref<40x128xi32, #tpu.memory_space<hbm>>
      %dma_start3A_51 = arith.constant 0 : i32
      %dma_start3A_52 = arith.constant 0 : i32
      %dma_start3A_53 = tpu.memref_slice %arg3[%add3A, %dma_start3A_51, %dma_start3A_52] : memref<32x80x128xi32, #tpu.memory_space<hbm>> -> memref<1x40x128xi32, #tpu.memory_space<hbm>>
      %dma_start3A_54 = tpu.memref_squeeze %dma_start3A_53 : memref<1x40x128xi32, #tpu.memory_space<hbm>> -> memref<40x128xi32, #tpu.memory_space<hbm>>
      tpu.enqueue_dma source(%dma_start3A_54 : memref<40x128xi32, #tpu.memory_space<hbm>>) target(%arg7 : memref<40x128xi32, #tpu.memory_space<vmem>>) target_semaphore(%run_scoped3A : memref<!tpu.dma_semaphore, #tpu.memory_space<semaphore_mem>>)
      %dma_wait3A_55 = arith.constant 0 : i32
      %dma_wait3A_56 = arith.constant 0 : i32
      %dma_wait3A_57 = tpu.memref_slice %arg3[%add3A, %dma_wait3A_55, %dma_wait3A_56] : memref<32x80x128xi32, #tpu.memory_space<hbm>> -> memref<1x40x128xi32, #tpu.memory_space<hbm>>
      %dma_wait3A_58 = tpu.memref_squeeze %dma_wait3A_57 : memref<1x40x128xi32, #tpu.memory_space<hbm>> -> memref<40x128xi32, #tpu.memory_space<hbm>>
      %dma_wait3A_59 = arith.constant 0 : i32
      %dma_wait3A_60 = arith.constant 0 : i32
      %dma_wait3A_61 = tpu.memref_slice %arg3[%add3A, %dma_wait3A_59, %dma_wait3A_60] : memref<32x80x128xi32, #tpu.memory_space<hbm>> -> memref<1x40x128xi32, #tpu.memory_space<hbm>>
      %dma_wait3A_62 = tpu.memref_squeeze %dma_wait3A_61 : memref<1x40x128xi32, #tpu.memory_space<hbm>> -> memref<40x128xi32, #tpu.memory_space<hbm>>
      tpu.wait_dma2 semaphore(%run_scoped3A : memref<!tpu.dma_semaphore, #tpu.memory_space<semaphore_mem>>) src(%dma_wait3A_62 : memref<40x128xi32, #tpu.memory_space<hbm>>) dst(%arg7 : memref<40x128xi32, #tpu.memory_space<vmem>>)
      tpu.yield
    }) : () -> ()
    "tpu.region"() ({
      %run_scoped3A = tpu.sem_alloc : memref<!tpu.dma_semaphore, #tpu.memory_space<semaphore_mem>>
      %dma_start3A_47 = arith.constant 0 : i32
      %dma_start3A_48 = arith.constant 0 : i32
      %dma_start3A_49 = tpu.memref_slice %arg4[%add3A, %dma_start3A_47, %dma_start3A_48] : memref<32x80x128xi32, #tpu.memory_space<hbm>> -> memref<1x40x128xi32, #tpu.memory_space<hbm>>
      %dma_start3A_50 = tpu.memref_squeeze %dma_start3A_49 : memref<1x40x128xi32, #tpu.memory_space<hbm>> -> memref<40x128xi32, #tpu.memory_space<hbm>>
      %dma_start3A_51 = arith.constant 0 : i32
      %dma_start3A_52 = arith.constant 0 : i32
      %dma_start3A_53 = tpu.memref_slice %arg4[%add3A, %dma_start3A_51, %dma_start3A_52] : memref<32x80x128xi32, #tpu.memory_space<hbm>> -> memref<1x40x128xi32, #tpu.memory_space<hbm>>
      %dma_start3A_54 = tpu.memref_squeeze %dma_start3A_53 : memref<1x40x128xi32, #tpu.memory_space<hbm>> -> memref<40x128xi32, #tpu.memory_space<hbm>>
      tpu.enqueue_dma source(%dma_start3A_54 : memref<40x128xi32, #tpu.memory_space<hbm>>) target(%arg8 : memref<40x128xi32, #tpu.memory_space<vmem>>) target_semaphore(%run_scoped3A : memref<!tpu.dma_semaphore, #tpu.memory_space<semaphore_mem>>)
      %dma_wait3A_55 = arith.constant 0 : i32
      %dma_wait3A_56 = arith.constant 0 : i32
      %dma_wait3A_57 = tpu.memref_slice %arg4[%add3A, %dma_wait3A_55, %dma_wait3A_56] : memref<32x80x128xi32, #tpu.memory_space<hbm>> -> memref<1x40x128xi32, #tpu.memory_space<hbm>>
      %dma_wait3A_58 = tpu.memref_squeeze %dma_wait3A_57 : memref<1x40x128xi32, #tpu.memory_space<hbm>> -> memref<40x128xi32, #tpu.memory_space<hbm>>
      %dma_wait3A_59 = arith.constant 0 : i32
      %dma_wait3A_60 = arith.constant 0 : i32
      %dma_wait3A_61 = tpu.memref_slice %arg4[%add3A, %dma_wait3A_59, %dma_wait3A_60] : memref<32x80x128xi32, #tpu.memory_space<hbm>> -> memref<1x40x128xi32, #tpu.memory_space<hbm>>
      %dma_wait3A_62 = tpu.memref_squeeze %dma_wait3A_61 : memref<1x40x128xi32, #tpu.memory_space<hbm>> -> memref<40x128xi32, #tpu.memory_space<hbm>>
      tpu.wait_dma2 semaphore(%run_scoped3A : memref<!tpu.dma_semaphore, #tpu.memory_space<semaphore_mem>>) src(%dma_wait3A_62 : memref<40x128xi32, #tpu.memory_space<hbm>>) dst(%arg8 : memref<40x128xi32, #tpu.memory_space<vmem>>)
      tpu.yield
    }) : () -> ()
    %dma_start3A = arith.constant 0 : i32
    %dma_start3A_5 = arith.constant 0 : i32
    %dma_start3A_6 = tpu.memref_slice %arg7[%dma_start3A, %dma_start3A_5] : memref<40x128xi32, #tpu.memory_space<vmem>> -> memref<1x128xi32, #tpu.memory_space<vmem>>
    %dma_start3A_7 = tpu.memref_squeeze %dma_start3A_6 : memref<1x128xi32, #tpu.memory_space<vmem>> -> memref<128xi32, #tpu.memory_space<vmem>>
    %dma_start3A_8 = arith.constant 0 : i32
    %dma_start3A_9 = arith.constant 0 : i32
    %dma_start3A_10 = tpu.memref_slice %arg2[%dma_start3A_8, %dma_start3A_9] : memref<10240x128xf32, #tpu.memory_space<hbm>> -> memref<10240x128xf32, #tpu.memory_space<hbm>>
    tpu.enqueue_indirect_dma source(%dma_start3A_10 : memref<10240x128xf32, #tpu.memory_space<hbm>>) target(%arg9 : memref<128x128xf32, #tpu.memory_space<vmem>>) offsets(%dma_start3A_7 : memref<128xi32, #tpu.memory_space<vmem>>) semaphore(%arg12 : memref<!tpu.dma_semaphore, #tpu.memory_space<semaphore_mem>>)
    %scan3A = arith.constant 0 : i32
    %scan3A_11 = arith.constant 0 : i32
    %scan3A_12 = arith.constant 20 : i32
    %scan3A_13 = arith.addi %scan3A_11, %scan3A_12 : i32
    %scan3A_14 = arith.constant 1 : i32
    scf.for %scan3A_47 = %scan3A_11 to %scan3A_13 step %scan3A_14  : i32 {
      %ge3A = arith.constant 1 : i32
      %ge3A_48 = arith.cmpi sge, %scan3A_47, %ge3A : i32
      %convert_element_type3A = arith.extui %ge3A_48 : i1 to i32
      %cond3A = arith.constant 0 : i32
      %cond3A_49 = arith.cmpi ne, %convert_element_type3A, %cond3A : i32
      scf.if %cond3A_49 {
        %mul3A_110 = arith.constant 2 : i32
        %mul3A_111 = arith.muli %mul3A_110, %scan3A_47 : i32
        %sub3A = arith.constant 1 : i32
        %sub3A_112 = arith.subi %mul3A_111, %sub3A : i32
        %dma_wait3A_113 = arith.constant 0 : i32
        %dma_wait3A_114 = tpu.memref_slice %arg8[%sub3A_112, %dma_wait3A_113] : memref<40x128xi32, #tpu.memory_space<vmem>> -> memref<1x128xi32, #tpu.memory_space<vmem>>
        %dma_wait3A_115 = tpu.memref_squeeze %dma_wait3A_114 : memref<1x128xi32, #tpu.memory_space<vmem>> -> memref<128xi32, #tpu.memory_space<vmem>>
        %dma_wait3A_116 = arith.constant 0 : i32
        %dma_wait3A_117 = arith.constant 0 : i32
        %dma_wait3A_118 = tpu.memref_slice %arg11[%dma_wait3A_116, %dma_wait3A_117] : memref<10240x128xf32, #tpu.memory_space<vmem_shared>> -> memref<10240x128xf32, #tpu.memory_space<vmem_shared>>
        tpu.wait_indirect_dma semaphore(%arg15 : memref<!tpu.dma_semaphore, #tpu.memory_space<semaphore_mem>>) src(%arg10 : memref<128x128xf32, #tpu.memory_space<vmem>>) dst(%dma_wait3A_118 : memref<10240x128xf32, #tpu.memory_space<vmem_shared>>)
      } else {
      }
      %mul3A_50 = arith.constant 2 : i32
      %mul3A_51 = arith.muli %mul3A_50, %scan3A_47 : i32
      %add3A_52 = arith.constant 1 : i32
      %add3A_53 = arith.addi %mul3A_51, %add3A_52 : i32
      %dma_start3A_54 = arith.constant 0 : i32
      %dma_start3A_55 = tpu.memref_slice %arg7[%add3A_53, %dma_start3A_54] : memref<40x128xi32, #tpu.memory_space<vmem>> -> memref<1x128xi32, #tpu.memory_space<vmem>>
      %dma_start3A_56 = tpu.memref_squeeze %dma_start3A_55 : memref<1x128xi32, #tpu.memory_space<vmem>> -> memref<128xi32, #tpu.memory_space<vmem>>
      %dma_start3A_57 = arith.constant 0 : i32
      %dma_start3A_58 = arith.constant 0 : i32
      %dma_start3A_59 = tpu.memref_slice %arg2[%dma_start3A_57, %dma_start3A_58] : memref<10240x128xf32, #tpu.memory_space<hbm>> -> memref<10240x128xf32, #tpu.memory_space<hbm>>
      tpu.enqueue_indirect_dma source(%dma_start3A_59 : memref<10240x128xf32, #tpu.memory_space<hbm>>) target(%arg10 : memref<128x128xf32, #tpu.memory_space<vmem>>) offsets(%dma_start3A_56 : memref<128xi32, #tpu.memory_space<vmem>>) semaphore(%arg13 : memref<!tpu.dma_semaphore, #tpu.memory_space<semaphore_mem>>)
      %mul3A_60 = arith.constant 2 : i32
      %mul3A_61 = arith.muli %mul3A_60, %scan3A_47 : i32
      %dma_wait3A_62 = arith.constant 0 : i32
      %dma_wait3A_63 = tpu.memref_slice %arg7[%mul3A_61, %dma_wait3A_62] : memref<40x128xi32, #tpu.memory_space<vmem>> -> memref<1x128xi32, #tpu.memory_space<vmem>>
      %dma_wait3A_64 = tpu.memref_squeeze %dma_wait3A_63 : memref<1x128xi32, #tpu.memory_space<vmem>> -> memref<128xi32, #tpu.memory_space<vmem>>
      %dma_wait3A_65 = arith.constant 0 : i32
      %dma_wait3A_66 = arith.constant 0 : i32
      %dma_wait3A_67 = tpu.memref_slice %arg2[%dma_wait3A_65, %dma_wait3A_66] : memref<10240x128xf32, #tpu.memory_space<hbm>> -> memref<10240x128xf32, #tpu.memory_space<hbm>>
      tpu.wait_indirect_dma semaphore(%arg12 : memref<!tpu.dma_semaphore, #tpu.memory_space<semaphore_mem>>) src(%dma_wait3A_67 : memref<10240x128xf32, #tpu.memory_space<hbm>>) dst(%arg9 : memref<128x128xf32, #tpu.memory_space<vmem>>)
      %mul3A_68 = arith.constant 2 : i32
      %mul3A_69 = arith.muli %mul3A_68, %scan3A_47 : i32
      %dma_start3A_70 = arith.constant 0 : i32
      %dma_start3A_71 = tpu.memref_slice %arg8[%mul3A_69, %dma_start3A_70] : memref<40x128xi32, #tpu.memory_space<vmem>> -> memref<1x128xi32, #tpu.memory_space<vmem>>
      %dma_start3A_72 = tpu.memref_squeeze %dma_start3A_71 : memref<1x128xi32, #tpu.memory_space<vmem>> -> memref<128xi32, #tpu.memory_space<vmem>>
      %dma_start3A_73 = arith.constant 0 : i32
      %dma_start3A_74 = arith.constant 0 : i32
      %dma_start3A_75 = tpu.memref_slice %arg11[%dma_start3A_73, %dma_start3A_74] : memref<10240x128xf32, #tpu.memory_space<vmem_shared>> -> memref<10240x128xf32, #tpu.memory_space<vmem_shared>>
      tpu.enqueue_indirect_dma source(%arg9 : memref<128x128xf32, #tpu.memory_space<vmem>>) target(%dma_start3A_75 : memref<10240x128xf32, #tpu.memory_space<vmem_shared>>) offsets(%dma_start3A_72 : memref<128xi32, #tpu.memory_space<vmem>>) semaphore(%arg14 : memref<!tpu.dma_semaphore, #tpu.memory_space<semaphore_mem>>) {add = true}
      %mul3A_76 = arith.constant 2 : i32
      %mul3A_77 = arith.muli %mul3A_76, %scan3A_47 : i32
      %dma_wait3A_78 = arith.constant 0 : i32
      %dma_wait3A_79 = tpu.memref_slice %arg8[%mul3A_77, %dma_wait3A_78] : memref<40x128xi32, #tpu.memory_space<vmem>> -> memref<1x128xi32, #tpu.memory_space<vmem>>
      %dma_wait3A_80 = tpu.memref_squeeze %dma_wait3A_79 : memref<1x128xi32, #tpu.memory_space<vmem>> -> memref<128xi32, #tpu.memory_space<vmem>>
      %dma_wait3A_81 = arith.constant 0 : i32
      %dma_wait3A_82 = arith.constant 0 : i32
      %dma_wait3A_83 = tpu.memref_slice %arg11[%dma_wait3A_81, %dma_wait3A_82] : memref<10240x128xf32, #tpu.memory_space<vmem_shared>> -> memref<10240x128xf32, #tpu.memory_space<vmem_shared>>
      tpu.wait_indirect_dma semaphore(%arg14 : memref<!tpu.dma_semaphore, #tpu.memory_space<semaphore_mem>>) src(%arg9 : memref<128x128xf32, #tpu.memory_space<vmem>>) dst(%dma_wait3A_83 : memref<10240x128xf32, #tpu.memory_space<vmem_shared>>)
      %add3A_84 = arith.constant 1 : i32
      %add3A_85 = arith.addi %scan3A_47, %add3A_84 : i32
      %lt3A = arith.constant 20 : i32
      %lt3A_86 = arith.cmpi slt, %add3A_85, %lt3A : i32
      %convert_element_type3A_87 = arith.extui %lt3A_86 : i1 to i32
      %cond3A_88 = arith.constant 0 : i32
      %cond3A_89 = arith.cmpi ne, %convert_element_type3A_87, %cond3A_88 : i32
      scf.if %cond3A_89 {
        %mul3A_110 = arith.constant 2 : i32
        %mul3A_111 = arith.muli %mul3A_110, %scan3A_47 : i32
        %add3A_112 = arith.constant 2 : i32
        %add3A_113 = arith.addi %mul3A_111, %add3A_112 : i32
        %dma_start3A_114 = arith.constant 0 : i32
        %dma_start3A_115 = tpu.memref_slice %arg7[%add3A_113, %dma_start3A_114] : memref<40x128xi32, #tpu.memory_space<vmem>> -> memref<1x128xi32, #tpu.memory_space<vmem>>
        %dma_start3A_116 = tpu.memref_squeeze %dma_start3A_115 : memref<1x128xi32, #tpu.memory_space<vmem>> -> memref<128xi32, #tpu.memory_space<vmem>>
        %dma_start3A_117 = arith.constant 0 : i32
        %dma_start3A_118 = arith.constant 0 : i32
        %dma_start3A_119 = tpu.memref_slice %arg2[%dma_start3A_117, %dma_start3A_118] : memref<10240x128xf32, #tpu.memory_space<hbm>> -> memref<10240x128xf32, #tpu.memory_space<hbm>>
        tpu.enqueue_indirect_dma source(%dma_start3A_119 : memref<10240x128xf32, #tpu.memory_space<hbm>>) target(%arg9 : memref<128x128xf32, #tpu.memory_space<vmem>>) offsets(%dma_start3A_116 : memref<128xi32, #tpu.memory_space<vmem>>) semaphore(%arg12 : memref<!tpu.dma_semaphore, #tpu.memory_space<semaphore_mem>>)
      } else {
      }
      %mul3A_90 = arith.constant 2 : i32
      %mul3A_91 = arith.muli %mul3A_90, %scan3A_47 : i32
      %add3A_92 = arith.constant 1 : i32
      %add3A_93 = arith.addi %mul3A_91, %add3A_92 : i32
      %dma_wait3A_94 = arith.constant 0 : i32
      %dma_wait3A_95 = tpu.memref_slice %arg7[%add3A_93, %dma_wait3A_94] : memref<40x128xi32, #tpu.memory_space<vmem>> -> memref<1x128xi32, #tpu.memory_space<vmem>>
      %dma_wait3A_96 = tpu.memref_squeeze %dma_wait3A_95 : memref<1x128xi32, #tpu.memory_space<vmem>> -> memref<128xi32, #tpu.memory_space<vmem>>
      %dma_wait3A_97 = arith.constant 0 : i32
      %dma_wait3A_98 = arith.constant 0 : i32
      %dma_wait3A_99 = tpu.memref_slice %arg2[%dma_wait3A_97, %dma_wait3A_98] : memref<10240x128xf32, #tpu.memory_space<hbm>> -> memref<10240x128xf32, #tpu.memory_space<hbm>>
      tpu.wait_indirect_dma semaphore(%arg13 : memref<!tpu.dma_semaphore, #tpu.memory_space<semaphore_mem>>) src(%dma_wait3A_99 : memref<10240x128xf32, #tpu.memory_space<hbm>>) dst(%arg10 : memref<128x128xf32, #tpu.memory_space<vmem>>)
      %mul3A_100 = arith.constant 2 : i32
      %mul3A_101 = arith.muli %mul3A_100, %scan3A_47 : i32
      %add3A_102 = arith.constant 1 : i32
      %add3A_103 = arith.addi %mul3A_101, %add3A_102 : i32
      %dma_start3A_104 = arith.constant 0 : i32
      %dma_start3A_105 = tpu.memref_slice %arg8[%add3A_103, %dma_start3A_104] : memref<40x128xi32, #tpu.memory_space<vmem>> -> memref<1x128xi32, #tpu.memory_space<vmem>>
      %dma_start3A_106 = tpu.memref_squeeze %dma_start3A_105 : memref<1x128xi32, #tpu.memory_space<vmem>> -> memref<128xi32, #tpu.memory_space<vmem>>
      %dma_start3A_107 = arith.constant 0 : i32
      %dma_start3A_108 = arith.constant 0 : i32
      %dma_start3A_109 = tpu.memref_slice %arg11[%dma_start3A_107, %dma_start3A_108] : memref<10240x128xf32, #tpu.memory_space<vmem_shared>> -> memref<10240x128xf32, #tpu.memory_space<vmem_shared>>
      tpu.enqueue_indirect_dma source(%arg10 : memref<128x128xf32, #tpu.memory_space<vmem>>) target(%dma_start3A_109 : memref<10240x128xf32, #tpu.memory_space<vmem_shared>>) offsets(%dma_start3A_106 : memref<128xi32, #tpu.memory_space<vmem>>) semaphore(%arg15 : memref<!tpu.dma_semaphore, #tpu.memory_space<semaphore_mem>>) {add = true}
    }
    %scan3A_15 = arith.constant 20 : i32
    %dma_wait3A = arith.constant 39 : i32
    %dma_wait3A_16 = arith.constant 0 : i32
    %dma_wait3A_17 = tpu.memref_slice %arg8[%dma_wait3A, %dma_wait3A_16] : memref<40x128xi32, #tpu.memory_space<vmem>> -> memref<1x128xi32, #tpu.memory_space<vmem>>
    %dma_wait3A_18 = tpu.memref_squeeze %dma_wait3A_17 : memref<1x128xi32, #tpu.memory_space<vmem>> -> memref<128xi32, #tpu.memory_space<vmem>>
    %dma_wait3A_19 = arith.constant 0 : i32
    %dma_wait3A_20 = arith.constant 0 : i32
    %dma_wait3A_21 = tpu.memref_slice %arg11[%dma_wait3A_19, %dma_wait3A_20] : memref<10240x128xf32, #tpu.memory_space<vmem_shared>> -> memref<10240x128xf32, #tpu.memory_space<vmem_shared>>
    tpu.wait_indirect_dma semaphore(%arg15 : memref<!tpu.dma_semaphore, #tpu.memory_space<semaphore_mem>>) src(%arg10 : memref<128x128xf32, #tpu.memory_space<vmem>>) dst(%dma_wait3A_21 : memref<10240x128xf32, #tpu.memory_space<vmem_shared>>)
    "tpu.region"() ({
      %run_scoped3A = tpu.sem_alloc : memref<!tpu.dma_semaphore, #tpu.memory_space<semaphore_mem>>
      %dma_start3A_47 = arith.constant 40 : i32
      %dma_start3A_48 = arith.constant 0 : i32
      %dma_start3A_49 = tpu.memref_slice %arg3[%add3A, %dma_start3A_47, %dma_start3A_48] : memref<32x80x128xi32, #tpu.memory_space<hbm>> -> memref<1x40x128xi32, #tpu.memory_space<hbm>>
      %dma_start3A_50 = tpu.memref_squeeze %dma_start3A_49 : memref<1x40x128xi32, #tpu.memory_space<hbm>> -> memref<40x128xi32, #tpu.memory_space<hbm>>
      %dma_start3A_51 = arith.constant 40 : i32
      %dma_start3A_52 = arith.constant 0 : i32
      %dma_start3A_53 = tpu.memref_slice %arg3[%add3A, %dma_start3A_51, %dma_start3A_52] : memref<32x80x128xi32, #tpu.memory_space<hbm>> -> memref<1x40x128xi32, #tpu.memory_space<hbm>>
      %dma_start3A_54 = tpu.memref_squeeze %dma_start3A_53 : memref<1x40x128xi32, #tpu.memory_space<hbm>> -> memref<40x128xi32, #tpu.memory_space<hbm>>
      tpu.enqueue_dma source(%dma_start3A_54 : memref<40x128xi32, #tpu.memory_space<hbm>>) target(%arg7 : memref<40x128xi32, #tpu.memory_space<vmem>>) target_semaphore(%run_scoped3A : memref<!tpu.dma_semaphore, #tpu.memory_space<semaphore_mem>>)
      %dma_wait3A_55 = arith.constant 40 : i32
      %dma_wait3A_56 = arith.constant 0 : i32
      %dma_wait3A_57 = tpu.memref_slice %arg3[%add3A, %dma_wait3A_55, %dma_wait3A_56] : memref<32x80x128xi32, #tpu.memory_space<hbm>> -> memref<1x40x128xi32, #tpu.memory_space<hbm>>
      %dma_wait3A_58 = tpu.memref_squeeze %dma_wait3A_57 : memref<1x40x128xi32, #tpu.memory_space<hbm>> -> memref<40x128xi32, #tpu.memory_space<hbm>>
      %dma_wait3A_59 = arith.constant 40 : i32
      %dma_wait3A_60 = arith.constant 0 : i32
      %dma_wait3A_61 = tpu.memref_slice %arg3[%add3A, %dma_wait3A_59, %dma_wait3A_60] : memref<32x80x128xi32, #tpu.memory_space<hbm>> -> memref<1x40x128xi32, #tpu.memory_space<hbm>>
      %dma_wait3A_62 = tpu.memref_squeeze %dma_wait3A_61 : memref<1x40x128xi32, #tpu.memory_space<hbm>> -> memref<40x128xi32, #tpu.memory_space<hbm>>
      tpu.wait_dma2 semaphore(%run_scoped3A : memref<!tpu.dma_semaphore, #tpu.memory_space<semaphore_mem>>) src(%dma_wait3A_62 : memref<40x128xi32, #tpu.memory_space<hbm>>) dst(%arg7 : memref<40x128xi32, #tpu.memory_space<vmem>>)
      tpu.yield
    }) : () -> ()
    "tpu.region"() ({
      %run_scoped3A = tpu.sem_alloc : memref<!tpu.dma_semaphore, #tpu.memory_space<semaphore_mem>>
      %dma_start3A_47 = arith.constant 40 : i32
      %dma_start3A_48 = arith.constant 0 : i32
      %dma_start3A_49 = tpu.memref_slice %arg4[%add3A, %dma_start3A_47, %dma_start3A_48] : memref<32x80x128xi32, #tpu.memory_space<hbm>> -> memref<1x40x128xi32, #tpu.memory_space<hbm>>
      %dma_start3A_50 = tpu.memref_squeeze %dma_start3A_49 : memref<1x40x128xi32, #tpu.memory_space<hbm>> -> memref<40x128xi32, #tpu.memory_space<hbm>>
      %dma_start3A_51 = arith.constant 40 : i32
      %dma_start3A_52 = arith.constant 0 : i32
      %dma_start3A_53 = tpu.memref_slice %arg4[%add3A, %dma_start3A_51, %dma_start3A_52] : memref<32x80x128xi32, #tpu.memory_space<hbm>> -> memref<1x40x128xi32, #tpu.memory_space<hbm>>
      %dma_start3A_54 = tpu.memref_squeeze %dma_start3A_53 : memref<1x40x128xi32, #tpu.memory_space<hbm>> -> memref<40x128xi32, #tpu.memory_space<hbm>>
      tpu.enqueue_dma source(%dma_start3A_54 : memref<40x128xi32, #tpu.memory_space<hbm>>) target(%arg8 : memref<40x128xi32, #tpu.memory_space<vmem>>) target_semaphore(%run_scoped3A : memref<!tpu.dma_semaphore, #tpu.memory_space<semaphore_mem>>)
      %dma_wait3A_55 = arith.constant 40 : i32
      %dma_wait3A_56 = arith.constant 0 : i32
      %dma_wait3A_57 = tpu.memref_slice %arg4[%add3A, %dma_wait3A_55, %dma_wait3A_56] : memref<32x80x128xi32, #tpu.memory_space<hbm>> -> memref<1x40x128xi32, #tpu.memory_space<hbm>>
      %dma_wait3A_58 = tpu.memref_squeeze %dma_wait3A_57 : memref<1x40x128xi32, #tpu.memory_space<hbm>> -> memref<40x128xi32, #tpu.memory_space<hbm>>
      %dma_wait3A_59 = arith.constant 40 : i32
      %dma_wait3A_60 = arith.constant 0 : i32
      %dma_wait3A_61 = tpu.memref_slice %arg4[%add3A, %dma_wait3A_59, %dma_wait3A_60] : memref<32x80x128xi32, #tpu.memory_space<hbm>> -> memref<1x40x128xi32, #tpu.memory_space<hbm>>
      %dma_wait3A_62 = tpu.memref_squeeze %dma_wait3A_61 : memref<1x40x128xi32, #tpu.memory_space<hbm>> -> memref<40x128xi32, #tpu.memory_space<hbm>>
      tpu.wait_dma2 semaphore(%run_scoped3A : memref<!tpu.dma_semaphore, #tpu.memory_space<semaphore_mem>>) src(%dma_wait3A_62 : memref<40x128xi32, #tpu.memory_space<hbm>>) dst(%arg8 : memref<40x128xi32, #tpu.memory_space<vmem>>)
      tpu.yield
    }) : () -> ()
    %dma_start3A_22 = arith.constant 0 : i32
    %dma_start3A_23 = arith.constant 0 : i32
    %dma_start3A_24 = tpu.memref_slice %arg7[%dma_start3A_22, %dma_start3A_23] : memref<40x128xi32, #tpu.memory_space<vmem>> -> memref<1x128xi32, #tpu.memory_space<vmem>>
    %dma_start3A_25 = tpu.memref_squeeze %dma_start3A_24 : memref<1x128xi32, #tpu.memory_space<vmem>> -> memref<128xi32, #tpu.memory_space<vmem>>
    %dma_start3A_26 = arith.constant 0 : i32
    %dma_start3A_27 = arith.constant 0 : i32
    %dma_start3A_28 = tpu.memref_slice %arg2[%dma_start3A_26, %dma_start3A_27] : memref<10240x128xf32, #tpu.memory_space<hbm>> -> memref<10240x128xf32, #tpu.memory_space<hbm>>
    tpu.enqueue_indirect_dma source(%dma_start3A_28 : memref<10240x128xf32, #tpu.memory_space<hbm>>) target(%arg9 : memref<128x128xf32, #tpu.memory_space<vmem>>) offsets(%dma_start3A_25 : memref<128xi32, #tpu.memory_space<vmem>>) semaphore(%arg12 : memref<!tpu.dma_semaphore, #tpu.memory_space<semaphore_mem>>)
    %scan3A_29 = arith.constant 0 : i32
    %scan3A_30 = arith.constant 0 : i32
    %scan3A_31 = arith.constant 20 : i32
    %scan3A_32 = arith.addi %scan3A_30, %scan3A_31 : i32
    %scan3A_33 = arith.constant 1 : i32
    scf.for %scan3A_47 = %scan3A_30 to %scan3A_32 step %scan3A_33  : i32 {
      %ge3A = arith.constant 1 : i32
      %ge3A_48 = arith.cmpi sge, %scan3A_47, %ge3A : i32
      %convert_element_type3A = arith.extui %ge3A_48 : i1 to i32
      %cond3A = arith.constant 0 : i32
      %cond3A_49 = arith.cmpi ne, %convert_element_type3A, %cond3A : i32
      scf.if %cond3A_49 {
        %mul3A_110 = arith.constant 2 : i32
        %mul3A_111 = arith.muli %mul3A_110, %scan3A_47 : i32
        %sub3A = arith.constant 1 : i32
        %sub3A_112 = arith.subi %mul3A_111, %sub3A : i32
        %dma_wait3A_113 = arith.constant 0 : i32
        %dma_wait3A_114 = tpu.memref_slice %arg8[%sub3A_112, %dma_wait3A_113] : memref<40x128xi32, #tpu.memory_space<vmem>> -> memref<1x128xi32, #tpu.memory_space<vmem>>
        %dma_wait3A_115 = tpu.memref_squeeze %dma_wait3A_114 : memref<1x128xi32, #tpu.memory_space<vmem>> -> memref<128xi32, #tpu.memory_space<vmem>>
        %dma_wait3A_116 = arith.constant 0 : i32
        %dma_wait3A_117 = arith.constant 0 : i32
        %dma_wait3A_118 = tpu.memref_slice %arg11[%dma_wait3A_116, %dma_wait3A_117] : memref<10240x128xf32, #tpu.memory_space<vmem_shared>> -> memref<10240x128xf32, #tpu.memory_space<vmem_shared>>
        tpu.wait_indirect_dma semaphore(%arg15 : memref<!tpu.dma_semaphore, #tpu.memory_space<semaphore_mem>>) src(%arg10 : memref<128x128xf32, #tpu.memory_space<vmem>>) dst(%dma_wait3A_118 : memref<10240x128xf32, #tpu.memory_space<vmem_shared>>)
      } else {
      }
      %mul3A_50 = arith.constant 2 : i32
      %mul3A_51 = arith.muli %mul3A_50, %scan3A_47 : i32
      %add3A_52 = arith.constant 1 : i32
      %add3A_53 = arith.addi %mul3A_51, %add3A_52 : i32
      %dma_start3A_54 = arith.constant 0 : i32
      %dma_start3A_55 = tpu.memref_slice %arg7[%add3A_53, %dma_start3A_54] : memref<40x128xi32, #tpu.memory_space<vmem>> -> memref<1x128xi32, #tpu.memory_space<vmem>>
      %dma_start3A_56 = tpu.memref_squeeze %dma_start3A_55 : memref<1x128xi32, #tpu.memory_space<vmem>> -> memref<128xi32, #tpu.memory_space<vmem>>
      %dma_start3A_57 = arith.constant 0 : i32
      %dma_start3A_58 = arith.constant 0 : i32
      %dma_start3A_59 = tpu.memref_slice %arg2[%dma_start3A_57, %dma_start3A_58] : memref<10240x128xf32, #tpu.memory_space<hbm>> -> memref<10240x128xf32, #tpu.memory_space<hbm>>
      tpu.enqueue_indirect_dma source(%dma_start3A_59 : memref<10240x128xf32, #tpu.memory_space<hbm>>) target(%arg10 : memref<128x128xf32, #tpu.memory_space<vmem>>) offsets(%dma_start3A_56 : memref<128xi32, #tpu.memory_space<vmem>>) semaphore(%arg13 : memref<!tpu.dma_semaphore, #tpu.memory_space<semaphore_mem>>)
      %mul3A_60 = arith.constant 2 : i32
      %mul3A_61 = arith.muli %mul3A_60, %scan3A_47 : i32
      %dma_wait3A_62 = arith.constant 0 : i32
      %dma_wait3A_63 = tpu.memref_slice %arg7[%mul3A_61, %dma_wait3A_62] : memref<40x128xi32, #tpu.memory_space<vmem>> -> memref<1x128xi32, #tpu.memory_space<vmem>>
      %dma_wait3A_64 = tpu.memref_squeeze %dma_wait3A_63 : memref<1x128xi32, #tpu.memory_space<vmem>> -> memref<128xi32, #tpu.memory_space<vmem>>
      %dma_wait3A_65 = arith.constant 0 : i32
      %dma_wait3A_66 = arith.constant 0 : i32
      %dma_wait3A_67 = tpu.memref_slice %arg2[%dma_wait3A_65, %dma_wait3A_66] : memref<10240x128xf32, #tpu.memory_space<hbm>> -> memref<10240x128xf32, #tpu.memory_space<hbm>>
      tpu.wait_indirect_dma semaphore(%arg12 : memref<!tpu.dma_semaphore, #tpu.memory_space<semaphore_mem>>) src(%dma_wait3A_67 : memref<10240x128xf32, #tpu.memory_space<hbm>>) dst(%arg9 : memref<128x128xf32, #tpu.memory_space<vmem>>)
      %mul3A_68 = arith.constant 2 : i32
      %mul3A_69 = arith.muli %mul3A_68, %scan3A_47 : i32
      %dma_start3A_70 = arith.constant 0 : i32
      %dma_start3A_71 = tpu.memref_slice %arg8[%mul3A_69, %dma_start3A_70] : memref<40x128xi32, #tpu.memory_space<vmem>> -> memref<1x128xi32, #tpu.memory_space<vmem>>
      %dma_start3A_72 = tpu.memref_squeeze %dma_start3A_71 : memref<1x128xi32, #tpu.memory_space<vmem>> -> memref<128xi32, #tpu.memory_space<vmem>>
      %dma_start3A_73 = arith.constant 0 : i32
      %dma_start3A_74 = arith.constant 0 : i32
      %dma_start3A_75 = tpu.memref_slice %arg11[%dma_start3A_73, %dma_start3A_74] : memref<10240x128xf32, #tpu.memory_space<vmem_shared>> -> memref<10240x128xf32, #tpu.memory_space<vmem_shared>>
      tpu.enqueue_indirect_dma source(%arg9 : memref<128x128xf32, #tpu.memory_space<vmem>>) target(%dma_start3A_75 : memref<10240x128xf32, #tpu.memory_space<vmem_shared>>) offsets(%dma_start3A_72 : memref<128xi32, #tpu.memory_space<vmem>>) semaphore(%arg14 : memref<!tpu.dma_semaphore, #tpu.memory_space<semaphore_mem>>) {add = true}
      %mul3A_76 = arith.constant 2 : i32
      %mul3A_77 = arith.muli %mul3A_76, %scan3A_47 : i32
      %dma_wait3A_78 = arith.constant 0 : i32
      %dma_wait3A_79 = tpu.memref_slice %arg8[%mul3A_77, %dma_wait3A_78] : memref<40x128xi32, #tpu.memory_space<vmem>> -> memref<1x128xi32, #tpu.memory_space<vmem>>
      %dma_wait3A_80 = tpu.memref_squeeze %dma_wait3A_79 : memref<1x128xi32, #tpu.memory_space<vmem>> -> memref<128xi32, #tpu.memory_space<vmem>>
      %dma_wait3A_81 = arith.constant 0 : i32
      %dma_wait3A_82 = arith.constant 0 : i32
      %dma_wait3A_83 = tpu.memref_slice %arg11[%dma_wait3A_81, %dma_wait3A_82] : memref<10240x128xf32, #tpu.memory_space<vmem_shared>> -> memref<10240x128xf32, #tpu.memory_space<vmem_shared>>
      tpu.wait_indirect_dma semaphore(%arg14 : memref<!tpu.dma_semaphore, #tpu.memory_space<semaphore_mem>>) src(%arg9 : memref<128x128xf32, #tpu.memory_space<vmem>>) dst(%dma_wait3A_83 : memref<10240x128xf32, #tpu.memory_space<vmem_shared>>)
      %add3A_84 = arith.constant 1 : i32
      %add3A_85 = arith.addi %scan3A_47, %add3A_84 : i32
      %lt3A = arith.constant 20 : i32
      %lt3A_86 = arith.cmpi slt, %add3A_85, %lt3A : i32
      %convert_element_type3A_87 = arith.extui %lt3A_86 : i1 to i32
      %cond3A_88 = arith.constant 0 : i32
      %cond3A_89 = arith.cmpi ne, %convert_element_type3A_87, %cond3A_88 : i32
      scf.if %cond3A_89 {
        %mul3A_110 = arith.constant 2 : i32
        %mul3A_111 = arith.muli %mul3A_110, %scan3A_47 : i32
        %add3A_112 = arith.constant 2 : i32
        %add3A_113 = arith.addi %mul3A_111, %add3A_112 : i32
        %dma_start3A_114 = arith.constant 0 : i32
        %dma_start3A_115 = tpu.memref_slice %arg7[%add3A_113, %dma_start3A_114] : memref<40x128xi32, #tpu.memory_space<vmem>> -> memref<1x128xi32, #tpu.memory_space<vmem>>
        %dma_start3A_116 = tpu.memref_squeeze %dma_start3A_115 : memref<1x128xi32, #tpu.memory_space<vmem>> -> memref<128xi32, #tpu.memory_space<vmem>>
        %dma_start3A_117 = arith.constant 0 : i32
        %dma_start3A_118 = arith.constant 0 : i32
        %dma_start3A_119 = tpu.memref_slice %arg2[%dma_start3A_117, %dma_start3A_118] : memref<10240x128xf32, #tpu.memory_space<hbm>> -> memref<10240x128xf32, #tpu.memory_space<hbm>>
        tpu.enqueue_indirect_dma source(%dma_start3A_119 : memref<10240x128xf32, #tpu.memory_space<hbm>>) target(%arg9 : memref<128x128xf32, #tpu.memory_space<vmem>>) offsets(%dma_start3A_116 : memref<128xi32, #tpu.memory_space<vmem>>) semaphore(%arg12 : memref<!tpu.dma_semaphore, #tpu.memory_space<semaphore_mem>>)
      } else {
      }
      %mul3A_90 = arith.constant 2 : i32
      %mul3A_91 = arith.muli %mul3A_90, %scan3A_47 : i32
      %add3A_92 = arith.constant 1 : i32
      %add3A_93 = arith.addi %mul3A_91, %add3A_92 : i32
      %dma_wait3A_94 = arith.constant 0 : i32
      %dma_wait3A_95 = tpu.memref_slice %arg7[%add3A_93, %dma_wait3A_94] : memref<40x128xi32, #tpu.memory_space<vmem>> -> memref<1x128xi32, #tpu.memory_space<vmem>>
      %dma_wait3A_96 = tpu.memref_squeeze %dma_wait3A_95 : memref<1x128xi32, #tpu.memory_space<vmem>> -> memref<128xi32, #tpu.memory_space<vmem>>
      %dma_wait3A_97 = arith.constant 0 : i32
      %dma_wait3A_98 = arith.constant 0 : i32
      %dma_wait3A_99 = tpu.memref_slice %arg2[%dma_wait3A_97, %dma_wait3A_98] : memref<10240x128xf32, #tpu.memory_space<hbm>> -> memref<10240x128xf32, #tpu.memory_space<hbm>>
      tpu.wait_indirect_dma semaphore(%arg13 : memref<!tpu.dma_semaphore, #tpu.memory_space<semaphore_mem>>) src(%dma_wait3A_99 : memref<10240x128xf32, #tpu.memory_space<hbm>>) dst(%arg10 : memref<128x128xf32, #tpu.memory_space<vmem>>)
      %mul3A_100 = arith.constant 2 : i32
      %mul3A_101 = arith.muli %mul3A_100, %scan3A_47 : i32
      %add3A_102 = arith.constant 1 : i32
      %add3A_103 = arith.addi %mul3A_101, %add3A_102 : i32
      %dma_start3A_104 = arith.constant 0 : i32
      %dma_start3A_105 = tpu.memref_slice %arg8[%add3A_103, %dma_start3A_104] : memref<40x128xi32, #tpu.memory_space<vmem>> -> memref<1x128xi32, #tpu.memory_space<vmem>>
      %dma_start3A_106 = tpu.memref_squeeze %dma_start3A_105 : memref<1x128xi32, #tpu.memory_space<vmem>> -> memref<128xi32, #tpu.memory_space<vmem>>
      %dma_start3A_107 = arith.constant 0 : i32
      %dma_start3A_108 = arith.constant 0 : i32
      %dma_start3A_109 = tpu.memref_slice %arg11[%dma_start3A_107, %dma_start3A_108] : memref<10240x128xf32, #tpu.memory_space<vmem_shared>> -> memref<10240x128xf32, #tpu.memory_space<vmem_shared>>
      tpu.enqueue_indirect_dma source(%arg10 : memref<128x128xf32, #tpu.memory_space<vmem>>) target(%dma_start3A_109 : memref<10240x128xf32, #tpu.memory_space<vmem_shared>>) offsets(%dma_start3A_106 : memref<128xi32, #tpu.memory_space<vmem>>) semaphore(%arg15 : memref<!tpu.dma_semaphore, #tpu.memory_space<semaphore_mem>>) {add = true}
    }
    %scan3A_34 = arith.constant 20 : i32
    %dma_wait3A_35 = arith.constant 39 : i32
    %dma_wait3A_36 = arith.constant 0 : i32
    %dma_wait3A_37 = tpu.memref_slice %arg8[%dma_wait3A_35, %dma_wait3A_36] : memref<40x128xi32, #tpu.memory_space<vmem>> -> memref<1x128xi32, #tpu.memory_space<vmem>>
    %dma_wait3A_38 = tpu.memref_squeeze %dma_wait3A_37 : memref<1x128xi32, #tpu.memory_space<vmem>> -> memref<128xi32, #tpu.memory_space<vmem>>
    %dma_wait3A_39 = arith.constant 0 : i32
    %dma_wait3A_40 = arith.constant 0 : i32
    %dma_wait3A_41 = tpu.memref_slice %arg11[%dma_wait3A_39, %dma_wait3A_40] : memref<10240x128xf32, #tpu.memory_space<vmem_shared>> -> memref<10240x128xf32, #tpu.memory_space<vmem_shared>>
    tpu.wait_indirect_dma semaphore(%arg15 : memref<!tpu.dma_semaphore, #tpu.memory_space<semaphore_mem>>) src(%arg10 : memref<128x128xf32, #tpu.memory_space<vmem>>) dst(%dma_wait3A_41 : memref<10240x128xf32, #tpu.memory_space<vmem_shared>>)
    %barrier3A_42 = arith.constant 0 : index
    tpu.barrier barrier_id(%barrier3A_42)
    %mul3A_43 = arith.constant 640 : i32
    %mul3A_44 = arith.muli %arg1, %mul3A_43 : i32
    %mul3A_45 = arith.constant 640 : i32
    %mul3A_46 = arith.muli %arg1, %mul3A_45 : i32
    "tpu.region"() ({
      %run_scoped3A = tpu.sem_alloc : memref<!tpu.dma_semaphore, #tpu.memory_space<semaphore_mem>>
      %dma_start3A_47 = arith.constant 0 : i32
      %dma_start3A_48 = tpu.memref_slice %arg6[%arg0, %mul3A_46, %dma_start3A_47] : memref<2x10240x128xf32, #tpu.memory_space<hbm>> -> memref<1x640x128xf32, #tpu.memory_space<hbm>>
      %dma_start3A_49 = tpu.memref_squeeze %dma_start3A_48 : memref<1x640x128xf32, #tpu.memory_space<hbm>> -> memref<640x128xf32, #tpu.memory_space<hbm>>
      %dma_start3A_50 = arith.constant 0 : i32
      %dma_start3A_51 = tpu.memref_slice %arg11[%mul3A_44, %dma_start3A_50] : memref<10240x128xf32, #tpu.memory_space<vmem_shared>> -> memref<640x128xf32, #tpu.memory_space<vmem_shared>>
      tpu.enqueue_dma source(%dma_start3A_51 : memref<640x128xf32, #tpu.memory_space<vmem_shared>>) target(%dma_start3A_49 : memref<640x128xf32, #tpu.memory_space<hbm>>) target_semaphore(%run_scoped3A : memref<!tpu.dma_semaphore, #tpu.memory_space<semaphore_mem>>)
      %dma_wait3A_52 = arith.constant 0 : i32
      %dma_wait3A_53 = tpu.memref_slice %arg6[%arg0, %mul3A_46, %dma_wait3A_52] : memref<2x10240x128xf32, #tpu.memory_space<hbm>> -> memref<1x640x128xf32, #tpu.memory_space<hbm>>
      %dma_wait3A_54 = tpu.memref_squeeze %dma_wait3A_53 : memref<1x640x128xf32, #tpu.memory_space<hbm>> -> memref<640x128xf32, #tpu.memory_space<hbm>>
      %dma_wait3A_55 = arith.constant 0 : i32
      %dma_wait3A_56 = tpu.memref_slice %arg11[%mul3A_44, %dma_wait3A_55] : memref<10240x128xf32, #tpu.memory_space<vmem_shared>> -> memref<640x128xf32, #tpu.memory_space<vmem_shared>>
      tpu.wait_dma2 semaphore(%run_scoped3A : memref<!tpu.dma_semaphore, #tpu.memory_space<semaphore_mem>>) src(%dma_wait3A_56 : memref<640x128xf32, #tpu.memory_space<vmem_shared>>) dst(%dma_wait3A_54 : memref<640x128xf32, #tpu.memory_space<hbm>>)
      tpu.yield
    }) : () -> ()
    return
  }
}

#map = affine_map<(d0, d1) -> (0, 0)>
#map1 = affine_map<(d0, d1) -> (0, 0, 0)>
module attributes {stable_mosaic.version = 14 : i64} {
  func.func @prop_kernel(%arg0: i32, %arg1: i32, %arg2: memref<10240x128xf32, #tpu.memory_space<hbm>>, %arg3: memref<32x80x128xi32, #tpu.memory_space<hbm>>, %arg4: memref<32x80x128xi32, #tpu.memory_space<hbm>>, %arg5: memref<10240x128xf32, #tpu.memory_space<hbm>>, %arg6: memref<2x10240x128xf32, #tpu.memory_space<hbm>>, %arg7: memref<40x128xi32, #tpu.memory_space<vmem>>, %arg8: memref<40x128xi32, #tpu.memory_space<vmem>>, %arg9: memref<128x128xf32, #tpu.memory_space<vmem>>, %arg10: memref<128x128xf32, #tpu.memory_space<vmem>>, %arg11: memref<10240x128xf32, #tpu.memory_space<vmem_shared>>, %arg12: memref<!tpu.dma_semaphore, #tpu.memory_space<semaphore_mem>>, %arg13: memref<!tpu.dma_semaphore, #tpu.memory_space<semaphore_mem>>, %arg14: memref<!tpu.dma_semaphore, #tpu.memory_space<semaphore_mem>>, %arg15: memref<!tpu.dma_semaphore, #tpu.memory_space<semaphore_mem>>) attributes {dimension_semantics = [#tpu.dimension_semantics<core_parallel>, #tpu.dimension_semantics<subcore_parallel>], iteration_bounds = array<i64: 2, 16>, scalar_prefetch = 0 : i64, scratch_operands = 9 : i64, tpu.core_type = #tpu.core_type<sc_vector_subcore>, window_params = [{transform_indices = #map}, {transform_indices = #map1}, {transform_indices = #map1}, {transform_indices = #map}, {transform_indices = #map1}]} {
    %mul3A = arith.constant 16 : i32
    %mul3A_0 = arith.muli %arg0, %mul3A : i32
    %add3A = arith.addi %mul3A_0, %arg1 : i32
    %mul3A_1 = arith.constant 640 : i32
    %mul3A_2 = arith.muli %arg1, %mul3A_1 : i32
    %mul3A_3 = arith.constant 640 : i32
    %mul3A_4 = arith.muli %arg1, %mul3A_3 : i32
    "tpu.region"() ({
      %run_scoped3A = tpu.sem_alloc : memref<!tpu.dma_semaphore, #tpu.memory_space<semaphore_mem>>
      %dma_start3A_47 = arith.constant 0 : i32
      %dma_start3A_48 = tpu.memref_slice %arg11[%mul3A_4, %dma_start3A_47] : memref<10240x128xf32, #tpu.memory_space<vmem_shared>> -> memref<640x128xf32, #tpu.memory_space<vmem_shared>>
      %dma_start3A_49 = arith.constant 0 : i32
      %dma_start3A_50 = tpu.memref_slice %arg5[%mul3A_2, %dma_start3A_49] : memref<10240x128xf32, #tpu.memory_space<hbm>> -> memref<640x128xf32, #tpu.memory_space<hbm>>
      tpu.enqueue_dma source(%dma_start3A_50 : memref<640x128xf32, #tpu.memory_space<hbm>>) target(%dma_start3A_48 : memref<640x128xf32, #tpu.memory_space<vmem_shared>>) target_semaphore(%run_scoped3A : memref<!tpu.dma_semaphore, #tpu.memory_space<semaphore_mem>>)
      %dma_wait3A_51 = arith.constant 0 : i32
      %dma_wait3A_52 = tpu.memref_slice %arg11[%mul3A_4, %dma_wait3A_51] : memref<10240x128xf32, #tpu.memory_space<vmem_shared>> -> memref<640x128xf32, #tpu.memory_space<vmem_shared>>
      %dma_wait3A_53 = arith.constant 0 : i32
      %dma_wait3A_54 = tpu.memref_slice %arg5[%mul3A_2, %dma_wait3A_53] : memref<10240x128xf32, #tpu.memory_space<hbm>> -> memref<640x128xf32, #tpu.memory_space<hbm>>
      tpu.wait_dma2 semaphore(%run_scoped3A : memref<!tpu.dma_semaphore, #tpu.memory_space<semaphore_mem>>) src(%dma_wait3A_54 : memref<640x128xf32, #tpu.memory_space<hbm>>) dst(%dma_wait3A_52 : memref<640x128xf32, #tpu.memory_space<vmem_shared>>)
      tpu.yield
    }) : () -> ()
    %barrier3A = arith.constant 0 : index
    tpu.barrier barrier_id(%barrier3A)
    "tpu.region"() ({
      %run_scoped3A = tpu.sem_alloc : memref<!tpu.dma_semaphore, #tpu.memory_space<semaphore_mem>>
      %dma_start3A_47 = arith.constant 0 : i32
      %dma_start3A_48 = arith.constant 0 : i32
      %dma_start3A_49 = tpu.memref_slice %arg3[%add3A, %dma_start3A_47, %dma_start3A_48] : memref<32x80x128xi32, #tpu.memory_space<hbm>> -> memref<1x40x128xi32, #tpu.memory_space<hbm>>
      %dma_start3A_50 = tpu.memref_squeeze %dma_start3A_49 : memref<1x40x128xi32, #tpu.memory_space<hbm>> -> memref<40x128xi32, #tpu.memory_space<hbm>>
      %dma_start3A_51 = arith.constant 0 : i32
      %dma_start3A_52 = arith.constant 0 : i32
      %dma_start3A_53 = tpu.memref_slice %arg3[%add3A, %dma_start3A_51, %dma_start3A_52] : memref<32x80x128xi32, #tpu.memory_space<hbm>> -> memref<1x40x128xi32, #tpu.memory_space<hbm>>
      %dma_start3A_54 = tpu.memref_squeeze %dma_start3A_53 : memref<1x40x128xi32, #tpu.memory_space<hbm>> -> memref<40x128xi32, #tpu.memory_space<hbm>>
      tpu.enqueue_dma source(%dma_start3A_54 : memref<40x128xi32, #tpu.memory_space<hbm>>) target(%arg7 : memref<40x128xi32, #tpu.memory_space<vmem>>) target_semaphore(%run_scoped3A : memref<!tpu.dma_semaphore, #tpu.memory_space<semaphore_mem>>)
      %dma_wait3A_55 = arith.constant 0 : i32
      %dma_wait3A_56 = arith.constant 0 : i32
      %dma_wait3A_57 = tpu.memref_slice %arg3[%add3A, %dma_wait3A_55, %dma_wait3A_56] : memref<32x80x128xi32, #tpu.memory_space<hbm>> -> memref<1x40x128xi32, #tpu.memory_space<hbm>>
      %dma_wait3A_58 = tpu.memref_squeeze %dma_wait3A_57 : memref<1x40x128xi32, #tpu.memory_space<hbm>> -> memref<40x128xi32, #tpu.memory_space<hbm>>
      %dma_wait3A_59 = arith.constant 0 : i32
      %dma_wait3A_60 = arith.constant 0 : i32
      %dma_wait3A_61 = tpu.memref_slice %arg3[%add3A, %dma_wait3A_59, %dma_wait3A_60] : memref<32x80x128xi32, #tpu.memory_space<hbm>> -> memref<1x40x128xi32, #tpu.memory_space<hbm>>
      %dma_wait3A_62 = tpu.memref_squeeze %dma_wait3A_61 : memref<1x40x128xi32, #tpu.memory_space<hbm>> -> memref<40x128xi32, #tpu.memory_space<hbm>>
      tpu.wait_dma2 semaphore(%run_scoped3A : memref<!tpu.dma_semaphore, #tpu.memory_space<semaphore_mem>>) src(%dma_wait3A_62 : memref<40x128xi32, #tpu.memory_space<hbm>>) dst(%arg7 : memref<40x128xi32, #tpu.memory_space<vmem>>)
      tpu.yield
    }) : () -> ()
    "tpu.region"() ({
      %run_scoped3A = tpu.sem_alloc : memref<!tpu.dma_semaphore, #tpu.memory_space<semaphore_mem>>
      %dma_start3A_47 = arith.constant 0 : i32
      %dma_start3A_48 = arith.constant 0 : i32
      %dma_start3A_49 = tpu.memref_slice %arg4[%add3A, %dma_start3A_47, %dma_start3A_48] : memref<32x80x128xi32, #tpu.memory_space<hbm>> -> memref<1x40x128xi32, #tpu.memory_space<hbm>>
      %dma_start3A_50 = tpu.memref_squeeze %dma_start3A_49 : memref<1x40x128xi32, #tpu.memory_space<hbm>> -> memref<40x128xi32, #tpu.memory_space<hbm>>
      %dma_start3A_51 = arith.constant 0 : i32
      %dma_start3A_52 = arith.constant 0 : i32
      %dma_start3A_53 = tpu.memref_slice %arg4[%add3A, %dma_start3A_51, %dma_start3A_52] : memref<32x80x128xi32, #tpu.memory_space<hbm>> -> memref<1x40x128xi32, #tpu.memory_space<hbm>>
      %dma_start3A_54 = tpu.memref_squeeze %dma_start3A_53 : memref<1x40x128xi32, #tpu.memory_space<hbm>> -> memref<40x128xi32, #tpu.memory_space<hbm>>
      tpu.enqueue_dma source(%dma_start3A_54 : memref<40x128xi32, #tpu.memory_space<hbm>>) target(%arg8 : memref<40x128xi32, #tpu.memory_space<vmem>>) target_semaphore(%run_scoped3A : memref<!tpu.dma_semaphore, #tpu.memory_space<semaphore_mem>>)
      %dma_wait3A_55 = arith.constant 0 : i32
      %dma_wait3A_56 = arith.constant 0 : i32
      %dma_wait3A_57 = tpu.memref_slice %arg4[%add3A, %dma_wait3A_55, %dma_wait3A_56] : memref<32x80x128xi32, #tpu.memory_space<hbm>> -> memref<1x40x128xi32, #tpu.memory_space<hbm>>
      %dma_wait3A_58 = tpu.memref_squeeze %dma_wait3A_57 : memref<1x40x128xi32, #tpu.memory_space<hbm>> -> memref<40x128xi32, #tpu.memory_space<hbm>>
      %dma_wait3A_59 = arith.constant 0 : i32
      %dma_wait3A_60 = arith.constant 0 : i32
      %dma_wait3A_61 = tpu.memref_slice %arg4[%add3A, %dma_wait3A_59, %dma_wait3A_60] : memref<32x80x128xi32, #tpu.memory_space<hbm>> -> memref<1x40x128xi32, #tpu.memory_space<hbm>>
      %dma_wait3A_62 = tpu.memref_squeeze %dma_wait3A_61 : memref<1x40x128xi32, #tpu.memory_space<hbm>> -> memref<40x128xi32, #tpu.memory_space<hbm>>
      tpu.wait_dma2 semaphore(%run_scoped3A : memref<!tpu.dma_semaphore, #tpu.memory_space<semaphore_mem>>) src(%dma_wait3A_62 : memref<40x128xi32, #tpu.memory_space<hbm>>) dst(%arg8 : memref<40x128xi32, #tpu.memory_space<vmem>>)
      tpu.yield
    }) : () -> ()
    %dma_start3A = arith.constant 0 : i32
    %dma_start3A_5 = arith.constant 0 : i32
    %dma_start3A_6 = tpu.memref_slice %arg7[%dma_start3A, %dma_start3A_5] : memref<40x128xi32, #tpu.memory_space<vmem>> -> memref<1x128xi32, #tpu.memory_space<vmem>>
    %dma_start3A_7 = tpu.memref_squeeze %dma_start3A_6 : memref<1x128xi32, #tpu.memory_space<vmem>> -> memref<128xi32, #tpu.memory_space<vmem>>
    %dma_start3A_8 = arith.constant 0 : i32
    %dma_start3A_9 = arith.constant 0 : i32
    %dma_start3A_10 = tpu.memref_slice %arg2[%dma_start3A_8, %dma_start3A_9] : memref<10240x128xf32, #tpu.memory_space<hbm>> -> memref<10240x128xf32, #tpu.memory_space<hbm>>
    tpu.enqueue_indirect_dma source(%dma_start3A_10 : memref<10240x128xf32, #tpu.memory_space<hbm>>) target(%arg9 : memref<128x128xf32, #tpu.memory_space<vmem>>) offsets(%dma_start3A_7 : memref<128xi32, #tpu.memory_space<vmem>>) semaphore(%arg12 : memref<!tpu.dma_semaphore, #tpu.memory_space<semaphore_mem>>)
    %scan3A = arith.constant 0 : i32
    %scan3A_11 = arith.constant 0 : i32
    %scan3A_12 = arith.constant 20 : i32
    %scan3A_13 = arith.addi %scan3A_11, %scan3A_12 : i32
    %scan3A_14 = arith.constant 1 : i32
    scf.for %scan3A_47 = %scan3A_11 to %scan3A_13 step %scan3A_14  : i32 {
      %ge3A = arith.constant 1 : i32
      %ge3A_48 = arith.cmpi sge, %scan3A_47, %ge3A : i32
      %convert_element_type3A = arith.extui %ge3A_48 : i1 to i32
      %cond3A = arith.constant 0 : i32
      %cond3A_49 = arith.cmpi ne, %convert_element_type3A, %cond3A : i32
      scf.if %cond3A_49 {
        %mul3A_110 = arith.constant 2 : i32
        %mul3A_111 = arith.muli %mul3A_110, %scan3A_47 : i32
        %sub3A = arith.constant 1 : i32
        %sub3A_112 = arith.subi %mul3A_111, %sub3A : i32
        %dma_wait3A_113 = arith.constant 0 : i32
        %dma_wait3A_114 = tpu.memref_slice %arg8[%sub3A_112, %dma_wait3A_113] : memref<40x128xi32, #tpu.memory_space<vmem>> -> memref<1x128xi32, #tpu.memory_space<vmem>>
        %dma_wait3A_115 = tpu.memref_squeeze %dma_wait3A_114 : memref<1x128xi32, #tpu.memory_space<vmem>> -> memref<128xi32, #tpu.memory_space<vmem>>
        %dma_wait3A_116 = arith.constant 0 : i32
        %dma_wait3A_117 = arith.constant 0 : i32
        %dma_wait3A_118 = tpu.memref_slice %arg11[%dma_wait3A_116, %dma_wait3A_117] : memref<10240x128xf32, #tpu.memory_space<vmem_shared>> -> memref<10240x128xf32, #tpu.memory_space<vmem_shared>>
        tpu.wait_indirect_dma semaphore(%arg15 : memref<!tpu.dma_semaphore, #tpu.memory_space<semaphore_mem>>) src(%arg10 : memref<128x128xf32, #tpu.memory_space<vmem>>) dst(%dma_wait3A_118 : memref<10240x128xf32, #tpu.memory_space<vmem_shared>>)
      } else {
      }
      %mul3A_50 = arith.constant 2 : i32
      %mul3A_51 = arith.muli %mul3A_50, %scan3A_47 : i32
      %add3A_52 = arith.constant 1 : i32
      %add3A_53 = arith.addi %mul3A_51, %add3A_52 : i32
      %dma_start3A_54 = arith.constant 0 : i32
      %dma_start3A_55 = tpu.memref_slice %arg7[%add3A_53, %dma_start3A_54] : memref<40x128xi32, #tpu.memory_space<vmem>> -> memref<1x128xi32, #tpu.memory_space<vmem>>
      %dma_start3A_56 = tpu.memref_squeeze %dma_start3A_55 : memref<1x128xi32, #tpu.memory_space<vmem>> -> memref<128xi32, #tpu.memory_space<vmem>>
      %dma_start3A_57 = arith.constant 0 : i32
      %dma_start3A_58 = arith.constant 0 : i32
      %dma_start3A_59 = tpu.memref_slice %arg2[%dma_start3A_57, %dma_start3A_58] : memref<10240x128xf32, #tpu.memory_space<hbm>> -> memref<10240x128xf32, #tpu.memory_space<hbm>>
      tpu.enqueue_indirect_dma source(%dma_start3A_59 : memref<10240x128xf32, #tpu.memory_space<hbm>>) target(%arg10 : memref<128x128xf32, #tpu.memory_space<vmem>>) offsets(%dma_start3A_56 : memref<128xi32, #tpu.memory_space<vmem>>) semaphore(%arg13 : memref<!tpu.dma_semaphore, #tpu.memory_space<semaphore_mem>>)
      %mul3A_60 = arith.constant 2 : i32
      %mul3A_61 = arith.muli %mul3A_60, %scan3A_47 : i32
      %dma_wait3A_62 = arith.constant 0 : i32
      %dma_wait3A_63 = tpu.memref_slice %arg7[%mul3A_61, %dma_wait3A_62] : memref<40x128xi32, #tpu.memory_space<vmem>> -> memref<1x128xi32, #tpu.memory_space<vmem>>
      %dma_wait3A_64 = tpu.memref_squeeze %dma_wait3A_63 : memref<1x128xi32, #tpu.memory_space<vmem>> -> memref<128xi32, #tpu.memory_space<vmem>>
      %dma_wait3A_65 = arith.constant 0 : i32
      %dma_wait3A_66 = arith.constant 0 : i32
      %dma_wait3A_67 = tpu.memref_slice %arg2[%dma_wait3A_65, %dma_wait3A_66] : memref<10240x128xf32, #tpu.memory_space<hbm>> -> memref<10240x128xf32, #tpu.memory_space<hbm>>
      tpu.wait_indirect_dma semaphore(%arg12 : memref<!tpu.dma_semaphore, #tpu.memory_space<semaphore_mem>>) src(%dma_wait3A_67 : memref<10240x128xf32, #tpu.memory_space<hbm>>) dst(%arg9 : memref<128x128xf32, #tpu.memory_space<vmem>>)
      %mul3A_68 = arith.constant 2 : i32
      %mul3A_69 = arith.muli %mul3A_68, %scan3A_47 : i32
      %dma_start3A_70 = arith.constant 0 : i32
      %dma_start3A_71 = tpu.memref_slice %arg8[%mul3A_69, %dma_start3A_70] : memref<40x128xi32, #tpu.memory_space<vmem>> -> memref<1x128xi32, #tpu.memory_space<vmem>>
      %dma_start3A_72 = tpu.memref_squeeze %dma_start3A_71 : memref<1x128xi32, #tpu.memory_space<vmem>> -> memref<128xi32, #tpu.memory_space<vmem>>
      %dma_start3A_73 = arith.constant 0 : i32
      %dma_start3A_74 = arith.constant 0 : i32
      %dma_start3A_75 = tpu.memref_slice %arg11[%dma_start3A_73, %dma_start3A_74] : memref<10240x128xf32, #tpu.memory_space<vmem_shared>> -> memref<10240x128xf32, #tpu.memory_space<vmem_shared>>
      tpu.enqueue_indirect_dma source(%arg9 : memref<128x128xf32, #tpu.memory_space<vmem>>) target(%dma_start3A_75 : memref<10240x128xf32, #tpu.memory_space<vmem_shared>>) offsets(%dma_start3A_72 : memref<128xi32, #tpu.memory_space<vmem>>) semaphore(%arg14 : memref<!tpu.dma_semaphore, #tpu.memory_space<semaphore_mem>>) {add = true}
      %mul3A_76 = arith.constant 2 : i32
      %mul3A_77 = arith.muli %mul3A_76, %scan3A_47 : i32
      %dma_wait3A_78 = arith.constant 0 : i32
      %dma_wait3A_79 = tpu.memref_slice %arg8[%mul3A_77, %dma_wait3A_78] : memref<40x128xi32, #tpu.memory_space<vmem>> -> memref<1x128xi32, #tpu.memory_space<vmem>>
      %dma_wait3A_80 = tpu.memref_squeeze %dma_wait3A_79 : memref<1x128xi32, #tpu.memory_space<vmem>> -> memref<128xi32, #tpu.memory_space<vmem>>
      %dma_wait3A_81 = arith.constant 0 : i32
      %dma_wait3A_82 = arith.constant 0 : i32
      %dma_wait3A_83 = tpu.memref_slice %arg11[%dma_wait3A_81, %dma_wait3A_82] : memref<10240x128xf32, #tpu.memory_space<vmem_shared>> -> memref<10240x128xf32, #tpu.memory_space<vmem_shared>>
      tpu.wait_indirect_dma semaphore(%arg14 : memref<!tpu.dma_semaphore, #tpu.memory_space<semaphore_mem>>) src(%arg9 : memref<128x128xf32, #tpu.memory_space<vmem>>) dst(%dma_wait3A_83 : memref<10240x128xf32, #tpu.memory_space<vmem_shared>>)
      %add3A_84 = arith.constant 1 : i32
      %add3A_85 = arith.addi %scan3A_47, %add3A_84 : i32
      %lt3A = arith.constant 20 : i32
      %lt3A_86 = arith.cmpi slt, %add3A_85, %lt3A : i32
      %convert_element_type3A_87 = arith.extui %lt3A_86 : i1 to i32
      %cond3A_88 = arith.constant 0 : i32
      %cond3A_89 = arith.cmpi ne, %convert_element_type3A_87, %cond3A_88 : i32
      scf.if %cond3A_89 {
        %mul3A_110 = arith.constant 2 : i32
        %mul3A_111 = arith.muli %mul3A_110, %scan3A_47 : i32
        %add3A_112 = arith.constant 2 : i32
        %add3A_113 = arith.addi %mul3A_111, %add3A_112 : i32
        %dma_start3A_114 = arith.constant 0 : i32
        %dma_start3A_115 = tpu.memref_slice %arg7[%add3A_113, %dma_start3A_114] : memref<40x128xi32, #tpu.memory_space<vmem>> -> memref<1x128xi32, #tpu.memory_space<vmem>>
        %dma_start3A_116 = tpu.memref_squeeze %dma_start3A_115 : memref<1x128xi32, #tpu.memory_space<vmem>> -> memref<128xi32, #tpu.memory_space<vmem>>
        %dma_start3A_117 = arith.constant 0 : i32
        %dma_start3A_118 = arith.constant 0 : i32
        %dma_start3A_119 = tpu.memref_slice %arg2[%dma_start3A_117, %dma_start3A_118] : memref<10240x128xf32, #tpu.memory_space<hbm>> -> memref<10240x128xf32, #tpu.memory_space<hbm>>
        tpu.enqueue_indirect_dma source(%dma_start3A_119 : memref<10240x128xf32, #tpu.memory_space<hbm>>) target(%arg9 : memref<128x128xf32, #tpu.memory_space<vmem>>) offsets(%dma_start3A_116 : memref<128xi32, #tpu.memory_space<vmem>>) semaphore(%arg12 : memref<!tpu.dma_semaphore, #tpu.memory_space<semaphore_mem>>)
      } else {
      }
      %mul3A_90 = arith.constant 2 : i32
      %mul3A_91 = arith.muli %mul3A_90, %scan3A_47 : i32
      %add3A_92 = arith.constant 1 : i32
      %add3A_93 = arith.addi %mul3A_91, %add3A_92 : i32
      %dma_wait3A_94 = arith.constant 0 : i32
      %dma_wait3A_95 = tpu.memref_slice %arg7[%add3A_93, %dma_wait3A_94] : memref<40x128xi32, #tpu.memory_space<vmem>> -> memref<1x128xi32, #tpu.memory_space<vmem>>
      %dma_wait3A_96 = tpu.memref_squeeze %dma_wait3A_95 : memref<1x128xi32, #tpu.memory_space<vmem>> -> memref<128xi32, #tpu.memory_space<vmem>>
      %dma_wait3A_97 = arith.constant 0 : i32
      %dma_wait3A_98 = arith.constant 0 : i32
      %dma_wait3A_99 = tpu.memref_slice %arg2[%dma_wait3A_97, %dma_wait3A_98] : memref<10240x128xf32, #tpu.memory_space<hbm>> -> memref<10240x128xf32, #tpu.memory_space<hbm>>
      tpu.wait_indirect_dma semaphore(%arg13 : memref<!tpu.dma_semaphore, #tpu.memory_space<semaphore_mem>>) src(%dma_wait3A_99 : memref<10240x128xf32, #tpu.memory_space<hbm>>) dst(%arg10 : memref<128x128xf32, #tpu.memory_space<vmem>>)
      %mul3A_100 = arith.constant 2 : i32
      %mul3A_101 = arith.muli %mul3A_100, %scan3A_47 : i32
      %add3A_102 = arith.constant 1 : i32
      %add3A_103 = arith.addi %mul3A_101, %add3A_102 : i32
      %dma_start3A_104 = arith.constant 0 : i32
      %dma_start3A_105 = tpu.memref_slice %arg8[%add3A_103, %dma_start3A_104] : memref<40x128xi32, #tpu.memory_space<vmem>> -> memref<1x128xi32, #tpu.memory_space<vmem>>
      %dma_start3A_106 = tpu.memref_squeeze %dma_start3A_105 : memref<1x128xi32, #tpu.memory_space<vmem>> -> memref<128xi32, #tpu.memory_space<vmem>>
      %dma_start3A_107 = arith.constant 0 : i32
      %dma_start3A_108 = arith.constant 0 : i32
      %dma_start3A_109 = tpu.memref_slice %arg11[%dma_start3A_107, %dma_start3A_108] : memref<10240x128xf32, #tpu.memory_space<vmem_shared>> -> memref<10240x128xf32, #tpu.memory_space<vmem_shared>>
      tpu.enqueue_indirect_dma source(%arg10 : memref<128x128xf32, #tpu.memory_space<vmem>>) target(%dma_start3A_109 : memref<10240x128xf32, #tpu.memory_space<vmem_shared>>) offsets(%dma_start3A_106 : memref<128xi32, #tpu.memory_space<vmem>>) semaphore(%arg15 : memref<!tpu.dma_semaphore, #tpu.memory_space<semaphore_mem>>) {add = true}
    }
    %scan3A_15 = arith.constant 20 : i32
    %dma_wait3A = arith.constant 39 : i32
    %dma_wait3A_16 = arith.constant 0 : i32
    %dma_wait3A_17 = tpu.memref_slice %arg8[%dma_wait3A, %dma_wait3A_16] : memref<40x128xi32, #tpu.memory_space<vmem>> -> memref<1x128xi32, #tpu.memory_space<vmem>>
    %dma_wait3A_18 = tpu.memref_squeeze %dma_wait3A_17 : memref<1x128xi32, #tpu.memory_space<vmem>> -> memref<128xi32, #tpu.memory_space<vmem>>
    %dma_wait3A_19 = arith.constant 0 : i32
    %dma_wait3A_20 = arith.constant 0 : i32
    %dma_wait3A_21 = tpu.memref_slice %arg11[%dma_wait3A_19, %dma_wait3A_20] : memref<10240x128xf32, #tpu.memory_space<vmem_shared>> -> memref<10240x128xf32, #tpu.memory_space<vmem_shared>>
    tpu.wait_indirect_dma semaphore(%arg15 : memref<!tpu.dma_semaphore, #tpu.memory_space<semaphore_mem>>) src(%arg10 : memref<128x128xf32, #tpu.memory_space<vmem>>) dst(%dma_wait3A_21 : memref<10240x128xf32, #tpu.memory_space<vmem_shared>>)
    "tpu.region"() ({
      %run_scoped3A = tpu.sem_alloc : memref<!tpu.dma_semaphore, #tpu.memory_space<semaphore_mem>>
      %dma_start3A_47 = arith.constant 40 : i32
      %dma_start3A_48 = arith.constant 0 : i32
      %dma_start3A_49 = tpu.memref_slice %arg3[%add3A, %dma_start3A_47, %dma_start3A_48] : memref<32x80x128xi32, #tpu.memory_space<hbm>> -> memref<1x40x128xi32, #tpu.memory_space<hbm>>
      %dma_start3A_50 = tpu.memref_squeeze %dma_start3A_49 : memref<1x40x128xi32, #tpu.memory_space<hbm>> -> memref<40x128xi32, #tpu.memory_space<hbm>>
      %dma_start3A_51 = arith.constant 40 : i32
      %dma_start3A_52 = arith.constant 0 : i32
      %dma_start3A_53 = tpu.memref_slice %arg3[%add3A, %dma_start3A_51, %dma_start3A_52] : memref<32x80x128xi32, #tpu.memory_space<hbm>> -> memref<1x40x128xi32, #tpu.memory_space<hbm>>
      %dma_start3A_54 = tpu.memref_squeeze %dma_start3A_53 : memref<1x40x128xi32, #tpu.memory_space<hbm>> -> memref<40x128xi32, #tpu.memory_space<hbm>>
      tpu.enqueue_dma source(%dma_start3A_54 : memref<40x128xi32, #tpu.memory_space<hbm>>) target(%arg7 : memref<40x128xi32, #tpu.memory_space<vmem>>) target_semaphore(%run_scoped3A : memref<!tpu.dma_semaphore, #tpu.memory_space<semaphore_mem>>)
      %dma_wait3A_55 = arith.constant 40 : i32
      %dma_wait3A_56 = arith.constant 0 : i32
      %dma_wait3A_57 = tpu.memref_slice %arg3[%add3A, %dma_wait3A_55, %dma_wait3A_56] : memref<32x80x128xi32, #tpu.memory_space<hbm>> -> memref<1x40x128xi32, #tpu.memory_space<hbm>>
      %dma_wait3A_58 = tpu.memref_squeeze %dma_wait3A_57 : memref<1x40x128xi32, #tpu.memory_space<hbm>> -> memref<40x128xi32, #tpu.memory_space<hbm>>
      %dma_wait3A_59 = arith.constant 40 : i32
      %dma_wait3A_60 = arith.constant 0 : i32
      %dma_wait3A_61 = tpu.memref_slice %arg3[%add3A, %dma_wait3A_59, %dma_wait3A_60] : memref<32x80x128xi32, #tpu.memory_space<hbm>> -> memref<1x40x128xi32, #tpu.memory_space<hbm>>
      %dma_wait3A_62 = tpu.memref_squeeze %dma_wait3A_61 : memref<1x40x128xi32, #tpu.memory_space<hbm>> -> memref<40x128xi32, #tpu.memory_space<hbm>>
      tpu.wait_dma2 semaphore(%run_scoped3A : memref<!tpu.dma_semaphore, #tpu.memory_space<semaphore_mem>>) src(%dma_wait3A_62 : memref<40x128xi32, #tpu.memory_space<hbm>>) dst(%arg7 : memref<40x128xi32, #tpu.memory_space<vmem>>)
      tpu.yield
    }) : () -> ()
    "tpu.region"() ({
      %run_scoped3A = tpu.sem_alloc : memref<!tpu.dma_semaphore, #tpu.memory_space<semaphore_mem>>
      %dma_start3A_47 = arith.constant 40 : i32
      %dma_start3A_48 = arith.constant 0 : i32
      %dma_start3A_49 = tpu.memref_slice %arg4[%add3A, %dma_start3A_47, %dma_start3A_48] : memref<32x80x128xi32, #tpu.memory_space<hbm>> -> memref<1x40x128xi32, #tpu.memory_space<hbm>>
      %dma_start3A_50 = tpu.memref_squeeze %dma_start3A_49 : memref<1x40x128xi32, #tpu.memory_space<hbm>> -> memref<40x128xi32, #tpu.memory_space<hbm>>
      %dma_start3A_51 = arith.constant 40 : i32
      %dma_start3A_52 = arith.constant 0 : i32
      %dma_start3A_53 = tpu.memref_slice %arg4[%add3A, %dma_start3A_51, %dma_start3A_52] : memref<32x80x128xi32, #tpu.memory_space<hbm>> -> memref<1x40x128xi32, #tpu.memory_space<hbm>>
      %dma_start3A_54 = tpu.memref_squeeze %dma_start3A_53 : memref<1x40x128xi32, #tpu.memory_space<hbm>> -> memref<40x128xi32, #tpu.memory_space<hbm>>
      tpu.enqueue_dma source(%dma_start3A_54 : memref<40x128xi32, #tpu.memory_space<hbm>>) target(%arg8 : memref<40x128xi32, #tpu.memory_space<vmem>>) target_semaphore(%run_scoped3A : memref<!tpu.dma_semaphore, #tpu.memory_space<semaphore_mem>>)
      %dma_wait3A_55 = arith.constant 40 : i32
      %dma_wait3A_56 = arith.constant 0 : i32
      %dma_wait3A_57 = tpu.memref_slice %arg4[%add3A, %dma_wait3A_55, %dma_wait3A_56] : memref<32x80x128xi32, #tpu.memory_space<hbm>> -> memref<1x40x128xi32, #tpu.memory_space<hbm>>
      %dma_wait3A_58 = tpu.memref_squeeze %dma_wait3A_57 : memref<1x40x128xi32, #tpu.memory_space<hbm>> -> memref<40x128xi32, #tpu.memory_space<hbm>>
      %dma_wait3A_59 = arith.constant 40 : i32
      %dma_wait3A_60 = arith.constant 0 : i32
      %dma_wait3A_61 = tpu.memref_slice %arg4[%add3A, %dma_wait3A_59, %dma_wait3A_60] : memref<32x80x128xi32, #tpu.memory_space<hbm>> -> memref<1x40x128xi32, #tpu.memory_space<hbm>>
      %dma_wait3A_62 = tpu.memref_squeeze %dma_wait3A_61 : memref<1x40x128xi32, #tpu.memory_space<hbm>> -> memref<40x128xi32, #tpu.memory_space<hbm>>
      tpu.wait_dma2 semaphore(%run_scoped3A : memref<!tpu.dma_semaphore, #tpu.memory_space<semaphore_mem>>) src(%dma_wait3A_62 : memref<40x128xi32, #tpu.memory_space<hbm>>) dst(%arg8 : memref<40x128xi32, #tpu.memory_space<vmem>>)
      tpu.yield
    }) : () -> ()
    %dma_start3A_22 = arith.constant 0 : i32
    %dma_start3A_23 = arith.constant 0 : i32
    %dma_start3A_24 = tpu.memref_slice %arg7[%dma_start3A_22, %dma_start3A_23] : memref<40x128xi32, #tpu.memory_space<vmem>> -> memref<1x128xi32, #tpu.memory_space<vmem>>
    %dma_start3A_25 = tpu.memref_squeeze %dma_start3A_24 : memref<1x128xi32, #tpu.memory_space<vmem>> -> memref<128xi32, #tpu.memory_space<vmem>>
    %dma_start3A_26 = arith.constant 0 : i32
    %dma_start3A_27 = arith.constant 0 : i32
    %dma_start3A_28 = tpu.memref_slice %arg2[%dma_start3A_26, %dma_start3A_27] : memref<10240x128xf32, #tpu.memory_space<hbm>> -> memref<10240x128xf32, #tpu.memory_space<hbm>>
    tpu.enqueue_indirect_dma source(%dma_start3A_28 : memref<10240x128xf32, #tpu.memory_space<hbm>>) target(%arg9 : memref<128x128xf32, #tpu.memory_space<vmem>>) offsets(%dma_start3A_25 : memref<128xi32, #tpu.memory_space<vmem>>) semaphore(%arg12 : memref<!tpu.dma_semaphore, #tpu.memory_space<semaphore_mem>>)
    %scan3A_29 = arith.constant 0 : i32
    %scan3A_30 = arith.constant 0 : i32
    %scan3A_31 = arith.constant 20 : i32
    %scan3A_32 = arith.addi %scan3A_30, %scan3A_31 : i32
    %scan3A_33 = arith.constant 1 : i32
    scf.for %scan3A_47 = %scan3A_30 to %scan3A_32 step %scan3A_33  : i32 {
      %ge3A = arith.constant 1 : i32
      %ge3A_48 = arith.cmpi sge, %scan3A_47, %ge3A : i32
      %convert_element_type3A = arith.extui %ge3A_48 : i1 to i32
      %cond3A = arith.constant 0 : i32
      %cond3A_49 = arith.cmpi ne, %convert_element_type3A, %cond3A : i32
      scf.if %cond3A_49 {
        %mul3A_110 = arith.constant 2 : i32
        %mul3A_111 = arith.muli %mul3A_110, %scan3A_47 : i32
        %sub3A = arith.constant 1 : i32
        %sub3A_112 = arith.subi %mul3A_111, %sub3A : i32
        %dma_wait3A_113 = arith.constant 0 : i32
        %dma_wait3A_114 = tpu.memref_slice %arg8[%sub3A_112, %dma_wait3A_113] : memref<40x128xi32, #tpu.memory_space<vmem>> -> memref<1x128xi32, #tpu.memory_space<vmem>>
        %dma_wait3A_115 = tpu.memref_squeeze %dma_wait3A_114 : memref<1x128xi32, #tpu.memory_space<vmem>> -> memref<128xi32, #tpu.memory_space<vmem>>
        %dma_wait3A_116 = arith.constant 0 : i32
        %dma_wait3A_117 = arith.constant 0 : i32
        %dma_wait3A_118 = tpu.memref_slice %arg11[%dma_wait3A_116, %dma_wait3A_117] : memref<10240x128xf32, #tpu.memory_space<vmem_shared>> -> memref<10240x128xf32, #tpu.memory_space<vmem_shared>>
        tpu.wait_indirect_dma semaphore(%arg15 : memref<!tpu.dma_semaphore, #tpu.memory_space<semaphore_mem>>) src(%arg10 : memref<128x128xf32, #tpu.memory_space<vmem>>) dst(%dma_wait3A_118 : memref<10240x128xf32, #tpu.memory_space<vmem_shared>>)
      } else {
      }
      %mul3A_50 = arith.constant 2 : i32
      %mul3A_51 = arith.muli %mul3A_50, %scan3A_47 : i32
      %add3A_52 = arith.constant 1 : i32
      %add3A_53 = arith.addi %mul3A_51, %add3A_52 : i32
      %dma_start3A_54 = arith.constant 0 : i32
      %dma_start3A_55 = tpu.memref_slice %arg7[%add3A_53, %dma_start3A_54] : memref<40x128xi32, #tpu.memory_space<vmem>> -> memref<1x128xi32, #tpu.memory_space<vmem>>
      %dma_start3A_56 = tpu.memref_squeeze %dma_start3A_55 : memref<1x128xi32, #tpu.memory_space<vmem>> -> memref<128xi32, #tpu.memory_space<vmem>>
      %dma_start3A_57 = arith.constant 0 : i32
      %dma_start3A_58 = arith.constant 0 : i32
      %dma_start3A_59 = tpu.memref_slice %arg2[%dma_start3A_57, %dma_start3A_58] : memref<10240x128xf32, #tpu.memory_space<hbm>> -> memref<10240x128xf32, #tpu.memory_space<hbm>>
      tpu.enqueue_indirect_dma source(%dma_start3A_59 : memref<10240x128xf32, #tpu.memory_space<hbm>>) target(%arg10 : memref<128x128xf32, #tpu.memory_space<vmem>>) offsets(%dma_start3A_56 : memref<128xi32, #tpu.memory_space<vmem>>) semaphore(%arg13 : memref<!tpu.dma_semaphore, #tpu.memory_space<semaphore_mem>>)
      %mul3A_60 = arith.constant 2 : i32
      %mul3A_61 = arith.muli %mul3A_60, %scan3A_47 : i32
      %dma_wait3A_62 = arith.constant 0 : i32
      %dma_wait3A_63 = tpu.memref_slice %arg7[%mul3A_61, %dma_wait3A_62] : memref<40x128xi32, #tpu.memory_space<vmem>> -> memref<1x128xi32, #tpu.memory_space<vmem>>
      %dma_wait3A_64 = tpu.memref_squeeze %dma_wait3A_63 : memref<1x128xi32, #tpu.memory_space<vmem>> -> memref<128xi32, #tpu.memory_space<vmem>>
      %dma_wait3A_65 = arith.constant 0 : i32
      %dma_wait3A_66 = arith.constant 0 : i32
      %dma_wait3A_67 = tpu.memref_slice %arg2[%dma_wait3A_65, %dma_wait3A_66] : memref<10240x128xf32, #tpu.memory_space<hbm>> -> memref<10240x128xf32, #tpu.memory_space<hbm>>
      tpu.wait_indirect_dma semaphore(%arg12 : memref<!tpu.dma_semaphore, #tpu.memory_space<semaphore_mem>>) src(%dma_wait3A_67 : memref<10240x128xf32, #tpu.memory_space<hbm>>) dst(%arg9 : memref<128x128xf32, #tpu.memory_space<vmem>>)
      %mul3A_68 = arith.constant 2 : i32
      %mul3A_69 = arith.muli %mul3A_68, %scan3A_47 : i32
      %dma_start3A_70 = arith.constant 0 : i32
      %dma_start3A_71 = tpu.memref_slice %arg8[%mul3A_69, %dma_start3A_70] : memref<40x128xi32, #tpu.memory_space<vmem>> -> memref<1x128xi32, #tpu.memory_space<vmem>>
      %dma_start3A_72 = tpu.memref_squeeze %dma_start3A_71 : memref<1x128xi32, #tpu.memory_space<vmem>> -> memref<128xi32, #tpu.memory_space<vmem>>
      %dma_start3A_73 = arith.constant 0 : i32
      %dma_start3A_74 = arith.constant 0 : i32
      %dma_start3A_75 = tpu.memref_slice %arg11[%dma_start3A_73, %dma_start3A_74] : memref<10240x128xf32, #tpu.memory_space<vmem_shared>> -> memref<10240x128xf32, #tpu.memory_space<vmem_shared>>
      tpu.enqueue_indirect_dma source(%arg9 : memref<128x128xf32, #tpu.memory_space<vmem>>) target(%dma_start3A_75 : memref<10240x128xf32, #tpu.memory_space<vmem_shared>>) offsets(%dma_start3A_72 : memref<128xi32, #tpu.memory_space<vmem>>) semaphore(%arg14 : memref<!tpu.dma_semaphore, #tpu.memory_space<semaphore_mem>>) {add = true}
      %mul3A_76 = arith.constant 2 : i32
      %mul3A_77 = arith.muli %mul3A_76, %scan3A_47 : i32
      %dma_wait3A_78 = arith.constant 0 : i32
      %dma_wait3A_79 = tpu.memref_slice %arg8[%mul3A_77, %dma_wait3A_78] : memref<40x128xi32, #tpu.memory_space<vmem>> -> memref<1x128xi32, #tpu.memory_space<vmem>>
      %dma_wait3A_80 = tpu.memref_squeeze %dma_wait3A_79 : memref<1x128xi32, #tpu.memory_space<vmem>> -> memref<128xi32, #tpu.memory_space<vmem>>
      %dma_wait3A_81 = arith.constant 0 : i32
      %dma_wait3A_82 = arith.constant 0 : i32
      %dma_wait3A_83 = tpu.memref_slice %arg11[%dma_wait3A_81, %dma_wait3A_82] : memref<10240x128xf32, #tpu.memory_space<vmem_shared>> -> memref<10240x128xf32, #tpu.memory_space<vmem_shared>>
      tpu.wait_indirect_dma semaphore(%arg14 : memref<!tpu.dma_semaphore, #tpu.memory_space<semaphore_mem>>) src(%arg9 : memref<128x128xf32, #tpu.memory_space<vmem>>) dst(%dma_wait3A_83 : memref<10240x128xf32, #tpu.memory_space<vmem_shared>>)
      %add3A_84 = arith.constant 1 : i32
      %add3A_85 = arith.addi %scan3A_47, %add3A_84 : i32
      %lt3A = arith.constant 20 : i32
      %lt3A_86 = arith.cmpi slt, %add3A_85, %lt3A : i32
      %convert_element_type3A_87 = arith.extui %lt3A_86 : i1 to i32
      %cond3A_88 = arith.constant 0 : i32
      %cond3A_89 = arith.cmpi ne, %convert_element_type3A_87, %cond3A_88 : i32
      scf.if %cond3A_89 {
        %mul3A_110 = arith.constant 2 : i32
        %mul3A_111 = arith.muli %mul3A_110, %scan3A_47 : i32
        %add3A_112 = arith.constant 2 : i32
        %add3A_113 = arith.addi %mul3A_111, %add3A_112 : i32
        %dma_start3A_114 = arith.constant 0 : i32
        %dma_start3A_115 = tpu.memref_slice %arg7[%add3A_113, %dma_start3A_114] : memref<40x128xi32, #tpu.memory_space<vmem>> -> memref<1x128xi32, #tpu.memory_space<vmem>>
        %dma_start3A_116 = tpu.memref_squeeze %dma_start3A_115 : memref<1x128xi32, #tpu.memory_space<vmem>> -> memref<128xi32, #tpu.memory_space<vmem>>
        %dma_start3A_117 = arith.constant 0 : i32
        %dma_start3A_118 = arith.constant 0 : i32
        %dma_start3A_119 = tpu.memref_slice %arg2[%dma_start3A_117, %dma_start3A_118] : memref<10240x128xf32, #tpu.memory_space<hbm>> -> memref<10240x128xf32, #tpu.memory_space<hbm>>
        tpu.enqueue_indirect_dma source(%dma_start3A_119 : memref<10240x128xf32, #tpu.memory_space<hbm>>) target(%arg9 : memref<128x128xf32, #tpu.memory_space<vmem>>) offsets(%dma_start3A_116 : memref<128xi32, #tpu.memory_space<vmem>>) semaphore(%arg12 : memref<!tpu.dma_semaphore, #tpu.memory_space<semaphore_mem>>)
      } else {
      }
      %mul3A_90 = arith.constant 2 : i32
      %mul3A_91 = arith.muli %mul3A_90, %scan3A_47 : i32
      %add3A_92 = arith.constant 1 : i32
      %add3A_93 = arith.addi %mul3A_91, %add3A_92 : i32
      %dma_wait3A_94 = arith.constant 0 : i32
      %dma_wait3A_95 = tpu.memref_slice %arg7[%add3A_93, %dma_wait3A_94] : memref<40x128xi32, #tpu.memory_space<vmem>> -> memref<1x128xi32, #tpu.memory_space<vmem>>
      %dma_wait3A_96 = tpu.memref_squeeze %dma_wait3A_95 : memref<1x128xi32, #tpu.memory_space<vmem>> -> memref<128xi32, #tpu.memory_space<vmem>>
      %dma_wait3A_97 = arith.constant 0 : i32
      %dma_wait3A_98 = arith.constant 0 : i32
      %dma_wait3A_99 = tpu.memref_slice %arg2[%dma_wait3A_97, %dma_wait3A_98] : memref<10240x128xf32, #tpu.memory_space<hbm>> -> memref<10240x128xf32, #tpu.memory_space<hbm>>
      tpu.wait_indirect_dma semaphore(%arg13 : memref<!tpu.dma_semaphore, #tpu.memory_space<semaphore_mem>>) src(%dma_wait3A_99 : memref<10240x128xf32, #tpu.memory_space<hbm>>) dst(%arg10 : memref<128x128xf32, #tpu.memory_space<vmem>>)
      %mul3A_100 = arith.constant 2 : i32
      %mul3A_101 = arith.muli %mul3A_100, %scan3A_47 : i32
      %add3A_102 = arith.constant 1 : i32
      %add3A_103 = arith.addi %mul3A_101, %add3A_102 : i32
      %dma_start3A_104 = arith.constant 0 : i32
      %dma_start3A_105 = tpu.memref_slice %arg8[%add3A_103, %dma_start3A_104] : memref<40x128xi32, #tpu.memory_space<vmem>> -> memref<1x128xi32, #tpu.memory_space<vmem>>
      %dma_start3A_106 = tpu.memref_squeeze %dma_start3A_105 : memref<1x128xi32, #tpu.memory_space<vmem>> -> memref<128xi32, #tpu.memory_space<vmem>>
      %dma_start3A_107 = arith.constant 0 : i32
      %dma_start3A_108 = arith.constant 0 : i32
      %dma_start3A_109 = tpu.memref_slice %arg11[%dma_start3A_107, %dma_start3A_108] : memref<10240x128xf32, #tpu.memory_space<vmem_shared>> -> memref<10240x128xf32, #tpu.memory_space<vmem_shared>>
      tpu.enqueue_indirect_dma source(%arg10 : memref<128x128xf32, #tpu.memory_space<vmem>>) target(%dma_start3A_109 : memref<10240x128xf32, #tpu.memory_space<vmem_shared>>) offsets(%dma_start3A_106 : memref<128xi32, #tpu.memory_space<vmem>>) semaphore(%arg15 : memref<!tpu.dma_semaphore, #tpu.memory_space<semaphore_mem>>) {add = true}
    }
    %scan3A_34 = arith.constant 20 : i32
    %dma_wait3A_35 = arith.constant 39 : i32
    %dma_wait3A_36 = arith.constant 0 : i32
    %dma_wait3A_37 = tpu.memref_slice %arg8[%dma_wait3A_35, %dma_wait3A_36] : memref<40x128xi32, #tpu.memory_space<vmem>> -> memref<1x128xi32, #tpu.memory_space<vmem>>
    %dma_wait3A_38 = tpu.memref_squeeze %dma_wait3A_37 : memref<1x128xi32, #tpu.memory_space<vmem>> -> memref<128xi32, #tpu.memory_space<vmem>>
    %dma_wait3A_39 = arith.constant 0 : i32
    %dma_wait3A_40 = arith.constant 0 : i32
    %dma_wait3A_41 = tpu.memref_slice %arg11[%dma_wait3A_39, %dma_wait3A_40] : memref<10240x128xf32, #tpu.memory_space<vmem_shared>> -> memref<10240x128xf32, #tpu.memory_space<vmem_shared>>
    tpu.wait_indirect_dma semaphore(%arg15 : memref<!tpu.dma_semaphore, #tpu.memory_space<semaphore_mem>>) src(%arg10 : memref<128x128xf32, #tpu.memory_space<vmem>>) dst(%dma_wait3A_41 : memref<10240x128xf32, #tpu.memory_space<vmem_shared>>)
    %barrier3A_42 = arith.constant 0 : index
    tpu.barrier barrier_id(%barrier3A_42)
    %mul3A_43 = arith.constant 640 : i32
    %mul3A_44 = arith.muli %arg1, %mul3A_43 : i32
    %mul3A_45 = arith.constant 640 : i32
    %mul3A_46 = arith.muli %arg1, %mul3A_45 : i32
    "tpu.region"() ({
      %run_scoped3A = tpu.sem_alloc : memref<!tpu.dma_semaphore, #tpu.memory_space<semaphore_mem>>
      %dma_start3A_47 = arith.constant 0 : i32
      %dma_start3A_48 = tpu.memref_slice %arg6[%arg0, %mul3A_46, %dma_start3A_47] : memref<2x10240x128xf32, #tpu.memory_space<hbm>> -> memref<1x640x128xf32, #tpu.memory_space<hbm>>
      %dma_start3A_49 = tpu.memref_squeeze %dma_start3A_48 : memref<1x640x128xf32, #tpu.memory_space<hbm>> -> memref<640x128xf32, #tpu.memory_space<hbm>>
      %dma_start3A_50 = arith.constant 0 : i32
      %dma_start3A_51 = tpu.memref_slice %arg11[%mul3A_44, %dma_start3A_50] : memref<10240x128xf32, #tpu.memory_space<vmem_shared>> -> memref<640x128xf32, #tpu.memory_space<vmem_shared>>
      tpu.enqueue_dma source(%dma_start3A_51 : memref<640x128xf32, #tpu.memory_space<vmem_shared>>) target(%dma_start3A_49 : memref<640x128xf32, #tpu.memory_space<hbm>>) target_semaphore(%run_scoped3A : memref<!tpu.dma_semaphore, #tpu.memory_space<semaphore_mem>>)
      %dma_wait3A_52 = arith.constant 0 : i32
      %dma_wait3A_53 = tpu.memref_slice %arg6[%arg0, %mul3A_46, %dma_wait3A_52] : memref<2x10240x128xf32, #tpu.memory_space<hbm>> -> memref<1x640x128xf32, #tpu.memory_space<hbm>>
      %dma_wait3A_54 = tpu.memref_squeeze %dma_wait3A_53 : memref<1x640x128xf32, #tpu.memory_space<hbm>> -> memref<640x128xf32, #tpu.memory_space<hbm>>
      %dma_wait3A_55 = arith.constant 0 : i32
      %dma_wait3A_56 = tpu.memref_slice %arg11[%mul3A_44, %dma_wait3A_55] : memref<10240x128xf32, #tpu.memory_space<vmem_shared>> -> memref<640x128xf32, #tpu.memory_space<vmem_shared>>
      tpu.wait_dma2 semaphore(%run_scoped3A : memref<!tpu.dma_semaphore, #tpu.memory_space<semaphore_mem>>) src(%dma_wait3A_56 : memref<640x128xf32, #tpu.memory_space<vmem_shared>>) dst(%dma_wait3A_54 : memref<640x128xf32, #tpu.memory_space<hbm>>)
      tpu.yield
    }) : () -> ()
    return
  }
}

#map = affine_map<(d0, d1) -> (0, 0)>
#map1 = affine_map<(d0, d1) -> (0, 0, 0)>
module attributes {stable_mosaic.version = 14 : i64} {
  func.func @prop_kernel(%arg0: i32, %arg1: i32, %arg2: memref<10240x128xf32, #tpu.memory_space<hbm>>, %arg3: memref<32x80x128xi32, #tpu.memory_space<hbm>>, %arg4: memref<32x80x128xi32, #tpu.memory_space<hbm>>, %arg5: memref<10240x128xf32, #tpu.memory_space<hbm>>, %arg6: memref<2x10240x128xf32, #tpu.memory_space<hbm>>, %arg7: memref<40x128xi32, #tpu.memory_space<vmem>>, %arg8: memref<40x128xi32, #tpu.memory_space<vmem>>, %arg9: memref<128x128xf32, #tpu.memory_space<vmem>>, %arg10: memref<128x128xf32, #tpu.memory_space<vmem>>, %arg11: memref<10240x128xf32, #tpu.memory_space<vmem_shared>>, %arg12: memref<!tpu.dma_semaphore, #tpu.memory_space<semaphore_mem>>, %arg13: memref<!tpu.dma_semaphore, #tpu.memory_space<semaphore_mem>>, %arg14: memref<!tpu.dma_semaphore, #tpu.memory_space<semaphore_mem>>, %arg15: memref<!tpu.dma_semaphore, #tpu.memory_space<semaphore_mem>>) attributes {dimension_semantics = [#tpu.dimension_semantics<core_parallel>, #tpu.dimension_semantics<subcore_parallel>], iteration_bounds = array<i64: 2, 16>, scalar_prefetch = 0 : i64, scratch_operands = 9 : i64, tpu.core_type = #tpu.core_type<sc_vector_subcore>, window_params = [{transform_indices = #map}, {transform_indices = #map1}, {transform_indices = #map1}, {transform_indices = #map}, {transform_indices = #map1}]} {
    %mul3A = arith.constant 16 : i32
    %mul3A_0 = arith.muli %arg0, %mul3A : i32
    %add3A = arith.addi %mul3A_0, %arg1 : i32
    %mul3A_1 = arith.constant 640 : i32
    %mul3A_2 = arith.muli %arg1, %mul3A_1 : i32
    %mul3A_3 = arith.constant 640 : i32
    %mul3A_4 = arith.muli %arg1, %mul3A_3 : i32
    "tpu.region"() ({
      %run_scoped3A = tpu.sem_alloc : memref<!tpu.dma_semaphore, #tpu.memory_space<semaphore_mem>>
      %dma_start3A_47 = arith.constant 0 : i32
      %dma_start3A_48 = tpu.memref_slice %arg11[%mul3A_4, %dma_start3A_47] : memref<10240x128xf32, #tpu.memory_space<vmem_shared>> -> memref<640x128xf32, #tpu.memory_space<vmem_shared>>
      %dma_start3A_49 = arith.constant 0 : i32
      %dma_start3A_50 = tpu.memref_slice %arg5[%mul3A_2, %dma_start3A_49] : memref<10240x128xf32, #tpu.memory_space<hbm>> -> memref<640x128xf32, #tpu.memory_space<hbm>>
      tpu.enqueue_dma source(%dma_start3A_50 : memref<640x128xf32, #tpu.memory_space<hbm>>) target(%dma_start3A_48 : memref<640x128xf32, #tpu.memory_space<vmem_shared>>) target_semaphore(%run_scoped3A : memref<!tpu.dma_semaphore, #tpu.memory_space<semaphore_mem>>)
      %dma_wait3A_51 = arith.constant 0 : i32
      %dma_wait3A_52 = tpu.memref_slice %arg11[%mul3A_4, %dma_wait3A_51] : memref<10240x128xf32, #tpu.memory_space<vmem_shared>> -> memref<640x128xf32, #tpu.memory_space<vmem_shared>>
      %dma_wait3A_53 = arith.constant 0 : i32
      %dma_wait3A_54 = tpu.memref_slice %arg5[%mul3A_2, %dma_wait3A_53] : memref<10240x128xf32, #tpu.memory_space<hbm>> -> memref<640x128xf32, #tpu.memory_space<hbm>>
      tpu.wait_dma2 semaphore(%run_scoped3A : memref<!tpu.dma_semaphore, #tpu.memory_space<semaphore_mem>>) src(%dma_wait3A_54 : memref<640x128xf32, #tpu.memory_space<hbm>>) dst(%dma_wait3A_52 : memref<640x128xf32, #tpu.memory_space<vmem_shared>>)
      tpu.yield
    }) : () -> ()
    %barrier3A = arith.constant 0 : index
    tpu.barrier barrier_id(%barrier3A)
    "tpu.region"() ({
      %run_scoped3A = tpu.sem_alloc : memref<!tpu.dma_semaphore, #tpu.memory_space<semaphore_mem>>
      %dma_start3A_47 = arith.constant 0 : i32
      %dma_start3A_48 = arith.constant 0 : i32
      %dma_start3A_49 = tpu.memref_slice %arg3[%add3A, %dma_start3A_47, %dma_start3A_48] : memref<32x80x128xi32, #tpu.memory_space<hbm>> -> memref<1x40x128xi32, #tpu.memory_space<hbm>>
      %dma_start3A_50 = tpu.memref_squeeze %dma_start3A_49 : memref<1x40x128xi32, #tpu.memory_space<hbm>> -> memref<40x128xi32, #tpu.memory_space<hbm>>
      %dma_start3A_51 = arith.constant 0 : i32
      %dma_start3A_52 = arith.constant 0 : i32
      %dma_start3A_53 = tpu.memref_slice %arg3[%add3A, %dma_start3A_51, %dma_start3A_52] : memref<32x80x128xi32, #tpu.memory_space<hbm>> -> memref<1x40x128xi32, #tpu.memory_space<hbm>>
      %dma_start3A_54 = tpu.memref_squeeze %dma_start3A_53 : memref<1x40x128xi32, #tpu.memory_space<hbm>> -> memref<40x128xi32, #tpu.memory_space<hbm>>
      tpu.enqueue_dma source(%dma_start3A_54 : memref<40x128xi32, #tpu.memory_space<hbm>>) target(%arg7 : memref<40x128xi32, #tpu.memory_space<vmem>>) target_semaphore(%run_scoped3A : memref<!tpu.dma_semaphore, #tpu.memory_space<semaphore_mem>>)
      %dma_wait3A_55 = arith.constant 0 : i32
      %dma_wait3A_56 = arith.constant 0 : i32
      %dma_wait3A_57 = tpu.memref_slice %arg3[%add3A, %dma_wait3A_55, %dma_wait3A_56] : memref<32x80x128xi32, #tpu.memory_space<hbm>> -> memref<1x40x128xi32, #tpu.memory_space<hbm>>
      %dma_wait3A_58 = tpu.memref_squeeze %dma_wait3A_57 : memref<1x40x128xi32, #tpu.memory_space<hbm>> -> memref<40x128xi32, #tpu.memory_space<hbm>>
      %dma_wait3A_59 = arith.constant 0 : i32
      %dma_wait3A_60 = arith.constant 0 : i32
      %dma_wait3A_61 = tpu.memref_slice %arg3[%add3A, %dma_wait3A_59, %dma_wait3A_60] : memref<32x80x128xi32, #tpu.memory_space<hbm>> -> memref<1x40x128xi32, #tpu.memory_space<hbm>>
      %dma_wait3A_62 = tpu.memref_squeeze %dma_wait3A_61 : memref<1x40x128xi32, #tpu.memory_space<hbm>> -> memref<40x128xi32, #tpu.memory_space<hbm>>
      tpu.wait_dma2 semaphore(%run_scoped3A : memref<!tpu.dma_semaphore, #tpu.memory_space<semaphore_mem>>) src(%dma_wait3A_62 : memref<40x128xi32, #tpu.memory_space<hbm>>) dst(%arg7 : memref<40x128xi32, #tpu.memory_space<vmem>>)
      tpu.yield
    }) : () -> ()
    "tpu.region"() ({
      %run_scoped3A = tpu.sem_alloc : memref<!tpu.dma_semaphore, #tpu.memory_space<semaphore_mem>>
      %dma_start3A_47 = arith.constant 0 : i32
      %dma_start3A_48 = arith.constant 0 : i32
      %dma_start3A_49 = tpu.memref_slice %arg4[%add3A, %dma_start3A_47, %dma_start3A_48] : memref<32x80x128xi32, #tpu.memory_space<hbm>> -> memref<1x40x128xi32, #tpu.memory_space<hbm>>
      %dma_start3A_50 = tpu.memref_squeeze %dma_start3A_49 : memref<1x40x128xi32, #tpu.memory_space<hbm>> -> memref<40x128xi32, #tpu.memory_space<hbm>>
      %dma_start3A_51 = arith.constant 0 : i32
      %dma_start3A_52 = arith.constant 0 : i32
      %dma_start3A_53 = tpu.memref_slice %arg4[%add3A, %dma_start3A_51, %dma_start3A_52] : memref<32x80x128xi32, #tpu.memory_space<hbm>> -> memref<1x40x128xi32, #tpu.memory_space<hbm>>
      %dma_start3A_54 = tpu.memref_squeeze %dma_start3A_53 : memref<1x40x128xi32, #tpu.memory_space<hbm>> -> memref<40x128xi32, #tpu.memory_space<hbm>>
      tpu.enqueue_dma source(%dma_start3A_54 : memref<40x128xi32, #tpu.memory_space<hbm>>) target(%arg8 : memref<40x128xi32, #tpu.memory_space<vmem>>) target_semaphore(%run_scoped3A : memref<!tpu.dma_semaphore, #tpu.memory_space<semaphore_mem>>)
      %dma_wait3A_55 = arith.constant 0 : i32
      %dma_wait3A_56 = arith.constant 0 : i32
      %dma_wait3A_57 = tpu.memref_slice %arg4[%add3A, %dma_wait3A_55, %dma_wait3A_56] : memref<32x80x128xi32, #tpu.memory_space<hbm>> -> memref<1x40x128xi32, #tpu.memory_space<hbm>>
      %dma_wait3A_58 = tpu.memref_squeeze %dma_wait3A_57 : memref<1x40x128xi32, #tpu.memory_space<hbm>> -> memref<40x128xi32, #tpu.memory_space<hbm>>
      %dma_wait3A_59 = arith.constant 0 : i32
      %dma_wait3A_60 = arith.constant 0 : i32
      %dma_wait3A_61 = tpu.memref_slice %arg4[%add3A, %dma_wait3A_59, %dma_wait3A_60] : memref<32x80x128xi32, #tpu.memory_space<hbm>> -> memref<1x40x128xi32, #tpu.memory_space<hbm>>
      %dma_wait3A_62 = tpu.memref_squeeze %dma_wait3A_61 : memref<1x40x128xi32, #tpu.memory_space<hbm>> -> memref<40x128xi32, #tpu.memory_space<hbm>>
      tpu.wait_dma2 semaphore(%run_scoped3A : memref<!tpu.dma_semaphore, #tpu.memory_space<semaphore_mem>>) src(%dma_wait3A_62 : memref<40x128xi32, #tpu.memory_space<hbm>>) dst(%arg8 : memref<40x128xi32, #tpu.memory_space<vmem>>)
      tpu.yield
    }) : () -> ()
    %dma_start3A = arith.constant 0 : i32
    %dma_start3A_5 = arith.constant 0 : i32
    %dma_start3A_6 = tpu.memref_slice %arg7[%dma_start3A, %dma_start3A_5] : memref<40x128xi32, #tpu.memory_space<vmem>> -> memref<1x128xi32, #tpu.memory_space<vmem>>
    %dma_start3A_7 = tpu.memref_squeeze %dma_start3A_6 : memref<1x128xi32, #tpu.memory_space<vmem>> -> memref<128xi32, #tpu.memory_space<vmem>>
    %dma_start3A_8 = arith.constant 0 : i32
    %dma_start3A_9 = arith.constant 0 : i32
    %dma_start3A_10 = tpu.memref_slice %arg2[%dma_start3A_8, %dma_start3A_9] : memref<10240x128xf32, #tpu.memory_space<hbm>> -> memref<10240x128xf32, #tpu.memory_space<hbm>>
    tpu.enqueue_indirect_dma source(%dma_start3A_10 : memref<10240x128xf32, #tpu.memory_space<hbm>>) target(%arg9 : memref<128x128xf32, #tpu.memory_space<vmem>>) offsets(%dma_start3A_7 : memref<128xi32, #tpu.memory_space<vmem>>) semaphore(%arg12 : memref<!tpu.dma_semaphore, #tpu.memory_space<semaphore_mem>>)
    %scan3A = arith.constant 0 : i32
    %scan3A_11 = arith.constant 0 : i32
    %scan3A_12 = arith.constant 20 : i32
    %scan3A_13 = arith.addi %scan3A_11, %scan3A_12 : i32
    %scan3A_14 = arith.constant 1 : i32
    scf.for %scan3A_47 = %scan3A_11 to %scan3A_13 step %scan3A_14  : i32 {
      %ge3A = arith.constant 1 : i32
      %ge3A_48 = arith.cmpi sge, %scan3A_47, %ge3A : i32
      %convert_element_type3A = arith.extui %ge3A_48 : i1 to i32
      %cond3A = arith.constant 0 : i32
      %cond3A_49 = arith.cmpi ne, %convert_element_type3A, %cond3A : i32
      scf.if %cond3A_49 {
        %mul3A_110 = arith.constant 2 : i32
        %mul3A_111 = arith.muli %mul3A_110, %scan3A_47 : i32
        %sub3A = arith.constant 1 : i32
        %sub3A_112 = arith.subi %mul3A_111, %sub3A : i32
        %dma_wait3A_113 = arith.constant 0 : i32
        %dma_wait3A_114 = tpu.memref_slice %arg8[%sub3A_112, %dma_wait3A_113] : memref<40x128xi32, #tpu.memory_space<vmem>> -> memref<1x128xi32, #tpu.memory_space<vmem>>
        %dma_wait3A_115 = tpu.memref_squeeze %dma_wait3A_114 : memref<1x128xi32, #tpu.memory_space<vmem>> -> memref<128xi32, #tpu.memory_space<vmem>>
        %dma_wait3A_116 = arith.constant 0 : i32
        %dma_wait3A_117 = arith.constant 0 : i32
        %dma_wait3A_118 = tpu.memref_slice %arg11[%dma_wait3A_116, %dma_wait3A_117] : memref<10240x128xf32, #tpu.memory_space<vmem_shared>> -> memref<10240x128xf32, #tpu.memory_space<vmem_shared>>
        tpu.wait_indirect_dma semaphore(%arg15 : memref<!tpu.dma_semaphore, #tpu.memory_space<semaphore_mem>>) src(%arg10 : memref<128x128xf32, #tpu.memory_space<vmem>>) dst(%dma_wait3A_118 : memref<10240x128xf32, #tpu.memory_space<vmem_shared>>)
      } else {
      }
      %mul3A_50 = arith.constant 2 : i32
      %mul3A_51 = arith.muli %mul3A_50, %scan3A_47 : i32
      %add3A_52 = arith.constant 1 : i32
      %add3A_53 = arith.addi %mul3A_51, %add3A_52 : i32
      %dma_start3A_54 = arith.constant 0 : i32
      %dma_start3A_55 = tpu.memref_slice %arg7[%add3A_53, %dma_start3A_54] : memref<40x128xi32, #tpu.memory_space<vmem>> -> memref<1x128xi32, #tpu.memory_space<vmem>>
      %dma_start3A_56 = tpu.memref_squeeze %dma_start3A_55 : memref<1x128xi32, #tpu.memory_space<vmem>> -> memref<128xi32, #tpu.memory_space<vmem>>
      %dma_start3A_57 = arith.constant 0 : i32
      %dma_start3A_58 = arith.constant 0 : i32
      %dma_start3A_59 = tpu.memref_slice %arg2[%dma_start3A_57, %dma_start3A_58] : memref<10240x128xf32, #tpu.memory_space<hbm>> -> memref<10240x128xf32, #tpu.memory_space<hbm>>
      tpu.enqueue_indirect_dma source(%dma_start3A_59 : memref<10240x128xf32, #tpu.memory_space<hbm>>) target(%arg10 : memref<128x128xf32, #tpu.memory_space<vmem>>) offsets(%dma_start3A_56 : memref<128xi32, #tpu.memory_space<vmem>>) semaphore(%arg13 : memref<!tpu.dma_semaphore, #tpu.memory_space<semaphore_mem>>)
      %mul3A_60 = arith.constant 2 : i32
      %mul3A_61 = arith.muli %mul3A_60, %scan3A_47 : i32
      %dma_wait3A_62 = arith.constant 0 : i32
      %dma_wait3A_63 = tpu.memref_slice %arg7[%mul3A_61, %dma_wait3A_62] : memref<40x128xi32, #tpu.memory_space<vmem>> -> memref<1x128xi32, #tpu.memory_space<vmem>>
      %dma_wait3A_64 = tpu.memref_squeeze %dma_wait3A_63 : memref<1x128xi32, #tpu.memory_space<vmem>> -> memref<128xi32, #tpu.memory_space<vmem>>
      %dma_wait3A_65 = arith.constant 0 : i32
      %dma_wait3A_66 = arith.constant 0 : i32
      %dma_wait3A_67 = tpu.memref_slice %arg2[%dma_wait3A_65, %dma_wait3A_66] : memref<10240x128xf32, #tpu.memory_space<hbm>> -> memref<10240x128xf32, #tpu.memory_space<hbm>>
      tpu.wait_indirect_dma semaphore(%arg12 : memref<!tpu.dma_semaphore, #tpu.memory_space<semaphore_mem>>) src(%dma_wait3A_67 : memref<10240x128xf32, #tpu.memory_space<hbm>>) dst(%arg9 : memref<128x128xf32, #tpu.memory_space<vmem>>)
      %mul3A_68 = arith.constant 2 : i32
      %mul3A_69 = arith.muli %mul3A_68, %scan3A_47 : i32
      %dma_start3A_70 = arith.constant 0 : i32
      %dma_start3A_71 = tpu.memref_slice %arg8[%mul3A_69, %dma_start3A_70] : memref<40x128xi32, #tpu.memory_space<vmem>> -> memref<1x128xi32, #tpu.memory_space<vmem>>
      %dma_start3A_72 = tpu.memref_squeeze %dma_start3A_71 : memref<1x128xi32, #tpu.memory_space<vmem>> -> memref<128xi32, #tpu.memory_space<vmem>>
      %dma_start3A_73 = arith.constant 0 : i32
      %dma_start3A_74 = arith.constant 0 : i32
      %dma_start3A_75 = tpu.memref_slice %arg11[%dma_start3A_73, %dma_start3A_74] : memref<10240x128xf32, #tpu.memory_space<vmem_shared>> -> memref<10240x128xf32, #tpu.memory_space<vmem_shared>>
      tpu.enqueue_indirect_dma source(%arg9 : memref<128x128xf32, #tpu.memory_space<vmem>>) target(%dma_start3A_75 : memref<10240x128xf32, #tpu.memory_space<vmem_shared>>) offsets(%dma_start3A_72 : memref<128xi32, #tpu.memory_space<vmem>>) semaphore(%arg14 : memref<!tpu.dma_semaphore, #tpu.memory_space<semaphore_mem>>) {add = true}
      %mul3A_76 = arith.constant 2 : i32
      %mul3A_77 = arith.muli %mul3A_76, %scan3A_47 : i32
      %dma_wait3A_78 = arith.constant 0 : i32
      %dma_wait3A_79 = tpu.memref_slice %arg8[%mul3A_77, %dma_wait3A_78] : memref<40x128xi32, #tpu.memory_space<vmem>> -> memref<1x128xi32, #tpu.memory_space<vmem>>
      %dma_wait3A_80 = tpu.memref_squeeze %dma_wait3A_79 : memref<1x128xi32, #tpu.memory_space<vmem>> -> memref<128xi32, #tpu.memory_space<vmem>>
      %dma_wait3A_81 = arith.constant 0 : i32
      %dma_wait3A_82 = arith.constant 0 : i32
      %dma_wait3A_83 = tpu.memref_slice %arg11[%dma_wait3A_81, %dma_wait3A_82] : memref<10240x128xf32, #tpu.memory_space<vmem_shared>> -> memref<10240x128xf32, #tpu.memory_space<vmem_shared>>
      tpu.wait_indirect_dma semaphore(%arg14 : memref<!tpu.dma_semaphore, #tpu.memory_space<semaphore_mem>>) src(%arg9 : memref<128x128xf32, #tpu.memory_space<vmem>>) dst(%dma_wait3A_83 : memref<10240x128xf32, #tpu.memory_space<vmem_shared>>)
      %add3A_84 = arith.constant 1 : i32
      %add3A_85 = arith.addi %scan3A_47, %add3A_84 : i32
      %lt3A = arith.constant 20 : i32
      %lt3A_86 = arith.cmpi slt, %add3A_85, %lt3A : i32
      %convert_element_type3A_87 = arith.extui %lt3A_86 : i1 to i32
      %cond3A_88 = arith.constant 0 : i32
      %cond3A_89 = arith.cmpi ne, %convert_element_type3A_87, %cond3A_88 : i32
      scf.if %cond3A_89 {
        %mul3A_110 = arith.constant 2 : i32
        %mul3A_111 = arith.muli %mul3A_110, %scan3A_47 : i32
        %add3A_112 = arith.constant 2 : i32
        %add3A_113 = arith.addi %mul3A_111, %add3A_112 : i32
        %dma_start3A_114 = arith.constant 0 : i32
        %dma_start3A_115 = tpu.memref_slice %arg7[%add3A_113, %dma_start3A_114] : memref<40x128xi32, #tpu.memory_space<vmem>> -> memref<1x128xi32, #tpu.memory_space<vmem>>
        %dma_start3A_116 = tpu.memref_squeeze %dma_start3A_115 : memref<1x128xi32, #tpu.memory_space<vmem>> -> memref<128xi32, #tpu.memory_space<vmem>>
        %dma_start3A_117 = arith.constant 0 : i32
        %dma_start3A_118 = arith.constant 0 : i32
        %dma_start3A_119 = tpu.memref_slice %arg2[%dma_start3A_117, %dma_start3A_118] : memref<10240x128xf32, #tpu.memory_space<hbm>> -> memref<10240x128xf32, #tpu.memory_space<hbm>>
        tpu.enqueue_indirect_dma source(%dma_start3A_119 : memref<10240x128xf32, #tpu.memory_space<hbm>>) target(%arg9 : memref<128x128xf32, #tpu.memory_space<vmem>>) offsets(%dma_start3A_116 : memref<128xi32, #tpu.memory_space<vmem>>) semaphore(%arg12 : memref<!tpu.dma_semaphore, #tpu.memory_space<semaphore_mem>>)
      } else {
      }
      %mul3A_90 = arith.constant 2 : i32
      %mul3A_91 = arith.muli %mul3A_90, %scan3A_47 : i32
      %add3A_92 = arith.constant 1 : i32
      %add3A_93 = arith.addi %mul3A_91, %add3A_92 : i32
      %dma_wait3A_94 = arith.constant 0 : i32
      %dma_wait3A_95 = tpu.memref_slice %arg7[%add3A_93, %dma_wait3A_94] : memref<40x128xi32, #tpu.memory_space<vmem>> -> memref<1x128xi32, #tpu.memory_space<vmem>>
      %dma_wait3A_96 = tpu.memref_squeeze %dma_wait3A_95 : memref<1x128xi32, #tpu.memory_space<vmem>> -> memref<128xi32, #tpu.memory_space<vmem>>
      %dma_wait3A_97 = arith.constant 0 : i32
      %dma_wait3A_98 = arith.constant 0 : i32
      %dma_wait3A_99 = tpu.memref_slice %arg2[%dma_wait3A_97, %dma_wait3A_98] : memref<10240x128xf32, #tpu.memory_space<hbm>> -> memref<10240x128xf32, #tpu.memory_space<hbm>>
      tpu.wait_indirect_dma semaphore(%arg13 : memref<!tpu.dma_semaphore, #tpu.memory_space<semaphore_mem>>) src(%dma_wait3A_99 : memref<10240x128xf32, #tpu.memory_space<hbm>>) dst(%arg10 : memref<128x128xf32, #tpu.memory_space<vmem>>)
      %mul3A_100 = arith.constant 2 : i32
      %mul3A_101 = arith.muli %mul3A_100, %scan3A_47 : i32
      %add3A_102 = arith.constant 1 : i32
      %add3A_103 = arith.addi %mul3A_101, %add3A_102 : i32
      %dma_start3A_104 = arith.constant 0 : i32
      %dma_start3A_105 = tpu.memref_slice %arg8[%add3A_103, %dma_start3A_104] : memref<40x128xi32, #tpu.memory_space<vmem>> -> memref<1x128xi32, #tpu.memory_space<vmem>>
      %dma_start3A_106 = tpu.memref_squeeze %dma_start3A_105 : memref<1x128xi32, #tpu.memory_space<vmem>> -> memref<128xi32, #tpu.memory_space<vmem>>
      %dma_start3A_107 = arith.constant 0 : i32
      %dma_start3A_108 = arith.constant 0 : i32
      %dma_start3A_109 = tpu.memref_slice %arg11[%dma_start3A_107, %dma_start3A_108] : memref<10240x128xf32, #tpu.memory_space<vmem_shared>> -> memref<10240x128xf32, #tpu.memory_space<vmem_shared>>
      tpu.enqueue_indirect_dma source(%arg10 : memref<128x128xf32, #tpu.memory_space<vmem>>) target(%dma_start3A_109 : memref<10240x128xf32, #tpu.memory_space<vmem_shared>>) offsets(%dma_start3A_106 : memref<128xi32, #tpu.memory_space<vmem>>) semaphore(%arg15 : memref<!tpu.dma_semaphore, #tpu.memory_space<semaphore_mem>>) {add = true}
    }
    %scan3A_15 = arith.constant 20 : i32
    %dma_wait3A = arith.constant 39 : i32
    %dma_wait3A_16 = arith.constant 0 : i32
    %dma_wait3A_17 = tpu.memref_slice %arg8[%dma_wait3A, %dma_wait3A_16] : memref<40x128xi32, #tpu.memory_space<vmem>> -> memref<1x128xi32, #tpu.memory_space<vmem>>
    %dma_wait3A_18 = tpu.memref_squeeze %dma_wait3A_17 : memref<1x128xi32, #tpu.memory_space<vmem>> -> memref<128xi32, #tpu.memory_space<vmem>>
    %dma_wait3A_19 = arith.constant 0 : i32
    %dma_wait3A_20 = arith.constant 0 : i32
    %dma_wait3A_21 = tpu.memref_slice %arg11[%dma_wait3A_19, %dma_wait3A_20] : memref<10240x128xf32, #tpu.memory_space<vmem_shared>> -> memref<10240x128xf32, #tpu.memory_space<vmem_shared>>
    tpu.wait_indirect_dma semaphore(%arg15 : memref<!tpu.dma_semaphore, #tpu.memory_space<semaphore_mem>>) src(%arg10 : memref<128x128xf32, #tpu.memory_space<vmem>>) dst(%dma_wait3A_21 : memref<10240x128xf32, #tpu.memory_space<vmem_shared>>)
    "tpu.region"() ({
      %run_scoped3A = tpu.sem_alloc : memref<!tpu.dma_semaphore, #tpu.memory_space<semaphore_mem>>
      %dma_start3A_47 = arith.constant 40 : i32
      %dma_start3A_48 = arith.constant 0 : i32
      %dma_start3A_49 = tpu.memref_slice %arg3[%add3A, %dma_start3A_47, %dma_start3A_48] : memref<32x80x128xi32, #tpu.memory_space<hbm>> -> memref<1x40x128xi32, #tpu.memory_space<hbm>>
      %dma_start3A_50 = tpu.memref_squeeze %dma_start3A_49 : memref<1x40x128xi32, #tpu.memory_space<hbm>> -> memref<40x128xi32, #tpu.memory_space<hbm>>
      %dma_start3A_51 = arith.constant 40 : i32
      %dma_start3A_52 = arith.constant 0 : i32
      %dma_start3A_53 = tpu.memref_slice %arg3[%add3A, %dma_start3A_51, %dma_start3A_52] : memref<32x80x128xi32, #tpu.memory_space<hbm>> -> memref<1x40x128xi32, #tpu.memory_space<hbm>>
      %dma_start3A_54 = tpu.memref_squeeze %dma_start3A_53 : memref<1x40x128xi32, #tpu.memory_space<hbm>> -> memref<40x128xi32, #tpu.memory_space<hbm>>
      tpu.enqueue_dma source(%dma_start3A_54 : memref<40x128xi32, #tpu.memory_space<hbm>>) target(%arg7 : memref<40x128xi32, #tpu.memory_space<vmem>>) target_semaphore(%run_scoped3A : memref<!tpu.dma_semaphore, #tpu.memory_space<semaphore_mem>>)
      %dma_wait3A_55 = arith.constant 40 : i32
      %dma_wait3A_56 = arith.constant 0 : i32
      %dma_wait3A_57 = tpu.memref_slice %arg3[%add3A, %dma_wait3A_55, %dma_wait3A_56] : memref<32x80x128xi32, #tpu.memory_space<hbm>> -> memref<1x40x128xi32, #tpu.memory_space<hbm>>
      %dma_wait3A_58 = tpu.memref_squeeze %dma_wait3A_57 : memref<1x40x128xi32, #tpu.memory_space<hbm>> -> memref<40x128xi32, #tpu.memory_space<hbm>>
      %dma_wait3A_59 = arith.constant 40 : i32
      %dma_wait3A_60 = arith.constant 0 : i32
      %dma_wait3A_61 = tpu.memref_slice %arg3[%add3A, %dma_wait3A_59, %dma_wait3A_60] : memref<32x80x128xi32, #tpu.memory_space<hbm>> -> memref<1x40x128xi32, #tpu.memory_space<hbm>>
      %dma_wait3A_62 = tpu.memref_squeeze %dma_wait3A_61 : memref<1x40x128xi32, #tpu.memory_space<hbm>> -> memref<40x128xi32, #tpu.memory_space<hbm>>
      tpu.wait_dma2 semaphore(%run_scoped3A : memref<!tpu.dma_semaphore, #tpu.memory_space<semaphore_mem>>) src(%dma_wait3A_62 : memref<40x128xi32, #tpu.memory_space<hbm>>) dst(%arg7 : memref<40x128xi32, #tpu.memory_space<vmem>>)
      tpu.yield
    }) : () -> ()
    "tpu.region"() ({
      %run_scoped3A = tpu.sem_alloc : memref<!tpu.dma_semaphore, #tpu.memory_space<semaphore_mem>>
      %dma_start3A_47 = arith.constant 40 : i32
      %dma_start3A_48 = arith.constant 0 : i32
      %dma_start3A_49 = tpu.memref_slice %arg4[%add3A, %dma_start3A_47, %dma_start3A_48] : memref<32x80x128xi32, #tpu.memory_space<hbm>> -> memref<1x40x128xi32, #tpu.memory_space<hbm>>
      %dma_start3A_50 = tpu.memref_squeeze %dma_start3A_49 : memref<1x40x128xi32, #tpu.memory_space<hbm>> -> memref<40x128xi32, #tpu.memory_space<hbm>>
      %dma_start3A_51 = arith.constant 40 : i32
      %dma_start3A_52 = arith.constant 0 : i32
      %dma_start3A_53 = tpu.memref_slice %arg4[%add3A, %dma_start3A_51, %dma_start3A_52] : memref<32x80x128xi32, #tpu.memory_space<hbm>> -> memref<1x40x128xi32, #tpu.memory_space<hbm>>
      %dma_start3A_54 = tpu.memref_squeeze %dma_start3A_53 : memref<1x40x128xi32, #tpu.memory_space<hbm>> -> memref<40x128xi32, #tpu.memory_space<hbm>>
      tpu.enqueue_dma source(%dma_start3A_54 : memref<40x128xi32, #tpu.memory_space<hbm>>) target(%arg8 : memref<40x128xi32, #tpu.memory_space<vmem>>) target_semaphore(%run_scoped3A : memref<!tpu.dma_semaphore, #tpu.memory_space<semaphore_mem>>)
      %dma_wait3A_55 = arith.constant 40 : i32
      %dma_wait3A_56 = arith.constant 0 : i32
      %dma_wait3A_57 = tpu.memref_slice %arg4[%add3A, %dma_wait3A_55, %dma_wait3A_56] : memref<32x80x128xi32, #tpu.memory_space<hbm>> -> memref<1x40x128xi32, #tpu.memory_space<hbm>>
      %dma_wait3A_58 = tpu.memref_squeeze %dma_wait3A_57 : memref<1x40x128xi32, #tpu.memory_space<hbm>> -> memref<40x128xi32, #tpu.memory_space<hbm>>
      %dma_wait3A_59 = arith.constant 40 : i32
      %dma_wait3A_60 = arith.constant 0 : i32
      %dma_wait3A_61 = tpu.memref_slice %arg4[%add3A, %dma_wait3A_59, %dma_wait3A_60] : memref<32x80x128xi32, #tpu.memory_space<hbm>> -> memref<1x40x128xi32, #tpu.memory_space<hbm>>
      %dma_wait3A_62 = tpu.memref_squeeze %dma_wait3A_61 : memref<1x40x128xi32, #tpu.memory_space<hbm>> -> memref<40x128xi32, #tpu.memory_space<hbm>>
      tpu.wait_dma2 semaphore(%run_scoped3A : memref<!tpu.dma_semaphore, #tpu.memory_space<semaphore_mem>>) src(%dma_wait3A_62 : memref<40x128xi32, #tpu.memory_space<hbm>>) dst(%arg8 : memref<40x128xi32, #tpu.memory_space<vmem>>)
      tpu.yield
    }) : () -> ()
    %dma_start3A_22 = arith.constant 0 : i32
    %dma_start3A_23 = arith.constant 0 : i32
    %dma_start3A_24 = tpu.memref_slice %arg7[%dma_start3A_22, %dma_start3A_23] : memref<40x128xi32, #tpu.memory_space<vmem>> -> memref<1x128xi32, #tpu.memory_space<vmem>>
    %dma_start3A_25 = tpu.memref_squeeze %dma_start3A_24 : memref<1x128xi32, #tpu.memory_space<vmem>> -> memref<128xi32, #tpu.memory_space<vmem>>
    %dma_start3A_26 = arith.constant 0 : i32
    %dma_start3A_27 = arith.constant 0 : i32
    %dma_start3A_28 = tpu.memref_slice %arg2[%dma_start3A_26, %dma_start3A_27] : memref<10240x128xf32, #tpu.memory_space<hbm>> -> memref<10240x128xf32, #tpu.memory_space<hbm>>
    tpu.enqueue_indirect_dma source(%dma_start3A_28 : memref<10240x128xf32, #tpu.memory_space<hbm>>) target(%arg9 : memref<128x128xf32, #tpu.memory_space<vmem>>) offsets(%dma_start3A_25 : memref<128xi32, #tpu.memory_space<vmem>>) semaphore(%arg12 : memref<!tpu.dma_semaphore, #tpu.memory_space<semaphore_mem>>)
    %scan3A_29 = arith.constant 0 : i32
    %scan3A_30 = arith.constant 0 : i32
    %scan3A_31 = arith.constant 20 : i32
    %scan3A_32 = arith.addi %scan3A_30, %scan3A_31 : i32
    %scan3A_33 = arith.constant 1 : i32
    scf.for %scan3A_47 = %scan3A_30 to %scan3A_32 step %scan3A_33  : i32 {
      %ge3A = arith.constant 1 : i32
      %ge3A_48 = arith.cmpi sge, %scan3A_47, %ge3A : i32
      %convert_element_type3A = arith.extui %ge3A_48 : i1 to i32
      %cond3A = arith.constant 0 : i32
      %cond3A_49 = arith.cmpi ne, %convert_element_type3A, %cond3A : i32
      scf.if %cond3A_49 {
        %mul3A_110 = arith.constant 2 : i32
        %mul3A_111 = arith.muli %mul3A_110, %scan3A_47 : i32
        %sub3A = arith.constant 1 : i32
        %sub3A_112 = arith.subi %mul3A_111, %sub3A : i32
        %dma_wait3A_113 = arith.constant 0 : i32
        %dma_wait3A_114 = tpu.memref_slice %arg8[%sub3A_112, %dma_wait3A_113] : memref<40x128xi32, #tpu.memory_space<vmem>> -> memref<1x128xi32, #tpu.memory_space<vmem>>
        %dma_wait3A_115 = tpu.memref_squeeze %dma_wait3A_114 : memref<1x128xi32, #tpu.memory_space<vmem>> -> memref<128xi32, #tpu.memory_space<vmem>>
        %dma_wait3A_116 = arith.constant 0 : i32
        %dma_wait3A_117 = arith.constant 0 : i32
        %dma_wait3A_118 = tpu.memref_slice %arg11[%dma_wait3A_116, %dma_wait3A_117] : memref<10240x128xf32, #tpu.memory_space<vmem_shared>> -> memref<10240x128xf32, #tpu.memory_space<vmem_shared>>
        tpu.wait_indirect_dma semaphore(%arg15 : memref<!tpu.dma_semaphore, #tpu.memory_space<semaphore_mem>>) src(%arg10 : memref<128x128xf32, #tpu.memory_space<vmem>>) dst(%dma_wait3A_118 : memref<10240x128xf32, #tpu.memory_space<vmem_shared>>)
      } else {
      }
      %mul3A_50 = arith.constant 2 : i32
      %mul3A_51 = arith.muli %mul3A_50, %scan3A_47 : i32
      %add3A_52 = arith.constant 1 : i32
      %add3A_53 = arith.addi %mul3A_51, %add3A_52 : i32
      %dma_start3A_54 = arith.constant 0 : i32
      %dma_start3A_55 = tpu.memref_slice %arg7[%add3A_53, %dma_start3A_54] : memref<40x128xi32, #tpu.memory_space<vmem>> -> memref<1x128xi32, #tpu.memory_space<vmem>>
      %dma_start3A_56 = tpu.memref_squeeze %dma_start3A_55 : memref<1x128xi32, #tpu.memory_space<vmem>> -> memref<128xi32, #tpu.memory_space<vmem>>
      %dma_start3A_57 = arith.constant 0 : i32
      %dma_start3A_58 = arith.constant 0 : i32
      %dma_start3A_59 = tpu.memref_slice %arg2[%dma_start3A_57, %dma_start3A_58] : memref<10240x128xf32, #tpu.memory_space<hbm>> -> memref<10240x128xf32, #tpu.memory_space<hbm>>
      tpu.enqueue_indirect_dma source(%dma_start3A_59 : memref<10240x128xf32, #tpu.memory_space<hbm>>) target(%arg10 : memref<128x128xf32, #tpu.memory_space<vmem>>) offsets(%dma_start3A_56 : memref<128xi32, #tpu.memory_space<vmem>>) semaphore(%arg13 : memref<!tpu.dma_semaphore, #tpu.memory_space<semaphore_mem>>)
      %mul3A_60 = arith.constant 2 : i32
      %mul3A_61 = arith.muli %mul3A_60, %scan3A_47 : i32
      %dma_wait3A_62 = arith.constant 0 : i32
      %dma_wait3A_63 = tpu.memref_slice %arg7[%mul3A_61, %dma_wait3A_62] : memref<40x128xi32, #tpu.memory_space<vmem>> -> memref<1x128xi32, #tpu.memory_space<vmem>>
      %dma_wait3A_64 = tpu.memref_squeeze %dma_wait3A_63 : memref<1x128xi32, #tpu.memory_space<vmem>> -> memref<128xi32, #tpu.memory_space<vmem>>
      %dma_wait3A_65 = arith.constant 0 : i32
      %dma_wait3A_66 = arith.constant 0 : i32
      %dma_wait3A_67 = tpu.memref_slice %arg2[%dma_wait3A_65, %dma_wait3A_66] : memref<10240x128xf32, #tpu.memory_space<hbm>> -> memref<10240x128xf32, #tpu.memory_space<hbm>>
      tpu.wait_indirect_dma semaphore(%arg12 : memref<!tpu.dma_semaphore, #tpu.memory_space<semaphore_mem>>) src(%dma_wait3A_67 : memref<10240x128xf32, #tpu.memory_space<hbm>>) dst(%arg9 : memref<128x128xf32, #tpu.memory_space<vmem>>)
      %mul3A_68 = arith.constant 2 : i32
      %mul3A_69 = arith.muli %mul3A_68, %scan3A_47 : i32
      %dma_start3A_70 = arith.constant 0 : i32
      %dma_start3A_71 = tpu.memref_slice %arg8[%mul3A_69, %dma_start3A_70] : memref<40x128xi32, #tpu.memory_space<vmem>> -> memref<1x128xi32, #tpu.memory_space<vmem>>
      %dma_start3A_72 = tpu.memref_squeeze %dma_start3A_71 : memref<1x128xi32, #tpu.memory_space<vmem>> -> memref<128xi32, #tpu.memory_space<vmem>>
      %dma_start3A_73 = arith.constant 0 : i32
      %dma_start3A_74 = arith.constant 0 : i32
      %dma_start3A_75 = tpu.memref_slice %arg11[%dma_start3A_73, %dma_start3A_74] : memref<10240x128xf32, #tpu.memory_space<vmem_shared>> -> memref<10240x128xf32, #tpu.memory_space<vmem_shared>>
      tpu.enqueue_indirect_dma source(%arg9 : memref<128x128xf32, #tpu.memory_space<vmem>>) target(%dma_start3A_75 : memref<10240x128xf32, #tpu.memory_space<vmem_shared>>) offsets(%dma_start3A_72 : memref<128xi32, #tpu.memory_space<vmem>>) semaphore(%arg14 : memref<!tpu.dma_semaphore, #tpu.memory_space<semaphore_mem>>) {add = true}
      %mul3A_76 = arith.constant 2 : i32
      %mul3A_77 = arith.muli %mul3A_76, %scan3A_47 : i32
      %dma_wait3A_78 = arith.constant 0 : i32
      %dma_wait3A_79 = tpu.memref_slice %arg8[%mul3A_77, %dma_wait3A_78] : memref<40x128xi32, #tpu.memory_space<vmem>> -> memref<1x128xi32, #tpu.memory_space<vmem>>
      %dma_wait3A_80 = tpu.memref_squeeze %dma_wait3A_79 : memref<1x128xi32, #tpu.memory_space<vmem>> -> memref<128xi32, #tpu.memory_space<vmem>>
      %dma_wait3A_81 = arith.constant 0 : i32
      %dma_wait3A_82 = arith.constant 0 : i32
      %dma_wait3A_83 = tpu.memref_slice %arg11[%dma_wait3A_81, %dma_wait3A_82] : memref<10240x128xf32, #tpu.memory_space<vmem_shared>> -> memref<10240x128xf32, #tpu.memory_space<vmem_shared>>
      tpu.wait_indirect_dma semaphore(%arg14 : memref<!tpu.dma_semaphore, #tpu.memory_space<semaphore_mem>>) src(%arg9 : memref<128x128xf32, #tpu.memory_space<vmem>>) dst(%dma_wait3A_83 : memref<10240x128xf32, #tpu.memory_space<vmem_shared>>)
      %add3A_84 = arith.constant 1 : i32
      %add3A_85 = arith.addi %scan3A_47, %add3A_84 : i32
      %lt3A = arith.constant 20 : i32
      %lt3A_86 = arith.cmpi slt, %add3A_85, %lt3A : i32
      %convert_element_type3A_87 = arith.extui %lt3A_86 : i1 to i32
      %cond3A_88 = arith.constant 0 : i32
      %cond3A_89 = arith.cmpi ne, %convert_element_type3A_87, %cond3A_88 : i32
      scf.if %cond3A_89 {
        %mul3A_110 = arith.constant 2 : i32
        %mul3A_111 = arith.muli %mul3A_110, %scan3A_47 : i32
        %add3A_112 = arith.constant 2 : i32
        %add3A_113 = arith.addi %mul3A_111, %add3A_112 : i32
        %dma_start3A_114 = arith.constant 0 : i32
        %dma_start3A_115 = tpu.memref_slice %arg7[%add3A_113, %dma_start3A_114] : memref<40x128xi32, #tpu.memory_space<vmem>> -> memref<1x128xi32, #tpu.memory_space<vmem>>
        %dma_start3A_116 = tpu.memref_squeeze %dma_start3A_115 : memref<1x128xi32, #tpu.memory_space<vmem>> -> memref<128xi32, #tpu.memory_space<vmem>>
        %dma_start3A_117 = arith.constant 0 : i32
        %dma_start3A_118 = arith.constant 0 : i32
        %dma_start3A_119 = tpu.memref_slice %arg2[%dma_start3A_117, %dma_start3A_118] : memref<10240x128xf32, #tpu.memory_space<hbm>> -> memref<10240x128xf32, #tpu.memory_space<hbm>>
        tpu.enqueue_indirect_dma source(%dma_start3A_119 : memref<10240x128xf32, #tpu.memory_space<hbm>>) target(%arg9 : memref<128x128xf32, #tpu.memory_space<vmem>>) offsets(%dma_start3A_116 : memref<128xi32, #tpu.memory_space<vmem>>) semaphore(%arg12 : memref<!tpu.dma_semaphore, #tpu.memory_space<semaphore_mem>>)
      } else {
      }
      %mul3A_90 = arith.constant 2 : i32
      %mul3A_91 = arith.muli %mul3A_90, %scan3A_47 : i32
      %add3A_92 = arith.constant 1 : i32
      %add3A_93 = arith.addi %mul3A_91, %add3A_92 : i32
      %dma_wait3A_94 = arith.constant 0 : i32
      %dma_wait3A_95 = tpu.memref_slice %arg7[%add3A_93, %dma_wait3A_94] : memref<40x128xi32, #tpu.memory_space<vmem>> -> memref<1x128xi32, #tpu.memory_space<vmem>>
      %dma_wait3A_96 = tpu.memref_squeeze %dma_wait3A_95 : memref<1x128xi32, #tpu.memory_space<vmem>> -> memref<128xi32, #tpu.memory_space<vmem>>
      %dma_wait3A_97 = arith.constant 0 : i32
      %dma_wait3A_98 = arith.constant 0 : i32
      %dma_wait3A_99 = tpu.memref_slice %arg2[%dma_wait3A_97, %dma_wait3A_98] : memref<10240x128xf32, #tpu.memory_space<hbm>> -> memref<10240x128xf32, #tpu.memory_space<hbm>>
      tpu.wait_indirect_dma semaphore(%arg13 : memref<!tpu.dma_semaphore, #tpu.memory_space<semaphore_mem>>) src(%dma_wait3A_99 : memref<10240x128xf32, #tpu.memory_space<hbm>>) dst(%arg10 : memref<128x128xf32, #tpu.memory_space<vmem>>)
      %mul3A_100 = arith.constant 2 : i32
      %mul3A_101 = arith.muli %mul3A_100, %scan3A_47 : i32
      %add3A_102 = arith.constant 1 : i32
      %add3A_103 = arith.addi %mul3A_101, %add3A_102 : i32
      %dma_start3A_104 = arith.constant 0 : i32
      %dma_start3A_105 = tpu.memref_slice %arg8[%add3A_103, %dma_start3A_104] : memref<40x128xi32, #tpu.memory_space<vmem>> -> memref<1x128xi32, #tpu.memory_space<vmem>>
      %dma_start3A_106 = tpu.memref_squeeze %dma_start3A_105 : memref<1x128xi32, #tpu.memory_space<vmem>> -> memref<128xi32, #tpu.memory_space<vmem>>
      %dma_start3A_107 = arith.constant 0 : i32
      %dma_start3A_108 = arith.constant 0 : i32
      %dma_start3A_109 = tpu.memref_slice %arg11[%dma_start3A_107, %dma_start3A_108] : memref<10240x128xf32, #tpu.memory_space<vmem_shared>> -> memref<10240x128xf32, #tpu.memory_space<vmem_shared>>
      tpu.enqueue_indirect_dma source(%arg10 : memref<128x128xf32, #tpu.memory_space<vmem>>) target(%dma_start3A_109 : memref<10240x128xf32, #tpu.memory_space<vmem_shared>>) offsets(%dma_start3A_106 : memref<128xi32, #tpu.memory_space<vmem>>) semaphore(%arg15 : memref<!tpu.dma_semaphore, #tpu.memory_space<semaphore_mem>>) {add = true}
    }
    %scan3A_34 = arith.constant 20 : i32
    %dma_wait3A_35 = arith.constant 39 : i32
    %dma_wait3A_36 = arith.constant 0 : i32
    %dma_wait3A_37 = tpu.memref_slice %arg8[%dma_wait3A_35, %dma_wait3A_36] : memref<40x128xi32, #tpu.memory_space<vmem>> -> memref<1x128xi32, #tpu.memory_space<vmem>>
    %dma_wait3A_38 = tpu.memref_squeeze %dma_wait3A_37 : memref<1x128xi32, #tpu.memory_space<vmem>> -> memref<128xi32, #tpu.memory_space<vmem>>
    %dma_wait3A_39 = arith.constant 0 : i32
    %dma_wait3A_40 = arith.constant 0 : i32
    %dma_wait3A_41 = tpu.memref_slice %arg11[%dma_wait3A_39, %dma_wait3A_40] : memref<10240x128xf32, #tpu.memory_space<vmem_shared>> -> memref<10240x128xf32, #tpu.memory_space<vmem_shared>>
    tpu.wait_indirect_dma semaphore(%arg15 : memref<!tpu.dma_semaphore, #tpu.memory_space<semaphore_mem>>) src(%arg10 : memref<128x128xf32, #tpu.memory_space<vmem>>) dst(%dma_wait3A_41 : memref<10240x128xf32, #tpu.memory_space<vmem_shared>>)
    %barrier3A_42 = arith.constant 0 : index
    tpu.barrier barrier_id(%barrier3A_42)
    %mul3A_43 = arith.constant 640 : i32
    %mul3A_44 = arith.muli %arg1, %mul3A_43 : i32
    %mul3A_45 = arith.constant 640 : i32
    %mul3A_46 = arith.muli %arg1, %mul3A_45 : i32
    "tpu.region"() ({
      %run_scoped3A = tpu.sem_alloc : memref<!tpu.dma_semaphore, #tpu.memory_space<semaphore_mem>>
      %dma_start3A_47 = arith.constant 0 : i32
      %dma_start3A_48 = tpu.memref_slice %arg6[%arg0, %mul3A_46, %dma_start3A_47] : memref<2x10240x128xf32, #tpu.memory_space<hbm>> -> memref<1x640x128xf32, #tpu.memory_space<hbm>>
      %dma_start3A_49 = tpu.memref_squeeze %dma_start3A_48 : memref<1x640x128xf32, #tpu.memory_space<hbm>> -> memref<640x128xf32, #tpu.memory_space<hbm>>
      %dma_start3A_50 = arith.constant 0 : i32
      %dma_start3A_51 = tpu.memref_slice %arg11[%mul3A_44, %dma_start3A_50] : memref<10240x128xf32, #tpu.memory_space<vmem_shared>> -> memref<640x128xf32, #tpu.memory_space<vmem_shared>>
      tpu.enqueue_dma source(%dma_start3A_51 : memref<640x128xf32, #tpu.memory_space<vmem_shared>>) target(%dma_start3A_49 : memref<640x128xf32, #tpu.memory_space<hbm>>) target_semaphore(%run_scoped3A : memref<!tpu.dma_semaphore, #tpu.memory_space<semaphore_mem>>)
      %dma_wait3A_52 = arith.constant 0 : i32
      %dma_wait3A_53 = tpu.memref_slice %arg6[%arg0, %mul3A_46, %dma_wait3A_52] : memref<2x10240x128xf32, #tpu.memory_space<hbm>> -> memref<1x640x128xf32, #tpu.memory_space<hbm>>
      %dma_wait3A_54 = tpu.memref_squeeze %dma_wait3A_53 : memref<1x640x128xf32, #tpu.memory_space<hbm>> -> memref<640x128xf32, #tpu.memory_space<hbm>>
      %dma_wait3A_55 = arith.constant 0 : i32
      %dma_wait3A_56 = tpu.memref_slice %arg11[%mul3A_44, %dma_wait3A_55] : memref<10240x128xf32, #tpu.memory_space<vmem_shared>> -> memref<640x128xf32, #tpu.memory_space<vmem_shared>>
      tpu.wait_dma2 semaphore(%run_scoped3A : memref<!tpu.dma_semaphore, #tpu.memory_space<semaphore_mem>>) src(%dma_wait3A_56 : memref<640x128xf32, #tpu.memory_space<vmem_shared>>) dst(%dma_wait3A_54 : memref<640x128xf32, #tpu.memory_space<hbm>>)
      tpu.yield
    }) : () -> ()
    return
  }
}

#map = affine_map<(d0, d1) -> (0, 0)>
#map1 = affine_map<(d0, d1) -> (0, 0, 0)>
module attributes {stable_mosaic.version = 14 : i64} {
  func.func @prop_kernel(%arg0: i32, %arg1: i32, %arg2: memref<10240x128xf32, #tpu.memory_space<hbm>>, %arg3: memref<32x80x128xi32, #tpu.memory_space<hbm>>, %arg4: memref<32x80x128xi32, #tpu.memory_space<hbm>>, %arg5: memref<10240x128xf32, #tpu.memory_space<hbm>>, %arg6: memref<2x10240x128xf32, #tpu.memory_space<hbm>>, %arg7: memref<40x128xi32, #tpu.memory_space<vmem>>, %arg8: memref<40x128xi32, #tpu.memory_space<vmem>>, %arg9: memref<128x128xf32, #tpu.memory_space<vmem>>, %arg10: memref<128x128xf32, #tpu.memory_space<vmem>>, %arg11: memref<10240x128xf32, #tpu.memory_space<vmem_shared>>, %arg12: memref<!tpu.dma_semaphore, #tpu.memory_space<semaphore_mem>>, %arg13: memref<!tpu.dma_semaphore, #tpu.memory_space<semaphore_mem>>, %arg14: memref<!tpu.dma_semaphore, #tpu.memory_space<semaphore_mem>>, %arg15: memref<!tpu.dma_semaphore, #tpu.memory_space<semaphore_mem>>) attributes {dimension_semantics = [#tpu.dimension_semantics<core_parallel>, #tpu.dimension_semantics<subcore_parallel>], iteration_bounds = array<i64: 2, 16>, scalar_prefetch = 0 : i64, scratch_operands = 9 : i64, tpu.core_type = #tpu.core_type<sc_vector_subcore>, window_params = [{transform_indices = #map}, {transform_indices = #map1}, {transform_indices = #map1}, {transform_indices = #map}, {transform_indices = #map1}]} {
    %mul3A = arith.constant 16 : i32
    %mul3A_0 = arith.muli %arg0, %mul3A : i32
    %add3A = arith.addi %mul3A_0, %arg1 : i32
    %mul3A_1 = arith.constant 640 : i32
    %mul3A_2 = arith.muli %arg1, %mul3A_1 : i32
    %mul3A_3 = arith.constant 640 : i32
    %mul3A_4 = arith.muli %arg1, %mul3A_3 : i32
    "tpu.region"() ({
      %run_scoped3A = tpu.sem_alloc : memref<!tpu.dma_semaphore, #tpu.memory_space<semaphore_mem>>
      %dma_start3A_47 = arith.constant 0 : i32
      %dma_start3A_48 = tpu.memref_slice %arg11[%mul3A_4, %dma_start3A_47] : memref<10240x128xf32, #tpu.memory_space<vmem_shared>> -> memref<640x128xf32, #tpu.memory_space<vmem_shared>>
      %dma_start3A_49 = arith.constant 0 : i32
      %dma_start3A_50 = tpu.memref_slice %arg5[%mul3A_2, %dma_start3A_49] : memref<10240x128xf32, #tpu.memory_space<hbm>> -> memref<640x128xf32, #tpu.memory_space<hbm>>
      tpu.enqueue_dma source(%dma_start3A_50 : memref<640x128xf32, #tpu.memory_space<hbm>>) target(%dma_start3A_48 : memref<640x128xf32, #tpu.memory_space<vmem_shared>>) target_semaphore(%run_scoped3A : memref<!tpu.dma_semaphore, #tpu.memory_space<semaphore_mem>>)
      %dma_wait3A_51 = arith.constant 0 : i32
      %dma_wait3A_52 = tpu.memref_slice %arg11[%mul3A_4, %dma_wait3A_51] : memref<10240x128xf32, #tpu.memory_space<vmem_shared>> -> memref<640x128xf32, #tpu.memory_space<vmem_shared>>
      %dma_wait3A_53 = arith.constant 0 : i32
      %dma_wait3A_54 = tpu.memref_slice %arg5[%mul3A_2, %dma_wait3A_53] : memref<10240x128xf32, #tpu.memory_space<hbm>> -> memref<640x128xf32, #tpu.memory_space<hbm>>
      tpu.wait_dma2 semaphore(%run_scoped3A : memref<!tpu.dma_semaphore, #tpu.memory_space<semaphore_mem>>) src(%dma_wait3A_54 : memref<640x128xf32, #tpu.memory_space<hbm>>) dst(%dma_wait3A_52 : memref<640x128xf32, #tpu.memory_space<vmem_shared>>)
      tpu.yield
    }) : () -> ()
    %barrier3A = arith.constant 0 : index
    tpu.barrier barrier_id(%barrier3A)
    "tpu.region"() ({
      %run_scoped3A = tpu.sem_alloc : memref<!tpu.dma_semaphore, #tpu.memory_space<semaphore_mem>>
      %dma_start3A_47 = arith.constant 0 : i32
      %dma_start3A_48 = arith.constant 0 : i32
      %dma_start3A_49 = tpu.memref_slice %arg3[%add3A, %dma_start3A_47, %dma_start3A_48] : memref<32x80x128xi32, #tpu.memory_space<hbm>> -> memref<1x40x128xi32, #tpu.memory_space<hbm>>
      %dma_start3A_50 = tpu.memref_squeeze %dma_start3A_49 : memref<1x40x128xi32, #tpu.memory_space<hbm>> -> memref<40x128xi32, #tpu.memory_space<hbm>>
      %dma_start3A_51 = arith.constant 0 : i32
      %dma_start3A_52 = arith.constant 0 : i32
      %dma_start3A_53 = tpu.memref_slice %arg3[%add3A, %dma_start3A_51, %dma_start3A_52] : memref<32x80x128xi32, #tpu.memory_space<hbm>> -> memref<1x40x128xi32, #tpu.memory_space<hbm>>
      %dma_start3A_54 = tpu.memref_squeeze %dma_start3A_53 : memref<1x40x128xi32, #tpu.memory_space<hbm>> -> memref<40x128xi32, #tpu.memory_space<hbm>>
      tpu.enqueue_dma source(%dma_start3A_54 : memref<40x128xi32, #tpu.memory_space<hbm>>) target(%arg7 : memref<40x128xi32, #tpu.memory_space<vmem>>) target_semaphore(%run_scoped3A : memref<!tpu.dma_semaphore, #tpu.memory_space<semaphore_mem>>)
      %dma_wait3A_55 = arith.constant 0 : i32
      %dma_wait3A_56 = arith.constant 0 : i32
      %dma_wait3A_57 = tpu.memref_slice %arg3[%add3A, %dma_wait3A_55, %dma_wait3A_56] : memref<32x80x128xi32, #tpu.memory_space<hbm>> -> memref<1x40x128xi32, #tpu.memory_space<hbm>>
      %dma_wait3A_58 = tpu.memref_squeeze %dma_wait3A_57 : memref<1x40x128xi32, #tpu.memory_space<hbm>> -> memref<40x128xi32, #tpu.memory_space<hbm>>
      %dma_wait3A_59 = arith.constant 0 : i32
      %dma_wait3A_60 = arith.constant 0 : i32
      %dma_wait3A_61 = tpu.memref_slice %arg3[%add3A, %dma_wait3A_59, %dma_wait3A_60] : memref<32x80x128xi32, #tpu.memory_space<hbm>> -> memref<1x40x128xi32, #tpu.memory_space<hbm>>
      %dma_wait3A_62 = tpu.memref_squeeze %dma_wait3A_61 : memref<1x40x128xi32, #tpu.memory_space<hbm>> -> memref<40x128xi32, #tpu.memory_space<hbm>>
      tpu.wait_dma2 semaphore(%run_scoped3A : memref<!tpu.dma_semaphore, #tpu.memory_space<semaphore_mem>>) src(%dma_wait3A_62 : memref<40x128xi32, #tpu.memory_space<hbm>>) dst(%arg7 : memref<40x128xi32, #tpu.memory_space<vmem>>)
      tpu.yield
    }) : () -> ()
    "tpu.region"() ({
      %run_scoped3A = tpu.sem_alloc : memref<!tpu.dma_semaphore, #tpu.memory_space<semaphore_mem>>
      %dma_start3A_47 = arith.constant 0 : i32
      %dma_start3A_48 = arith.constant 0 : i32
      %dma_start3A_49 = tpu.memref_slice %arg4[%add3A, %dma_start3A_47, %dma_start3A_48] : memref<32x80x128xi32, #tpu.memory_space<hbm>> -> memref<1x40x128xi32, #tpu.memory_space<hbm>>
      %dma_start3A_50 = tpu.memref_squeeze %dma_start3A_49 : memref<1x40x128xi32, #tpu.memory_space<hbm>> -> memref<40x128xi32, #tpu.memory_space<hbm>>
      %dma_start3A_51 = arith.constant 0 : i32
      %dma_start3A_52 = arith.constant 0 : i32
      %dma_start3A_53 = tpu.memref_slice %arg4[%add3A, %dma_start3A_51, %dma_start3A_52] : memref<32x80x128xi32, #tpu.memory_space<hbm>> -> memref<1x40x128xi32, #tpu.memory_space<hbm>>
      %dma_start3A_54 = tpu.memref_squeeze %dma_start3A_53 : memref<1x40x128xi32, #tpu.memory_space<hbm>> -> memref<40x128xi32, #tpu.memory_space<hbm>>
      tpu.enqueue_dma source(%dma_start3A_54 : memref<40x128xi32, #tpu.memory_space<hbm>>) target(%arg8 : memref<40x128xi32, #tpu.memory_space<vmem>>) target_semaphore(%run_scoped3A : memref<!tpu.dma_semaphore, #tpu.memory_space<semaphore_mem>>)
      %dma_wait3A_55 = arith.constant 0 : i32
      %dma_wait3A_56 = arith.constant 0 : i32
      %dma_wait3A_57 = tpu.memref_slice %arg4[%add3A, %dma_wait3A_55, %dma_wait3A_56] : memref<32x80x128xi32, #tpu.memory_space<hbm>> -> memref<1x40x128xi32, #tpu.memory_space<hbm>>
      %dma_wait3A_58 = tpu.memref_squeeze %dma_wait3A_57 : memref<1x40x128xi32, #tpu.memory_space<hbm>> -> memref<40x128xi32, #tpu.memory_space<hbm>>
      %dma_wait3A_59 = arith.constant 0 : i32
      %dma_wait3A_60 = arith.constant 0 : i32
      %dma_wait3A_61 = tpu.memref_slice %arg4[%add3A, %dma_wait3A_59, %dma_wait3A_60] : memref<32x80x128xi32, #tpu.memory_space<hbm>> -> memref<1x40x128xi32, #tpu.memory_space<hbm>>
      %dma_wait3A_62 = tpu.memref_squeeze %dma_wait3A_61 : memref<1x40x128xi32, #tpu.memory_space<hbm>> -> memref<40x128xi32, #tpu.memory_space<hbm>>
      tpu.wait_dma2 semaphore(%run_scoped3A : memref<!tpu.dma_semaphore, #tpu.memory_space<semaphore_mem>>) src(%dma_wait3A_62 : memref<40x128xi32, #tpu.memory_space<hbm>>) dst(%arg8 : memref<40x128xi32, #tpu.memory_space<vmem>>)
      tpu.yield
    }) : () -> ()
    %dma_start3A = arith.constant 0 : i32
    %dma_start3A_5 = arith.constant 0 : i32
    %dma_start3A_6 = tpu.memref_slice %arg7[%dma_start3A, %dma_start3A_5] : memref<40x128xi32, #tpu.memory_space<vmem>> -> memref<1x128xi32, #tpu.memory_space<vmem>>
    %dma_start3A_7 = tpu.memref_squeeze %dma_start3A_6 : memref<1x128xi32, #tpu.memory_space<vmem>> -> memref<128xi32, #tpu.memory_space<vmem>>
    %dma_start3A_8 = arith.constant 0 : i32
    %dma_start3A_9 = arith.constant 0 : i32
    %dma_start3A_10 = tpu.memref_slice %arg2[%dma_start3A_8, %dma_start3A_9] : memref<10240x128xf32, #tpu.memory_space<hbm>> -> memref<10240x128xf32, #tpu.memory_space<hbm>>
    tpu.enqueue_indirect_dma source(%dma_start3A_10 : memref<10240x128xf32, #tpu.memory_space<hbm>>) target(%arg9 : memref<128x128xf32, #tpu.memory_space<vmem>>) offsets(%dma_start3A_7 : memref<128xi32, #tpu.memory_space<vmem>>) semaphore(%arg12 : memref<!tpu.dma_semaphore, #tpu.memory_space<semaphore_mem>>)
    %scan3A = arith.constant 0 : i32
    %scan3A_11 = arith.constant 0 : i32
    %scan3A_12 = arith.constant 20 : i32
    %scan3A_13 = arith.addi %scan3A_11, %scan3A_12 : i32
    %scan3A_14 = arith.constant 1 : i32
    scf.for %scan3A_47 = %scan3A_11 to %scan3A_13 step %scan3A_14  : i32 {
      %ge3A = arith.constant 1 : i32
      %ge3A_48 = arith.cmpi sge, %scan3A_47, %ge3A : i32
      %convert_element_type3A = arith.extui %ge3A_48 : i1 to i32
      %cond3A = arith.constant 0 : i32
      %cond3A_49 = arith.cmpi ne, %convert_element_type3A, %cond3A : i32
      scf.if %cond3A_49 {
        %mul3A_110 = arith.constant 2 : i32
        %mul3A_111 = arith.muli %mul3A_110, %scan3A_47 : i32
        %sub3A = arith.constant 1 : i32
        %sub3A_112 = arith.subi %mul3A_111, %sub3A : i32
        %dma_wait3A_113 = arith.constant 0 : i32
        %dma_wait3A_114 = tpu.memref_slice %arg8[%sub3A_112, %dma_wait3A_113] : memref<40x128xi32, #tpu.memory_space<vmem>> -> memref<1x128xi32, #tpu.memory_space<vmem>>
        %dma_wait3A_115 = tpu.memref_squeeze %dma_wait3A_114 : memref<1x128xi32, #tpu.memory_space<vmem>> -> memref<128xi32, #tpu.memory_space<vmem>>
        %dma_wait3A_116 = arith.constant 0 : i32
        %dma_wait3A_117 = arith.constant 0 : i32
        %dma_wait3A_118 = tpu.memref_slice %arg11[%dma_wait3A_116, %dma_wait3A_117] : memref<10240x128xf32, #tpu.memory_space<vmem_shared>> -> memref<10240x128xf32, #tpu.memory_space<vmem_shared>>
        tpu.wait_indirect_dma semaphore(%arg15 : memref<!tpu.dma_semaphore, #tpu.memory_space<semaphore_mem>>) src(%arg10 : memref<128x128xf32, #tpu.memory_space<vmem>>) dst(%dma_wait3A_118 : memref<10240x128xf32, #tpu.memory_space<vmem_shared>>)
      } else {
      }
      %mul3A_50 = arith.constant 2 : i32
      %mul3A_51 = arith.muli %mul3A_50, %scan3A_47 : i32
      %add3A_52 = arith.constant 1 : i32
      %add3A_53 = arith.addi %mul3A_51, %add3A_52 : i32
      %dma_start3A_54 = arith.constant 0 : i32
      %dma_start3A_55 = tpu.memref_slice %arg7[%add3A_53, %dma_start3A_54] : memref<40x128xi32, #tpu.memory_space<vmem>> -> memref<1x128xi32, #tpu.memory_space<vmem>>
      %dma_start3A_56 = tpu.memref_squeeze %dma_start3A_55 : memref<1x128xi32, #tpu.memory_space<vmem>> -> memref<128xi32, #tpu.memory_space<vmem>>
      %dma_start3A_57 = arith.constant 0 : i32
      %dma_start3A_58 = arith.constant 0 : i32
      %dma_start3A_59 = tpu.memref_slice %arg2[%dma_start3A_57, %dma_start3A_58] : memref<10240x128xf32, #tpu.memory_space<hbm>> -> memref<10240x128xf32, #tpu.memory_space<hbm>>
      tpu.enqueue_indirect_dma source(%dma_start3A_59 : memref<10240x128xf32, #tpu.memory_space<hbm>>) target(%arg10 : memref<128x128xf32, #tpu.memory_space<vmem>>) offsets(%dma_start3A_56 : memref<128xi32, #tpu.memory_space<vmem>>) semaphore(%arg13 : memref<!tpu.dma_semaphore, #tpu.memory_space<semaphore_mem>>)
      %mul3A_60 = arith.constant 2 : i32
      %mul3A_61 = arith.muli %mul3A_60, %scan3A_47 : i32
      %dma_wait3A_62 = arith.constant 0 : i32
      %dma_wait3A_63 = tpu.memref_slice %arg7[%mul3A_61, %dma_wait3A_62] : memref<40x128xi32, #tpu.memory_space<vmem>> -> memref<1x128xi32, #tpu.memory_space<vmem>>
      %dma_wait3A_64 = tpu.memref_squeeze %dma_wait3A_63 : memref<1x128xi32, #tpu.memory_space<vmem>> -> memref<128xi32, #tpu.memory_space<vmem>>
      %dma_wait3A_65 = arith.constant 0 : i32
      %dma_wait3A_66 = arith.constant 0 : i32
      %dma_wait3A_67 = tpu.memref_slice %arg2[%dma_wait3A_65, %dma_wait3A_66] : memref<10240x128xf32, #tpu.memory_space<hbm>> -> memref<10240x128xf32, #tpu.memory_space<hbm>>
      tpu.wait_indirect_dma semaphore(%arg12 : memref<!tpu.dma_semaphore, #tpu.memory_space<semaphore_mem>>) src(%dma_wait3A_67 : memref<10240x128xf32, #tpu.memory_space<hbm>>) dst(%arg9 : memref<128x128xf32, #tpu.memory_space<vmem>>)
      %mul3A_68 = arith.constant 2 : i32
      %mul3A_69 = arith.muli %mul3A_68, %scan3A_47 : i32
      %dma_start3A_70 = arith.constant 0 : i32
      %dma_start3A_71 = tpu.memref_slice %arg8[%mul3A_69, %dma_start3A_70] : memref<40x128xi32, #tpu.memory_space<vmem>> -> memref<1x128xi32, #tpu.memory_space<vmem>>
      %dma_start3A_72 = tpu.memref_squeeze %dma_start3A_71 : memref<1x128xi32, #tpu.memory_space<vmem>> -> memref<128xi32, #tpu.memory_space<vmem>>
      %dma_start3A_73 = arith.constant 0 : i32
      %dma_start3A_74 = arith.constant 0 : i32
      %dma_start3A_75 = tpu.memref_slice %arg11[%dma_start3A_73, %dma_start3A_74] : memref<10240x128xf32, #tpu.memory_space<vmem_shared>> -> memref<10240x128xf32, #tpu.memory_space<vmem_shared>>
      tpu.enqueue_indirect_dma source(%arg9 : memref<128x128xf32, #tpu.memory_space<vmem>>) target(%dma_start3A_75 : memref<10240x128xf32, #tpu.memory_space<vmem_shared>>) offsets(%dma_start3A_72 : memref<128xi32, #tpu.memory_space<vmem>>) semaphore(%arg14 : memref<!tpu.dma_semaphore, #tpu.memory_space<semaphore_mem>>) {add = true}
      %mul3A_76 = arith.constant 2 : i32
      %mul3A_77 = arith.muli %mul3A_76, %scan3A_47 : i32
      %dma_wait3A_78 = arith.constant 0 : i32
      %dma_wait3A_79 = tpu.memref_slice %arg8[%mul3A_77, %dma_wait3A_78] : memref<40x128xi32, #tpu.memory_space<vmem>> -> memref<1x128xi32, #tpu.memory_space<vmem>>
      %dma_wait3A_80 = tpu.memref_squeeze %dma_wait3A_79 : memref<1x128xi32, #tpu.memory_space<vmem>> -> memref<128xi32, #tpu.memory_space<vmem>>
      %dma_wait3A_81 = arith.constant 0 : i32
      %dma_wait3A_82 = arith.constant 0 : i32
      %dma_wait3A_83 = tpu.memref_slice %arg11[%dma_wait3A_81, %dma_wait3A_82] : memref<10240x128xf32, #tpu.memory_space<vmem_shared>> -> memref<10240x128xf32, #tpu.memory_space<vmem_shared>>
      tpu.wait_indirect_dma semaphore(%arg14 : memref<!tpu.dma_semaphore, #tpu.memory_space<semaphore_mem>>) src(%arg9 : memref<128x128xf32, #tpu.memory_space<vmem>>) dst(%dma_wait3A_83 : memref<10240x128xf32, #tpu.memory_space<vmem_shared>>)
      %add3A_84 = arith.constant 1 : i32
      %add3A_85 = arith.addi %scan3A_47, %add3A_84 : i32
      %lt3A = arith.constant 20 : i32
      %lt3A_86 = arith.cmpi slt, %add3A_85, %lt3A : i32
      %convert_element_type3A_87 = arith.extui %lt3A_86 : i1 to i32
      %cond3A_88 = arith.constant 0 : i32
      %cond3A_89 = arith.cmpi ne, %convert_element_type3A_87, %cond3A_88 : i32
      scf.if %cond3A_89 {
        %mul3A_110 = arith.constant 2 : i32
        %mul3A_111 = arith.muli %mul3A_110, %scan3A_47 : i32
        %add3A_112 = arith.constant 2 : i32
        %add3A_113 = arith.addi %mul3A_111, %add3A_112 : i32
        %dma_start3A_114 = arith.constant 0 : i32
        %dma_start3A_115 = tpu.memref_slice %arg7[%add3A_113, %dma_start3A_114] : memref<40x128xi32, #tpu.memory_space<vmem>> -> memref<1x128xi32, #tpu.memory_space<vmem>>
        %dma_start3A_116 = tpu.memref_squeeze %dma_start3A_115 : memref<1x128xi32, #tpu.memory_space<vmem>> -> memref<128xi32, #tpu.memory_space<vmem>>
        %dma_start3A_117 = arith.constant 0 : i32
        %dma_start3A_118 = arith.constant 0 : i32
        %dma_start3A_119 = tpu.memref_slice %arg2[%dma_start3A_117, %dma_start3A_118] : memref<10240x128xf32, #tpu.memory_space<hbm>> -> memref<10240x128xf32, #tpu.memory_space<hbm>>
        tpu.enqueue_indirect_dma source(%dma_start3A_119 : memref<10240x128xf32, #tpu.memory_space<hbm>>) target(%arg9 : memref<128x128xf32, #tpu.memory_space<vmem>>) offsets(%dma_start3A_116 : memref<128xi32, #tpu.memory_space<vmem>>) semaphore(%arg12 : memref<!tpu.dma_semaphore, #tpu.memory_space<semaphore_mem>>)
      } else {
      }
      %mul3A_90 = arith.constant 2 : i32
      %mul3A_91 = arith.muli %mul3A_90, %scan3A_47 : i32
      %add3A_92 = arith.constant 1 : i32
      %add3A_93 = arith.addi %mul3A_91, %add3A_92 : i32
      %dma_wait3A_94 = arith.constant 0 : i32
      %dma_wait3A_95 = tpu.memref_slice %arg7[%add3A_93, %dma_wait3A_94] : memref<40x128xi32, #tpu.memory_space<vmem>> -> memref<1x128xi32, #tpu.memory_space<vmem>>
      %dma_wait3A_96 = tpu.memref_squeeze %dma_wait3A_95 : memref<1x128xi32, #tpu.memory_space<vmem>> -> memref<128xi32, #tpu.memory_space<vmem>>
      %dma_wait3A_97 = arith.constant 0 : i32
      %dma_wait3A_98 = arith.constant 0 : i32
      %dma_wait3A_99 = tpu.memref_slice %arg2[%dma_wait3A_97, %dma_wait3A_98] : memref<10240x128xf32, #tpu.memory_space<hbm>> -> memref<10240x128xf32, #tpu.memory_space<hbm>>
      tpu.wait_indirect_dma semaphore(%arg13 : memref<!tpu.dma_semaphore, #tpu.memory_space<semaphore_mem>>) src(%dma_wait3A_99 : memref<10240x128xf32, #tpu.memory_space<hbm>>) dst(%arg10 : memref<128x128xf32, #tpu.memory_space<vmem>>)
      %mul3A_100 = arith.constant 2 : i32
      %mul3A_101 = arith.muli %mul3A_100, %scan3A_47 : i32
      %add3A_102 = arith.constant 1 : i32
      %add3A_103 = arith.addi %mul3A_101, %add3A_102 : i32
      %dma_start3A_104 = arith.constant 0 : i32
      %dma_start3A_105 = tpu.memref_slice %arg8[%add3A_103, %dma_start3A_104] : memref<40x128xi32, #tpu.memory_space<vmem>> -> memref<1x128xi32, #tpu.memory_space<vmem>>
      %dma_start3A_106 = tpu.memref_squeeze %dma_start3A_105 : memref<1x128xi32, #tpu.memory_space<vmem>> -> memref<128xi32, #tpu.memory_space<vmem>>
      %dma_start3A_107 = arith.constant 0 : i32
      %dma_start3A_108 = arith.constant 0 : i32
      %dma_start3A_109 = tpu.memref_slice %arg11[%dma_start3A_107, %dma_start3A_108] : memref<10240x128xf32, #tpu.memory_space<vmem_shared>> -> memref<10240x128xf32, #tpu.memory_space<vmem_shared>>
      tpu.enqueue_indirect_dma source(%arg10 : memref<128x128xf32, #tpu.memory_space<vmem>>) target(%dma_start3A_109 : memref<10240x128xf32, #tpu.memory_space<vmem_shared>>) offsets(%dma_start3A_106 : memref<128xi32, #tpu.memory_space<vmem>>) semaphore(%arg15 : memref<!tpu.dma_semaphore, #tpu.memory_space<semaphore_mem>>) {add = true}
    }
    %scan3A_15 = arith.constant 20 : i32
    %dma_wait3A = arith.constant 39 : i32
    %dma_wait3A_16 = arith.constant 0 : i32
    %dma_wait3A_17 = tpu.memref_slice %arg8[%dma_wait3A, %dma_wait3A_16] : memref<40x128xi32, #tpu.memory_space<vmem>> -> memref<1x128xi32, #tpu.memory_space<vmem>>
    %dma_wait3A_18 = tpu.memref_squeeze %dma_wait3A_17 : memref<1x128xi32, #tpu.memory_space<vmem>> -> memref<128xi32, #tpu.memory_space<vmem>>
    %dma_wait3A_19 = arith.constant 0 : i32
    %dma_wait3A_20 = arith.constant 0 : i32
    %dma_wait3A_21 = tpu.memref_slice %arg11[%dma_wait3A_19, %dma_wait3A_20] : memref<10240x128xf32, #tpu.memory_space<vmem_shared>> -> memref<10240x128xf32, #tpu.memory_space<vmem_shared>>
    tpu.wait_indirect_dma semaphore(%arg15 : memref<!tpu.dma_semaphore, #tpu.memory_space<semaphore_mem>>) src(%arg10 : memref<128x128xf32, #tpu.memory_space<vmem>>) dst(%dma_wait3A_21 : memref<10240x128xf32, #tpu.memory_space<vmem_shared>>)
    "tpu.region"() ({
      %run_scoped3A = tpu.sem_alloc : memref<!tpu.dma_semaphore, #tpu.memory_space<semaphore_mem>>
      %dma_start3A_47 = arith.constant 40 : i32
      %dma_start3A_48 = arith.constant 0 : i32
      %dma_start3A_49 = tpu.memref_slice %arg3[%add3A, %dma_start3A_47, %dma_start3A_48] : memref<32x80x128xi32, #tpu.memory_space<hbm>> -> memref<1x40x128xi32, #tpu.memory_space<hbm>>
      %dma_start3A_50 = tpu.memref_squeeze %dma_start3A_49 : memref<1x40x128xi32, #tpu.memory_space<hbm>> -> memref<40x128xi32, #tpu.memory_space<hbm>>
      %dma_start3A_51 = arith.constant 40 : i32
      %dma_start3A_52 = arith.constant 0 : i32
      %dma_start3A_53 = tpu.memref_slice %arg3[%add3A, %dma_start3A_51, %dma_start3A_52] : memref<32x80x128xi32, #tpu.memory_space<hbm>> -> memref<1x40x128xi32, #tpu.memory_space<hbm>>
      %dma_start3A_54 = tpu.memref_squeeze %dma_start3A_53 : memref<1x40x128xi32, #tpu.memory_space<hbm>> -> memref<40x128xi32, #tpu.memory_space<hbm>>
      tpu.enqueue_dma source(%dma_start3A_54 : memref<40x128xi32, #tpu.memory_space<hbm>>) target(%arg7 : memref<40x128xi32, #tpu.memory_space<vmem>>) target_semaphore(%run_scoped3A : memref<!tpu.dma_semaphore, #tpu.memory_space<semaphore_mem>>)
      %dma_wait3A_55 = arith.constant 40 : i32
      %dma_wait3A_56 = arith.constant 0 : i32
      %dma_wait3A_57 = tpu.memref_slice %arg3[%add3A, %dma_wait3A_55, %dma_wait3A_56] : memref<32x80x128xi32, #tpu.memory_space<hbm>> -> memref<1x40x128xi32, #tpu.memory_space<hbm>>
      %dma_wait3A_58 = tpu.memref_squeeze %dma_wait3A_57 : memref<1x40x128xi32, #tpu.memory_space<hbm>> -> memref<40x128xi32, #tpu.memory_space<hbm>>
      %dma_wait3A_59 = arith.constant 40 : i32
      %dma_wait3A_60 = arith.constant 0 : i32
      %dma_wait3A_61 = tpu.memref_slice %arg3[%add3A, %dma_wait3A_59, %dma_wait3A_60] : memref<32x80x128xi32, #tpu.memory_space<hbm>> -> memref<1x40x128xi32, #tpu.memory_space<hbm>>
      %dma_wait3A_62 = tpu.memref_squeeze %dma_wait3A_61 : memref<1x40x128xi32, #tpu.memory_space<hbm>> -> memref<40x128xi32, #tpu.memory_space<hbm>>
      tpu.wait_dma2 semaphore(%run_scoped3A : memref<!tpu.dma_semaphore, #tpu.memory_space<semaphore_mem>>) src(%dma_wait3A_62 : memref<40x128xi32, #tpu.memory_space<hbm>>) dst(%arg7 : memref<40x128xi32, #tpu.memory_space<vmem>>)
      tpu.yield
    }) : () -> ()
    "tpu.region"() ({
      %run_scoped3A = tpu.sem_alloc : memref<!tpu.dma_semaphore, #tpu.memory_space<semaphore_mem>>
      %dma_start3A_47 = arith.constant 40 : i32
      %dma_start3A_48 = arith.constant 0 : i32
      %dma_start3A_49 = tpu.memref_slice %arg4[%add3A, %dma_start3A_47, %dma_start3A_48] : memref<32x80x128xi32, #tpu.memory_space<hbm>> -> memref<1x40x128xi32, #tpu.memory_space<hbm>>
      %dma_start3A_50 = tpu.memref_squeeze %dma_start3A_49 : memref<1x40x128xi32, #tpu.memory_space<hbm>> -> memref<40x128xi32, #tpu.memory_space<hbm>>
      %dma_start3A_51 = arith.constant 40 : i32
      %dma_start3A_52 = arith.constant 0 : i32
      %dma_start3A_53 = tpu.memref_slice %arg4[%add3A, %dma_start3A_51, %dma_start3A_52] : memref<32x80x128xi32, #tpu.memory_space<hbm>> -> memref<1x40x128xi32, #tpu.memory_space<hbm>>
      %dma_start3A_54 = tpu.memref_squeeze %dma_start3A_53 : memref<1x40x128xi32, #tpu.memory_space<hbm>> -> memref<40x128xi32, #tpu.memory_space<hbm>>
      tpu.enqueue_dma source(%dma_start3A_54 : memref<40x128xi32, #tpu.memory_space<hbm>>) target(%arg8 : memref<40x128xi32, #tpu.memory_space<vmem>>) target_semaphore(%run_scoped3A : memref<!tpu.dma_semaphore, #tpu.memory_space<semaphore_mem>>)
      %dma_wait3A_55 = arith.constant 40 : i32
      %dma_wait3A_56 = arith.constant 0 : i32
      %dma_wait3A_57 = tpu.memref_slice %arg4[%add3A, %dma_wait3A_55, %dma_wait3A_56] : memref<32x80x128xi32, #tpu.memory_space<hbm>> -> memref<1x40x128xi32, #tpu.memory_space<hbm>>
      %dma_wait3A_58 = tpu.memref_squeeze %dma_wait3A_57 : memref<1x40x128xi32, #tpu.memory_space<hbm>> -> memref<40x128xi32, #tpu.memory_space<hbm>>
      %dma_wait3A_59 = arith.constant 40 : i32
      %dma_wait3A_60 = arith.constant 0 : i32
      %dma_wait3A_61 = tpu.memref_slice %arg4[%add3A, %dma_wait3A_59, %dma_wait3A_60] : memref<32x80x128xi32, #tpu.memory_space<hbm>> -> memref<1x40x128xi32, #tpu.memory_space<hbm>>
      %dma_wait3A_62 = tpu.memref_squeeze %dma_wait3A_61 : memref<1x40x128xi32, #tpu.memory_space<hbm>> -> memref<40x128xi32, #tpu.memory_space<hbm>>
      tpu.wait_dma2 semaphore(%run_scoped3A : memref<!tpu.dma_semaphore, #tpu.memory_space<semaphore_mem>>) src(%dma_wait3A_62 : memref<40x128xi32, #tpu.memory_space<hbm>>) dst(%arg8 : memref<40x128xi32, #tpu.memory_space<vmem>>)
      tpu.yield
    }) : () -> ()
    %dma_start3A_22 = arith.constant 0 : i32
    %dma_start3A_23 = arith.constant 0 : i32
    %dma_start3A_24 = tpu.memref_slice %arg7[%dma_start3A_22, %dma_start3A_23] : memref<40x128xi32, #tpu.memory_space<vmem>> -> memref<1x128xi32, #tpu.memory_space<vmem>>
    %dma_start3A_25 = tpu.memref_squeeze %dma_start3A_24 : memref<1x128xi32, #tpu.memory_space<vmem>> -> memref<128xi32, #tpu.memory_space<vmem>>
    %dma_start3A_26 = arith.constant 0 : i32
    %dma_start3A_27 = arith.constant 0 : i32
    %dma_start3A_28 = tpu.memref_slice %arg2[%dma_start3A_26, %dma_start3A_27] : memref<10240x128xf32, #tpu.memory_space<hbm>> -> memref<10240x128xf32, #tpu.memory_space<hbm>>
    tpu.enqueue_indirect_dma source(%dma_start3A_28 : memref<10240x128xf32, #tpu.memory_space<hbm>>) target(%arg9 : memref<128x128xf32, #tpu.memory_space<vmem>>) offsets(%dma_start3A_25 : memref<128xi32, #tpu.memory_space<vmem>>) semaphore(%arg12 : memref<!tpu.dma_semaphore, #tpu.memory_space<semaphore_mem>>)
    %scan3A_29 = arith.constant 0 : i32
    %scan3A_30 = arith.constant 0 : i32
    %scan3A_31 = arith.constant 20 : i32
    %scan3A_32 = arith.addi %scan3A_30, %scan3A_31 : i32
    %scan3A_33 = arith.constant 1 : i32
    scf.for %scan3A_47 = %scan3A_30 to %scan3A_32 step %scan3A_33  : i32 {
      %ge3A = arith.constant 1 : i32
      %ge3A_48 = arith.cmpi sge, %scan3A_47, %ge3A : i32
      %convert_element_type3A = arith.extui %ge3A_48 : i1 to i32
      %cond3A = arith.constant 0 : i32
      %cond3A_49 = arith.cmpi ne, %convert_element_type3A, %cond3A : i32
      scf.if %cond3A_49 {
        %mul3A_110 = arith.constant 2 : i32
        %mul3A_111 = arith.muli %mul3A_110, %scan3A_47 : i32
        %sub3A = arith.constant 1 : i32
        %sub3A_112 = arith.subi %mul3A_111, %sub3A : i32
        %dma_wait3A_113 = arith.constant 0 : i32
        %dma_wait3A_114 = tpu.memref_slice %arg8[%sub3A_112, %dma_wait3A_113] : memref<40x128xi32, #tpu.memory_space<vmem>> -> memref<1x128xi32, #tpu.memory_space<vmem>>
        %dma_wait3A_115 = tpu.memref_squeeze %dma_wait3A_114 : memref<1x128xi32, #tpu.memory_space<vmem>> -> memref<128xi32, #tpu.memory_space<vmem>>
        %dma_wait3A_116 = arith.constant 0 : i32
        %dma_wait3A_117 = arith.constant 0 : i32
        %dma_wait3A_118 = tpu.memref_slice %arg11[%dma_wait3A_116, %dma_wait3A_117] : memref<10240x128xf32, #tpu.memory_space<vmem_shared>> -> memref<10240x128xf32, #tpu.memory_space<vmem_shared>>
        tpu.wait_indirect_dma semaphore(%arg15 : memref<!tpu.dma_semaphore, #tpu.memory_space<semaphore_mem>>) src(%arg10 : memref<128x128xf32, #tpu.memory_space<vmem>>) dst(%dma_wait3A_118 : memref<10240x128xf32, #tpu.memory_space<vmem_shared>>)
      } else {
      }
      %mul3A_50 = arith.constant 2 : i32
      %mul3A_51 = arith.muli %mul3A_50, %scan3A_47 : i32
      %add3A_52 = arith.constant 1 : i32
      %add3A_53 = arith.addi %mul3A_51, %add3A_52 : i32
      %dma_start3A_54 = arith.constant 0 : i32
      %dma_start3A_55 = tpu.memref_slice %arg7[%add3A_53, %dma_start3A_54] : memref<40x128xi32, #tpu.memory_space<vmem>> -> memref<1x128xi32, #tpu.memory_space<vmem>>
      %dma_start3A_56 = tpu.memref_squeeze %dma_start3A_55 : memref<1x128xi32, #tpu.memory_space<vmem>> -> memref<128xi32, #tpu.memory_space<vmem>>
      %dma_start3A_57 = arith.constant 0 : i32
      %dma_start3A_58 = arith.constant 0 : i32
      %dma_start3A_59 = tpu.memref_slice %arg2[%dma_start3A_57, %dma_start3A_58] : memref<10240x128xf32, #tpu.memory_space<hbm>> -> memref<10240x128xf32, #tpu.memory_space<hbm>>
      tpu.enqueue_indirect_dma source(%dma_start3A_59 : memref<10240x128xf32, #tpu.memory_space<hbm>>) target(%arg10 : memref<128x128xf32, #tpu.memory_space<vmem>>) offsets(%dma_start3A_56 : memref<128xi32, #tpu.memory_space<vmem>>) semaphore(%arg13 : memref<!tpu.dma_semaphore, #tpu.memory_space<semaphore_mem>>)
      %mul3A_60 = arith.constant 2 : i32
      %mul3A_61 = arith.muli %mul3A_60, %scan3A_47 : i32
      %dma_wait3A_62 = arith.constant 0 : i32
      %dma_wait3A_63 = tpu.memref_slice %arg7[%mul3A_61, %dma_wait3A_62] : memref<40x128xi32, #tpu.memory_space<vmem>> -> memref<1x128xi32, #tpu.memory_space<vmem>>
      %dma_wait3A_64 = tpu.memref_squeeze %dma_wait3A_63 : memref<1x128xi32, #tpu.memory_space<vmem>> -> memref<128xi32, #tpu.memory_space<vmem>>
      %dma_wait3A_65 = arith.constant 0 : i32
      %dma_wait3A_66 = arith.constant 0 : i32
      %dma_wait3A_67 = tpu.memref_slice %arg2[%dma_wait3A_65, %dma_wait3A_66] : memref<10240x128xf32, #tpu.memory_space<hbm>> -> memref<10240x128xf32, #tpu.memory_space<hbm>>
      tpu.wait_indirect_dma semaphore(%arg12 : memref<!tpu.dma_semaphore, #tpu.memory_space<semaphore_mem>>) src(%dma_wait3A_67 : memref<10240x128xf32, #tpu.memory_space<hbm>>) dst(%arg9 : memref<128x128xf32, #tpu.memory_space<vmem>>)
      %mul3A_68 = arith.constant 2 : i32
      %mul3A_69 = arith.muli %mul3A_68, %scan3A_47 : i32
      %dma_start3A_70 = arith.constant 0 : i32
      %dma_start3A_71 = tpu.memref_slice %arg8[%mul3A_69, %dma_start3A_70] : memref<40x128xi32, #tpu.memory_space<vmem>> -> memref<1x128xi32, #tpu.memory_space<vmem>>
      %dma_start3A_72 = tpu.memref_squeeze %dma_start3A_71 : memref<1x128xi32, #tpu.memory_space<vmem>> -> memref<128xi32, #tpu.memory_space<vmem>>
      %dma_start3A_73 = arith.constant 0 : i32
      %dma_start3A_74 = arith.constant 0 : i32
      %dma_start3A_75 = tpu.memref_slice %arg11[%dma_start3A_73, %dma_start3A_74] : memref<10240x128xf32, #tpu.memory_space<vmem_shared>> -> memref<10240x128xf32, #tpu.memory_space<vmem_shared>>
      tpu.enqueue_indirect_dma source(%arg9 : memref<128x128xf32, #tpu.memory_space<vmem>>) target(%dma_start3A_75 : memref<10240x128xf32, #tpu.memory_space<vmem_shared>>) offsets(%dma_start3A_72 : memref<128xi32, #tpu.memory_space<vmem>>) semaphore(%arg14 : memref<!tpu.dma_semaphore, #tpu.memory_space<semaphore_mem>>) {add = true}
      %mul3A_76 = arith.constant 2 : i32
      %mul3A_77 = arith.muli %mul3A_76, %scan3A_47 : i32
      %dma_wait3A_78 = arith.constant 0 : i32
      %dma_wait3A_79 = tpu.memref_slice %arg8[%mul3A_77, %dma_wait3A_78] : memref<40x128xi32, #tpu.memory_space<vmem>> -> memref<1x128xi32, #tpu.memory_space<vmem>>
      %dma_wait3A_80 = tpu.memref_squeeze %dma_wait3A_79 : memref<1x128xi32, #tpu.memory_space<vmem>> -> memref<128xi32, #tpu.memory_space<vmem>>
      %dma_wait3A_81 = arith.constant 0 : i32
      %dma_wait3A_82 = arith.constant 0 : i32
      %dma_wait3A_83 = tpu.memref_slice %arg11[%dma_wait3A_81, %dma_wait3A_82] : memref<10240x128xf32, #tpu.memory_space<vmem_shared>> -> memref<10240x128xf32, #tpu.memory_space<vmem_shared>>
      tpu.wait_indirect_dma semaphore(%arg14 : memref<!tpu.dma_semaphore, #tpu.memory_space<semaphore_mem>>) src(%arg9 : memref<128x128xf32, #tpu.memory_space<vmem>>) dst(%dma_wait3A_83 : memref<10240x128xf32, #tpu.memory_space<vmem_shared>>)
      %add3A_84 = arith.constant 1 : i32
      %add3A_85 = arith.addi %scan3A_47, %add3A_84 : i32
      %lt3A = arith.constant 20 : i32
      %lt3A_86 = arith.cmpi slt, %add3A_85, %lt3A : i32
      %convert_element_type3A_87 = arith.extui %lt3A_86 : i1 to i32
      %cond3A_88 = arith.constant 0 : i32
      %cond3A_89 = arith.cmpi ne, %convert_element_type3A_87, %cond3A_88 : i32
      scf.if %cond3A_89 {
        %mul3A_110 = arith.constant 2 : i32
        %mul3A_111 = arith.muli %mul3A_110, %scan3A_47 : i32
        %add3A_112 = arith.constant 2 : i32
        %add3A_113 = arith.addi %mul3A_111, %add3A_112 : i32
        %dma_start3A_114 = arith.constant 0 : i32
        %dma_start3A_115 = tpu.memref_slice %arg7[%add3A_113, %dma_start3A_114] : memref<40x128xi32, #tpu.memory_space<vmem>> -> memref<1x128xi32, #tpu.memory_space<vmem>>
        %dma_start3A_116 = tpu.memref_squeeze %dma_start3A_115 : memref<1x128xi32, #tpu.memory_space<vmem>> -> memref<128xi32, #tpu.memory_space<vmem>>
        %dma_start3A_117 = arith.constant 0 : i32
        %dma_start3A_118 = arith.constant 0 : i32
        %dma_start3A_119 = tpu.memref_slice %arg2[%dma_start3A_117, %dma_start3A_118] : memref<10240x128xf32, #tpu.memory_space<hbm>> -> memref<10240x128xf32, #tpu.memory_space<hbm>>
        tpu.enqueue_indirect_dma source(%dma_start3A_119 : memref<10240x128xf32, #tpu.memory_space<hbm>>) target(%arg9 : memref<128x128xf32, #tpu.memory_space<vmem>>) offsets(%dma_start3A_116 : memref<128xi32, #tpu.memory_space<vmem>>) semaphore(%arg12 : memref<!tpu.dma_semaphore, #tpu.memory_space<semaphore_mem>>)
      } else {
      }
      %mul3A_90 = arith.constant 2 : i32
      %mul3A_91 = arith.muli %mul3A_90, %scan3A_47 : i32
      %add3A_92 = arith.constant 1 : i32
      %add3A_93 = arith.addi %mul3A_91, %add3A_92 : i32
      %dma_wait3A_94 = arith.constant 0 : i32
      %dma_wait3A_95 = tpu.memref_slice %arg7[%add3A_93, %dma_wait3A_94] : memref<40x128xi32, #tpu.memory_space<vmem>> -> memref<1x128xi32, #tpu.memory_space<vmem>>
      %dma_wait3A_96 = tpu.memref_squeeze %dma_wait3A_95 : memref<1x128xi32, #tpu.memory_space<vmem>> -> memref<128xi32, #tpu.memory_space<vmem>>
      %dma_wait3A_97 = arith.constant 0 : i32
      %dma_wait3A_98 = arith.constant 0 : i32
      %dma_wait3A_99 = tpu.memref_slice %arg2[%dma_wait3A_97, %dma_wait3A_98] : memref<10240x128xf32, #tpu.memory_space<hbm>> -> memref<10240x128xf32, #tpu.memory_space<hbm>>
      tpu.wait_indirect_dma semaphore(%arg13 : memref<!tpu.dma_semaphore, #tpu.memory_space<semaphore_mem>>) src(%dma_wait3A_99 : memref<10240x128xf32, #tpu.memory_space<hbm>>) dst(%arg10 : memref<128x128xf32, #tpu.memory_space<vmem>>)
      %mul3A_100 = arith.constant 2 : i32
      %mul3A_101 = arith.muli %mul3A_100, %scan3A_47 : i32
      %add3A_102 = arith.constant 1 : i32
      %add3A_103 = arith.addi %mul3A_101, %add3A_102 : i32
      %dma_start3A_104 = arith.constant 0 : i32
      %dma_start3A_105 = tpu.memref_slice %arg8[%add3A_103, %dma_start3A_104] : memref<40x128xi32, #tpu.memory_space<vmem>> -> memref<1x128xi32, #tpu.memory_space<vmem>>
      %dma_start3A_106 = tpu.memref_squeeze %dma_start3A_105 : memref<1x128xi32, #tpu.memory_space<vmem>> -> memref<128xi32, #tpu.memory_space<vmem>>
      %dma_start3A_107 = arith.constant 0 : i32
      %dma_start3A_108 = arith.constant 0 : i32
      %dma_start3A_109 = tpu.memref_slice %arg11[%dma_start3A_107, %dma_start3A_108] : memref<10240x128xf32, #tpu.memory_space<vmem_shared>> -> memref<10240x128xf32, #tpu.memory_space<vmem_shared>>
      tpu.enqueue_indirect_dma source(%arg10 : memref<128x128xf32, #tpu.memory_space<vmem>>) target(%dma_start3A_109 : memref<10240x128xf32, #tpu.memory_space<vmem_shared>>) offsets(%dma_start3A_106 : memref<128xi32, #tpu.memory_space<vmem>>) semaphore(%arg15 : memref<!tpu.dma_semaphore, #tpu.memory_space<semaphore_mem>>) {add = true}
    }
    %scan3A_34 = arith.constant 20 : i32
    %dma_wait3A_35 = arith.constant 39 : i32
    %dma_wait3A_36 = arith.constant 0 : i32
    %dma_wait3A_37 = tpu.memref_slice %arg8[%dma_wait3A_35, %dma_wait3A_36] : memref<40x128xi32, #tpu.memory_space<vmem>> -> memref<1x128xi32, #tpu.memory_space<vmem>>
    %dma_wait3A_38 = tpu.memref_squeeze %dma_wait3A_37 : memref<1x128xi32, #tpu.memory_space<vmem>> -> memref<128xi32, #tpu.memory_space<vmem>>
    %dma_wait3A_39 = arith.constant 0 : i32
    %dma_wait3A_40 = arith.constant 0 : i32
    %dma_wait3A_41 = tpu.memref_slice %arg11[%dma_wait3A_39, %dma_wait3A_40] : memref<10240x128xf32, #tpu.memory_space<vmem_shared>> -> memref<10240x128xf32, #tpu.memory_space<vmem_shared>>
    tpu.wait_indirect_dma semaphore(%arg15 : memref<!tpu.dma_semaphore, #tpu.memory_space<semaphore_mem>>) src(%arg10 : memref<128x128xf32, #tpu.memory_space<vmem>>) dst(%dma_wait3A_41 : memref<10240x128xf32, #tpu.memory_space<vmem_shared>>)
    %barrier3A_42 = arith.constant 0 : index
    tpu.barrier barrier_id(%barrier3A_42)
    %mul3A_43 = arith.constant 640 : i32
    %mul3A_44 = arith.muli %arg1, %mul3A_43 : i32
    %mul3A_45 = arith.constant 640 : i32
    %mul3A_46 = arith.muli %arg1, %mul3A_45 : i32
    "tpu.region"() ({
      %run_scoped3A = tpu.sem_alloc : memref<!tpu.dma_semaphore, #tpu.memory_space<semaphore_mem>>
      %dma_start3A_47 = arith.constant 0 : i32
      %dma_start3A_48 = tpu.memref_slice %arg6[%arg0, %mul3A_46, %dma_start3A_47] : memref<2x10240x128xf32, #tpu.memory_space<hbm>> -> memref<1x640x128xf32, #tpu.memory_space<hbm>>
      %dma_start3A_49 = tpu.memref_squeeze %dma_start3A_48 : memref<1x640x128xf32, #tpu.memory_space<hbm>> -> memref<640x128xf32, #tpu.memory_space<hbm>>
      %dma_start3A_50 = arith.constant 0 : i32
      %dma_start3A_51 = tpu.memref_slice %arg11[%mul3A_44, %dma_start3A_50] : memref<10240x128xf32, #tpu.memory_space<vmem_shared>> -> memref<640x128xf32, #tpu.memory_space<vmem_shared>>
      tpu.enqueue_dma source(%dma_start3A_51 : memref<640x128xf32, #tpu.memory_space<vmem_shared>>) target(%dma_start3A_49 : memref<640x128xf32, #tpu.memory_space<hbm>>) target_semaphore(%run_scoped3A : memref<!tpu.dma_semaphore, #tpu.memory_space<semaphore_mem>>)
      %dma_wait3A_52 = arith.constant 0 : i32
      %dma_wait3A_53 = tpu.memref_slice %arg6[%arg0, %mul3A_46, %dma_wait3A_52] : memref<2x10240x128xf32, #tpu.memory_space<hbm>> -> memref<1x640x128xf32, #tpu.memory_space<hbm>>
      %dma_wait3A_54 = tpu.memref_squeeze %dma_wait3A_53 : memref<1x640x128xf32, #tpu.memory_space<hbm>> -> memref<640x128xf32, #tpu.memory_space<hbm>>
      %dma_wait3A_55 = arith.constant 0 : i32
      %dma_wait3A_56 = tpu.memref_slice %arg11[%mul3A_44, %dma_wait3A_55] : memref<10240x128xf32, #tpu.memory_space<vmem_shared>> -> memref<640x128xf32, #tpu.memory_space<vmem_shared>>
      tpu.wait_dma2 semaphore(%run_scoped3A : memref<!tpu.dma_semaphore, #tpu.memory_space<semaphore_mem>>) src(%dma_wait3A_56 : memref<640x128xf32, #tpu.memory_space<vmem_shared>>) dst(%dma_wait3A_54 : memref<640x128xf32, #tpu.memory_space<hbm>>)
      tpu.yield
    }) : () -> ()
    return
  }
}

module attributes {stable_mosaic.version = 14 : i64} {
  func.func @body(%arg0: i32, %arg1: memref<2048x128xf32, #tpu.memory_space<vmem>>, %arg2: memref<128x128xf32, #tpu.memory_space<vmem>>, %arg3: memref<2048x128xf32, #tpu.memory_space<vmem>>, %arg4: memref<2048x128xf32, #tpu.memory_space<vmem>>) attributes {dimension_semantics = [#tpu.dimension_semantics<arbitrary>], iteration_bounds = array<i64: 5>, scalar_prefetch = 0 : i64, scratch_operands = 0 : i64, tpu.core_type = #tpu.core_type<tc>, window_params = [{transform_indices = @transform_0, window_bounds = array<i64: 2048, 128>}, {pipeline_mode = #tpu.pipeline_mode<synchronous>, transform_indices = @transform_1, window_bounds = array<i64: 128, 128>}, {transform_indices = @transform_2, window_bounds = array<i64: 2048, 128>}, {transform_indices = @transform_3, window_bounds = array<i64: 2048, 128>}]} {
    %get3A = arith.constant 0 : index
    %get3A_0 = arith.constant 0 : index
    %get3A_1 = vector.load %arg3[%get3A, %get3A_0] : memref<2048x128xf32, #tpu.memory_space<vmem>>, vector<2048x1xf32>
    %gt3A = arith.constant 0.000000e+00 : f32
    %gt3A_2 = vector.broadcast %gt3A : f32 to vector<2048x1xf32>
    %gt3A_3 = arith.cmpf ogt, %get3A_1, %gt3A_2 : vector<2048x1xf32>
    %rsqrt3A = math.rsqrt %get3A_1 : vector<2048x1xf32>
    %jit3A = arith.constant 0.000000e+00 : f32
    %broadcast_in_dim3A = vector.broadcast %jit3A : f32 to vector<2048x1xf32>
    %select_n3A = arith.select %gt3A_3, %rsqrt3A, %broadcast_in_dim3A : vector<2048x1xi1>, vector<2048x1xf32>
    %get3A_4 = arith.constant 0 : index
    %get3A_5 = arith.constant 0 : index
    %get3A_6 = vector.load %arg1[%get3A_4, %get3A_5] : memref<2048x128xf32, #tpu.memory_space<vmem>>, vector<2048x128xf32>
    %get3A_7 = arith.constant 0 : index
    %get3A_8 = arith.constant 0 : index
    %get3A_9 = vector.load %arg2[%get3A_7, %get3A_8] : memref<128x128xf32, #tpu.memory_space<vmem>>, vector<128x128xf32>
    %dot_general3A = arith.constant dense<0.000000e+00> : vector<2048x128xf32>
    %dot_general3A_10 = tpu.matmul %get3A_6, %get3A_9, %dot_general3A {dimension_numbers = #tpu.dot_dimension_numbers<[1], [0], [0], [1], [0, 0, 1, 1], [], []>, transpose_lhs_hint = false} : vector<2048x128xf32>, vector<128x128xf32>, vector<2048x128xf32> -> vector<2048x128xf32>
    %mul3A = vector.broadcast %select_n3A : vector<2048x1xf32> to vector<2048x128xf32>
    %mul3A_11 = arith.mulf %dot_general3A_10, %mul3A : vector<2048x128xf32>
    %swap3A = arith.constant 0 : index
    %swap3A_12 = arith.constant 0 : index
    %swap3A_13 = vector.load %arg4[%swap3A, %swap3A_12] : memref<2048x128xf32, #tpu.memory_space<vmem>>, vector<2048x128xf32>
    tpu.vector_store %arg4[%swap3A, %swap3A_12], %mul3A_11 {strides = array<i32>} : memref<2048x128xf32, #tpu.memory_space<vmem>>, vector<2048x128xf32>,
    return
  }
  func.func @transform_0(%arg0: i32) -> (i32, i32) {
    %c0_i32 = arith.constant 0 : i32
    %c0_i32_0 = arith.constant 0 : i32
    return %arg0, %c0_i32 : i32, i32
  }
  func.func @transform_1(%arg0: i32) -> (i32, i32) {
    %c0_i32 = arith.constant 0 : i32
    %c0_i32_0 = arith.constant 0 : i32
    %c0_i32_1 = arith.constant 0 : i32
    return %c0_i32, %c0_i32_0 : i32, i32
  }
  func.func @transform_2(%arg0: i32) -> (i32, i32) {
    %c0_i32 = arith.constant 0 : i32
    %c0_i32_0 = arith.constant 0 : i32
    return %arg0, %c0_i32 : i32, i32
  }
  func.func @transform_3(%arg0: i32) -> (i32, i32) {
    %c0_i32 = arith.constant 0 : i32
    %c0_i32_0 = arith.constant 0 : i32
    return %arg0, %c0_i32 : i32, i32
  }
}

module attributes {stable_mosaic.version = 14 : i64} {
  func.func @body(%arg0: i32, %arg1: memref<2x2048x128xf32, #tpu.memory_space<vmem>>, %arg2: memref<2048x128xf32, #tpu.memory_space<vmem>>, %arg3: memref<2048x128xf32, #tpu.memory_space<vmem>>, %arg4: memref<1x128xf32, #tpu.memory_space<vmem>>, %arg5: memref<2048x128xf32, #tpu.memory_space<vmem>>) attributes {dimension_semantics = [#tpu.dimension_semantics<arbitrary>], iteration_bounds = array<i64: 5>, scalar_prefetch = 0 : i64, scratch_operands = 0 : i64, tpu.core_type = #tpu.core_type<tc>, window_params = [{transform_indices = @transform_0, window_bounds = array<i64: 2, 2048, 128>}, {transform_indices = @transform_1, window_bounds = array<i64: 2048, 128>}, {transform_indices = @transform_2, window_bounds = array<i64: 2048, 128>}, {pipeline_mode = #tpu.pipeline_mode<synchronous>, transform_indices = @transform_3, window_bounds = array<i64: 1, 128>}, {transform_indices = @transform_4, window_bounds = array<i64: 2048, 128>}]} {
    %get3A = arith.constant 0 : index
    %get3A_0 = arith.constant 0 : index
    %get3A_1 = arith.constant 0 : index
    %get3A_2 = vector.load %arg1[%get3A, %get3A_0, %get3A_1] : memref<2x2048x128xf32, #tpu.memory_space<vmem>>, vector<1x2048x128xf32>
    %get3A_3 = vector.shape_cast %get3A_2 : vector<1x2048x128xf32> to vector<2048x128xf32>
    %get3A_4 = arith.constant 1 : index
    %get3A_5 = arith.constant 0 : index
    %get3A_6 = arith.constant 0 : index
    %get3A_7 = vector.load %arg1[%get3A_4, %get3A_5, %get3A_6] : memref<2x2048x128xf32, #tpu.memory_space<vmem>>, vector<1x2048x128xf32>
    %get3A_8 = vector.shape_cast %get3A_7 : vector<1x2048x128xf32> to vector<2048x128xf32>
    %add3A = arith.addf %get3A_3, %get3A_8 : vector<2048x128xf32>
    %get3A_9 = arith.constant 0 : index
    %get3A_10 = arith.constant 0 : index
    %get3A_11 = vector.load %arg2[%get3A_9, %get3A_10] : memref<2048x128xf32, #tpu.memory_space<vmem>>, vector<2048x1xf32>
    %gt3A = arith.constant 0.000000e+00 : f32
    %gt3A_12 = vector.broadcast %gt3A : f32 to vector<2048x1xf32>
    %gt3A_13 = arith.cmpf ogt, %get3A_11, %gt3A_12 : vector<2048x1xf32>
    %rsqrt3A = math.rsqrt %get3A_11 : vector<2048x1xf32>
    %jit3A = arith.constant 0.000000e+00 : f32
    %broadcast_in_dim3A = vector.broadcast %jit3A : f32 to vector<2048x1xf32>
    %select_n3A = arith.select %gt3A_13, %rsqrt3A, %broadcast_in_dim3A : vector<2048x1xi1>, vector<2048x1xf32>
    %get3A_14 = arith.constant 0 : index
    %get3A_15 = arith.constant 0 : index
    %get3A_16 = vector.load %arg3[%get3A_14, %get3A_15] : memref<2048x128xf32, #tpu.memory_space<vmem>>, vector<2048x1xf32>
    %gt3A_17 = arith.constant 0.000000e+00 : f32
    %gt3A_18 = vector.broadcast %gt3A_17 : f32 to vector<2048x1xf32>
    %gt3A_19 = arith.cmpf ogt, %get3A_16, %gt3A_18 : vector<2048x1xf32>
    %rsqrt3A_20 = math.rsqrt %get3A_16 : vector<2048x1xf32>
    %jit3A_21 = arith.constant 0.000000e+00 : f32
    %broadcast_in_dim3A_22 = vector.broadcast %jit3A_21 : f32 to vector<2048x1xf32>
    %select_n3A_23 = arith.select %gt3A_19, %rsqrt3A_20, %broadcast_in_dim3A_22 : vector<2048x1xi1>, vector<2048x1xf32>
    %mul3A = arith.mulf %select_n3A, %select_n3A_23 : vector<2048x1xf32>
    %mul3A_24 = vector.broadcast %mul3A : vector<2048x1xf32> to vector<2048x128xf32>
    %mul3A_25 = arith.mulf %add3A, %mul3A_24 : vector<2048x128xf32>
    %get3A_26 = arith.constant 0 : index
    %get3A_27 = arith.constant 0 : index
    %get3A_28 = vector.load %arg4[%get3A_26, %get3A_27] : memref<1x128xf32, #tpu.memory_space<vmem>>, vector<1x128xf32>
    %mul3A_29 = vector.broadcast %select_n3A : vector<2048x1xf32> to vector<2048x128xf32>
    %mul3A_30 = vector.broadcast %get3A_28 : vector<1x128xf32> to vector<2048x128xf32>
    %mul3A_31 = arith.mulf %mul3A_29, %mul3A_30 : vector<2048x128xf32>
    %add3A_32 = arith.addf %mul3A_25, %mul3A_31 : vector<2048x128xf32>
    %swap3A = arith.constant 0 : index
    %swap3A_33 = arith.constant 0 : index
    %swap3A_34 = vector.load %arg5[%swap3A, %swap3A_33] : memref<2048x128xf32, #tpu.memory_space<vmem>>, vector<2048x128xf32>
    tpu.vector_store %arg5[%swap3A, %swap3A_33], %add3A_32 {strides = array<i32>} : memref<2048x128xf32, #tpu.memory_space<vmem>>, vector<2048x128xf32>,
    return
  }
  func.func @transform_0(%arg0: i32) -> (i32, i32, i32) {
    %c0_i32 = arith.constant 0 : i32
    %c0_i32_0 = arith.constant 0 : i32
    %c0_i32_1 = arith.constant 0 : i32
    return %c0_i32, %arg0, %c0_i32_0 : i32, i32, i32
  }
  func.func @transform_1(%arg0: i32) -> (i32, i32) {
    %c0_i32 = arith.constant 0 : i32
    %c0_i32_0 = arith.constant 0 : i32
    return %arg0, %c0_i32 : i32, i32
  }
  func.func @transform_2(%arg0: i32) -> (i32, i32) {
    %c0_i32 = arith.constant 0 : i32
    %c0_i32_0 = arith.constant 0 : i32
    return %arg0, %c0_i32 : i32, i32
  }
  func.func @transform_3(%arg0: i32) -> (i32, i32) {
    %c0_i32 = arith.constant 0 : i32
    %c0_i32_0 = arith.constant 0 : i32
    %c0_i32_1 = arith.constant 0 : i32
    return %c0_i32, %c0_i32_0 : i32, i32
  }
  func.func @transform_4(%arg0: i32) -> (i32, i32) {
    %c0_i32 = arith.constant 0 : i32
    %c0_i32_0 = arith.constant 0 : i32
    return %arg0, %c0_i32 : i32, i32
  }
}

module attributes {stable_mosaic.version = 14 : i64} {
  func.func @body(%arg0: i32, %arg1: memref<2x2048x128xf32, #tpu.memory_space<vmem>>, %arg2: memref<2048x128xf32, #tpu.memory_space<vmem>>, %arg3: memref<2048x128xf32, #tpu.memory_space<vmem>>, %arg4: memref<2048x128xf32, #tpu.memory_space<vmem>>) attributes {dimension_semantics = [#tpu.dimension_semantics<arbitrary>], iteration_bounds = array<i64: 5>, scalar_prefetch = 0 : i64, scratch_operands = 0 : i64, tpu.core_type = #tpu.core_type<tc>, window_params = [{transform_indices = @transform_0, window_bounds = array<i64: 2, 2048, 128>}, {transform_indices = @transform_1, window_bounds = array<i64: 2048, 128>}, {transform_indices = @transform_2, window_bounds = array<i64: 2048, 128>}, {transform_indices = @transform_3, window_bounds = array<i64: 2048, 128>}]} {
    %get3A = arith.constant 0 : index
    %get3A_0 = arith.constant 0 : index
    %get3A_1 = arith.constant 0 : index
    %get3A_2 = vector.load %arg1[%get3A, %get3A_0, %get3A_1] : memref<2x2048x128xf32, #tpu.memory_space<vmem>>, vector<1x2048x128xf32>
    %get3A_3 = vector.shape_cast %get3A_2 : vector<1x2048x128xf32> to vector<2048x128xf32>
    %get3A_4 = arith.constant 1 : index
    %get3A_5 = arith.constant 0 : index
    %get3A_6 = arith.constant 0 : index
    %get3A_7 = vector.load %arg1[%get3A_4, %get3A_5, %get3A_6] : memref<2x2048x128xf32, #tpu.memory_space<vmem>>, vector<1x2048x128xf32>
    %get3A_8 = vector.shape_cast %get3A_7 : vector<1x2048x128xf32> to vector<2048x128xf32>
    %add3A = arith.addf %get3A_3, %get3A_8 : vector<2048x128xf32>
    %get3A_9 = arith.constant 0 : index
    %get3A_10 = arith.constant 0 : index
    %get3A_11 = vector.load %arg2[%get3A_9, %get3A_10] : memref<2048x128xf32, #tpu.memory_space<vmem>>, vector<2048x1xf32>
    %gt3A = arith.constant 0.000000e+00 : f32
    %gt3A_12 = vector.broadcast %gt3A : f32 to vector<2048x1xf32>
    %gt3A_13 = arith.cmpf ogt, %get3A_11, %gt3A_12 : vector<2048x1xf32>
    %rsqrt3A = math.rsqrt %get3A_11 : vector<2048x1xf32>
    %jit3A = arith.constant 0.000000e+00 : f32
    %broadcast_in_dim3A = vector.broadcast %jit3A : f32 to vector<2048x1xf32>
    %select_n3A = arith.select %gt3A_13, %rsqrt3A, %broadcast_in_dim3A : vector<2048x1xi1>, vector<2048x1xf32>
    %get3A_14 = arith.constant 0 : index
    %get3A_15 = arith.constant 0 : index
    %get3A_16 = vector.load %arg3[%get3A_14, %get3A_15] : memref<2048x128xf32, #tpu.memory_space<vmem>>, vector<2048x1xf32>
    %gt3A_17 = arith.constant 0.000000e+00 : f32
    %gt3A_18 = vector.broadcast %gt3A_17 : f32 to vector<2048x1xf32>
    %gt3A_19 = arith.cmpf ogt, %get3A_16, %gt3A_18 : vector<2048x1xf32>
    %rsqrt3A_20 = math.rsqrt %get3A_16 : vector<2048x1xf32>
    %jit3A_21 = arith.constant 0.000000e+00 : f32
    %broadcast_in_dim3A_22 = vector.broadcast %jit3A_21 : f32 to vector<2048x1xf32>
    %select_n3A_23 = arith.select %gt3A_19, %rsqrt3A_20, %broadcast_in_dim3A_22 : vector<2048x1xi1>, vector<2048x1xf32>
    %mul3A = arith.mulf %select_n3A, %select_n3A_23 : vector<2048x1xf32>
    %mul3A_24 = vector.broadcast %mul3A : vector<2048x1xf32> to vector<2048x128xf32>
    %mul3A_25 = arith.mulf %add3A, %mul3A_24 : vector<2048x128xf32>
    %swap3A = arith.constant 0 : index
    %swap3A_26 = arith.constant 0 : index
    %swap3A_27 = vector.load %arg4[%swap3A, %swap3A_26] : memref<2048x128xf32, #tpu.memory_space<vmem>>, vector<2048x128xf32>
    tpu.vector_store %arg4[%swap3A, %swap3A_26], %mul3A_25 {strides = array<i32>} : memref<2048x128xf32, #tpu.memory_space<vmem>>, vector<2048x128xf32>,
    return
  }
  func.func @transform_0(%arg0: i32) -> (i32, i32, i32) {
    %c0_i32 = arith.constant 0 : i32
    %c0_i32_0 = arith.constant 0 : i32
    %c0_i32_1 = arith.constant 0 : i32
    return %c0_i32, %arg0, %c0_i32_0 : i32, i32, i32
  }
  func.func @transform_1(%arg0: i32) -> (i32, i32) {
    %c0_i32 = arith.constant 0 : i32
    %c0_i32_0 = arith.constant 0 : i32
    return %arg0, %c0_i32 : i32, i32
  }
  func.func @transform_2(%arg0: i32) -> (i32, i32) {
    %c0_i32 = arith.constant 0 : i32
    %c0_i32_0 = arith.constant 0 : i32
    return %arg0, %c0_i32 : i32, i32
  }
  func.func @transform_3(%arg0: i32) -> (i32, i32) {
    %c0_i32 = arith.constant 0 : i32
    %c0_i32_0 = arith.constant 0 : i32
    return %arg0, %c0_i32 : i32, i32
  }
}

module attributes {stable_mosaic.version = 14 : i64} {
  func.func @body(%arg0: i32, %arg1: memref<2x2048x128xf32, #tpu.memory_space<vmem>>, %arg2: memref<2048x128xf32, #tpu.memory_space<vmem>>, %arg3: memref<2048x128xf32, #tpu.memory_space<vmem>>, %arg4: memref<128x128xf32, #tpu.memory_space<vmem>>, %arg5: memref<2048x128xf32, #tpu.memory_space<vmem>>) attributes {dimension_semantics = [#tpu.dimension_semantics<arbitrary>], iteration_bounds = array<i64: 5>, scalar_prefetch = 0 : i64, scratch_operands = 0 : i64, tpu.core_type = #tpu.core_type<tc>, window_params = [{transform_indices = @transform_0, window_bounds = array<i64: 2, 2048, 128>}, {transform_indices = @transform_1, window_bounds = array<i64: 2048, 128>}, {transform_indices = @transform_2, window_bounds = array<i64: 2048, 128>}, {pipeline_mode = #tpu.pipeline_mode<synchronous>, transform_indices = @transform_3, window_bounds = array<i64: 128, 128>}, {transform_indices = @transform_4, window_bounds = array<i64: 2048, 128>}]} {
    %get3A = arith.constant 0 : index
    %get3A_0 = arith.constant 0 : index
    %get3A_1 = arith.constant 0 : index
    %get3A_2 = vector.load %arg1[%get3A, %get3A_0, %get3A_1] : memref<2x2048x128xf32, #tpu.memory_space<vmem>>, vector<1x2048x128xf32>
    %get3A_3 = vector.shape_cast %get3A_2 : vector<1x2048x128xf32> to vector<2048x128xf32>
    %get3A_4 = arith.constant 1 : index
    %get3A_5 = arith.constant 0 : index
    %get3A_6 = arith.constant 0 : index
    %get3A_7 = vector.load %arg1[%get3A_4, %get3A_5, %get3A_6] : memref<2x2048x128xf32, #tpu.memory_space<vmem>>, vector<1x2048x128xf32>
    %get3A_8 = vector.shape_cast %get3A_7 : vector<1x2048x128xf32> to vector<2048x128xf32>
    %add3A = arith.addf %get3A_3, %get3A_8 : vector<2048x128xf32>
    %get3A_9 = arith.constant 0 : index
    %get3A_10 = arith.constant 0 : index
    %get3A_11 = vector.load %arg2[%get3A_9, %get3A_10] : memref<2048x128xf32, #tpu.memory_space<vmem>>, vector<2048x1xf32>
    %gt3A = arith.constant 0.000000e+00 : f32
    %gt3A_12 = vector.broadcast %gt3A : f32 to vector<2048x1xf32>
    %gt3A_13 = arith.cmpf ogt, %get3A_11, %gt3A_12 : vector<2048x1xf32>
    %rsqrt3A = math.rsqrt %get3A_11 : vector<2048x1xf32>
    %jit3A = arith.constant 0.000000e+00 : f32
    %broadcast_in_dim3A = vector.broadcast %jit3A : f32 to vector<2048x1xf32>
    %select_n3A = arith.select %gt3A_13, %rsqrt3A, %broadcast_in_dim3A : vector<2048x1xi1>, vector<2048x1xf32>
    %mul3A = vector.broadcast %select_n3A : vector<2048x1xf32> to vector<2048x128xf32>
    %mul3A_14 = arith.mulf %add3A, %mul3A : vector<2048x128xf32>
    %get3A_15 = arith.constant 0 : index
    %get3A_16 = arith.constant 0 : index
    %get3A_17 = vector.load %arg4[%get3A_15, %get3A_16] : memref<128x128xf32, #tpu.memory_space<vmem>>, vector<128x128xf32>
    %dot_general3A = arith.constant dense<0.000000e+00> : vector<2048x128xf32>
    %dot_general3A_18 = tpu.matmul %mul3A_14, %get3A_17, %dot_general3A {dimension_numbers = #tpu.dot_dimension_numbers<[1], [0], [0], [1], [0, 0, 1, 1], [], []>, transpose_lhs_hint = false} : vector<2048x128xf32>, vector<128x128xf32>, vector<2048x128xf32> -> vector<2048x128xf32>
    %get3A_19 = arith.constant 0 : index
    %get3A_20 = arith.constant 0 : index
    %get3A_21 = vector.load %arg3[%get3A_19, %get3A_20] : memref<2048x128xf32, #tpu.memory_space<vmem>>, vector<2048x1xf32>
    %gt3A_22 = arith.constant 0.000000e+00 : f32
    %gt3A_23 = vector.broadcast %gt3A_22 : f32 to vector<2048x1xf32>
    %gt3A_24 = arith.cmpf ogt, %get3A_21, %gt3A_23 : vector<2048x1xf32>
    %rsqrt3A_25 = math.rsqrt %get3A_21 : vector<2048x1xf32>
    %jit3A_26 = arith.constant 0.000000e+00 : f32
    %broadcast_in_dim3A_27 = vector.broadcast %jit3A_26 : f32 to vector<2048x1xf32>
    %select_n3A_28 = arith.select %gt3A_24, %rsqrt3A_25, %broadcast_in_dim3A_27 : vector<2048x1xi1>, vector<2048x1xf32>
    %mul3A_29 = vector.broadcast %select_n3A_28 : vector<2048x1xf32> to vector<2048x128xf32>
    %mul3A_30 = arith.mulf %dot_general3A_18, %mul3A_29 : vector<2048x128xf32>
    %swap3A = arith.constant 0 : index
    %swap3A_31 = arith.constant 0 : index
    %swap3A_32 = vector.load %arg5[%swap3A, %swap3A_31] : memref<2048x128xf32, #tpu.memory_space<vmem>>, vector<2048x128xf32>
    tpu.vector_store %arg5[%swap3A, %swap3A_31], %mul3A_30 {strides = array<i32>} : memref<2048x128xf32, #tpu.memory_space<vmem>>, vector<2048x128xf32>,
    return
  }
  func.func @transform_0(%arg0: i32) -> (i32, i32, i32) {
    %c0_i32 = arith.constant 0 : i32
    %c0_i32_0 = arith.constant 0 : i32
    %c0_i32_1 = arith.constant 0 : i32
    return %c0_i32, %arg0, %c0_i32_0 : i32, i32, i32
  }
  func.func @transform_1(%arg0: i32) -> (i32, i32) {
    %c0_i32 = arith.constant 0 : i32
    %c0_i32_0 = arith.constant 0 : i32
    return %arg0, %c0_i32 : i32, i32
  }
  func.func @transform_2(%arg0: i32) -> (i32, i32) {
    %c0_i32 = arith.constant 0 : i32
    %c0_i32_0 = arith.constant 0 : i32
    return %arg0, %c0_i32 : i32, i32
  }
  func.func @transform_3(%arg0: i32) -> (i32, i32) {
    %c0_i32 = arith.constant 0 : i32
    %c0_i32_0 = arith.constant 0 : i32
    %c0_i32_1 = arith.constant 0 : i32
    return %c0_i32, %c0_i32_0 : i32, i32
  }
  func.func @transform_4(%arg0: i32) -> (i32, i32) {
    %c0_i32 = arith.constant 0 : i32
    %c0_i32_0 = arith.constant 0 : i32
    return %arg0, %c0_i32 : i32, i32
  }
}

module attributes {stable_mosaic.version = 14 : i64} {
  func.func @body(%arg0: i32, %arg1: memref<2x2048x128xf32, #tpu.memory_space<vmem>>, %arg2: memref<2048x128xf32, #tpu.memory_space<vmem>>, %arg3: memref<1x128xf32, #tpu.memory_space<vmem>>, %arg4: memref<2048x128xf32, #tpu.memory_space<vmem>>) attributes {dimension_semantics = [#tpu.dimension_semantics<arbitrary>], iteration_bounds = array<i64: 5>, scalar_prefetch = 0 : i64, scratch_operands = 0 : i64, tpu.core_type = #tpu.core_type<tc>, window_params = [{transform_indices = @transform_0, window_bounds = array<i64: 2, 2048, 128>}, {transform_indices = @transform_1, window_bounds = array<i64: 2048, 128>}, {pipeline_mode = #tpu.pipeline_mode<synchronous>, transform_indices = @transform_2, window_bounds = array<i64: 1, 128>}, {transform_indices = @transform_3, window_bounds = array<i64: 2048, 128>}]} {
    %get3A = arith.constant 0 : index
    %get3A_0 = arith.constant 0 : index
    %get3A_1 = arith.constant 0 : index
    %get3A_2 = vector.load %arg1[%get3A, %get3A_0, %get3A_1] : memref<2x2048x128xf32, #tpu.memory_space<vmem>>, vector<1x2048x128xf32>
    %get3A_3 = vector.shape_cast %get3A_2 : vector<1x2048x128xf32> to vector<2048x128xf32>
    %get3A_4 = arith.constant 1 : index
    %get3A_5 = arith.constant 0 : index
    %get3A_6 = arith.constant 0 : index
    %get3A_7 = vector.load %arg1[%get3A_4, %get3A_5, %get3A_6] : memref<2x2048x128xf32, #tpu.memory_space<vmem>>, vector<1x2048x128xf32>
    %get3A_8 = vector.shape_cast %get3A_7 : vector<1x2048x128xf32> to vector<2048x128xf32>
    %add3A = arith.addf %get3A_3, %get3A_8 : vector<2048x128xf32>
    %get3A_9 = arith.constant 0 : index
    %get3A_10 = arith.constant 0 : index
    %get3A_11 = vector.load %arg2[%get3A_9, %get3A_10] : memref<2048x128xf32, #tpu.memory_space<vmem>>, vector<2048x1xf32>
    %gt3A = arith.constant 0.000000e+00 : f32
    %gt3A_12 = vector.broadcast %gt3A : f32 to vector<2048x1xf32>
    %gt3A_13 = arith.cmpf ogt, %get3A_11, %gt3A_12 : vector<2048x1xf32>
    %rsqrt3A = math.rsqrt %get3A_11 : vector<2048x1xf32>
    %jit3A = arith.constant 0.000000e+00 : f32
    %broadcast_in_dim3A = vector.broadcast %jit3A : f32 to vector<2048x1xf32>
    %select_n3A = arith.select %gt3A_13, %rsqrt3A, %broadcast_in_dim3A : vector<2048x1xi1>, vector<2048x1xf32>
    %mul3A = vector.broadcast %select_n3A : vector<2048x1xf32> to vector<2048x128xf32>
    %mul3A_14 = arith.mulf %add3A, %mul3A : vector<2048x128xf32>
    %get3A_15 = arith.constant 0 : index
    %get3A_16 = arith.constant 0 : index
    %get3A_17 = vector.load %arg3[%get3A_15, %get3A_16] : memref<1x128xf32, #tpu.memory_space<vmem>>, vector<1x128xf32>
    %add3A_18 = vector.broadcast %get3A_17 : vector<1x128xf32> to vector<2048x128xf32>
    %add3A_19 = arith.addf %mul3A_14, %add3A_18 : vector<2048x128xf32>
    %swap3A = arith.constant 0 : index
    %swap3A_20 = arith.constant 0 : index
    %swap3A_21 = vector.load %arg4[%swap3A, %swap3A_20] : memref<2048x128xf32, #tpu.memory_space<vmem>>, vector<2048x128xf32>
    tpu.vector_store %arg4[%swap3A, %swap3A_20], %add3A_19 {strides = array<i32>} : memref<2048x128xf32, #tpu.memory_space<vmem>>, vector<2048x128xf32>,
    return
  }
  func.func @transform_0(%arg0: i32) -> (i32, i32, i32) {
    %c0_i32 = arith.constant 0 : i32
    %c0_i32_0 = arith.constant 0 : i32
    %c0_i32_1 = arith.constant 0 : i32
    return %c0_i32, %arg0, %c0_i32_0 : i32, i32, i32
  }
  func.func @transform_1(%arg0: i32) -> (i32, i32) {
    %c0_i32 = arith.constant 0 : i32
    %c0_i32_0 = arith.constant 0 : i32
    return %arg0, %c0_i32 : i32, i32
  }
  func.func @transform_2(%arg0: i32) -> (i32, i32) {
    %c0_i32 = arith.constant 0 : i32
    %c0_i32_0 = arith.constant 0 : i32
    %c0_i32_1 = arith.constant 0 : i32
    return %c0_i32, %c0_i32_0 : i32, i32
  }
  func.func @transform_3(%arg0: i32) -> (i32, i32) {
    %c0_i32 = arith.constant 0 : i32
    %c0_i32_0 = arith.constant 0 : i32
    return %arg0, %c0_i32 : i32, i32
  }
}

</mosaic_0001>

<sc_bundles>
// kernel: kernel.16.cloned.1.call-start
scs
__scs_entry_jumppad:
0x0: {  	(pc) =	sbr.rel $0x88, $3  }
0x1: {  	(tag) =	ssettag $0x0;
	lr =	simm.s32 $0x1  }
0x2: {  	[smem:$0x3F9B] =	sst lr;
	_ =	strace $0xD0000000  }
0x3: {  	_ = 	snop  }
0x4: {  	_ = 	snop  }
0x5: {  	_ = 	snop  }
0x6: {  	_ = 	snop  }
0x7: {  	_ = 	snop  }
__scs_overlays_trampoline_lowered:
0x8: {  	[smem:$0x3FAA] =	sst s0  }
0x9: {  	[smem:$0x3FAB] =	sst s1  }
0xa: {  	[smem:$0x3FAC] =	sst s2  }
0xb: {  	[smem:$0x3FAD] =	sst s3  }
0xc: {  	[smem:$0x3FAE] =	sst s4  }
0xd: {  	[smem:$0x3FAF] =	sst s5  }
0xe: {  	[smem:$0x3FB0] =	sst s6  }
0xf: {  	[smem:$0x3FB1] =	sst s7  }
0x10: {  	[smem:$0x3FB2] =	sst s8  }
0x11: {  	[smem:$0x3FB3] =	sst s9;
	s0 =	simm.s32 @!p0 $0x0  }
0x12: {  	s1 =	sld [smem:$0x3F99];
	s0 =	simm.s32 @p0 $0x1  }
0x13: {  	[smem:$0x3FB4] =	sst s0;
	s0 =	simm.s32 @!p1 $0x0  }
0x14: {  	s2 =	sld [smem:$0x3F98];
	s0 =	simm.s32 @p1 $0x1  }
0x15: {  	[smem:$0x3FB5] =	sst s0;
	s0 =	simm.s32 @!p2 $0x0  }
0x16: {  	s3 =	sld [smem:$0x3FDB];
	s0 =	simm.s32 @p2 $0x1  }
0x17: {  	s4 =	simm.s32 $0x1BF5;
	[smem:$0x3FB7] =	sst s0  }
0x18: {  	s0 =	sld [smem:$0x3F9A];
	_ =	swait.ge [sflag:s4], $0x0  }
0x19: {  	s7 =	sld [smem:$0x3F9B]  }
0x1a: {  	s8 =	sadd.s32 $0xFFFFE003, lr  }
0x1b: {  	s9 =	sadd.s32 $0xFFFFFEF7, lr;
	s5 =	simm.s32 $0xFFFFFFFF;
	p2 =	slt.u32 s8, $0xFFFFF086  }
0x1c: {  	p1 =	slt.u32 s9, $0xF7A;
	s5 =	simm.s32 @!p2 $0x0  }
0x1d: {  	s5 =	simm.s32 @p1 $0x1;
	p0 =	seq.s32 s7, s2  }
0x1e: {  	s7 =	smul.u32 @!p0 $0xF7A, s2;
	p2 =	seq.s32 @!p0 s5, $0x0  }
0x1f: {  	s9 =	smul.u32 $0xF7A, s1;
	s8 =	simm.s32 @!p0 $0x1BF5;
	p2 =	por !p2, p0  }
0x20: {  	[sflag:s8] =	ssyncset.s32 @!p0 $0xFFFFF086;
	s6 =	sadd.s32 @!p0 s3, s7;
	s7 =	simm.s32 @!p0 $0x108  }
0x21: {  	s3 =	sadd.s32 s3, s9;
	s6 =	sadd.s32 @!p0 $0x88, s6;
	s7 =	simm.s32 @p2 $0x1082  }
0x22: {  	[simem:s7], [sflag:s8] =	dma.local @!p0 [hbm:s6], $0xF7A  }
0x23: {  	s9 =	sor.u32 $0xD0000000, s2;
	s6 =	simm.s32 $0x108;
	_ =	swait.ge @!p0 [sflag:s8], $0x0  }
0x24: {  	s3 =	sadd.s32 $0x88, s3;
	s6 =	simm.s32 @!p1 $0x1082;
	[sflag:s4] =	ssyncset.s32 $0xFFFFF086  }
0x25: {  	[simem:s6], [sflag:s4] =	dma.local [hbm:s3], $0xF7A  }
0x26: {  	[smem:$0x3F9B] =	sst s1;
	(tag) =	ssettag s2;
	_ =	strace s9  }
0x27: {  	s1 =	sld [smem:$0x3FAB]  }
0x28: {  	s2 =	sld [smem:$0x3FAC]  }
0x29: {  	s4 =	sld [smem:$0x3FAE]  }
0x2a: {  	p0 =	seq.s32 s5, $0x0;
	s5 =	sld [smem:$0x3FAF]  }
0x2b: {  	s6 =	sld [smem:$0x3FB0]  }
0x2c: {  	s7 =	sld [smem:$0x3FB1]  }
0x2d: {  	s3 =	simm.s32 $0x108;
	s8 =	sld [smem:$0x3FB2]  }
0x2e: {  	s3 =	simm.s32 @!p0 $0x1082;
	s9 =	sld [smem:$0x3FB3]  }
0x2f: {  	lr =	sadd.s32 s0, s3;
	s0 =	sld [smem:$0x3FAA]  }
0x30: {  	s3 =	sld [smem:$0x3FAD]  }
0x31: {  	[smem:$0x3FB6] =	sst s10  }
0x32: {  	s10 =	sld [smem:$0x3FB4];
	_ =	sdelay $0x3  }
0x33: {  	p0 =	seq.s32 s10, $0x1;
	s10 =	sld [smem:$0x3FB6];
	_ =	sdelay $0x3  }
0x34: {  	[smem:$0x3FB6] =	sst s10  }
0x35: {  	s10 =	sld [smem:$0x3FB5];
	_ =	sdelay $0x3  }
0x36: {  	p1 =	seq.s32 s10, $0x1;
	s10 =	sld [smem:$0x3FB6];
	_ =	sdelay $0x3  }
0x37: {  	[smem:$0x3FB6] =	sst s10  }
0x38: {  	s10 =	sld [smem:$0x3FB7]  }
0x39: {  	_ = 	snop;
	(pc) =	sbr.ind lr, $3  }
0x3a: {  	_ = 	snop  }
0x3b: {  	_ = 	snop  }
0x3c: {  	p2 =	seq.s32 s10, $0x1;
	s10 =	sld [smem:$0x3FB6]  }
0x3d: {  	_ =	shalt  }
0x3e: {  	_ =	shalt  }
0x3f: {  	_ =	shalt  }
0x40: {  	_ =	shalt  }
0x41: {  	_ =	shalt  }
0x42: {  	_ =	shalt  }
0x43: {  	_ =	shalt  }
0x44: {  	_ =	shalt  }
0x45: {  	_ =	shalt  }
0x46: {  	_ =	shalt  }
0x47: {  	_ =	shalt  }
0x48: {  	_ =	shalt  }
0x49: {  	_ =	shalt  }
0x4a: {  	_ =	shalt  }
0x4b: {  	_ =	shalt  }
0x4c: {  	_ =	shalt  }
0x4d: {  	_ =	shalt  }
0x4e: {  	_ =	shalt  }
0x4f: {  	_ =	shalt  }
0x50: {  	_ =	shalt  }
0x51: {  	_ =	shalt  }
0x52: {  	_ =	shalt  }
0x53: {  	_ =	shalt  }
0x54: {  	_ =	shalt  }
0x55: {  	_ =	shalt  }
0x56: {  	_ =	shalt  }
0x57: {  	_ =	shalt  }
0x58: {  	_ =	shalt  }
0x59: {  	_ =	shalt  }
0x5a: {  	_ =	shalt  }
0x5b: {  	_ =	shalt  }
0x5c: {  	_ =	shalt  }
0x5d: {  	_ =	shalt  }
0x5e: {  	_ =	shalt  }
0x5f: {  	_ =	shalt  }
0x60: {  	_ =	shalt  }
0x61: {  	_ =	shalt  }
0x62: {  	_ =	shalt  }
0x63: {  	_ =	shalt  }
0x64: {  	_ =	shalt  }
0x65: {  	_ =	shalt  }
0x66: {  	_ =	shalt  }
0x67: {  	_ =	shalt  }
0x68: {  	_ =	shalt  }
0x69: {  	_ =	shalt  }
0x6a: {  	_ =	shalt  }
0x6b: {  	_ =	shalt  }
0x6c: {  	_ =	shalt  }
0x6d: {  	_ =	shalt  }
0x6e: {  	_ =	shalt  }
0x6f: {  	_ =	shalt  }
0x70: {  	_ =	shalt  }
0x71: {  	_ =	shalt  }
0x72: {  	_ =	shalt  }
0x73: {  	_ =	shalt  }
0x74: {  	_ =	shalt  }
0x75: {  	_ =	shalt  }
0x76: {  	_ =	shalt  }
0x77: {  	_ =	shalt  }
0x78: {  	_ =	shalt  }
0x79: {  	_ =	shalt  }
0x7a: {  	_ =	shalt  }
0x7b: {  	_ =	shalt  }
0x7c: {  	_ =	shalt  }
0x7d: {  	_ =	shalt  }
0x7e: {  	_ =	shalt  }
0x7f: {  	_ =	shalt  }
0x80: {  	_ =	shalt  }
0x81: {  	_ =	shalt  }
0x82: {  	_ =	shalt  }
0x83: {  	_ =	shalt  }
0x84: {  	_ =	shalt  }
0x85: {  	_ =	shalt  }
0x86: {  	_ =	shalt  }
0x87: {  	_ =	shalt  }
.Lfunc_end0:
.L_simem_size_0:
called_computation_lowered:
.L_overlay_start_0:
0x88: {  	s2 =	sld [smem:$0x3FD9]  }
0x89: {  	s3 =	sld [smem:$0x3FFE];
	_ =	sdelay $0x1  }
0x8a: {  	s1 =	srdreg.scid  }
0x8b: {  	s0 =	sand.u32 $0x1, s1  }
0x8c: {  	s17 =	sshll.u32 s0, $0xA;
	s2 =	sadd.s32 s3, s2  }
0x8d: {  	s2 =	sadd.s32 s2, s17  }
0x8e: {  	[smem:$0x3FC2] =	sst s2  }
0x8f: {  	_ = 	snop  }
0x90: {  	s2 =	sld [smem:$0x3FD0];
	(tm) =	ssettm $0x1  }
0x91: {  	s18 =	sld [smem:$0x3FFB];
	_ =	sdelay $0x3  }
0x92: {  	_ =	strace s18  }
0x93: {  	s3 =	sld [smem:$0x3FFC];
	_ =	sdelay $0x3  }
0x94: {  	_ =	strace s3  }
0x95: {  	s3 =	sld [smem:$0x3FFD];
	_ =	sdelay $0x3  }
0x96: {  	_ =	strace s3  }
0x97: {  	_ =	strace $0x8FFFFFFF  }
0x98: {  	s19 =	sld [smem:$0x3FDB];
	_ =	sdelay $0x1  }
0x99: {  	s4 =	simm.s32 $_scs_section_size  }
0x9a: {  	s5 =	simm.s32 $_size__tile_overlayer_lowered;
	s6 =	simm.s32 $_tile_overlayer_lowered  }
0x9b: {  	s22 =	simm.s32 $0x1BFF;
	s21 =	sshll.u32 s6, $0x1;
	s3 =	sadd.s32 s4, s19  }
0x9c: {  	s7 =	simm.s32 $0x0;
	s20 =	sshll.u32 s5, $0x1;
	s5 =	sadd.s32 s21, s3  }
0x9d: {  	[timem:s7], [sflag:s22] =	dma.local [hbm:s5], s20  }
0x9e: {  	_ =	swait.ge [sflag:s22], s20  }
0x9f: {  	s4 =	ssub.s32 $0x0, s20;
	[sflag:s22] =	ssyncset.done $0x0  }
0xa0: {  	[sflag:s22] =	ssyncadd.s32 s4;
	_ =	sdelay $0x1  }
0xa1: {  	s23 =	simm.s32 $0x1B8B  }
0xa2: {  	_ =	swait.ge [sflag:s23], $0x1  }
0xa3: {  	[sflag:s23] =	ssyncset.done $0x0  }
0xa4: {  	s25 =	simm.s32 $0x1B8E;
	s24 =	sld [smem:$0x3FFE];
	[sflag:s23] =	ssyncadd.s32 $0xFFFFFFFF  }
0xa5: {  	s26 =	simm.s32 $execute0_lowered;
	[smem:$0x3FD2] =	sst s25  }
0xa6: {  	s5 =	sshll.u32 s26, $0x1;
	_ =	strace $0x80000046;
	[dreg:$0x1] =	wrdreg $0xFFFFFFFF  }
0xa7: {  	s28 =	simm.s32 $_size_execute0_lowered;
	s3 =	sadd.s32 s3, s5;
	[dreg:$0x0] =	wrdreg $0x0  }
0xa8: {  	s5 =	sshll.u32 s28, $0x1;
	[dreg:$0x2] =	wrdreg s3  }
0xa9: {  	[dreg:$0x3] =	wrdreg s5  }
0xaa: {  	[dreg:$0x4] =	wrdreg $0xC0  }
0xab: {  	_ =	task [dreg:s7], $0x5FFFF  }
0xac: {  	[dreg:$0x1] =	wrdreg $0xFFFFFFFF  }
0xad: {  	[dreg:$0x0] =	wrdreg $0x60  }
0xae: {  	[dreg:$0x2] =	wrdreg s2  }
0xaf: {  	[dreg:$0x3] =	wrdreg s24  }
0xb0: {  	[dreg:$0x4] =	wrdreg $0xA8000  }
0xb1: {  	[dreg:$0x5] =	wrdreg $0x9  }
0xb2: {  	_ =	task.clear_ibuf [dreg:s7], $0x6FFFF;
	_ =	strace $0x90000046  }
0xb3: {  	s29 =	simm.s32 $0x9;
	_ =	strace $0x80000048  }
0xb4: {  	_ =	swait.ge [sflag:s29], $0x1  }
0xb5: {  	[sflag:s29] =	ssyncadd.s32 $0xFFFFFFFF  }
0xb6: {  	_ =	strace $0x90000048  }
0xb7: {  	_ =	sfence  }
0xb8: {  	s30 =	sld [smem:$0x0];
	_ =	sdelay $0x2  }
0xb9: {  	s31 =	sshll.u32 s1, $0xD;
	s1 =	sshrl.u32 s1, $0x2  }
0xba: {  	s3 =	sand.u32 $0x4000, s31;
	s1 =	sadd.s32 s1, s30  }
0xbb: {  	s0 =	sor.u32 s3, s0;
	s1 =	sshll.u32 s1, $0x11  }
0xbc: {  	s0 =	sor.u32 s1, s0  }
0xbd: {  	s0 =	sadd.s32 $0x8F2B, s0  }
0xbe: {  	[sflag:s0] =	ssyncadd.remote.s32 $0x1  }
0xbf: {  	_ =	sfence.sel $0xFFFF  }
0xc0: {  	[dreg:$0x0] =	wrdreg $0xFFFFFFFF;
	(pc) =	sbr.abs _section_cstart, $3  }
0xc1: {  	[dreg:$0x1] =	wrdreg $0xFFFFFFFF  }
0xc2: {  	_ =	task.clear_ibuf [dreg:s7], $0x2FFFF;
	_ =	strace $0x9FFFFFFF  }
0xc3: {  	(tm) =	ssettm $0x7FFFFFFF  }
tec
execute0_lowered:
.L_overlay_start_1:
0x0: {  	(tag) =	ssettag $0x1  }
0x1: {  	s6 =	rddreg [dreg:$0x0]  }
0x2: {  	s5 =	rddreg [dreg:$0x1]  }
0x3: {  	s2 =	rddreg [dreg:$0x2]  }
0x4: {  	s0 =	stileid.u32;
	s7 =	srdreg.scid  }
0x5: {  	s1 =	rddreg [dreg:$0x3];
	s3 =	simm.s32 $0x0;
	s13 =	simm.s32 $0x50  }
0x6: {  	s14 =	simm.s32 $0x80;
	s15 =	simm.s32 $0x1;
	s16 =	simm.s32 $0x2  }
0x7: {  	s17 =	simm.s32 $0x0;
	s4 =	smul.u32 $0x14000, s0;
	s7 =	sand.u32 $0x1, s7  }
0x8: {  	[smem:$0x7FF] =	sst s3;
	s11 =	smul.u32 $0x50000, s0;
	s30 =	sshll.u32 s0, $0xC  }
0x9: {  	s31 =	sshll.u32 s0, $0x6;
	s9 =	smul.u32 $0x140000, s7;
	_ =	strace $0x80000047  }
0xa: {  	s10 =	ssub.s32 $0x2, s7;
	s7 =	sshll.u32 s7, $0x10;
	s8 =	sshrl.u32 s4, $0x3  }
0xb: {  	s12 =	sshrl.u32 s10, $0x1;
	s29 =	sshrl.u32 s11, $0x2;
	s8 =	sadd.s32 s8, s5  }
0xc: {  	s9 =	sadd.s32 s4, s9;
	s4 =	sadd.s32 $0x3800, s5;
	s10 =	ssub.s32 s10, s12  }
0xd: {  	s11 =	sadd.s32 s29, s2;
	s12 =	simm.s32 $0x8000;
	s9 =	sshrl.u32 s9, $0x3  }
0xe: {  	s9 =	sadd.s32 s9, s5;
	s5 =	sadd.s32 $0x3E00, s8;
	s8 =	sadd.s32 s6, s30  }
0xf: {  	s6 =	sor.u32 $0x1C03, s31;
	s7 =	sadd.s32 s7, s8;
	s8 =	sadd.s32 $0x2BE00, s9  }
0x10: {  	s9 =	smax.u32 s10, $0x1;
	s10 =	sshrl.u32 s11, $0x3;
	s11 =	simm.s32 $0x3  }
.LBB2_1:
0x11: {  	[spmem:s10], [sflag:s6] =	dma.local [hbm:s5], $0x2800  }
0x12: {  	_ =	swait.ge [sflag:s11], $0x2800  }
0x13: {  	[sflag:s11] =	ssyncset.done $0x0  }
0x14: {  	[sflag:s11] =	ssyncadd.s32 $0xFFFFD800  }
0x15: {  	[tilespmem:s3], [sflag:$0x3] =	stream.linear.gather [hbm4b:s7+s3], $0x7D00, $0x38;
	[tilespmem:$0x1E800] =	vst v63  }
0x16: {  	_ =	swait.ge [sflag:s11], $0x7D00  }
0x17: {  	[sflag:s11] =	ssyncset.done $0x0  }
0x18: {  	[sflag:s11] =	ssyncadd.s32 $0xFFFF8300  }
0x19: {  	[tilespmem:s12], [sflag:$0x3] =	stream.linear.gather [hbm4b:s4+s3], $0x2800, $0x38;
	[tilespmem:$0x1E800] =	vst v63  }
0x1a: {  	_ =	swait.ge [sflag:s11], $0x2800  }
0x1b: {  	[sflag:s11] =	ssyncset.done $0x0  }
0x1c: {  	[sflag:s11] =	ssyncadd.s32 $0xFFFFD800  }
0x1d: {  	[bflag:$0x0] =	sbarrier.arrive $0xFFFF  }
0x1e: {  	[spmem:s2] =	stream.indirect.scatter.add.f32 [tilespmem:s12], [sflag:$0x1], $0x80, s3, s13, $0xb8;
	[tilespmem:$0x1E800] =	vst v63  }
0x1f: {  	_ = 	snop  }
0x20: {  	[spmem:s2] =	stream.indirect.scatter.add.f32 [tilespmem:s12], [sflag:$0x2], $0x80, s14, s13, $0xb8;
	[tilespmem:$0x1E800] =	vst v63  }
0x21: {  	_ =	swait.ge [sflag:s15], $0x2800  }
0x22: {  	[sflag:s15] =	ssyncset.done $0x0  }
0x23: {  	s18 =	simm.s32 $0x100;
	[sflag:s15] =	ssyncadd.s32 $0xFFFFD800  }
0x24: {  	[spmem:s2] =	stream.indirect.scatter.add.f32 [tilespmem:s12], [sflag:$0x1], $0x80, s18, s13, $0xb8;
	[tilespmem:$0x1E800] =	vst v63  }
0x25: {  	_ =	swait.ge [sflag:s16], $0x2800  }
0x26: {  	[sflag:s16] =	ssyncset.done $0x0  }
0x27: {  	s19 =	simm.s32 $0x180;
	s18 =	simm.s32 $0xFFFE1400;
	[sflag:s16] =	ssyncadd.s32 $0xFFFFD800  }
.LBB2_2:
0x28: {  	[spmem:s2] =	stream.indirect.scatter.add.f32 [tilespmem:s12], [sflag:$0x2], $0x80, s19, s13, $0xb8;
	[tilespmem:$0x1E800] =	vst v63  }
0x29: {  	s19 =	smov.u32 s18  }
0x2a: {  	p0 =	sne.s32 s18, $0xFFFFFC00;
	s18 =	sadd.s32 $0x400, s18;
	_ =	swait.ge [sflag:s15], $0x2800  }
0x2b: {  	s19 =	sshra.s32 s19, $0x2;
	[sflag:s15] =	ssyncset.done $0x0  }
.Ltmp0:
0x2c: {  	s20 =	sadd.s32 $0x7D00, s19;
	[sflag:s15] =	ssyncadd.s32 $0xFFFFD800;
	(pc) =	sbr.rel @p0 .LBB2_2-.Ltmp0, $4  }
0x2d: {  	[spmem:s2] =	stream.indirect.scatter.add.f32 [tilespmem:s12], [sflag:$0x1], $0x80, s20, s13, $0xb8;
	[tilespmem:$0x1E800] =	vst v63  }
0x2e: {  	_ =	swait.ge [sflag:s16], $0x2800  }
0x2f: {  	[sflag:s16] =	ssyncset.done $0x0  }
0x30: {  	s19 =	sadd.s32 $0x7D80, s19;
	[sflag:s16] =	ssyncadd.s32 $0xFFFFD800  }
0x31: {  	[spmem:s2] =	stream.indirect.scatter.add.f32 [tilespmem:s12], [sflag:$0x2], $0x80, s19, s13, $0xb8;
	[tilespmem:$0x1E800] =	vst v63  }
0x32: {  	_ =	swait.ge [sflag:s15], $0x2800  }
0x33: {  	[sflag:s15] =	ssyncset.done $0x0  }
0x34: {  	[sflag:s15] =	ssyncadd.s32 $0xFFFFD800  }
0x35: {  	_ =	swait.ge [sflag:s16], $0x2800  }
0x36: {  	s17 =	sadd.s32 $0x1, s17;
	[sflag:s16] =	ssyncset.done $0x0  }
0x37: {  	p0 =	sne.s32 s17, s9;
	[sflag:s16] =	ssyncadd.s32 $0xFFFFD800  }
.Ltmp1:
0x38: {  	[bflag:$0x0] =	sbarrier.arrive $0xFFFF;
	(pc) =	sbr.rel @p0 .LBB2_1-.Ltmp1, $4  }
0x39: {  	[hbm:s8], [sflag:s6] =	dma.local [spmem:s10], $0x2800  }
0x3a: {  	_ =	swait.ge [sflag:s11], $0x2800  }
0x3b: {  	[sflag:s11] =	ssyncset.done $0x0  }
0x3c: {  	[sflag:s11] =	ssyncadd.s32 $0xFFFFD800  }
0x3d: {  	_ =	sfence.sel $0x180000  }
0x3e: {  	[bflag:$0x0] =	sbarrier.arrive $0xFFFF  }
0x3f: {  	p0 =	sne.s32 s0, $0x0;
	_ =	strace $0x90000047  }
0x40: {  	s0 =	sadd.s32 @!p0 $0x100000, s1;
	[bflag:$0x2] =	sbarrier.arrive $0xFFFF  }
0x41: {  	[sflag:s0] =	ssyncadd.tile.s32 @!p0 $0x1;
	_ =	shalt  }
.Lfunc_end2:
_tile_overlayer_lowered:
.L_overlay_start_2:
0x42: {  	(tag) =	ssettag $0x2  }
0x43: {  	s0 =	rddreg [dreg:$0x0];
	s2 =	stileid.u32  }
0x44: {  	s1 =	rddreg [dreg:$0x1];
	p0 =	sne.s32 s2, $0x0  }
0x45: {  	s3 =	rddreg [dreg:$0x2];
	[bflag:$0x3] =	sbarrier.arrive $0xFFFF;
	s2 =	simm.s32 @!p0 $0x1C03  }
0x46: {  	[timem:s3], [sflag:s2] =	dma.local @!p0 [hbm:s0], s1  }
0x47: {  	s0 =	simm.s32 @!p0 $0x3  }
0x48: {  	_ =	swait.ge @!p0 [sflag:s0], s1  }
0x49: {  	s1 =	ssub.s32 @!p0 $0x0, s1;
	[sflag:s0] =	ssyncset.done @!p0 $0x0  }
0x4a: {  	[sflag:s0] =	ssyncadd.s32 @!p0 s1  }
0x4b: {  	[bflag:$0x3] =	sbarrier.arrive $0xFFFF  }
0x4c: {  	_ =	shalt  }

// kernel: kernel.19.cloned.1.call-start
scs
__scs_entry_jumppad:
0x0: {  	(pc) =	sbr.rel $0x88, $3  }
0x1: {  	(tag) =	ssettag $0x0;
	lr =	simm.s32 $0x1  }
0x2: {  	[smem:$0x3F9B] =	sst lr;
	_ =	strace $0xD0000000  }
0x3: {  	_ = 	snop  }
0x4: {  	_ = 	snop  }
0x5: {  	_ = 	snop  }
0x6: {  	_ = 	snop  }
0x7: {  	_ = 	snop  }
__scs_overlays_trampoline_lowered:
0x8: {  	[smem:$0x3FAA] =	sst s0  }
0x9: {  	[smem:$0x3FAB] =	sst s1  }
0xa: {  	[smem:$0x3FAC] =	sst s2  }
0xb: {  	[smem:$0x3FAD] =	sst s3  }
0xc: {  	[smem:$0x3FAE] =	sst s4  }
0xd: {  	[smem:$0x3FAF] =	sst s5  }
0xe: {  	[smem:$0x3FB0] =	sst s6  }
0xf: {  	[smem:$0x3FB1] =	sst s7  }
0x10: {  	[smem:$0x3FB2] =	sst s8  }
0x11: {  	[smem:$0x3FB3] =	sst s9;
	s0 =	simm.s32 @!p0 $0x0  }
0x12: {  	s1 =	sld [smem:$0x3F99];
	s0 =	simm.s32 @p0 $0x1  }
0x13: {  	[smem:$0x3FB4] =	sst s0;
	s0 =	simm.s32 @!p1 $0x0  }
0x14: {  	s2 =	sld [smem:$0x3F98];
	s0 =	simm.s32 @p1 $0x1  }
0x15: {  	[smem:$0x3FB5] =	sst s0;
	s0 =	simm.s32 @!p2 $0x0  }
0x16: {  	s3 =	sld [smem:$0x3FDB];
	s0 =	simm.s32 @p2 $0x1  }
0x17: {  	s4 =	simm.s32 $0x1BF5;
	[smem:$0x3FB7] =	sst s0  }
0x18: {  	s0 =	sld [smem:$0x3F9A];
	_ =	swait.ge [sflag:s4], $0x0  }
0x19: {  	s7 =	sld [smem:$0x3F9B]  }
0x1a: {  	s8 =	sadd.s32 $0xFFFFE003, lr  }
0x1b: {  	s9 =	sadd.s32 $0xFFFFFEF7, lr;
	s5 =	simm.s32 $0xFFFFFFFF;
	p2 =	slt.u32 s8, $0xFFFFF086  }
0x1c: {  	p1 =	slt.u32 s9, $0xF7A;
	s5 =	simm.s32 @!p2 $0x0  }
0x1d: {  	s5 =	simm.s32 @p1 $0x1;
	p0 =	seq.s32 s7, s2  }
0x1e: {  	s7 =	smul.u32 @!p0 $0xF7A, s2;
	p2 =	seq.s32 @!p0 s5, $0x0  }
0x1f: {  	s9 =	smul.u32 $0xF7A, s1;
	s8 =	simm.s32 @!p0 $0x1BF5;
	p2 =	por !p2, p0  }
0x20: {  	[sflag:s8] =	ssyncset.s32 @!p0 $0xFFFFF086;
	s6 =	sadd.s32 @!p0 s3, s7;
	s7 =	simm.s32 @!p0 $0x108  }
0x21: {  	s3 =	sadd.s32 s3, s9;
	s6 =	sadd.s32 @!p0 $0x88, s6;
	s7 =	simm.s32 @p2 $0x1082  }
0x22: {  	[simem:s7], [sflag:s8] =	dma.local @!p0 [hbm:s6], $0xF7A  }
0x23: {  	s9 =	sor.u32 $0xD0000000, s2;
	s6 =	simm.s32 $0x108;
	_ =	swait.ge @!p0 [sflag:s8], $0x0  }
0x24: {  	s3 =	sadd.s32 $0x88, s3;
	s6 =	simm.s32 @!p1 $0x1082;
	[sflag:s4] =	ssyncset.s32 $0xFFFFF086  }
0x25: {  	[simem:s6], [sflag:s4] =	dma.local [hbm:s3], $0xF7A  }
0x26: {  	[smem:$0x3F9B] =	sst s1;
	(tag) =	ssettag s2;
	_ =	strace s9  }
0x27: {  	s1 =	sld [smem:$0x3FAB]  }
0x28: {  	s2 =	sld [smem:$0x3FAC]  }
0x29: {  	s4 =	sld [smem:$0x3FAE]  }
0x2a: {  	p0 =	seq.s32 s5, $0x0;
	s5 =	sld [smem:$0x3FAF]  }
0x2b: {  	s6 =	sld [smem:$0x3FB0]  }
0x2c: {  	s7 =	sld [smem:$0x3FB1]  }
0x2d: {  	s3 =	simm.s32 $0x108;
	s8 =	sld [smem:$0x3FB2]  }
0x2e: {  	s3 =	simm.s32 @!p0 $0x1082;
	s9 =	sld [smem:$0x3FB3]  }
0x2f: {  	lr =	sadd.s32 s0, s3;
	s0 =	sld [smem:$0x3FAA]  }
0x30: {  	s3 =	sld [smem:$0x3FAD]  }
0x31: {  	[smem:$0x3FB6] =	sst s10  }
0x32: {  	s10 =	sld [smem:$0x3FB4];
	_ =	sdelay $0x3  }
0x33: {  	p0 =	seq.s32 s10, $0x1;
	s10 =	sld [smem:$0x3FB6];
	_ =	sdelay $0x3  }
0x34: {  	[smem:$0x3FB6] =	sst s10  }
0x35: {  	s10 =	sld [smem:$0x3FB5];
	_ =	sdelay $0x3  }
0x36: {  	p1 =	seq.s32 s10, $0x1;
	s10 =	sld [smem:$0x3FB6];
	_ =	sdelay $0x3  }
0x37: {  	[smem:$0x3FB6] =	sst s10  }
0x38: {  	s10 =	sld [smem:$0x3FB7]  }
0x39: {  	_ = 	snop;
	(pc) =	sbr.ind lr, $3  }
0x3a: {  	_ = 	snop  }
0x3b: {  	_ = 	snop  }
0x3c: {  	p2 =	seq.s32 s10, $0x1;
	s10 =	sld [smem:$0x3FB6]  }
0x3d: {  	_ =	shalt  }
0x3e: {  	_ =	shalt  }
0x3f: {  	_ =	shalt  }
0x40: {  	_ =	shalt  }
0x41: {  	_ =	shalt  }
0x42: {  	_ =	shalt  }
0x43: {  	_ =	shalt  }
0x44: {  	_ =	shalt  }
0x45: {  	_ =	shalt  }
0x46: {  	_ =	shalt  }
0x47: {  	_ =	shalt  }
0x48: {  	_ =	shalt  }
0x49: {  	_ =	shalt  }
0x4a: {  	_ =	shalt  }
0x4b: {  	_ =	shalt  }
0x4c: {  	_ =	shalt  }
0x4d: {  	_ =	shalt  }
0x4e: {  	_ =	shalt  }
0x4f: {  	_ =	shalt  }
0x50: {  	_ =	shalt  }
0x51: {  	_ =	shalt  }
0x52: {  	_ =	shalt  }
0x53: {  	_ =	shalt  }
0x54: {  	_ =	shalt  }
0x55: {  	_ =	shalt  }
0x56: {  	_ =	shalt  }
0x57: {  	_ =	shalt  }
0x58: {  	_ =	shalt  }
0x59: {  	_ =	shalt  }
0x5a: {  	_ =	shalt  }
0x5b: {  	_ =	shalt  }
0x5c: {  	_ =	shalt  }
0x5d: {  	_ =	shalt  }
0x5e: {  	_ =	shalt  }
0x5f: {  	_ =	shalt  }
0x60: {  	_ =	shalt  }
0x61: {  	_ =	shalt  }
0x62: {  	_ =	shalt  }
0x63: {  	_ =	shalt  }
0x64: {  	_ =	shalt  }
0x65: {  	_ =	shalt  }
0x66: {  	_ =	shalt  }
0x67: {  	_ =	shalt  }
0x68: {  	_ =	shalt  }
0x69: {  	_ =	shalt  }
0x6a: {  	_ =	shalt  }
0x6b: {  	_ =	shalt  }
0x6c: {  	_ =	shalt  }
0x6d: {  	_ =	shalt  }
0x6e: {  	_ =	shalt  }
0x6f: {  	_ =	shalt  }
0x70: {  	_ =	shalt  }
0x71: {  	_ =	shalt  }
0x72: {  	_ =	shalt  }
0x73: {  	_ =	shalt  }
0x74: {  	_ =	shalt  }
0x75: {  	_ =	shalt  }
0x76: {  	_ =	shalt  }
0x77: {  	_ =	shalt  }
0x78: {  	_ =	shalt  }
0x79: {  	_ =	shalt  }
0x7a: {  	_ =	shalt  }
0x7b: {  	_ =	shalt  }
0x7c: {  	_ =	shalt  }
0x7d: {  	_ =	shalt  }
0x7e: {  	_ =	shalt  }
0x7f: {  	_ =	shalt  }
0x80: {  	_ =	shalt  }
0x81: {  	_ =	shalt  }
0x82: {  	_ =	shalt  }
0x83: {  	_ =	shalt  }
0x84: {  	_ =	shalt  }
0x85: {  	_ =	shalt  }
0x86: {  	_ =	shalt  }
0x87: {  	_ =	shalt  }
.Lfunc_end0:
.L_simem_size_0:
called_computation.1_lowered:
.L_overlay_start_0:
0x88: {  	s2 =	sld [smem:$0x3FD9]  }
0x89: {  	s3 =	sld [smem:$0x3FFE];
	_ =	sdelay $0x1  }
0x8a: {  	s1 =	srdreg.scid  }
0x8b: {  	s0 =	sand.u32 $0x1, s1  }
0x8c: {  	s16 =	sshll.u32 s0, $0xA;
	s2 =	sadd.s32 s3, s2  }
0x8d: {  	s2 =	sadd.s32 s2, s16  }
0x8e: {  	[smem:$0x3FC2] =	sst s2  }
0x8f: {  	_ = 	snop  }
0x90: {  	(tm) =	ssettm $0x1  }
0x91: {  	s17 =	sld [smem:$0x3FFB];
	_ =	sdelay $0x3  }
0x92: {  	_ =	strace s17  }
0x93: {  	s2 =	sld [smem:$0x3FFC];
	_ =	sdelay $0x3  }
0x94: {  	_ =	strace s2  }
0x95: {  	s2 =	sld [smem:$0x3FFD];
	_ =	sdelay $0x3  }
0x96: {  	_ =	strace s2  }
0x97: {  	_ =	strace $0x8FFFFFFF  }
0x98: {  	s18 =	sld [smem:$0x3FDB];
	_ =	sdelay $0x1  }
0x99: {  	s19 =	simm.s32 $_scs_section_size  }
0x9a: {  	s4 =	simm.s32 $_size__tile_overlayer_lowered;
	s5 =	simm.s32 $_tile_overlayer_lowered  }
0x9b: {  	s22 =	simm.s32 $0x1BFF;
	s21 =	sshll.u32 s5, $0x1;
	s2 =	sadd.s32 s19, s18  }
0x9c: {  	s6 =	simm.s32 $0x0;
	s20 =	sshll.u32 s4, $0x1;
	s4 =	sadd.s32 s21, s2  }
0x9d: {  	[timem:s6], [sflag:s22] =	dma.local [hbm:s4], s20  }
0x9e: {  	_ =	swait.ge [sflag:s22], s20  }
0x9f: {  	s3 =	ssub.s32 $0x0, s20;
	[sflag:s22] =	ssyncset.done $0x0  }
0xa0: {  	[sflag:s22] =	ssyncadd.s32 s3;
	_ =	sdelay $0x1  }
0xa1: {  	s23 =	simm.s32 $0x1B8B  }
0xa2: {  	_ =	swait.ge [sflag:s23], $0x1  }
0xa3: {  	[sflag:s23] =	ssyncset.done $0x0  }
0xa4: {  	s25 =	simm.s32 $0x1B8E;
	s24 =	sld [smem:$0x3FFE];
	[sflag:s23] =	ssyncadd.s32 $0xFFFFFFFF  }
0xa5: {  	s26 =	simm.s32 $execute0_lowered;
	[smem:$0x3FD2] =	sst s25  }
0xa6: {  	s4 =	sshll.u32 s26, $0x1;
	_ =	strace $0x80000049;
	[dreg:$0x1] =	wrdreg $0xFFFFFFFF  }
0xa7: {  	s28 =	simm.s32 $_size_execute0_lowered;
	s2 =	sadd.s32 s2, s4;
	[dreg:$0x0] =	wrdreg $0x0  }
0xa8: {  	s4 =	sshll.u32 s28, $0x1;
	[dreg:$0x2] =	wrdreg s2  }
0xa9: {  	[dreg:$0x3] =	wrdreg s4  }
0xaa: {  	[dreg:$0x4] =	wrdreg $0xC0  }
0xab: {  	_ =	task [dreg:s6], $0x5FFFF  }
0xac: {  	[dreg:$0x1] =	wrdreg $0xFFFFFFFF  }
0xad: {  	[dreg:$0x0] =	wrdreg $0x60  }
0xae: {  	[dreg:$0x2] =	wrdreg s24  }
0xaf: {  	[dreg:$0x3] =	wrdreg $0xA8000  }
0xb0: {  	[dreg:$0x4] =	wrdreg $0x9  }
0xb1: {  	_ =	task.clear_ibuf [dreg:s6], $0x5FFFF;
	_ =	strace $0x90000049  }
0xb2: {  	s29 =	simm.s32 $0x9;
	_ =	strace $0x8000004B  }
0xb3: {  	_ =	swait.ge [sflag:s29], $0x1  }
0xb4: {  	[sflag:s29] =	ssyncadd.s32 $0xFFFFFFFF  }
0xb5: {  	_ =	strace $0x9000004B  }
0xb6: {  	_ =	sfence  }
0xb7: {  	s30 =	sld [smem:$0x0];
	_ =	sdelay $0x2  }
0xb8: {  	s31 =	sshll.u32 s1, $0xD;
	s1 =	sshrl.u32 s1, $0x2  }
0xb9: {  	s3 =	sand.u32 $0x4000, s31;
	s1 =	sadd.s32 s1, s30  }
0xba: {  	s0 =	sor.u32 s3, s0;
	s1 =	sshll.u32 s1, $0x11  }
0xbb: {  	s0 =	sor.u32 s1, s0  }
0xbc: {  	s0 =	sadd.s32 $0x8F2B, s0  }
0xbd: {  	[sflag:s0] =	ssyncadd.remote.s32 $0x1  }
0xbe: {  	_ =	sfence.sel $0xFFFF  }
0xbf: {  	[dreg:$0x0] =	wrdreg $0xFFFFFFFF;
	(pc) =	sbr.abs _section_cstart, $3  }
0xc0: {  	[dreg:$0x1] =	wrdreg $0xFFFFFFFF  }
0xc1: {  	_ =	task.clear_ibuf [dreg:s6], $0x2FFFF;
	_ =	strace $0x9FFFFFFF  }
0xc2: {  	(tm) =	ssettm $0x7FFFFFFF  }
0xc3: {  	_ =	shalt  }
tec
execute0_lowered:
.L_overlay_start_1:
0x0: {  	(tag) =	ssettag $0x1  }
0x1: {  	s5 =	rddreg [dreg:$0x0]  }
0x2: {  	s2 =	rddreg [dreg:$0x1];
	s3 =	simm.s32 $0x0  }
0x3: {  	s1 =	stileid.u32;
	s4 =	srdreg.scid;
	s16 =	simm.s32 $0x80  }
0x4: {  	s17 =	simm.s32 $0x2800;
	s18 =	simm.s32 $0x6800;
	s19 =	simm.s32 $0x1  }
0x5: {  	s20 =	simm.s32 $0x3;
	s21 =	simm.s32 $0x100;
	s22 =	simm.s32 $0x2  }
0x6: {  	s23 =	simm.s32 $0x1480;
	s24 =	simm.s32 $0x4;
	s25 =	simm.s32 $0x1380  }
0x7: {  	s28 =	simm.s32 $0x2780;
	s29 =	simm.s32 $0x0;
	[smem:$0x7FF] =	sst s3  }
0x8: {  	s6 =	smul.u32 $0x14000, s1;
	s7 =	sand.u32 $0x1, s4;
	s4 =	sadd.s32 $0x2BE00, s5  }
0x9: {  	s10 =	sadd.s32 $0x85E00, s5;
	s11 =	sadd.s32 $0x7BE00, s5;
	s26 =	smul.u32 $0x50000, s1  }
0xa: {  	s30 =	sshll.u32 s1, $0x6;
	_ =	strace $0x8000004A;
	s9 =	smul.u32 $0x140000, s7  }
0xb: {  	s12 =	sshll.u32 s7, $0x4;
	s7 =	ssub.s32 $0x2, s7;
	s8 =	sshrl.u32 s6, $0x3  }
0xc: {  	s12 =	sor.u32 s1, s12;
	s13 =	sshrl.u32 s7, $0x1;
	s8 =	sadd.s32 s8, s5  }
0xd: {  	s6 =	sadd.s32 s6, s9;
	s9 =	sshrl.u32 s26, $0x2;
	s12 =	smul.u32 $0x2800, s12  }
0xe: {  	s13 =	ssub.s32 s7, s13;
	s26 =	simm.s32 $0x2700;
	s6 =	sshrl.u32 s6, $0x3  }
0xf: {  	s15 =	sadd.s32 s9, s2;
	s14 =	sadd.s32 s6, s5;
	s31 =	sshrl.u32 s12, $0x3  }
0x10: {  	s5 =	sadd.s32 $0x3E00, s8;
	s6 =	sor.u32 $0x1C05, s30;
	s12 =	sadd.s32 $0x280, s31  }
0x11: {  	s7 =	sadd.s32 s10, s31;
	s8 =	sadd.s32 s11, s31;
	s9 =	sadd.s32 s10, s12  }
0x12: {  	s10 =	sadd.s32 s11, s12;
	s11 =	sadd.s32 $0x8FE00, s14;
	s12 =	smax.u32 s13, $0x1  }
0x13: {  	s13 =	sshrl.u32 s15, $0x3;
	s14 =	simm.s32 $0x5;
	s15 =	simm.s32 $0x1400  }
.LBB2_1:
0x14: {  	[spmem:s13], [sflag:s6] =	dma.local [hbm:s5], $0x2800  }
0x15: {  	_ =	swait.ge [sflag:s14], $0x2800  }
0x16: {  	[sflag:s14] =	ssyncset.done $0x0  }
0x17: {  	[sflag:s14] =	ssyncadd.s32 $0xFFFFD800  }
0x18: {  	[bflag:$0x0] =	sbarrier.arrive $0xFFFF  }
0x19: {  	[tilespmem:s3], [sflag:$0x5] =	stream.linear.gather [hbm4b:s7+s3], $0x1400, $0x38;
	[tilespmem:$0x1E800] =	vst v63  }
0x1a: {  	_ =	swait.ge [sflag:s14], $0x1400  }
0x1b: {  	[sflag:s14] =	ssyncset.done $0x0  }
0x1c: {  	[sflag:s14] =	ssyncadd.s32 $0xFFFFEC00  }
0x1d: {  	[tilespmem:s15], [sflag:$0x5] =	stream.linear.gather [hbm4b:s8+s3], $0x1400, $0x38;
	[tilespmem:$0x1E800] =	vst v63  }
0x1e: {  	_ =	swait.ge [sflag:s14], $0x1400  }
0x1f: {  	[sflag:s14] =	ssyncset.done $0x0  }
0x20: {  	[sflag:s14] =	ssyncadd.s32 $0xFFFFEC00  }
0x21: {  	[tilespmem:s17], [sflag:$0x1] =	stream.indirect.gather [hbm4b:s4+s16], $0x80, s3, s16, $0xb8;
	[tilespmem:$0x1E800] =	vst v63  }
0x22: {  	_ = 	snop  }
0x23: {  	[tilespmem:s18], [sflag:$0x2] =	stream.indirect.gather [hbm4b:s4+s16], $0x80, s16, s16, $0xb8;
	[tilespmem:$0x1E800] =	vst v63  }
0x24: {  	_ =	swait.ge [sflag:s19], $0x4000  }
0x25: {  	[sflag:s19] =	ssyncset.done $0x0  }
0x26: {  	[sflag:s19] =	ssyncadd.s32 $0xFFFFC000  }
0x27: {  	[spmem:s2] =	stream.indirect.scatter.add.f32 [tilespmem:s17], [sflag:$0x3], $0x80, s15, s16, $0xb8;
	[tilespmem:$0x1E800] =	vst v63  }
0x28: {  	_ =	swait.ge [sflag:s20], $0x4000  }
0x29: {  	[sflag:s20] =	ssyncset.done $0x0  }
0x2a: {  	[sflag:s20] =	ssyncadd.s32 $0xFFFFC000  }
0x2b: {  	[tilespmem:s17], [sflag:$0x1] =	stream.indirect.gather [hbm4b:s4+s16], $0x80, s21, s16, $0xb8;
	[tilespmem:$0x1E800] =	vst v63  }
0x2c: {  	_ =	swait.ge [sflag:s22], $0x4000  }
0x2d: {  	[sflag:s22] =	ssyncset.done $0x0  }
0x2e: {  	[sflag:s22] =	ssyncadd.s32 $0xFFFFC000  }
0x2f: {  	[spmem:s2] =	stream.indirect.scatter.add.f32 [tilespmem:s18], [sflag:$0x4], $0x80, s23, s16, $0xb8;
	[tilespmem:$0x1E800] =	vst v63  }
0x30: {  	_ =	swait.ge [sflag:s24], $0x4000  }
0x31: {  	[sflag:s24] =	ssyncset.done $0x0  }
0x32: {  	s30 =	simm.s32 $0x180;
	[sflag:s24] =	ssyncadd.s32 $0xFFFFC000  }
0x33: {  	[tilespmem:s18], [sflag:$0x2] =	stream.indirect.gather [hbm4b:s4+s16], $0x80, s30, s16, $0xb8;
	[tilespmem:$0x1E800] =	vst v63  }
0x34: {  	_ =	swait.ge [sflag:s19], $0x4000  }
0x35: {  	[sflag:s19] =	ssyncset.done $0x0  }
0x36: {  	s30 =	simm.s32 $0x1500;
	[sflag:s19] =	ssyncadd.s32 $0xFFFFC000  }
0x37: {  	[spmem:s2] =	stream.indirect.scatter.add.f32 [tilespmem:s17], [sflag:$0x3], $0x80, s30, s16, $0xb8;
	[tilespmem:$0x1E800] =	vst v63  }
0x38: {  	_ =	swait.ge [sflag:s20], $0x4000  }
0x39: {  	[sflag:s20] =	ssyncset.done $0x0  }
0x3a: {  	s30 =	simm.s32 $0x200;
	[sflag:s20] =	ssyncadd.s32 $0xFFFFC000  }
0x3b: {  	[tilespmem:s17], [sflag:$0x1] =	stream.indirect.gather [hbm4b:s4+s16], $0x80, s30, s16, $0xb8;
	[tilespmem:$0x1E800] =	vst v63  }
0x3c: {  	_ =	swait.ge [sflag:s22], $0x4000  }
0x3d: {  	[sflag:s22] =	ssyncset.done $0x0  }
0x3e: {  	s31 =	simm.s32 $0x1580;
	s30 =	simm.s32 $0xFFFFBC00;
	[sflag:s22] =	ssyncadd.s32 $0xFFFFC000  }
.LBB2_2:
0x3f: {  	[spmem:s2] =	stream.indirect.scatter.add.f32 [tilespmem:s18], [sflag:$0x4], $0x80, s31, s16, $0xb8;
	[tilespmem:$0x1E800] =	vst v63  }
0x40: {  	s31 =	smov.u32 s30  }
0x41: {  	p0 =	sne.s32 s30, $0xFFFFFC00;
	s30 =	sadd.s32 $0x400, s30;
	_ =	swait.ge [sflag:s24], $0x4000  }
0x42: {  	s31 =	sshra.s32 s31, $0x2;
	[sflag:s24] =	ssyncset.done $0x0  }
0x43: {  	s0 =	sadd.s32 $0x1380, s31;
	[sflag:s24] =	ssyncadd.s32 $0xFFFFC000  }
0x44: {  	[tilespmem:s18], [sflag:$0x2] =	stream.indirect.gather [hbm4b:s4+s16], $0x80, s0, s16, $0xb8;
	[tilespmem:$0x1E800] =	vst v63  }
0x45: {  	_ =	swait.ge [sflag:s19], $0x4000  }
0x46: {  	[sflag:s19] =	ssyncset.done $0x0  }
0x47: {  	s0 =	sadd.s32 $0x2700, s31;
	[sflag:s19] =	ssyncadd.s32 $0xFFFFC000  }
0x48: {  	[spmem:s2] =	stream.indirect.scatter.add.f32 [tilespmem:s17], [sflag:$0x3], $0x80, s0, s16, $0xb8;
	[tilespmem:$0x1E800] =	vst v63  }
0x49: {  	_ =	swait.ge [sflag:s20], $0x4000  }
0x4a: {  	[sflag:s20] =	ssyncset.done $0x0  }
.Ltmp0:
0x4b: {  	s0 =	sadd.s32 $0x1400, s31;
	[sflag:s20] =	ssyncadd.s32 $0xFFFFC000;
	(pc) =	sbr.rel @p0 .LBB2_2-.Ltmp0, $4  }
0x4c: {  	[tilespmem:s17], [sflag:$0x1] =	stream.indirect.gather [hbm4b:s4+s16], $0x80, s0, s16, $0xb8;
	[tilespmem:$0x1E800] =	vst v63  }
0x4d: {  	_ =	swait.ge [sflag:s22], $0x4000  }
0x4e: {  	[sflag:s22] =	ssyncset.done $0x0  }
0x4f: {  	s31 =	sadd.s32 $0x2780, s31;
	[sflag:s22] =	ssyncadd.s32 $0xFFFFC000  }
0x50: {  	[spmem:s2] =	stream.indirect.scatter.add.f32 [tilespmem:s18], [sflag:$0x4], $0x80, s31, s16, $0xb8;
	[tilespmem:$0x1E800] =	vst v63  }
0x51: {  	_ =	swait.ge [sflag:s24], $0x4000  }
0x52: {  	[sflag:s24] =	ssyncset.done $0x0  }
0x53: {  	[sflag:s24] =	ssyncadd.s32 $0xFFFFC000  }
0x54: {  	[tilespmem:s18], [sflag:$0x2] =	stream.indirect.gather [hbm4b:s4+s16], $0x80, s25, s16, $0xb8;
	[tilespmem:$0x1E800] =	vst v63  }
0x55: {  	_ =	swait.ge [sflag:s19], $0x4000  }
0x56: {  	[sflag:s19] =	ssyncset.done $0x0  }
0x57: {  	[sflag:s19] =	ssyncadd.s32 $0xFFFFC000  }
0x58: {  	[spmem:s2] =	stream.indirect.scatter.add.f32 [tilespmem:s17], [sflag:$0x3], $0x80, s26, s16, $0xb8;
	[tilespmem:$0x1E800] =	vst v63  }
0x59: {  	_ =	swait.ge [sflag:s20], $0x4000  }
0x5a: {  	[sflag:s20] =	ssyncset.done $0x0  }
0x5b: {  	[sflag:s20] =	ssyncadd.s32 $0xFFFFC000  }
0x5c: {  	_ =	swait.ge [sflag:s22], $0x4000  }
0x5d: {  	[sflag:s22] =	ssyncset.done $0x0  }
0x5e: {  	[sflag:s22] =	ssyncadd.s32 $0xFFFFC000  }
0x5f: {  	[spmem:s2] =	stream.indirect.scatter.add.f32 [tilespmem:s18], [sflag:$0x4], $0x80, s28, s16, $0xb8;
	[tilespmem:$0x1E800] =	vst v63  }
0x60: {  	_ =	swait.ge [sflag:s24], $0x4000  }
0x61: {  	[sflag:s24] =	ssyncset.done $0x0  }
0x62: {  	[sflag:s24] =	ssyncadd.s32 $0xFFFFC000  }
0x63: {  	[tilespmem:s3], [sflag:$0x5] =	stream.linear.gather [hbm4b:s9+s3], $0x1400, $0x38;
	[tilespmem:$0x1E800] =	vst v63  }
0x64: {  	_ =	swait.ge [sflag:s14], $0x1400  }
0x65: {  	[sflag:s14] =	ssyncset.done $0x0  }
0x66: {  	[sflag:s14] =	ssyncadd.s32 $0xFFFFEC00  }
0x67: {  	[tilespmem:s15], [sflag:$0x5] =	stream.linear.gather [hbm4b:s10+s3], $0x1400, $0x38;
	[tilespmem:$0x1E800] =	vst v63  }
0x68: {  	_ =	swait.ge [sflag:s14], $0x1400  }
0x69: {  	[sflag:s14] =	ssyncset.done $0x0  }
0x6a: {  	[sflag:s14] =	ssyncadd.s32 $0xFFFFEC00  }
0x6b: {  	[tilespmem:s17], [sflag:$0x1] =	stream.indirect.gather [hbm4b:s4+s16], $0x80, s3, s16, $0xb8;
	[tilespmem:$0x1E800] =	vst v63  }
0x6c: {  	_ = 	snop  }
0x6d: {  	[tilespmem:s18], [sflag:$0x2] =	stream.indirect.gather [hbm4b:s4+s16], $0x80, s16, s16, $0xb8;
	[tilespmem:$0x1E800] =	vst v63  }
0x6e: {  	_ =	swait.ge [sflag:s19], $0x4000  }
0x6f: {  	[sflag:s19] =	ssyncset.done $0x0  }
0x70: {  	[sflag:s19] =	ssyncadd.s32 $0xFFFFC000  }
0x71: {  	[spmem:s2] =	stream.indirect.scatter.add.f32 [tilespmem:s17], [sflag:$0x3], $0x80, s15, s16, $0xb8;
	[tilespmem:$0x1E800] =	vst v63  }
0x72: {  	_ =	swait.ge [sflag:s20], $0x4000  }
0x73: {  	[sflag:s20] =	ssyncset.done $0x0  }
0x74: {  	[sflag:s20] =	ssyncadd.s32 $0xFFFFC000  }
0x75: {  	[tilespmem:s17], [sflag:$0x1] =	stream.indirect.gather [hbm4b:s4+s16], $0x80, s21, s16, $0xb8;
	[tilespmem:$0x1E800] =	vst v63  }
0x76: {  	_ =	swait.ge [sflag:s22], $0x4000  }
0x77: {  	[sflag:s22] =	ssyncset.done $0x0  }
0x78: {  	[sflag:s22] =	ssyncadd.s32 $0xFFFFC000  }
0x79: {  	[spmem:s2] =	stream.indirect.scatter.add.f32 [tilespmem:s18], [sflag:$0x4], $0x80, s23, s16, $0xb8;
	[tilespmem:$0x1E800] =	vst v63  }
0x7a: {  	_ =	swait.ge [sflag:s24], $0x4000  }
0x7b: {  	[sflag:s24] =	ssyncset.done $0x0  }
0x7c: {  	s0 =	simm.s32 $0x180;
	[sflag:s24] =	ssyncadd.s32 $0xFFFFC000  }
0x7d: {  	[tilespmem:s18], [sflag:$0x2] =	stream.indirect.gather [hbm4b:s4+s16], $0x80, s0, s16, $0xb8;
	[tilespmem:$0x1E800] =	vst v63  }
0x7e: {  	_ =	swait.ge [sflag:s19], $0x4000  }
0x7f: {  	[sflag:s19] =	ssyncset.done $0x0  }
0x80: {  	s0 =	simm.s32 $0x1500;
	[sflag:s19] =	ssyncadd.s32 $0xFFFFC000  }
0x81: {  	[spmem:s2] =	stream.indirect.scatter.add.f32 [tilespmem:s17], [sflag:$0x3], $0x80, s0, s16, $0xb8;
	[tilespmem:$0x1E800] =	vst v63  }
0x82: {  	_ =	swait.ge [sflag:s20], $0x4000  }
0x83: {  	[sflag:s20] =	ssyncset.done $0x0  }
0x84: {  	s0 =	simm.s32 $0x200;
	[sflag:s20] =	ssyncadd.s32 $0xFFFFC000  }
0x85: {  	[tilespmem:s17], [sflag:$0x1] =	stream.indirect.gather [hbm4b:s4+s16], $0x80, s0, s16, $0xb8;
	[tilespmem:$0x1E800] =	vst v63  }
0x86: {  	_ =	swait.ge [sflag:s22], $0x4000  }
0x87: {  	[sflag:s22] =	ssyncset.done $0x0  }
0x88: {  	s30 =	simm.s32 $0xFFFFBC00;
	s31 =	simm.s32 $0x1580;
	[sflag:s22] =	ssyncadd.s32 $0xFFFFC000  }
.LBB2_4:
0x89: {  	[spmem:s2] =	stream.indirect.scatter.add.f32 [tilespmem:s18], [sflag:$0x4], $0x80, s31, s16, $0xb8;
	[tilespmem:$0x1E800] =	vst v63  }
0x8a: {  	s0 =	smov.u32 s30  }
0x8b: {  	p0 =	sne.s32 s30, $0xFFFFFC00;
	s30 =	sadd.s32 $0x400, s30;
	_ =	swait.ge [sflag:s24], $0x4000  }
0x8c: {  	s0 =	sshra.s32 s0, $0x2;
	[sflag:s24] =	ssyncset.done $0x0  }
0x8d: {  	s31 =	sadd.s32 $0x1380, s0;
	[sflag:s24] =	ssyncadd.s32 $0xFFFFC000  }
0x8e: {  	[tilespmem:s18], [sflag:$0x2] =	stream.indirect.gather [hbm4b:s4+s16], $0x80, s31, s16, $0xb8;
	[tilespmem:$0x1E800] =	vst v63  }
0x8f: {  	_ =	swait.ge [sflag:s19], $0x4000  }
0x90: {  	[sflag:s19] =	ssyncset.done $0x0  }
0x91: {  	s31 =	sadd.s32 $0x2700, s0;
	[sflag:s19] =	ssyncadd.s32 $0xFFFFC000  }
0x92: {  	[spmem:s2] =	stream.indirect.scatter.add.f32 [tilespmem:s17], [sflag:$0x3], $0x80, s31, s16, $0xb8;
	[tilespmem:$0x1E800] =	vst v63  }
0x93: {  	_ =	swait.ge [sflag:s20], $0x4000  }
0x94: {  	[sflag:s20] =	ssyncset.done $0x0  }
.Ltmp1:
0x95: {  	s31 =	sadd.s32 $0x1400, s0;
	[sflag:s20] =	ssyncadd.s32 $0xFFFFC000;
	(pc) =	sbr.rel @p0 .LBB2_4-.Ltmp1, $4  }
0x96: {  	[tilespmem:s17], [sflag:$0x1] =	stream.indirect.gather [hbm4b:s4+s16], $0x80, s31, s16, $0xb8;
	[tilespmem:$0x1E800] =	vst v63  }
0x97: {  	_ =	swait.ge [sflag:s22], $0x4000  }
0x98: {  	[sflag:s22] =	ssyncset.done $0x0  }
0x99: {  	s31 =	sadd.s32 $0x2780, s0;
	[sflag:s22] =	ssyncadd.s32 $0xFFFFC000  }
0x9a: {  	[spmem:s2] =	stream.indirect.scatter.add.f32 [tilespmem:s18], [sflag:$0x4], $0x80, s31, s16, $0xb8;
	[tilespmem:$0x1E800] =	vst v63  }
0x9b: {  	_ =	swait.ge [sflag:s24], $0x4000  }
0x9c: {  	[sflag:s24] =	ssyncset.done $0x0  }
0x9d: {  	[sflag:s24] =	ssyncadd.s32 $0xFFFFC000  }
0x9e: {  	[tilespmem:s18], [sflag:$0x2] =	stream.indirect.gather [hbm4b:s4+s16], $0x80, s25, s16, $0xb8;
	[tilespmem:$0x1E800] =	vst v63  }
0x9f: {  	_ =	swait.ge [sflag:s19], $0x4000  }
0xa0: {  	[sflag:s19] =	ssyncset.done $0x0  }
0xa1: {  	[sflag:s19] =	ssyncadd.s32 $0xFFFFC000  }
0xa2: {  	[spmem:s2] =	stream.indirect.scatter.add.f32 [tilespmem:s17], [sflag:$0x3], $0x80, s26, s16, $0xb8;
	[tilespmem:$0x1E800] =	vst v63  }
0xa3: {  	_ =	swait.ge [sflag:s20], $0x4000  }
0xa4: {  	[sflag:s20] =	ssyncset.done $0x0  }
0xa5: {  	[sflag:s20] =	ssyncadd.s32 $0xFFFFC000  }
0xa6: {  	_ =	swait.ge [sflag:s22], $0x4000  }
0xa7: {  	[sflag:s22] =	ssyncset.done $0x0  }
0xa8: {  	[sflag:s22] =	ssyncadd.s32 $0xFFFFC000  }
0xa9: {  	[spmem:s2] =	stream.indirect.scatter.add.f32 [tilespmem:s18], [sflag:$0x4], $0x80, s28, s16, $0xb8;
	[tilespmem:$0x1E800] =	vst v63  }
0xaa: {  	_ =	swait.ge [sflag:s24], $0x4000  }
0xab: {  	s29 =	sadd.s32 $0x1, s29;
	[sflag:s24] =	ssyncset.done $0x0  }
0xac: {  	p0 =	sne.s32 s29, s12;
	[sflag:s24] =	ssyncadd.s32 $0xFFFFC000  }
.Ltmp2:
0xad: {  	[bflag:$0x0] =	sbarrier.arrive $0xFFFF;
	(pc) =	sbr.rel @p0 .LBB2_1-.Ltmp2, $4  }
0xae: {  	[hbm:s11], [sflag:s6] =	dma.local [spmem:s13], $0x2800  }
0xaf: {  	_ =	swait.ge [sflag:s14], $0x2800  }
0xb0: {  	[sflag:s14] =	ssyncset.done $0x0  }
0xb1: {  	[sflag:s14] =	ssyncadd.s32 $0xFFFFD800  }
0xb2: {  	_ =	sfence.sel $0x180000  }
0xb3: {  	[bflag:$0x0] =	sbarrier.arrive $0xFFFF  }
0xb4: {  	_ =	strace $0x9000004A  }
0xb5: {  	[bflag:$0x2] =	sbarrier.arrive $0xFFFF  }
0xb6: {  	p0 =	sne.s32 s1, $0x0;
	s0 =	rddreg [dreg:$0x2]  }
0xb7: {  	s0 =	sadd.s32 @!p0 $0x100000, s0  }
0xb8: {  	[sflag:s0] =	ssyncadd.tile.s32 @!p0 $0x1;
	_ =	shalt  }
.Lfunc_end2:
_tile_overlayer_lowered:
.L_overlay_start_2:
0xb9: {  	(tag) =	ssettag $0x2  }
0xba: {  	s0 =	rddreg [dreg:$0x0];
	s2 =	stileid.u32  }
0xbb: {  	s1 =	rddreg [dreg:$0x1];
	p0 =	sne.s32 s2, $0x0  }
0xbc: {  	s3 =	rddreg [dreg:$0x2];
	[bflag:$0x3] =	sbarrier.arrive $0xFFFF;
	s2 =	simm.s32 @!p0 $0x1C05  }
0xbd: {  	[timem:s3], [sflag:s2] =	dma.local @!p0 [hbm:s0], s1  }
0xbe: {  	s0 =	simm.s32 @!p0 $0x5  }
0xbf: {  	_ =	swait.ge @!p0 [sflag:s0], s1  }
0xc0: {  	s1 =	ssub.s32 @!p0 $0x0, s1;
	[sflag:s0] =	ssyncset.done @!p0 $0x0  }
0xc1: {  	[sflag:s0] =	ssyncadd.s32 @!p0 s1  }
0xc2: {  	[bflag:$0x3] =	sbarrier.arrive $0xFFFF  }
0xc3: {  	_ =	shalt  }

// kernel: kernel.22.cloned.1.call-start
scs
__scs_entry_jumppad:
0x0: {  	(pc) =	sbr.rel $0x88, $3  }
0x1: {  	(tag) =	ssettag $0x0;
	lr =	simm.s32 $0x1  }
0x2: {  	[smem:$0x3F9B] =	sst lr;
	_ =	strace $0xD0000000  }
0x3: {  	_ = 	snop  }
0x4: {  	_ = 	snop  }
0x5: {  	_ = 	snop  }
0x6: {  	_ = 	snop  }
0x7: {  	_ = 	snop  }
__scs_overlays_trampoline_lowered:
0x8: {  	[smem:$0x3FAA] =	sst s0  }
0x9: {  	[smem:$0x3FAB] =	sst s1  }
0xa: {  	[smem:$0x3FAC] =	sst s2  }
0xb: {  	[smem:$0x3FAD] =	sst s3  }
0xc: {  	[smem:$0x3FAE] =	sst s4  }
0xd: {  	[smem:$0x3FAF] =	sst s5  }
0xe: {  	[smem:$0x3FB0] =	sst s6  }
0xf: {  	[smem:$0x3FB1] =	sst s7  }
0x10: {  	[smem:$0x3FB2] =	sst s8  }
0x11: {  	[smem:$0x3FB3] =	sst s9;
	s0 =	simm.s32 @!p0 $0x0  }
0x12: {  	s1 =	sld [smem:$0x3F99];
	s0 =	simm.s32 @p0 $0x1  }
0x13: {  	[smem:$0x3FB4] =	sst s0;
	s0 =	simm.s32 @!p1 $0x0  }
0x14: {  	s2 =	sld [smem:$0x3F98];
	s0 =	simm.s32 @p1 $0x1  }
0x15: {  	[smem:$0x3FB5] =	sst s0;
	s0 =	simm.s32 @!p2 $0x0  }
0x16: {  	s3 =	sld [smem:$0x3FDB];
	s0 =	simm.s32 @p2 $0x1  }
0x17: {  	s4 =	simm.s32 $0x1BF5;
	[smem:$0x3FB7] =	sst s0  }
0x18: {  	s0 =	sld [smem:$0x3F9A];
	_ =	swait.ge [sflag:s4], $0x0  }
0x19: {  	s7 =	sld [smem:$0x3F9B]  }
0x1a: {  	s8 =	sadd.s32 $0xFFFFE003, lr  }
0x1b: {  	s9 =	sadd.s32 $0xFFFFFEF7, lr;
	s5 =	simm.s32 $0xFFFFFFFF;
	p2 =	slt.u32 s8, $0xFFFFF086  }
0x1c: {  	p1 =	slt.u32 s9, $0xF7A;
	s5 =	simm.s32 @!p2 $0x0  }
0x1d: {  	s5 =	simm.s32 @p1 $0x1;
	p0 =	seq.s32 s7, s2  }
0x1e: {  	s7 =	smul.u32 @!p0 $0xF7A, s2;
	p2 =	seq.s32 @!p0 s5, $0x0  }
0x1f: {  	s9 =	smul.u32 $0xF7A, s1;
	s8 =	simm.s32 @!p0 $0x1BF5;
	p2 =	por !p2, p0  }
0x20: {  	[sflag:s8] =	ssyncset.s32 @!p0 $0xFFFFF086;
	s6 =	sadd.s32 @!p0 s3, s7;
	s7 =	simm.s32 @!p0 $0x108  }
0x21: {  	s3 =	sadd.s32 s3, s9;
	s6 =	sadd.s32 @!p0 $0x88, s6;
	s7 =	simm.s32 @p2 $0x1082  }
0x22: {  	[simem:s7], [sflag:s8] =	dma.local @!p0 [hbm:s6], $0xF7A  }
0x23: {  	s9 =	sor.u32 $0xD0000000, s2;
	s6 =	simm.s32 $0x108;
	_ =	swait.ge @!p0 [sflag:s8], $0x0  }
0x24: {  	s3 =	sadd.s32 $0x88, s3;
	s6 =	simm.s32 @!p1 $0x1082;
	[sflag:s4] =	ssyncset.s32 $0xFFFFF086  }
0x25: {  	[simem:s6], [sflag:s4] =	dma.local [hbm:s3], $0xF7A  }
0x26: {  	[smem:$0x3F9B] =	sst s1;
	(tag) =	ssettag s2;
	_ =	strace s9  }
0x27: {  	s1 =	sld [smem:$0x3FAB]  }
0x28: {  	s2 =	sld [smem:$0x3FAC]  }
0x29: {  	s4 =	sld [smem:$0x3FAE]  }
0x2a: {  	p0 =	seq.s32 s5, $0x0;
	s5 =	sld [smem:$0x3FAF]  }
0x2b: {  	s6 =	sld [smem:$0x3FB0]  }
0x2c: {  	s7 =	sld [smem:$0x3FB1]  }
0x2d: {  	s3 =	simm.s32 $0x108;
	s8 =	sld [smem:$0x3FB2]  }
0x2e: {  	s3 =	simm.s32 @!p0 $0x1082;
	s9 =	sld [smem:$0x3FB3]  }
0x2f: {  	lr =	sadd.s32 s0, s3;
	s0 =	sld [smem:$0x3FAA]  }
0x30: {  	s3 =	sld [smem:$0x3FAD]  }
0x31: {  	[smem:$0x3FB6] =	sst s10  }
0x32: {  	s10 =	sld [smem:$0x3FB4];
	_ =	sdelay $0x3  }
0x33: {  	p0 =	seq.s32 s10, $0x1;
	s10 =	sld [smem:$0x3FB6];
	_ =	sdelay $0x3  }
0x34: {  	[smem:$0x3FB6] =	sst s10  }
0x35: {  	s10 =	sld [smem:$0x3FB5];
	_ =	sdelay $0x3  }
0x36: {  	p1 =	seq.s32 s10, $0x1;
	s10 =	sld [smem:$0x3FB6];
	_ =	sdelay $0x3  }
0x37: {  	[smem:$0x3FB6] =	sst s10  }
0x38: {  	s10 =	sld [smem:$0x3FB7]  }
0x39: {  	_ = 	snop;
	(pc) =	sbr.ind lr, $3  }
0x3a: {  	_ = 	snop  }
0x3b: {  	_ = 	snop  }
0x3c: {  	p2 =	seq.s32 s10, $0x1;
	s10 =	sld [smem:$0x3FB6]  }
0x3d: {  	_ =	shalt  }
0x3e: {  	_ =	shalt  }
0x3f: {  	_ =	shalt  }
0x40: {  	_ =	shalt  }
0x41: {  	_ =	shalt  }
0x42: {  	_ =	shalt  }
0x43: {  	_ =	shalt  }
0x44: {  	_ =	shalt  }
0x45: {  	_ =	shalt  }
0x46: {  	_ =	shalt  }
0x47: {  	_ =	shalt  }
0x48: {  	_ =	shalt  }
0x49: {  	_ =	shalt  }
0x4a: {  	_ =	shalt  }
0x4b: {  	_ =	shalt  }
0x4c: {  	_ =	shalt  }
0x4d: {  	_ =	shalt  }
0x4e: {  	_ =	shalt  }
0x4f: {  	_ =	shalt  }
0x50: {  	_ =	shalt  }
0x51: {  	_ =	shalt  }
0x52: {  	_ =	shalt  }
0x53: {  	_ =	shalt  }
0x54: {  	_ =	shalt  }
0x55: {  	_ =	shalt  }
0x56: {  	_ =	shalt  }
0x57: {  	_ =	shalt  }
0x58: {  	_ =	shalt  }
0x59: {  	_ =	shalt  }
0x5a: {  	_ =	shalt  }
0x5b: {  	_ =	shalt  }
0x5c: {  	_ =	shalt  }
0x5d: {  	_ =	shalt  }
0x5e: {  	_ =	shalt  }
0x5f: {  	_ =	shalt  }
0x60: {  	_ =	shalt  }
0x61: {  	_ =	shalt  }
0x62: {  	_ =	shalt  }
0x63: {  	_ =	shalt  }
0x64: {  	_ =	shalt  }
0x65: {  	_ =	shalt  }
0x66: {  	_ =	shalt  }
0x67: {  	_ =	shalt  }
0x68: {  	_ =	shalt  }
0x69: {  	_ =	shalt  }
0x6a: {  	_ =	shalt  }
0x6b: {  	_ =	shalt  }
0x6c: {  	_ =	shalt  }
0x6d: {  	_ =	shalt  }
0x6e: {  	_ =	shalt  }
0x6f: {  	_ =	shalt  }
0x70: {  	_ =	shalt  }
0x71: {  	_ =	shalt  }
0x72: {  	_ =	shalt  }
0x73: {  	_ =	shalt  }
0x74: {  	_ =	shalt  }
0x75: {  	_ =	shalt  }
0x76: {  	_ =	shalt  }
0x77: {  	_ =	shalt  }
0x78: {  	_ =	shalt  }
0x79: {  	_ =	shalt  }
0x7a: {  	_ =	shalt  }
0x7b: {  	_ =	shalt  }
0x7c: {  	_ =	shalt  }
0x7d: {  	_ =	shalt  }
0x7e: {  	_ =	shalt  }
0x7f: {  	_ =	shalt  }
0x80: {  	_ =	shalt  }
0x81: {  	_ =	shalt  }
0x82: {  	_ =	shalt  }
0x83: {  	_ =	shalt  }
0x84: {  	_ =	shalt  }
0x85: {  	_ =	shalt  }
0x86: {  	_ =	shalt  }
0x87: {  	_ =	shalt  }
.Lfunc_end0:
.L_simem_size_0:
called_computation.2_lowered:
.L_overlay_start_0:
0x88: {  	s2 =	sld [smem:$0x3FD9]  }
0x89: {  	s3 =	sld [smem:$0x3FFE];
	_ =	sdelay $0x1  }
0x8a: {  	s1 =	srdreg.scid  }
0x8b: {  	s0 =	sand.u32 $0x1, s1  }
0x8c: {  	s16 =	sshll.u32 s0, $0xA;
	s2 =	sadd.s32 s3, s2  }
0x8d: {  	s2 =	sadd.s32 s2, s16  }
0x8e: {  	[smem:$0x3FC2] =	sst s2  }
0x8f: {  	_ = 	snop  }
0x90: {  	(tm) =	ssettm $0x1  }
0x91: {  	s17 =	sld [smem:$0x3FFB];
	_ =	sdelay $0x3  }
0x92: {  	_ =	strace s17  }
0x93: {  	s2 =	sld [smem:$0x3FFC];
	_ =	sdelay $0x3  }
0x94: {  	_ =	strace s2  }
0x95: {  	s2 =	sld [smem:$0x3FFD];
	_ =	sdelay $0x3  }
0x96: {  	_ =	strace s2  }
0x97: {  	_ =	strace $0x8FFFFFFF  }
0x98: {  	s18 =	sld [smem:$0x3FDB];
	_ =	sdelay $0x1  }
0x99: {  	s19 =	simm.s32 $_scs_section_size  }
0x9a: {  	s4 =	simm.s32 $_size__tile_overlayer_lowered;
	s5 =	simm.s32 $_tile_overlayer_lowered  }
0x9b: {  	s22 =	simm.s32 $0x1BFF;
	s21 =	sshll.u32 s5, $0x1;
	s2 =	sadd.s32 s19, s18  }
0x9c: {  	s6 =	simm.s32 $0x0;
	s20 =	sshll.u32 s4, $0x1;
	s4 =	sadd.s32 s21, s2  }
0x9d: {  	[timem:s6], [sflag:s22] =	dma.local [hbm:s4], s20  }
0x9e: {  	_ =	swait.ge [sflag:s22], s20  }
0x9f: {  	s3 =	ssub.s32 $0x0, s20;
	[sflag:s22] =	ssyncset.done $0x0  }
0xa0: {  	[sflag:s22] =	ssyncadd.s32 s3;
	_ =	sdelay $0x1  }
0xa1: {  	s23 =	simm.s32 $0x1B8B  }
0xa2: {  	_ =	swait.ge [sflag:s23], $0x1  }
0xa3: {  	[sflag:s23] =	ssyncset.done $0x0  }
0xa4: {  	s25 =	simm.s32 $0x1B8E;
	s24 =	sld [smem:$0x3FFE];
	[sflag:s23] =	ssyncadd.s32 $0xFFFFFFFF  }
0xa5: {  	s26 =	simm.s32 $execute0_lowered;
	[smem:$0x3FD2] =	sst s25  }
0xa6: {  	s4 =	sshll.u32 s26, $0x1;
	_ =	strace $0x8000004C;
	[dreg:$0x1] =	wrdreg $0xFFFFFFFF  }
0xa7: {  	s28 =	simm.s32 $_size_execute0_lowered;
	s2 =	sadd.s32 s2, s4;
	[dreg:$0x0] =	wrdreg $0x0  }
0xa8: {  	s4 =	sshll.u32 s28, $0x1;
	[dreg:$0x2] =	wrdreg s2  }
0xa9: {  	[dreg:$0x3] =	wrdreg s4  }
0xaa: {  	[dreg:$0x4] =	wrdreg $0xC0  }
0xab: {  	_ =	task [dreg:s6], $0x5FFFF  }
0xac: {  	[dreg:$0x1] =	wrdreg $0xFFFFFFFF  }
0xad: {  	[dreg:$0x0] =	wrdreg $0x60  }
0xae: {  	[dreg:$0x2] =	wrdreg s24  }
0xaf: {  	[dreg:$0x3] =	wrdreg $0xA8000  }
0xb0: {  	[dreg:$0x4] =	wrdreg $0x9  }
0xb1: {  	_ =	task.clear_ibuf [dreg:s6], $0x5FFFF;
	_ =	strace $0x9000004C  }
0xb2: {  	s29 =	simm.s32 $0x9;
	_ =	strace $0x8000004E  }
0xb3: {  	_ =	swait.ge [sflag:s29], $0x1  }
0xb4: {  	[sflag:s29] =	ssyncadd.s32 $0xFFFFFFFF  }
0xb5: {  	_ =	strace $0x9000004E  }
0xb6: {  	_ =	sfence  }
0xb7: {  	s30 =	sld [smem:$0x0];
	_ =	sdelay $0x2  }
0xb8: {  	s31 =	sshll.u32 s1, $0xD;
	s1 =	sshrl.u32 s1, $0x2  }
0xb9: {  	s3 =	sand.u32 $0x4000, s31;
	s1 =	sadd.s32 s1, s30  }
0xba: {  	s0 =	sor.u32 s3, s0;
	s1 =	sshll.u32 s1, $0x11  }
0xbb: {  	s0 =	sor.u32 s1, s0  }
0xbc: {  	s0 =	sadd.s32 $0x8F2B, s0  }
0xbd: {  	[sflag:s0] =	ssyncadd.remote.s32 $0x1  }
0xbe: {  	_ =	sfence.sel $0xFFFF  }
0xbf: {  	[dreg:$0x0] =	wrdreg $0xFFFFFFFF;
	(pc) =	sbr.abs _section_cstart, $3  }
0xc0: {  	[dreg:$0x1] =	wrdreg $0xFFFFFFFF  }
0xc1: {  	_ =	task.clear_ibuf [dreg:s6], $0x2FFFF;
	_ =	strace $0x9FFFFFFF  }
0xc2: {  	(tm) =	ssettm $0x7FFFFFFF  }
0xc3: {  	_ =	shalt  }
tec
execute0_lowered:
.L_overlay_start_1:
0x0: {  	(tag) =	ssettag $0x1  }
0x1: {  	s5 =	rddreg [dreg:$0x0]  }
0x2: {  	s2 =	rddreg [dreg:$0x1];
	s3 =	simm.s32 $0x0  }
0x3: {  	s1 =	stileid.u32;
	s4 =	srdreg.scid;
	s16 =	simm.s32 $0x80  }
0x4: {  	s17 =	simm.s32 $0x2800;
	s18 =	simm.s32 $0x6800;
	s19 =	simm.s32 $0x1  }
0x5: {  	s20 =	simm.s32 $0x3;
	s21 =	simm.s32 $0x100;
	s22 =	simm.s32 $0x2  }
0x6: {  	s23 =	simm.s32 $0x1480;
	s24 =	simm.s32 $0x4;
	s25 =	simm.s32 $0x1380  }
0x7: {  	s28 =	simm.s32 $0x2780;
	s29 =	simm.s32 $0x0;
	[smem:$0x7FF] =	sst s3  }
0x8: {  	s6 =	smul.u32 $0x14000, s1;
	s7 =	sand.u32 $0x1, s4;
	s4 =	sadd.s32 $0x2BE00, s5  }
0x9: {  	s10 =	sadd.s32 $0x85E00, s5;
	s11 =	sadd.s32 $0x7BE00, s5;
	s26 =	smul.u32 $0x50000, s1  }
0xa: {  	s30 =	sshll.u32 s1, $0x6;
	_ =	strace $0x8000004D;
	s9 =	smul.u32 $0x140000, s7  }
0xb: {  	s12 =	sshll.u32 s7, $0x4;
	s7 =	ssub.s32 $0x2, s7;
	s8 =	sshrl.u32 s6, $0x3  }
0xc: {  	s12 =	sor.u32 s1, s12;
	s13 =	sshrl.u32 s7, $0x1;
	s8 =	sadd.s32 s8, s5  }
0xd: {  	s6 =	sadd.s32 s6, s9;
	s9 =	sshrl.u32 s26, $0x2;
	s12 =	smul.u32 $0x2800, s12  }
0xe: {  	s13 =	ssub.s32 s7, s13;
	s26 =	simm.s32 $0x2700;
	s6 =	sshrl.u32 s6, $0x3  }
0xf: {  	s15 =	sadd.s32 s9, s2;
	s14 =	sadd.s32 s6, s5;
	s31 =	sshrl.u32 s12, $0x3  }
0x10: {  	s5 =	sadd.s32 $0x3E00, s8;
	s6 =	sor.u32 $0x1C05, s30;
	s12 =	sadd.s32 $0x280, s31  }
0x11: {  	s7 =	sadd.s32 s10, s31;
	s8 =	sadd.s32 s11, s31;
	s9 =	sadd.s32 s10, s12  }
0x12: {  	s10 =	sadd.s32 s11, s12;
	s11 =	sadd.s32 $0x8FE00, s14;
	s12 =	smax.u32 s13, $0x1  }
0x13: {  	s13 =	sshrl.u32 s15, $0x3;
	s14 =	simm.s32 $0x5;
	s15 =	simm.s32 $0x1400  }
.LBB2_1:
0x14: {  	[spmem:s13], [sflag:s6] =	dma.local [hbm:s5], $0x2800  }
0x15: {  	_ =	swait.ge [sflag:s14], $0x2800  }
0x16: {  	[sflag:s14] =	ssyncset.done $0x0  }
0x17: {  	[sflag:s14] =	ssyncadd.s32 $0xFFFFD800  }
0x18: {  	[bflag:$0x0] =	sbarrier.arrive $0xFFFF  }
0x19: {  	[tilespmem:s3], [sflag:$0x5] =	stream.linear.gather [hbm4b:s7+s3], $0x1400, $0x38;
	[tilespmem:$0x1E800] =	vst v63  }
0x1a: {  	_ =	swait.ge [sflag:s14], $0x1400  }
0x1b: {  	[sflag:s14] =	ssyncset.done $0x0  }
0x1c: {  	[sflag:s14] =	ssyncadd.s32 $0xFFFFEC00  }
0x1d: {  	[tilespmem:s15], [sflag:$0x5] =	stream.linear.gather [hbm4b:s8+s3], $0x1400, $0x38;
	[tilespmem:$0x1E800] =	vst v63  }
0x1e: {  	_ =	swait.ge [sflag:s14], $0x1400  }
0x1f: {  	[sflag:s14] =	ssyncset.done $0x0  }
0x20: {  	[sflag:s14] =	ssyncadd.s32 $0xFFFFEC00  }
0x21: {  	[tilespmem:s17], [sflag:$0x1] =	stream.indirect.gather [hbm4b:s4+s16], $0x80, s3, s16, $0xb8;
	[tilespmem:$0x1E800] =	vst v63  }
0x22: {  	_ = 	snop  }
0x23: {  	[tilespmem:s18], [sflag:$0x2] =	stream.indirect.gather [hbm4b:s4+s16], $0x80, s16, s16, $0xb8;
	[tilespmem:$0x1E800] =	vst v63  }
0x24: {  	_ =	swait.ge [sflag:s19], $0x4000  }
0x25: {  	[sflag:s19] =	ssyncset.done $0x0  }
0x26: {  	[sflag:s19] =	ssyncadd.s32 $0xFFFFC000  }
0x27: {  	[spmem:s2] =	stream.indirect.scatter.add.f32 [tilespmem:s17], [sflag:$0x3], $0x80, s15, s16, $0xb8;
	[tilespmem:$0x1E800] =	vst v63  }
0x28: {  	_ =	swait.ge [sflag:s20], $0x4000  }
0x29: {  	[sflag:s20] =	ssyncset.done $0x0  }
0x2a: {  	[sflag:s20] =	ssyncadd.s32 $0xFFFFC000  }
0x2b: {  	[tilespmem:s17], [sflag:$0x1] =	stream.indirect.gather [hbm4b:s4+s16], $0x80, s21, s16, $0xb8;
	[tilespmem:$0x1E800] =	vst v63  }
0x2c: {  	_ =	swait.ge [sflag:s22], $0x4000  }
0x2d: {  	[sflag:s22] =	ssyncset.done $0x0  }
0x2e: {  	[sflag:s22] =	ssyncadd.s32 $0xFFFFC000  }
0x2f: {  	[spmem:s2] =	stream.indirect.scatter.add.f32 [tilespmem:s18], [sflag:$0x4], $0x80, s23, s16, $0xb8;
	[tilespmem:$0x1E800] =	vst v63  }
0x30: {  	_ =	swait.ge [sflag:s24], $0x4000  }
0x31: {  	[sflag:s24] =	ssyncset.done $0x0  }
0x32: {  	s30 =	simm.s32 $0x180;
	[sflag:s24] =	ssyncadd.s32 $0xFFFFC000  }
0x33: {  	[tilespmem:s18], [sflag:$0x2] =	stream.indirect.gather [hbm4b:s4+s16], $0x80, s30, s16, $0xb8;
	[tilespmem:$0x1E800] =	vst v63  }
0x34: {  	_ =	swait.ge [sflag:s19], $0x4000  }
0x35: {  	[sflag:s19] =	ssyncset.done $0x0  }
0x36: {  	s30 =	simm.s32 $0x1500;
	[sflag:s19] =	ssyncadd.s32 $0xFFFFC000  }
0x37: {  	[spmem:s2] =	stream.indirect.scatter.add.f32 [tilespmem:s17], [sflag:$0x3], $0x80, s30, s16, $0xb8;
	[tilespmem:$0x1E800] =	vst v63  }
0x38: {  	_ =	swait.ge [sflag:s20], $0x4000  }
0x39: {  	[sflag:s20] =	ssyncset.done $0x0  }
0x3a: {  	s30 =	simm.s32 $0x200;
	[sflag:s20] =	ssyncadd.s32 $0xFFFFC000  }
0x3b: {  	[tilespmem:s17], [sflag:$0x1] =	stream.indirect.gather [hbm4b:s4+s16], $0x80, s30, s16, $0xb8;
	[tilespmem:$0x1E800] =	vst v63  }
0x3c: {  	_ =	swait.ge [sflag:s22], $0x4000  }
0x3d: {  	[sflag:s22] =	ssyncset.done $0x0  }
0x3e: {  	s31 =	simm.s32 $0x1580;
	s30 =	simm.s32 $0xFFFFBC00;
	[sflag:s22] =	ssyncadd.s32 $0xFFFFC000  }
.LBB2_2:
0x3f: {  	[spmem:s2] =	stream.indirect.scatter.add.f32 [tilespmem:s18], [sflag:$0x4], $0x80, s31, s16, $0xb8;
	[tilespmem:$0x1E800] =	vst v63  }
0x40: {  	s31 =	smov.u32 s30  }
0x41: {  	p0 =	sne.s32 s30, $0xFFFFFC00;
	s30 =	sadd.s32 $0x400, s30;
	_ =	swait.ge [sflag:s24], $0x4000  }
0x42: {  	s31 =	sshra.s32 s31, $0x2;
	[sflag:s24] =	ssyncset.done $0x0  }
0x43: {  	s0 =	sadd.s32 $0x1380, s31;
	[sflag:s24] =	ssyncadd.s32 $0xFFFFC000  }
0x44: {  	[tilespmem:s18], [sflag:$0x2] =	stream.indirect.gather [hbm4b:s4+s16], $0x80, s0, s16, $0xb8;
	[tilespmem:$0x1E800] =	vst v63  }
0x45: {  	_ =	swait.ge [sflag:s19], $0x4000  }
0x46: {  	[sflag:s19] =	ssyncset.done $0x0  }
0x47: {  	s0 =	sadd.s32 $0x2700, s31;
	[sflag:s19] =	ssyncadd.s32 $0xFFFFC000  }
0x48: {  	[spmem:s2] =	stream.indirect.scatter.add.f32 [tilespmem:s17], [sflag:$0x3], $0x80, s0, s16, $0xb8;
	[tilespmem:$0x1E800] =	vst v63  }
0x49: {  	_ =	swait.ge [sflag:s20], $0x4000  }
0x4a: {  	[sflag:s20] =	ssyncset.done $0x0  }
.Ltmp0:
0x4b: {  	s0 =	sadd.s32 $0x1400, s31;
	[sflag:s20] =	ssyncadd.s32 $0xFFFFC000;
	(pc) =	sbr.rel @p0 .LBB2_2-.Ltmp0, $4  }
0x4c: {  	[tilespmem:s17], [sflag:$0x1] =	stream.indirect.gather [hbm4b:s4+s16], $0x80, s0, s16, $0xb8;
	[tilespmem:$0x1E800] =	vst v63  }
0x4d: {  	_ =	swait.ge [sflag:s22], $0x4000  }
0x4e: {  	[sflag:s22] =	ssyncset.done $0x0  }
0x4f: {  	s31 =	sadd.s32 $0x2780, s31;
	[sflag:s22] =	ssyncadd.s32 $0xFFFFC000  }
0x50: {  	[spmem:s2] =	stream.indirect.scatter.add.f32 [tilespmem:s18], [sflag:$0x4], $0x80, s31, s16, $0xb8;
	[tilespmem:$0x1E800] =	vst v63  }
0x51: {  	_ =	swait.ge [sflag:s24], $0x4000  }
0x52: {  	[sflag:s24] =	ssyncset.done $0x0  }
0x53: {  	[sflag:s24] =	ssyncadd.s32 $0xFFFFC000  }
0x54: {  	[tilespmem:s18], [sflag:$0x2] =	stream.indirect.gather [hbm4b:s4+s16], $0x80, s25, s16, $0xb8;
	[tilespmem:$0x1E800] =	vst v63  }
0x55: {  	_ =	swait.ge [sflag:s19], $0x4000  }
0x56: {  	[sflag:s19] =	ssyncset.done $0x0  }
0x57: {  	[sflag:s19] =	ssyncadd.s32 $0xFFFFC000  }
0x58: {  	[spmem:s2] =	stream.indirect.scatter.add.f32 [tilespmem:s17], [sflag:$0x3], $0x80, s26, s16, $0xb8;
	[tilespmem:$0x1E800] =	vst v63  }
0x59: {  	_ =	swait.ge [sflag:s20], $0x4000  }
0x5a: {  	[sflag:s20] =	ssyncset.done $0x0  }
0x5b: {  	[sflag:s20] =	ssyncadd.s32 $0xFFFFC000  }
0x5c: {  	_ =	swait.ge [sflag:s22], $0x4000  }
0x5d: {  	[sflag:s22] =	ssyncset.done $0x0  }
0x5e: {  	[sflag:s22] =	ssyncadd.s32 $0xFFFFC000  }
0x5f: {  	[spmem:s2] =	stream.indirect.scatter.add.f32 [tilespmem:s18], [sflag:$0x4], $0x80, s28, s16, $0xb8;
	[tilespmem:$0x1E800] =	vst v63  }
0x60: {  	_ =	swait.ge [sflag:s24], $0x4000  }
0x61: {  	[sflag:s24] =	ssyncset.done $0x0  }
0x62: {  	[sflag:s24] =	ssyncadd.s32 $0xFFFFC000  }
0x63: {  	[tilespmem:s3], [sflag:$0x5] =	stream.linear.gather [hbm4b:s9+s3], $0x1400, $0x38;
	[tilespmem:$0x1E800] =	vst v63  }
0x64: {  	_ =	swait.ge [sflag:s14], $0x1400  }
0x65: {  	[sflag:s14] =	ssyncset.done $0x0  }
0x66: {  	[sflag:s14] =	ssyncadd.s32 $0xFFFFEC00  }
0x67: {  	[tilespmem:s15], [sflag:$0x5] =	stream.linear.gather [hbm4b:s10+s3], $0x1400, $0x38;
	[tilespmem:$0x1E800] =	vst v63  }
0x68: {  	_ =	swait.ge [sflag:s14], $0x1400  }
0x69: {  	[sflag:s14] =	ssyncset.done $0x0  }
0x6a: {  	[sflag:s14] =	ssyncadd.s32 $0xFFFFEC00  }
0x6b: {  	[tilespmem:s17], [sflag:$0x1] =	stream.indirect.gather [hbm4b:s4+s16], $0x80, s3, s16, $0xb8;
	[tilespmem:$0x1E800] =	vst v63  }
0x6c: {  	_ = 	snop  }
0x6d: {  	[tilespmem:s18], [sflag:$0x2] =	stream.indirect.gather [hbm4b:s4+s16], $0x80, s16, s16, $0xb8;
	[tilespmem:$0x1E800] =	vst v63  }
0x6e: {  	_ =	swait.ge [sflag:s19], $0x4000  }
0x6f: {  	[sflag:s19] =	ssyncset.done $0x0  }
0x70: {  	[sflag:s19] =	ssyncadd.s32 $0xFFFFC000  }
0x71: {  	[spmem:s2] =	stream.indirect.scatter.add.f32 [tilespmem:s17], [sflag:$0x3], $0x80, s15, s16, $0xb8;
	[tilespmem:$0x1E800] =	vst v63  }
0x72: {  	_ =	swait.ge [sflag:s20], $0x4000  }
0x73: {  	[sflag:s20] =	ssyncset.done $0x0  }
0x74: {  	[sflag:s20] =	ssyncadd.s32 $0xFFFFC000  }
0x75: {  	[tilespmem:s17], [sflag:$0x1] =	stream.indirect.gather [hbm4b:s4+s16], $0x80, s21, s16, $0xb8;
	[tilespmem:$0x1E800] =	vst v63  }
0x76: {  	_ =	swait.ge [sflag:s22], $0x4000  }
0x77: {  	[sflag:s22] =	ssyncset.done $0x0  }
0x78: {  	[sflag:s22] =	ssyncadd.s32 $0xFFFFC000  }
0x79: {  	[spmem:s2] =	stream.indirect.scatter.add.f32 [tilespmem:s18], [sflag:$0x4], $0x80, s23, s16, $0xb8;
	[tilespmem:$0x1E800] =	vst v63  }
0x7a: {  	_ =	swait.ge [sflag:s24], $0x4000  }
0x7b: {  	[sflag:s24] =	ssyncset.done $0x0  }
0x7c: {  	s0 =	simm.s32 $0x180;
	[sflag:s24] =	ssyncadd.s32 $0xFFFFC000  }
0x7d: {  	[tilespmem:s18], [sflag:$0x2] =	stream.indirect.gather [hbm4b:s4+s16], $0x80, s0, s16, $0xb8;
	[tilespmem:$0x1E800] =	vst v63  }
0x7e: {  	_ =	swait.ge [sflag:s19], $0x4000  }
0x7f: {  	[sflag:s19] =	ssyncset.done $0x0  }
0x80: {  	s0 =	simm.s32 $0x1500;
	[sflag:s19] =	ssyncadd.s32 $0xFFFFC000  }
0x81: {  	[spmem:s2] =	stream.indirect.scatter.add.f32 [tilespmem:s17], [sflag:$0x3], $0x80, s0, s16, $0xb8;
	[tilespmem:$0x1E800] =	vst v63  }
0x82: {  	_ =	swait.ge [sflag:s20], $0x4000  }
0x83: {  	[sflag:s20] =	ssyncset.done $0x0  }
0x84: {  	s0 =	simm.s32 $0x200;
	[sflag:s20] =	ssyncadd.s32 $0xFFFFC000  }
0x85: {  	[tilespmem:s17], [sflag:$0x1] =	stream.indirect.gather [hbm4b:s4+s16], $0x80, s0, s16, $0xb8;
	[tilespmem:$0x1E800] =	vst v63  }
0x86: {  	_ =	swait.ge [sflag:s22], $0x4000  }
0x87: {  	[sflag:s22] =	ssyncset.done $0x0  }
0x88: {  	s30 =	simm.s32 $0xFFFFBC00;
	s31 =	simm.s32 $0x1580;
	[sflag:s22] =	ssyncadd.s32 $0xFFFFC000  }
.LBB2_4:
0x89: {  	[spmem:s2] =	stream.indirect.scatter.add.f32 [tilespmem:s18], [sflag:$0x4], $0x80, s31, s16, $0xb8;
	[tilespmem:$0x1E800] =	vst v63  }
0x8a: {  	s0 =	smov.u32 s30  }
0x8b: {  	p0 =	sne.s32 s30, $0xFFFFFC00;
	s30 =	sadd.s32 $0x400, s30;
	_ =	swait.ge [sflag:s24], $0x4000  }
0x8c: {  	s0 =	sshra.s32 s0, $0x2;
	[sflag:s24] =	ssyncset.done $0x0  }
0x8d: {  	s31 =	sadd.s32 $0x1380, s0;
	[sflag:s24] =	ssyncadd.s32 $0xFFFFC000  }
0x8e: {  	[tilespmem:s18], [sflag:$0x2] =	stream.indirect.gather [hbm4b:s4+s16], $0x80, s31, s16, $0xb8;
	[tilespmem:$0x1E800] =	vst v63  }
0x8f: {  	_ =	swait.ge [sflag:s19], $0x4000  }
0x90: {  	[sflag:s19] =	ssyncset.done $0x0  }
0x91: {  	s31 =	sadd.s32 $0x2700, s0;
	[sflag:s19] =	ssyncadd.s32 $0xFFFFC000  }
0x92: {  	[spmem:s2] =	stream.indirect.scatter.add.f32 [tilespmem:s17], [sflag:$0x3], $0x80, s31, s16, $0xb8;
	[tilespmem:$0x1E800] =	vst v63  }
0x93: {  	_ =	swait.ge [sflag:s20], $0x4000  }
0x94: {  	[sflag:s20] =	ssyncset.done $0x0  }
.Ltmp1:
0x95: {  	s31 =	sadd.s32 $0x1400, s0;
	[sflag:s20] =	ssyncadd.s32 $0xFFFFC000;
	(pc) =	sbr.rel @p0 .LBB2_4-.Ltmp1, $4  }
0x96: {  	[tilespmem:s17], [sflag:$0x1] =	stream.indirect.gather [hbm4b:s4+s16], $0x80, s31, s16, $0xb8;
	[tilespmem:$0x1E800] =	vst v63  }
0x97: {  	_ =	swait.ge [sflag:s22], $0x4000  }
0x98: {  	[sflag:s22] =	ssyncset.done $0x0  }
0x99: {  	s31 =	sadd.s32 $0x2780, s0;
	[sflag:s22] =	ssyncadd.s32 $0xFFFFC000  }
0x9a: {  	[spmem:s2] =	stream.indirect.scatter.add.f32 [tilespmem:s18], [sflag:$0x4], $0x80, s31, s16, $0xb8;
	[tilespmem:$0x1E800] =	vst v63  }
0x9b: {  	_ =	swait.ge [sflag:s24], $0x4000  }
0x9c: {  	[sflag:s24] =	ssyncset.done $0x0  }
0x9d: {  	[sflag:s24] =	ssyncadd.s32 $0xFFFFC000  }
0x9e: {  	[tilespmem:s18], [sflag:$0x2] =	stream.indirect.gather [hbm4b:s4+s16], $0x80, s25, s16, $0xb8;
	[tilespmem:$0x1E800] =	vst v63  }
0x9f: {  	_ =	swait.ge [sflag:s19], $0x4000  }
0xa0: {  	[sflag:s19] =	ssyncset.done $0x0  }
0xa1: {  	[sflag:s19] =	ssyncadd.s32 $0xFFFFC000  }
0xa2: {  	[spmem:s2] =	stream.indirect.scatter.add.f32 [tilespmem:s17], [sflag:$0x3], $0x80, s26, s16, $0xb8;
	[tilespmem:$0x1E800] =	vst v63  }
0xa3: {  	_ =	swait.ge [sflag:s20], $0x4000  }
0xa4: {  	[sflag:s20] =	ssyncset.done $0x0  }
0xa5: {  	[sflag:s20] =	ssyncadd.s32 $0xFFFFC000  }
0xa6: {  	_ =	swait.ge [sflag:s22], $0x4000  }
0xa7: {  	[sflag:s22] =	ssyncset.done $0x0  }
0xa8: {  	[sflag:s22] =	ssyncadd.s32 $0xFFFFC000  }
0xa9: {  	[spmem:s2] =	stream.indirect.scatter.add.f32 [tilespmem:s18], [sflag:$0x4], $0x80, s28, s16, $0xb8;
	[tilespmem:$0x1E800] =	vst v63  }
0xaa: {  	_ =	swait.ge [sflag:s24], $0x4000  }
0xab: {  	s29 =	sadd.s32 $0x1, s29;
	[sflag:s24] =	ssyncset.done $0x0  }
0xac: {  	p0 =	sne.s32 s29, s12;
	[sflag:s24] =	ssyncadd.s32 $0xFFFFC000  }
.Ltmp2:
0xad: {  	[bflag:$0x0] =	sbarrier.arrive $0xFFFF;
	(pc) =	sbr.rel @p0 .LBB2_1-.Ltmp2, $4  }
0xae: {  	[hbm:s11], [sflag:s6] =	dma.local [spmem:s13], $0x2800  }
0xaf: {  	_ =	swait.ge [sflag:s14], $0x2800  }
0xb0: {  	[sflag:s14] =	ssyncset.done $0x0  }
0xb1: {  	[sflag:s14] =	ssyncadd.s32 $0xFFFFD800  }
0xb2: {  	_ =	sfence.sel $0x180000  }
0xb3: {  	[bflag:$0x0] =	sbarrier.arrive $0xFFFF  }
0xb4: {  	_ =	strace $0x9000004D  }
0xb5: {  	[bflag:$0x2] =	sbarrier.arrive $0xFFFF  }
0xb6: {  	p0 =	sne.s32 s1, $0x0;
	s0 =	rddreg [dreg:$0x2]  }
0xb7: {  	s0 =	sadd.s32 @!p0 $0x100000, s0  }
0xb8: {  	[sflag:s0] =	ssyncadd.tile.s32 @!p0 $0x1;
	_ =	shalt  }
.Lfunc_end2:
_tile_overlayer_lowered:
.L_overlay_start_2:
0xb9: {  	(tag) =	ssettag $0x2  }
0xba: {  	s0 =	rddreg [dreg:$0x0];
	s2 =	stileid.u32  }
0xbb: {  	s1 =	rddreg [dreg:$0x1];
	p0 =	sne.s32 s2, $0x0  }
0xbc: {  	s3 =	rddreg [dreg:$0x2];
	[bflag:$0x3] =	sbarrier.arrive $0xFFFF;
	s2 =	simm.s32 @!p0 $0x1C05  }
0xbd: {  	[timem:s3], [sflag:s2] =	dma.local @!p0 [hbm:s0], s1  }
0xbe: {  	s0 =	simm.s32 @!p0 $0x5  }
0xbf: {  	_ =	swait.ge @!p0 [sflag:s0], s1  }
0xc0: {  	s1 =	ssub.s32 @!p0 $0x0, s1;
	[sflag:s0] =	ssyncset.done @!p0 $0x0  }
0xc1: {  	[sflag:s0] =	ssyncadd.s32 @!p0 s1  }
0xc2: {  	[bflag:$0x3] =	sbarrier.arrive $0xFFFF  }
0xc3: {  	_ =	shalt  }

// kernel: kernel.25.cloned.1.call-start
scs
__scs_entry_jumppad:
0x0: {  	(pc) =	sbr.rel $0x88, $3  }
0x1: {  	(tag) =	ssettag $0x0;
	lr =	simm.s32 $0x1  }
0x2: {  	[smem:$0x3F9B] =	sst lr;
	_ =	strace $0xD0000000  }
0x3: {  	_ = 	snop  }
0x4: {  	_ = 	snop  }
0x5: {  	_ = 	snop  }
0x6: {  	_ = 	snop  }
0x7: {  	_ = 	snop  }
__scs_overlays_trampoline_lowered:
0x8: {  	[smem:$0x3FAA] =	sst s0  }
0x9: {  	[smem:$0x3FAB] =	sst s1  }
0xa: {  	[smem:$0x3FAC] =	sst s2  }
0xb: {  	[smem:$0x3FAD] =	sst s3  }
0xc: {  	[smem:$0x3FAE] =	sst s4  }
0xd: {  	[smem:$0x3FAF] =	sst s5  }
0xe: {  	[smem:$0x3FB0] =	sst s6  }
0xf: {  	[smem:$0x3FB1] =	sst s7  }
0x10: {  	[smem:$0x3FB2] =	sst s8  }
0x11: {  	[smem:$0x3FB3] =	sst s9;
	s0 =	simm.s32 @!p0 $0x0  }
0x12: {  	s1 =	sld [smem:$0x3F99];
	s0 =	simm.s32 @p0 $0x1  }
0x13: {  	[smem:$0x3FB4] =	sst s0;
	s0 =	simm.s32 @!p1 $0x0  }
0x14: {  	s2 =	sld [smem:$0x3F98];
	s0 =	simm.s32 @p1 $0x1  }
0x15: {  	[smem:$0x3FB5] =	sst s0;
	s0 =	simm.s32 @!p2 $0x0  }
0x16: {  	s3 =	sld [smem:$0x3FDB];
	s0 =	simm.s32 @p2 $0x1  }
0x17: {  	s4 =	simm.s32 $0x1BF5;
	[smem:$0x3FB7] =	sst s0  }
0x18: {  	s0 =	sld [smem:$0x3F9A];
	_ =	swait.ge [sflag:s4], $0x0  }
0x19: {  	s7 =	sld [smem:$0x3F9B]  }
0x1a: {  	s8 =	sadd.s32 $0xFFFFE003, lr  }
0x1b: {  	s9 =	sadd.s32 $0xFFFFFEF7, lr;
	s5 =	simm.s32 $0xFFFFFFFF;
	p2 =	slt.u32 s8, $0xFFFFF086  }
0x1c: {  	p1 =	slt.u32 s9, $0xF7A;
	s5 =	simm.s32 @!p2 $0x0  }
0x1d: {  	s5 =	simm.s32 @p1 $0x1;
	p0 =	seq.s32 s7, s2  }
0x1e: {  	s7 =	smul.u32 @!p0 $0xF7A, s2;
	p2 =	seq.s32 @!p0 s5, $0x0  }
0x1f: {  	s9 =	smul.u32 $0xF7A, s1;
	s8 =	simm.s32 @!p0 $0x1BF5;
	p2 =	por !p2, p0  }
0x20: {  	[sflag:s8] =	ssyncset.s32 @!p0 $0xFFFFF086;
	s6 =	sadd.s32 @!p0 s3, s7;
	s7 =	simm.s32 @!p0 $0x108  }
0x21: {  	s3 =	sadd.s32 s3, s9;
	s6 =	sadd.s32 @!p0 $0x88, s6;
	s7 =	simm.s32 @p2 $0x1082  }
0x22: {  	[simem:s7], [sflag:s8] =	dma.local @!p0 [hbm:s6], $0xF7A  }
0x23: {  	s9 =	sor.u32 $0xD0000000, s2;
	s6 =	simm.s32 $0x108;
	_ =	swait.ge @!p0 [sflag:s8], $0x0  }
0x24: {  	s3 =	sadd.s32 $0x88, s3;
	s6 =	simm.s32 @!p1 $0x1082;
	[sflag:s4] =	ssyncset.s32 $0xFFFFF086  }
0x25: {  	[simem:s6], [sflag:s4] =	dma.local [hbm:s3], $0xF7A  }
0x26: {  	[smem:$0x3F9B] =	sst s1;
	(tag) =	ssettag s2;
	_ =	strace s9  }
0x27: {  	s1 =	sld [smem:$0x3FAB]  }
0x28: {  	s2 =	sld [smem:$0x3FAC]  }
0x29: {  	s4 =	sld [smem:$0x3FAE]  }
0x2a: {  	p0 =	seq.s32 s5, $0x0;
	s5 =	sld [smem:$0x3FAF]  }
0x2b: {  	s6 =	sld [smem:$0x3FB0]  }
0x2c: {  	s7 =	sld [smem:$0x3FB1]  }
0x2d: {  	s3 =	simm.s32 $0x108;
	s8 =	sld [smem:$0x3FB2]  }
0x2e: {  	s3 =	simm.s32 @!p0 $0x1082;
	s9 =	sld [smem:$0x3FB3]  }
0x2f: {  	lr =	sadd.s32 s0, s3;
	s0 =	sld [smem:$0x3FAA]  }
0x30: {  	s3 =	sld [smem:$0x3FAD]  }
0x31: {  	[smem:$0x3FB6] =	sst s10  }
0x32: {  	s10 =	sld [smem:$0x3FB4];
	_ =	sdelay $0x3  }
0x33: {  	p0 =	seq.s32 s10, $0x1;
	s10 =	sld [smem:$0x3FB6];
	_ =	sdelay $0x3  }
0x34: {  	[smem:$0x3FB6] =	sst s10  }
0x35: {  	s10 =	sld [smem:$0x3FB5];
	_ =	sdelay $0x3  }
0x36: {  	p1 =	seq.s32 s10, $0x1;
	s10 =	sld [smem:$0x3FB6];
	_ =	sdelay $0x3  }
0x37: {  	[smem:$0x3FB6] =	sst s10  }
0x38: {  	s10 =	sld [smem:$0x3FB7]  }
0x39: {  	_ = 	snop;
	(pc) =	sbr.ind lr, $3  }
0x3a: {  	_ = 	snop  }
0x3b: {  	_ = 	snop  }
0x3c: {  	p2 =	seq.s32 s10, $0x1;
	s10 =	sld [smem:$0x3FB6]  }
0x3d: {  	_ =	shalt  }
0x3e: {  	_ =	shalt  }
0x3f: {  	_ =	shalt  }
0x40: {  	_ =	shalt  }
0x41: {  	_ =	shalt  }
0x42: {  	_ =	shalt  }
0x43: {  	_ =	shalt  }
0x44: {  	_ =	shalt  }
0x45: {  	_ =	shalt  }
0x46: {  	_ =	shalt  }
0x47: {  	_ =	shalt  }
0x48: {  	_ =	shalt  }
0x49: {  	_ =	shalt  }
0x4a: {  	_ =	shalt  }
0x4b: {  	_ =	shalt  }
0x4c: {  	_ =	shalt  }
0x4d: {  	_ =	shalt  }
0x4e: {  	_ =	shalt  }
0x4f: {  	_ =	shalt  }
0x50: {  	_ =	shalt  }
0x51: {  	_ =	shalt  }
0x52: {  	_ =	shalt  }
0x53: {  	_ =	shalt  }
0x54: {  	_ =	shalt  }
0x55: {  	_ =	shalt  }
0x56: {  	_ =	shalt  }
0x57: {  	_ =	shalt  }
0x58: {  	_ =	shalt  }
0x59: {  	_ =	shalt  }
0x5a: {  	_ =	shalt  }
0x5b: {  	_ =	shalt  }
0x5c: {  	_ =	shalt  }
0x5d: {  	_ =	shalt  }
0x5e: {  	_ =	shalt  }
0x5f: {  	_ =	shalt  }
0x60: {  	_ =	shalt  }
0x61: {  	_ =	shalt  }
0x62: {  	_ =	shalt  }
0x63: {  	_ =	shalt  }
0x64: {  	_ =	shalt  }
0x65: {  	_ =	shalt  }
0x66: {  	_ =	shalt  }
0x67: {  	_ =	shalt  }
0x68: {  	_ =	shalt  }
0x69: {  	_ =	shalt  }
0x6a: {  	_ =	shalt  }
0x6b: {  	_ =	shalt  }
0x6c: {  	_ =	shalt  }
0x6d: {  	_ =	shalt  }
0x6e: {  	_ =	shalt  }
0x6f: {  	_ =	shalt  }
0x70: {  	_ =	shalt  }
0x71: {  	_ =	shalt  }
0x72: {  	_ =	shalt  }
0x73: {  	_ =	shalt  }
0x74: {  	_ =	shalt  }
0x75: {  	_ =	shalt  }
0x76: {  	_ =	shalt  }
0x77: {  	_ =	shalt  }
0x78: {  	_ =	shalt  }
0x79: {  	_ =	shalt  }
0x7a: {  	_ =	shalt  }
0x7b: {  	_ =	shalt  }
0x7c: {  	_ =	shalt  }
0x7d: {  	_ =	shalt  }
0x7e: {  	_ =	shalt  }
0x7f: {  	_ =	shalt  }
0x80: {  	_ =	shalt  }
0x81: {  	_ =	shalt  }
0x82: {  	_ =	shalt  }
0x83: {  	_ =	shalt  }
0x84: {  	_ =	shalt  }
0x85: {  	_ =	shalt  }
0x86: {  	_ =	shalt  }
0x87: {  	_ =	shalt  }
.Lfunc_end0:
.L_simem_size_0:
called_computation.3_lowered:
.L_overlay_start_0:
0x88: {  	s2 =	sld [smem:$0x3FD9]  }
0x89: {  	s3 =	sld [smem:$0x3FFE];
	_ =	sdelay $0x1  }
0x8a: {  	s1 =	srdreg.scid  }
0x8b: {  	s0 =	sand.u32 $0x1, s1  }
0x8c: {  	s16 =	sshll.u32 s0, $0xA;
	s2 =	sadd.s32 s3, s2  }
0x8d: {  	s2 =	sadd.s32 s2, s16  }
0x8e: {  	[smem:$0x3FC2] =	sst s2  }
0x8f: {  	_ = 	snop  }
0x90: {  	(tm) =	ssettm $0x1  }
0x91: {  	s17 =	sld [smem:$0x3FFB];
	_ =	sdelay $0x3  }
0x92: {  	_ =	strace s17  }
0x93: {  	s2 =	sld [smem:$0x3FFC];
	_ =	sdelay $0x3  }
0x94: {  	_ =	strace s2  }
0x95: {  	s2 =	sld [smem:$0x3FFD];
	_ =	sdelay $0x3  }
0x96: {  	_ =	strace s2  }
0x97: {  	_ =	strace $0x8FFFFFFF  }
0x98: {  	s18 =	sld [smem:$0x3FDB];
	_ =	sdelay $0x1  }
0x99: {  	s19 =	simm.s32 $_scs_section_size  }
0x9a: {  	s4 =	simm.s32 $_size__tile_overlayer_lowered;
	s5 =	simm.s32 $_tile_overlayer_lowered  }
0x9b: {  	s22 =	simm.s32 $0x1BFF;
	s21 =	sshll.u32 s5, $0x1;
	s2 =	sadd.s32 s19, s18  }
0x9c: {  	s6 =	simm.s32 $0x0;
	s20 =	sshll.u32 s4, $0x1;
	s4 =	sadd.s32 s21, s2  }
0x9d: {  	[timem:s6], [sflag:s22] =	dma.local [hbm:s4], s20  }
0x9e: {  	_ =	swait.ge [sflag:s22], s20  }
0x9f: {  	s3 =	ssub.s32 $0x0, s20;
	[sflag:s22] =	ssyncset.done $0x0  }
0xa0: {  	[sflag:s22] =	ssyncadd.s32 s3;
	_ =	sdelay $0x1  }
0xa1: {  	s23 =	simm.s32 $0x1B8B  }
0xa2: {  	_ =	swait.ge [sflag:s23], $0x1  }
0xa3: {  	[sflag:s23] =	ssyncset.done $0x0  }
0xa4: {  	s25 =	simm.s32 $0x1B8E;
	s24 =	sld [smem:$0x3FFE];
	[sflag:s23] =	ssyncadd.s32 $0xFFFFFFFF  }
0xa5: {  	s26 =	simm.s32 $execute0_lowered;
	[smem:$0x3FD2] =	sst s25  }
0xa6: {  	s4 =	sshll.u32 s26, $0x1;
	_ =	strace $0x8000004F;
	[dreg:$0x1] =	wrdreg $0xFFFFFFFF  }
0xa7: {  	s28 =	simm.s32 $_size_execute0_lowered;
	s2 =	sadd.s32 s2, s4;
	[dreg:$0x0] =	wrdreg $0x0  }
0xa8: {  	s4 =	sshll.u32 s28, $0x1;
	[dreg:$0x2] =	wrdreg s2  }
0xa9: {  	[dreg:$0x3] =	wrdreg s4  }
0xaa: {  	[dreg:$0x4] =	wrdreg $0xC0  }
0xab: {  	_ =	task [dreg:s6], $0x5FFFF  }
0xac: {  	[dreg:$0x1] =	wrdreg $0xFFFFFFFF  }
0xad: {  	[dreg:$0x0] =	wrdreg $0x60  }
0xae: {  	[dreg:$0x2] =	wrdreg s24  }
0xaf: {  	[dreg:$0x3] =	wrdreg $0xA8000  }
0xb0: {  	[dreg:$0x4] =	wrdreg $0x9  }
0xb1: {  	_ =	task.clear_ibuf [dreg:s6], $0x5FFFF;
	_ =	strace $0x9000004F  }
0xb2: {  	s29 =	simm.s32 $0x9;
	_ =	strace $0x80000051  }
0xb3: {  	_ =	swait.ge [sflag:s29], $0x1  }
0xb4: {  	[sflag:s29] =	ssyncadd.s32 $0xFFFFFFFF  }
0xb5: {  	_ =	strace $0x90000051  }
0xb6: {  	_ =	sfence  }
0xb7: {  	s30 =	sld [smem:$0x0];
	_ =	sdelay $0x2  }
0xb8: {  	s31 =	sshll.u32 s1, $0xD;
	s1 =	sshrl.u32 s1, $0x2  }
0xb9: {  	s3 =	sand.u32 $0x4000, s31;
	s1 =	sadd.s32 s1, s30  }
0xba: {  	s0 =	sor.u32 s3, s0;
	s1 =	sshll.u32 s1, $0x11  }
0xbb: {  	s0 =	sor.u32 s1, s0  }
0xbc: {  	s0 =	sadd.s32 $0x8F2B, s0  }
0xbd: {  	[sflag:s0] =	ssyncadd.remote.s32 $0x1  }
0xbe: {  	_ =	sfence.sel $0xFFFF  }
0xbf: {  	[dreg:$0x0] =	wrdreg $0xFFFFFFFF;
	(pc) =	sbr.abs _section_cstart, $3  }
0xc0: {  	[dreg:$0x1] =	wrdreg $0xFFFFFFFF  }
0xc1: {  	_ =	task.clear_ibuf [dreg:s6], $0x2FFFF;
	_ =	strace $0x9FFFFFFF  }
0xc2: {  	(tm) =	ssettm $0x7FFFFFFF  }
0xc3: {  	_ =	shalt  }
tec
execute0_lowered:
.L_overlay_start_1:
0x0: {  	(tag) =	ssettag $0x1  }
0x1: {  	s5 =	rddreg [dreg:$0x0]  }
0x2: {  	s2 =	rddreg [dreg:$0x1];
	s3 =	simm.s32 $0x0  }
0x3: {  	s1 =	stileid.u32;
	s4 =	srdreg.scid;
	s16 =	simm.s32 $0x80  }
0x4: {  	s17 =	simm.s32 $0x2800;
	s18 =	simm.s32 $0x6800;
	s19 =	simm.s32 $0x1  }
0x5: {  	s20 =	simm.s32 $0x3;
	s21 =	simm.s32 $0x100;
	s22 =	simm.s32 $0x2  }
0x6: {  	s23 =	simm.s32 $0x1480;
	s24 =	simm.s32 $0x4;
	s25 =	simm.s32 $0x1380  }
0x7: {  	s28 =	simm.s32 $0x2780;
	s29 =	simm.s32 $0x0;
	[smem:$0x7FF] =	sst s3  }
0x8: {  	s6 =	smul.u32 $0x14000, s1;
	s7 =	sand.u32 $0x1, s4;
	s4 =	sadd.s32 $0x2BE00, s5  }
0x9: {  	s10 =	sadd.s32 $0x85E00, s5;
	s11 =	sadd.s32 $0x7BE00, s5;
	s26 =	smul.u32 $0x50000, s1  }
0xa: {  	s30 =	sshll.u32 s1, $0x6;
	_ =	strace $0x80000050;
	s9 =	smul.u32 $0x140000, s7  }
0xb: {  	s12 =	sshll.u32 s7, $0x4;
	s7 =	ssub.s32 $0x2, s7;
	s8 =	sshrl.u32 s6, $0x3  }
0xc: {  	s12 =	sor.u32 s1, s12;
	s13 =	sshrl.u32 s7, $0x1;
	s8 =	sadd.s32 s8, s5  }
0xd: {  	s6 =	sadd.s32 s6, s9;
	s9 =	sshrl.u32 s26, $0x2;
	s12 =	smul.u32 $0x2800, s12  }
0xe: {  	s13 =	ssub.s32 s7, s13;
	s26 =	simm.s32 $0x2700;
	s6 =	sshrl.u32 s6, $0x3  }
0xf: {  	s15 =	sadd.s32 s9, s2;
	s14 =	sadd.s32 s6, s5;
	s31 =	sshrl.u32 s12, $0x3  }
0x10: {  	s5 =	sadd.s32 $0x3E00, s8;
	s6 =	sor.u32 $0x1C05, s30;
	s12 =	sadd.s32 $0x280, s31  }
0x11: {  	s7 =	sadd.s32 s10, s31;
	s8 =	sadd.s32 s11, s31;
	s9 =	sadd.s32 s10, s12  }
0x12: {  	s10 =	sadd.s32 s11, s12;
	s11 =	sadd.s32 $0x8FE00, s14;
	s12 =	smax.u32 s13, $0x1  }
0x13: {  	s13 =	sshrl.u32 s15, $0x3;
	s14 =	simm.s32 $0x5;
	s15 =	simm.s32 $0x1400  }
.LBB2_1:
0x14: {  	[spmem:s13], [sflag:s6] =	dma.local [hbm:s5], $0x2800  }
0x15: {  	_ =	swait.ge [sflag:s14], $0x2800  }
0x16: {  	[sflag:s14] =	ssyncset.done $0x0  }
0x17: {  	[sflag:s14] =	ssyncadd.s32 $0xFFFFD800  }
0x18: {  	[bflag:$0x0] =	sbarrier.arrive $0xFFFF  }
0x19: {  	[tilespmem:s3], [sflag:$0x5] =	stream.linear.gather [hbm4b:s7+s3], $0x1400, $0x38;
	[tilespmem:$0x1E800] =	vst v63  }
0x1a: {  	_ =	swait.ge [sflag:s14], $0x1400  }
0x1b: {  	[sflag:s14] =	ssyncset.done $0x0  }
0x1c: {  	[sflag:s14] =	ssyncadd.s32 $0xFFFFEC00  }
0x1d: {  	[tilespmem:s15], [sflag:$0x5] =	stream.linear.gather [hbm4b:s8+s3], $0x1400, $0x38;
	[tilespmem:$0x1E800] =	vst v63  }
0x1e: {  	_ =	swait.ge [sflag:s14], $0x1400  }
0x1f: {  	[sflag:s14] =	ssyncset.done $0x0  }
0x20: {  	[sflag:s14] =	ssyncadd.s32 $0xFFFFEC00  }
0x21: {  	[tilespmem:s17], [sflag:$0x1] =	stream.indirect.gather [hbm4b:s4+s16], $0x80, s3, s16, $0xb8;
	[tilespmem:$0x1E800] =	vst v63  }
0x22: {  	_ = 	snop  }
0x23: {  	[tilespmem:s18], [sflag:$0x2] =	stream.indirect.gather [hbm4b:s4+s16], $0x80, s16, s16, $0xb8;
	[tilespmem:$0x1E800] =	vst v63  }
0x24: {  	_ =	swait.ge [sflag:s19], $0x4000  }
0x25: {  	[sflag:s19] =	ssyncset.done $0x0  }
0x26: {  	[sflag:s19] =	ssyncadd.s32 $0xFFFFC000  }
0x27: {  	[spmem:s2] =	stream.indirect.scatter.add.f32 [tilespmem:s17], [sflag:$0x3], $0x80, s15, s16, $0xb8;
	[tilespmem:$0x1E800] =	vst v63  }
0x28: {  	_ =	swait.ge [sflag:s20], $0x4000  }
0x29: {  	[sflag:s20] =	ssyncset.done $0x0  }
0x2a: {  	[sflag:s20] =	ssyncadd.s32 $0xFFFFC000  }
0x2b: {  	[tilespmem:s17], [sflag:$0x1] =	stream.indirect.gather [hbm4b:s4+s16], $0x80, s21, s16, $0xb8;
	[tilespmem:$0x1E800] =	vst v63  }
0x2c: {  	_ =	swait.ge [sflag:s22], $0x4000  }
0x2d: {  	[sflag:s22] =	ssyncset.done $0x0  }
0x2e: {  	[sflag:s22] =	ssyncadd.s32 $0xFFFFC000  }
0x2f: {  	[spmem:s2] =	stream.indirect.scatter.add.f32 [tilespmem:s18], [sflag:$0x4], $0x80, s23, s16, $0xb8;
	[tilespmem:$0x1E800] =	vst v63  }
0x30: {  	_ =	swait.ge [sflag:s24], $0x4000  }
0x31: {  	[sflag:s24] =	ssyncset.done $0x0  }
0x32: {  	s30 =	simm.s32 $0x180;
	[sflag:s24] =	ssyncadd.s32 $0xFFFFC000  }
0x33: {  	[tilespmem:s18], [sflag:$0x2] =	stream.indirect.gather [hbm4b:s4+s16], $0x80, s30, s16, $0xb8;
	[tilespmem:$0x1E800] =	vst v63  }
0x34: {  	_ =	swait.ge [sflag:s19], $0x4000  }
0x35: {  	[sflag:s19] =	ssyncset.done $0x0  }
0x36: {  	s30 =	simm.s32 $0x1500;
	[sflag:s19] =	ssyncadd.s32 $0xFFFFC000  }
0x37: {  	[spmem:s2] =	stream.indirect.scatter.add.f32 [tilespmem:s17], [sflag:$0x3], $0x80, s30, s16, $0xb8;
	[tilespmem:$0x1E800] =	vst v63  }
0x38: {  	_ =	swait.ge [sflag:s20], $0x4000  }
0x39: {  	[sflag:s20] =	ssyncset.done $0x0  }
0x3a: {  	s30 =	simm.s32 $0x200;
	[sflag:s20] =	ssyncadd.s32 $0xFFFFC000  }
0x3b: {  	[tilespmem:s17], [sflag:$0x1] =	stream.indirect.gather [hbm4b:s4+s16], $0x80, s30, s16, $0xb8;
	[tilespmem:$0x1E800] =	vst v63  }
0x3c: {  	_ =	swait.ge [sflag:s22], $0x4000  }
0x3d: {  	[sflag:s22] =	ssyncset.done $0x0  }
0x3e: {  	s31 =	simm.s32 $0x1580;
	s30 =	simm.s32 $0xFFFFBC00;
	[sflag:s22] =	ssyncadd.s32 $0xFFFFC000  }
.LBB2_2:
0x3f: {  	[spmem:s2] =	stream.indirect.scatter.add.f32 [tilespmem:s18], [sflag:$0x4], $0x80, s31, s16, $0xb8;
	[tilespmem:$0x1E800] =	vst v63  }
0x40: {  	s31 =	smov.u32 s30  }
0x41: {  	p0 =	sne.s32 s30, $0xFFFFFC00;
	s30 =	sadd.s32 $0x400, s30;
	_ =	swait.ge [sflag:s24], $0x4000  }
0x42: {  	s31 =	sshra.s32 s31, $0x2;
	[sflag:s24] =	ssyncset.done $0x0  }
0x43: {  	s0 =	sadd.s32 $0x1380, s31;
	[sflag:s24] =	ssyncadd.s32 $0xFFFFC000  }
0x44: {  	[tilespmem:s18], [sflag:$0x2] =	stream.indirect.gather [hbm4b:s4+s16], $0x80, s0, s16, $0xb8;
	[tilespmem:$0x1E800] =	vst v63  }
0x45: {  	_ =	swait.ge [sflag:s19], $0x4000  }
0x46: {  	[sflag:s19] =	ssyncset.done $0x0  }
0x47: {  	s0 =	sadd.s32 $0x2700, s31;
	[sflag:s19] =	ssyncadd.s32 $0xFFFFC000  }
0x48: {  	[spmem:s2] =	stream.indirect.scatter.add.f32 [tilespmem:s17], [sflag:$0x3], $0x80, s0, s16, $0xb8;
	[tilespmem:$0x1E800] =	vst v63  }
0x49: {  	_ =	swait.ge [sflag:s20], $0x4000  }
0x4a: {  	[sflag:s20] =	ssyncset.done $0x0  }
.Ltmp0:
0x4b: {  	s0 =	sadd.s32 $0x1400, s31;
	[sflag:s20] =	ssyncadd.s32 $0xFFFFC000;
	(pc) =	sbr.rel @p0 .LBB2_2-.Ltmp0, $4  }
0x4c: {  	[tilespmem:s17], [sflag:$0x1] =	stream.indirect.gather [hbm4b:s4+s16], $0x80, s0, s16, $0xb8;
	[tilespmem:$0x1E800] =	vst v63  }
0x4d: {  	_ =	swait.ge [sflag:s22], $0x4000  }
0x4e: {  	[sflag:s22] =	ssyncset.done $0x0  }
0x4f: {  	s31 =	sadd.s32 $0x2780, s31;
	[sflag:s22] =	ssyncadd.s32 $0xFFFFC000  }
0x50: {  	[spmem:s2] =	stream.indirect.scatter.add.f32 [tilespmem:s18], [sflag:$0x4], $0x80, s31, s16, $0xb8;
	[tilespmem:$0x1E800] =	vst v63  }
0x51: {  	_ =	swait.ge [sflag:s24], $0x4000  }
0x52: {  	[sflag:s24] =	ssyncset.done $0x0  }
0x53: {  	[sflag:s24] =	ssyncadd.s32 $0xFFFFC000  }
0x54: {  	[tilespmem:s18], [sflag:$0x2] =	stream.indirect.gather [hbm4b:s4+s16], $0x80, s25, s16, $0xb8;
	[tilespmem:$0x1E800] =	vst v63  }
0x55: {  	_ =	swait.ge [sflag:s19], $0x4000  }
0x56: {  	[sflag:s19] =	ssyncset.done $0x0  }
0x57: {  	[sflag:s19] =	ssyncadd.s32 $0xFFFFC000  }
0x58: {  	[spmem:s2] =	stream.indirect.scatter.add.f32 [tilespmem:s17], [sflag:$0x3], $0x80, s26, s16, $0xb8;
	[tilespmem:$0x1E800] =	vst v63  }
0x59: {  	_ =	swait.ge [sflag:s20], $0x4000  }
0x5a: {  	[sflag:s20] =	ssyncset.done $0x0  }
0x5b: {  	[sflag:s20] =	ssyncadd.s32 $0xFFFFC000  }
0x5c: {  	_ =	swait.ge [sflag:s22], $0x4000  }
0x5d: {  	[sflag:s22] =	ssyncset.done $0x0  }
0x5e: {  	[sflag:s22] =	ssyncadd.s32 $0xFFFFC000  }
0x5f: {  	[spmem:s2] =	stream.indirect.scatter.add.f32 [tilespmem:s18], [sflag:$0x4], $0x80, s28, s16, $0xb8;
	[tilespmem:$0x1E800] =	vst v63  }
0x60: {  	_ =	swait.ge [sflag:s24], $0x4000  }
0x61: {  	[sflag:s24] =	ssyncset.done $0x0  }
0x62: {  	[sflag:s24] =	ssyncadd.s32 $0xFFFFC000  }
0x63: {  	[tilespmem:s3], [sflag:$0x5] =	stream.linear.gather [hbm4b:s9+s3], $0x1400, $0x38;
	[tilespmem:$0x1E800] =	vst v63  }
0x64: {  	_ =	swait.ge [sflag:s14], $0x1400  }
0x65: {  	[sflag:s14] =	ssyncset.done $0x0  }
0x66: {  	[sflag:s14] =	ssyncadd.s32 $0xFFFFEC00  }
0x67: {  	[tilespmem:s15], [sflag:$0x5] =	stream.linear.gather [hbm4b:s10+s3], $0x1400, $0x38;
	[tilespmem:$0x1E800] =	vst v63  }
0x68: {  	_ =	swait.ge [sflag:s14], $0x1400  }
0x69: {  	[sflag:s14] =	ssyncset.done $0x0  }
0x6a: {  	[sflag:s14] =	ssyncadd.s32 $0xFFFFEC00  }
0x6b: {  	[tilespmem:s17], [sflag:$0x1] =	stream.indirect.gather [hbm4b:s4+s16], $0x80, s3, s16, $0xb8;
	[tilespmem:$0x1E800] =	vst v63  }
0x6c: {  	_ = 	snop  }
0x6d: {  	[tilespmem:s18], [sflag:$0x2] =	stream.indirect.gather [hbm4b:s4+s16], $0x80, s16, s16, $0xb8;
	[tilespmem:$0x1E800] =	vst v63  }
0x6e: {  	_ =	swait.ge [sflag:s19], $0x4000  }
0x6f: {  	[sflag:s19] =	ssyncset.done $0x0  }
0x70: {  	[sflag:s19] =	ssyncadd.s32 $0xFFFFC000  }
0x71: {  	[spmem:s2] =	stream.indirect.scatter.add.f32 [tilespmem:s17], [sflag:$0x3], $0x80, s15, s16, $0xb8;
	[tilespmem:$0x1E800] =	vst v63  }
0x72: {  	_ =	swait.ge [sflag:s20], $0x4000  }
0x73: {  	[sflag:s20] =	ssyncset.done $0x0  }
0x74: {  	[sflag:s20] =	ssyncadd.s32 $0xFFFFC000  }
0x75: {  	[tilespmem:s17], [sflag:$0x1] =	stream.indirect.gather [hbm4b:s4+s16], $0x80, s21, s16, $0xb8;
	[tilespmem:$0x1E800] =	vst v63  }
0x76: {  	_ =	swait.ge [sflag:s22], $0x4000  }
0x77: {  	[sflag:s22] =	ssyncset.done $0x0  }
0x78: {  	[sflag:s22] =	ssyncadd.s32 $0xFFFFC000  }
0x79: {  	[spmem:s2] =	stream.indirect.scatter.add.f32 [tilespmem:s18], [sflag:$0x4], $0x80, s23, s16, $0xb8;
	[tilespmem:$0x1E800] =	vst v63  }
0x7a: {  	_ =	swait.ge [sflag:s24], $0x4000  }
0x7b: {  	[sflag:s24] =	ssyncset.done $0x0  }
0x7c: {  	s0 =	simm.s32 $0x180;
	[sflag:s24] =	ssyncadd.s32 $0xFFFFC000  }
0x7d: {  	[tilespmem:s18], [sflag:$0x2] =	stream.indirect.gather [hbm4b:s4+s16], $0x80, s0, s16, $0xb8;
	[tilespmem:$0x1E800] =	vst v63  }
0x7e: {  	_ =	swait.ge [sflag:s19], $0x4000  }
0x7f: {  	[sflag:s19] =	ssyncset.done $0x0  }
0x80: {  	s0 =	simm.s32 $0x1500;
	[sflag:s19] =	ssyncadd.s32 $0xFFFFC000  }
0x81: {  	[spmem:s2] =	stream.indirect.scatter.add.f32 [tilespmem:s17], [sflag:$0x3], $0x80, s0, s16, $0xb8;
	[tilespmem:$0x1E800] =	vst v63  }
0x82: {  	_ =	swait.ge [sflag:s20], $0x4000  }
0x83: {  	[sflag:s20] =	ssyncset.done $0x0  }
0x84: {  	s0 =	simm.s32 $0x200;
	[sflag:s20] =	ssyncadd.s32 $0xFFFFC000  }
0x85: {  	[tilespmem:s17], [sflag:$0x1] =	stream.indirect.gather [hbm4b:s4+s16], $0x80, s0, s16, $0xb8;
	[tilespmem:$0x1E800] =	vst v63  }
0x86: {  	_ =	swait.ge [sflag:s22], $0x4000  }
0x87: {  	[sflag:s22] =	ssyncset.done $0x0  }
0x88: {  	s30 =	simm.s32 $0xFFFFBC00;
	s31 =	simm.s32 $0x1580;
	[sflag:s22] =	ssyncadd.s32 $0xFFFFC000  }
.LBB2_4:
0x89: {  	[spmem:s2] =	stream.indirect.scatter.add.f32 [tilespmem:s18], [sflag:$0x4], $0x80, s31, s16, $0xb8;
	[tilespmem:$0x1E800] =	vst v63  }
0x8a: {  	s0 =	smov.u32 s30  }
0x8b: {  	p0 =	sne.s32 s30, $0xFFFFFC00;
	s30 =	sadd.s32 $0x400, s30;
	_ =	swait.ge [sflag:s24], $0x4000  }
0x8c: {  	s0 =	sshra.s32 s0, $0x2;
	[sflag:s24] =	ssyncset.done $0x0  }
0x8d: {  	s31 =	sadd.s32 $0x1380, s0;
	[sflag:s24] =	ssyncadd.s32 $0xFFFFC000  }
0x8e: {  	[tilespmem:s18], [sflag:$0x2] =	stream.indirect.gather [hbm4b:s4+s16], $0x80, s31, s16, $0xb8;
	[tilespmem:$0x1E800] =	vst v63  }
0x8f: {  	_ =	swait.ge [sflag:s19], $0x4000  }
0x90: {  	[sflag:s19] =	ssyncset.done $0x0  }
0x91: {  	s31 =	sadd.s32 $0x2700, s0;
	[sflag:s19] =	ssyncadd.s32 $0xFFFFC000  }
0x92: {  	[spmem:s2] =	stream.indirect.scatter.add.f32 [tilespmem:s17], [sflag:$0x3], $0x80, s31, s16, $0xb8;
	[tilespmem:$0x1E800] =	vst v63  }
0x93: {  	_ =	swait.ge [sflag:s20], $0x4000  }
0x94: {  	[sflag:s20] =	ssyncset.done $0x0  }
.Ltmp1:
0x95: {  	s31 =	sadd.s32 $0x1400, s0;
	[sflag:s20] =	ssyncadd.s32 $0xFFFFC000;
	(pc) =	sbr.rel @p0 .LBB2_4-.Ltmp1, $4  }
0x96: {  	[tilespmem:s17], [sflag:$0x1] =	stream.indirect.gather [hbm4b:s4+s16], $0x80, s31, s16, $0xb8;
	[tilespmem:$0x1E800] =	vst v63  }
0x97: {  	_ =	swait.ge [sflag:s22], $0x4000  }
0x98: {  	[sflag:s22] =	ssyncset.done $0x0  }
0x99: {  	s31 =	sadd.s32 $0x2780, s0;
	[sflag:s22] =	ssyncadd.s32 $0xFFFFC000  }
0x9a: {  	[spmem:s2] =	stream.indirect.scatter.add.f32 [tilespmem:s18], [sflag:$0x4], $0x80, s31, s16, $0xb8;
	[tilespmem:$0x1E800] =	vst v63  }
0x9b: {  	_ =	swait.ge [sflag:s24], $0x4000  }
0x9c: {  	[sflag:s24] =	ssyncset.done $0x0  }
0x9d: {  	[sflag:s24] =	ssyncadd.s32 $0xFFFFC000  }
0x9e: {  	[tilespmem:s18], [sflag:$0x2] =	stream.indirect.gather [hbm4b:s4+s16], $0x80, s25, s16, $0xb8;
	[tilespmem:$0x1E800] =	vst v63  }
0x9f: {  	_ =	swait.ge [sflag:s19], $0x4000  }
0xa0: {  	[sflag:s19] =	ssyncset.done $0x0  }
0xa1: {  	[sflag:s19] =	ssyncadd.s32 $0xFFFFC000  }
0xa2: {  	[spmem:s2] =	stream.indirect.scatter.add.f32 [tilespmem:s17], [sflag:$0x3], $0x80, s26, s16, $0xb8;
	[tilespmem:$0x1E800] =	vst v63  }
0xa3: {  	_ =	swait.ge [sflag:s20], $0x4000  }
0xa4: {  	[sflag:s20] =	ssyncset.done $0x0  }
0xa5: {  	[sflag:s20] =	ssyncadd.s32 $0xFFFFC000  }
0xa6: {  	_ =	swait.ge [sflag:s22], $0x4000  }
0xa7: {  	[sflag:s22] =	ssyncset.done $0x0  }
0xa8: {  	[sflag:s22] =	ssyncadd.s32 $0xFFFFC000  }
0xa9: {  	[spmem:s2] =	stream.indirect.scatter.add.f32 [tilespmem:s18], [sflag:$0x4], $0x80, s28, s16, $0xb8;
	[tilespmem:$0x1E800] =	vst v63  }
0xaa: {  	_ =	swait.ge [sflag:s24], $0x4000  }
0xab: {  	s29 =	sadd.s32 $0x1, s29;
	[sflag:s24] =	ssyncset.done $0x0  }
0xac: {  	p0 =	sne.s32 s29, s12;
	[sflag:s24] =	ssyncadd.s32 $0xFFFFC000  }
.Ltmp2:
0xad: {  	[bflag:$0x0] =	sbarrier.arrive $0xFFFF;
	(pc) =	sbr.rel @p0 .LBB2_1-.Ltmp2, $4  }
0xae: {  	[hbm:s11], [sflag:s6] =	dma.local [spmem:s13], $0x2800  }
0xaf: {  	_ =	swait.ge [sflag:s14], $0x2800  }
0xb0: {  	[sflag:s14] =	ssyncset.done $0x0  }
0xb1: {  	[sflag:s14] =	ssyncadd.s32 $0xFFFFD800  }
0xb2: {  	_ =	sfence.sel $0x180000  }
0xb3: {  	[bflag:$0x0] =	sbarrier.arrive $0xFFFF  }
0xb4: {  	_ =	strace $0x90000050  }
0xb5: {  	[bflag:$0x2] =	sbarrier.arrive $0xFFFF  }
0xb6: {  	p0 =	sne.s32 s1, $0x0;
	s0 =	rddreg [dreg:$0x2]  }
0xb7: {  	s0 =	sadd.s32 @!p0 $0x100000, s0  }
0xb8: {  	[sflag:s0] =	ssyncadd.tile.s32 @!p0 $0x1;
	_ =	shalt  }
.Lfunc_end2:
_tile_overlayer_lowered:
.L_overlay_start_2:
0xb9: {  	(tag) =	ssettag $0x2  }
0xba: {  	s0 =	rddreg [dreg:$0x0];
	s2 =	stileid.u32  }
0xbb: {  	s1 =	rddreg [dreg:$0x1];
	p0 =	sne.s32 s2, $0x0  }
0xbc: {  	s3 =	rddreg [dreg:$0x2];
	[bflag:$0x3] =	sbarrier.arrive $0xFFFF;
	s2 =	simm.s32 @!p0 $0x1C05  }
0xbd: {  	[timem:s3], [sflag:s2] =	dma.local @!p0 [hbm:s0], s1  }
0xbe: {  	s0 =	simm.s32 @!p0 $0x5  }
0xbf: {  	_ =	swait.ge @!p0 [sflag:s0], s1  }
0xc0: {  	s1 =	ssub.s32 @!p0 $0x0, s1;
	[sflag:s0] =	ssyncset.done @!p0 $0x0  }
0xc1: {  	[sflag:s0] =	ssyncadd.s32 @!p0 s1  }
0xc2: {  	[bflag:$0x3] =	sbarrier.arrive $0xFFFF  }
0xc3: {  	_ =	shalt  }

// kernel: kernel.28.cloned.1.call-start
scs
__scs_entry_jumppad:
0x0: {  	(pc) =	sbr.rel $0x88, $3  }
0x1: {  	(tag) =	ssettag $0x0;
	lr =	simm.s32 $0x1  }
0x2: {  	[smem:$0x3F9B] =	sst lr;
	_ =	strace $0xD0000000  }
0x3: {  	_ = 	snop  }
0x4: {  	_ = 	snop  }
0x5: {  	_ = 	snop  }
0x6: {  	_ = 	snop  }
0x7: {  	_ = 	snop  }
__scs_overlays_trampoline_lowered:
0x8: {  	[smem:$0x3FAA] =	sst s0  }
0x9: {  	[smem:$0x3FAB] =	sst s1  }
0xa: {  	[smem:$0x3FAC] =	sst s2  }
0xb: {  	[smem:$0x3FAD] =	sst s3  }
0xc: {  	[smem:$0x3FAE] =	sst s4  }
0xd: {  	[smem:$0x3FAF] =	sst s5  }
0xe: {  	[smem:$0x3FB0] =	sst s6  }
0xf: {  	[smem:$0x3FB1] =	sst s7  }
0x10: {  	[smem:$0x3FB2] =	sst s8  }
0x11: {  	[smem:$0x3FB3] =	sst s9;
	s0 =	simm.s32 @!p0 $0x0  }
0x12: {  	s1 =	sld [smem:$0x3F99];
	s0 =	simm.s32 @p0 $0x1  }
0x13: {  	[smem:$0x3FB4] =	sst s0;
	s0 =	simm.s32 @!p1 $0x0  }
0x14: {  	s2 =	sld [smem:$0x3F98];
	s0 =	simm.s32 @p1 $0x1  }
0x15: {  	[smem:$0x3FB5] =	sst s0;
	s0 =	simm.s32 @!p2 $0x0  }
0x16: {  	s3 =	sld [smem:$0x3FDB];
	s0 =	simm.s32 @p2 $0x1  }
0x17: {  	s4 =	simm.s32 $0x1BF5;
	[smem:$0x3FB7] =	sst s0  }
0x18: {  	s0 =	sld [smem:$0x3F9A];
	_ =	swait.ge [sflag:s4], $0x0  }
0x19: {  	s7 =	sld [smem:$0x3F9B]  }
0x1a: {  	s8 =	sadd.s32 $0xFFFFE003, lr  }
0x1b: {  	s9 =	sadd.s32 $0xFFFFFEF7, lr;
	s5 =	simm.s32 $0xFFFFFFFF;
	p2 =	slt.u32 s8, $0xFFFFF086  }
0x1c: {  	p1 =	slt.u32 s9, $0xF7A;
	s5 =	simm.s32 @!p2 $0x0  }
0x1d: {  	s5 =	simm.s32 @p1 $0x1;
	p0 =	seq.s32 s7, s2  }
0x1e: {  	s7 =	smul.u32 @!p0 $0xF7A, s2;
	p2 =	seq.s32 @!p0 s5, $0x0  }
0x1f: {  	s9 =	smul.u32 $0xF7A, s1;
	s8 =	simm.s32 @!p0 $0x1BF5;
	p2 =	por !p2, p0  }
0x20: {  	[sflag:s8] =	ssyncset.s32 @!p0 $0xFFFFF086;
	s6 =	sadd.s32 @!p0 s3, s7;
	s7 =	simm.s32 @!p0 $0x108  }
0x21: {  	s3 =	sadd.s32 s3, s9;
	s6 =	sadd.s32 @!p0 $0x88, s6;
	s7 =	simm.s32 @p2 $0x1082  }
0x22: {  	[simem:s7], [sflag:s8] =	dma.local @!p0 [hbm:s6], $0xF7A  }
0x23: {  	s9 =	sor.u32 $0xD0000000, s2;
	s6 =	simm.s32 $0x108;
	_ =	swait.ge @!p0 [sflag:s8], $0x0  }
0x24: {  	s3 =	sadd.s32 $0x88, s3;
	s6 =	simm.s32 @!p1 $0x1082;
	[sflag:s4] =	ssyncset.s32 $0xFFFFF086  }
0x25: {  	[simem:s6], [sflag:s4] =	dma.local [hbm:s3], $0xF7A  }
0x26: {  	[smem:$0x3F9B] =	sst s1;
	(tag) =	ssettag s2;
	_ =	strace s9  }
0x27: {  	s1 =	sld [smem:$0x3FAB]  }
0x28: {  	s2 =	sld [smem:$0x3FAC]  }
0x29: {  	s4 =	sld [smem:$0x3FAE]  }
0x2a: {  	p0 =	seq.s32 s5, $0x0;
	s5 =	sld [smem:$0x3FAF]  }
0x2b: {  	s6 =	sld [smem:$0x3FB0]  }
0x2c: {  	s7 =	sld [smem:$0x3FB1]  }
0x2d: {  	s3 =	simm.s32 $0x108;
	s8 =	sld [smem:$0x3FB2]  }
0x2e: {  	s3 =	simm.s32 @!p0 $0x1082;
	s9 =	sld [smem:$0x3FB3]  }
0x2f: {  	lr =	sadd.s32 s0, s3;
	s0 =	sld [smem:$0x3FAA]  }
0x30: {  	s3 =	sld [smem:$0x3FAD]  }
0x31: {  	[smem:$0x3FB6] =	sst s10  }
0x32: {  	s10 =	sld [smem:$0x3FB4];
	_ =	sdelay $0x3  }
0x33: {  	p0 =	seq.s32 s10, $0x1;
	s10 =	sld [smem:$0x3FB6];
	_ =	sdelay $0x3  }
0x34: {  	[smem:$0x3FB6] =	sst s10  }
0x35: {  	s10 =	sld [smem:$0x3FB5];
	_ =	sdelay $0x3  }
0x36: {  	p1 =	seq.s32 s10, $0x1;
	s10 =	sld [smem:$0x3FB6];
	_ =	sdelay $0x3  }
0x37: {  	[smem:$0x3FB6] =	sst s10  }
0x38: {  	s10 =	sld [smem:$0x3FB7]  }
0x39: {  	_ = 	snop;
	(pc) =	sbr.ind lr, $3  }
0x3a: {  	_ = 	snop  }
0x3b: {  	_ = 	snop  }
0x3c: {  	p2 =	seq.s32 s10, $0x1;
	s10 =	sld [smem:$0x3FB6]  }
0x3d: {  	_ =	shalt  }
0x3e: {  	_ =	shalt  }
0x3f: {  	_ =	shalt  }
0x40: {  	_ =	shalt  }
0x41: {  	_ =	shalt  }
0x42: {  	_ =	shalt  }
0x43: {  	_ =	shalt  }
0x44: {  	_ =	shalt  }
0x45: {  	_ =	shalt  }
0x46: {  	_ =	shalt  }
0x47: {  	_ =	shalt  }
0x48: {  	_ =	shalt  }
0x49: {  	_ =	shalt  }
0x4a: {  	_ =	shalt  }
0x4b: {  	_ =	shalt  }
0x4c: {  	_ =	shalt  }
0x4d: {  	_ =	shalt  }
0x4e: {  	_ =	shalt  }
0x4f: {  	_ =	shalt  }
0x50: {  	_ =	shalt  }
0x51: {  	_ =	shalt  }
0x52: {  	_ =	shalt  }
0x53: {  	_ =	shalt  }
0x54: {  	_ =	shalt  }
0x55: {  	_ =	shalt  }
0x56: {  	_ =	shalt  }
0x57: {  	_ =	shalt  }
0x58: {  	_ =	shalt  }
0x59: {  	_ =	shalt  }
0x5a: {  	_ =	shalt  }
0x5b: {  	_ =	shalt  }
0x5c: {  	_ =	shalt  }
0x5d: {  	_ =	shalt  }
0x5e: {  	_ =	shalt  }
0x5f: {  	_ =	shalt  }
0x60: {  	_ =	shalt  }
0x61: {  	_ =	shalt  }
0x62: {  	_ =	shalt  }
0x63: {  	_ =	shalt  }
0x64: {  	_ =	shalt  }
0x65: {  	_ =	shalt  }
0x66: {  	_ =	shalt  }
0x67: {  	_ =	shalt  }
0x68: {  	_ =	shalt  }
0x69: {  	_ =	shalt  }
0x6a: {  	_ =	shalt  }
0x6b: {  	_ =	shalt  }
0x6c: {  	_ =	shalt  }
0x6d: {  	_ =	shalt  }
0x6e: {  	_ =	shalt  }
0x6f: {  	_ =	shalt  }
0x70: {  	_ =	shalt  }
0x71: {  	_ =	shalt  }
0x72: {  	_ =	shalt  }
0x73: {  	_ =	shalt  }
0x74: {  	_ =	shalt  }
0x75: {  	_ =	shalt  }
0x76: {  	_ =	shalt  }
0x77: {  	_ =	shalt  }
0x78: {  	_ =	shalt  }
0x79: {  	_ =	shalt  }
0x7a: {  	_ =	shalt  }
0x7b: {  	_ =	shalt  }
0x7c: {  	_ =	shalt  }
0x7d: {  	_ =	shalt  }
0x7e: {  	_ =	shalt  }
0x7f: {  	_ =	shalt  }
0x80: {  	_ =	shalt  }
0x81: {  	_ =	shalt  }
0x82: {  	_ =	shalt  }
0x83: {  	_ =	shalt  }
0x84: {  	_ =	shalt  }
0x85: {  	_ =	shalt  }
0x86: {  	_ =	shalt  }
0x87: {  	_ =	shalt  }
.Lfunc_end0:
.L_simem_size_0:
called_computation.4_lowered:
.L_overlay_start_0:
0x88: {  	s2 =	sld [smem:$0x3FD9]  }
0x89: {  	s3 =	sld [smem:$0x3FFE];
	_ =	sdelay $0x1  }
0x8a: {  	s1 =	srdreg.scid  }
0x8b: {  	s0 =	sand.u32 $0x1, s1  }
0x8c: {  	s16 =	sshll.u32 s0, $0xA;
	s2 =	sadd.s32 s3, s2  }
0x8d: {  	s2 =	sadd.s32 s2, s16  }
0x8e: {  	[smem:$0x3FC2] =	sst s2  }
0x8f: {  	_ = 	snop  }
0x90: {  	(tm) =	ssettm $0x1  }
0x91: {  	s17 =	sld [smem:$0x3FFB];
	_ =	sdelay $0x3  }
0x92: {  	_ =	strace s17  }
0x93: {  	s2 =	sld [smem:$0x3FFC];
	_ =	sdelay $0x3  }
0x94: {  	_ =	strace s2  }
0x95: {  	s2 =	sld [smem:$0x3FFD];
	_ =	sdelay $0x3  }
0x96: {  	_ =	strace s2  }
0x97: {  	_ =	strace $0x8FFFFFFF  }
0x98: {  	s18 =	sld [smem:$0x3FDB];
	_ =	sdelay $0x1  }
0x99: {  	s19 =	simm.s32 $_scs_section_size  }
0x9a: {  	s4 =	simm.s32 $_size__tile_overlayer_lowered;
	s5 =	simm.s32 $_tile_overlayer_lowered  }
0x9b: {  	s22 =	simm.s32 $0x1BFF;
	s21 =	sshll.u32 s5, $0x1;
	s2 =	sadd.s32 s19, s18  }
0x9c: {  	s6 =	simm.s32 $0x0;
	s20 =	sshll.u32 s4, $0x1;
	s4 =	sadd.s32 s21, s2  }
0x9d: {  	[timem:s6], [sflag:s22] =	dma.local [hbm:s4], s20  }
0x9e: {  	_ =	swait.ge [sflag:s22], s20  }
0x9f: {  	s3 =	ssub.s32 $0x0, s20;
	[sflag:s22] =	ssyncset.done $0x0  }
0xa0: {  	[sflag:s22] =	ssyncadd.s32 s3;
	_ =	sdelay $0x1  }
0xa1: {  	s23 =	simm.s32 $0x1B8B  }
0xa2: {  	_ =	swait.ge [sflag:s23], $0x1  }
0xa3: {  	[sflag:s23] =	ssyncset.done $0x0  }
0xa4: {  	s25 =	simm.s32 $0x1B8E;
	s24 =	sld [smem:$0x3FFE];
	[sflag:s23] =	ssyncadd.s32 $0xFFFFFFFF  }
0xa5: {  	s26 =	simm.s32 $execute0_lowered;
	[smem:$0x3FD2] =	sst s25  }
0xa6: {  	s4 =	sshll.u32 s26, $0x1;
	_ =	strace $0x80000052;
	[dreg:$0x1] =	wrdreg $0xFFFFFFFF  }
0xa7: {  	s28 =	simm.s32 $_size_execute0_lowered;
	s2 =	sadd.s32 s2, s4;
	[dreg:$0x0] =	wrdreg $0x0  }
0xa8: {  	s4 =	sshll.u32 s28, $0x1;
	[dreg:$0x2] =	wrdreg s2  }
0xa9: {  	[dreg:$0x3] =	wrdreg s4  }
0xaa: {  	[dreg:$0x4] =	wrdreg $0xC0  }
0xab: {  	_ =	task [dreg:s6], $0x5FFFF  }
0xac: {  	[dreg:$0x1] =	wrdreg $0xFFFFFFFF  }
0xad: {  	[dreg:$0x0] =	wrdreg $0x60  }
0xae: {  	[dreg:$0x2] =	wrdreg s24  }
0xaf: {  	[dreg:$0x3] =	wrdreg $0xA8000  }
0xb0: {  	[dreg:$0x4] =	wrdreg $0x9  }
0xb1: {  	_ =	task.clear_ibuf [dreg:s6], $0x5FFFF;
	_ =	strace $0x90000052  }
0xb2: {  	s29 =	simm.s32 $0x9;
	_ =	strace $0x80000054  }
0xb3: {  	_ =	swait.ge [sflag:s29], $0x1  }
0xb4: {  	[sflag:s29] =	ssyncadd.s32 $0xFFFFFFFF  }
0xb5: {  	_ =	strace $0x90000054  }
0xb6: {  	_ =	sfence  }
0xb7: {  	s30 =	sld [smem:$0x0];
	_ =	sdelay $0x2  }
0xb8: {  	s31 =	sshll.u32 s1, $0xD;
	s1 =	sshrl.u32 s1, $0x2  }
0xb9: {  	s3 =	sand.u32 $0x4000, s31;
	s1 =	sadd.s32 s1, s30  }
0xba: {  	s0 =	sor.u32 s3, s0;
	s1 =	sshll.u32 s1, $0x11  }
0xbb: {  	s0 =	sor.u32 s1, s0  }
0xbc: {  	s0 =	sadd.s32 $0x8F2B, s0  }
0xbd: {  	[sflag:s0] =	ssyncadd.remote.s32 $0x1  }
0xbe: {  	_ =	sfence.sel $0xFFFF  }
0xbf: {  	[dreg:$0x0] =	wrdreg $0xFFFFFFFF;
	(pc) =	sbr.abs _section_cstart, $3  }
0xc0: {  	[dreg:$0x1] =	wrdreg $0xFFFFFFFF  }
0xc1: {  	_ =	task.clear_ibuf [dreg:s6], $0x2FFFF;
	_ =	strace $0x9FFFFFFF  }
0xc2: {  	(tm) =	ssettm $0x7FFFFFFF  }
0xc3: {  	_ =	shalt  }
tec
execute0_lowered:
.L_overlay_start_1:
0x0: {  	(tag) =	ssettag $0x1  }
0x1: {  	s5 =	rddreg [dreg:$0x0]  }
0x2: {  	s2 =	rddreg [dreg:$0x1];
	s3 =	simm.s32 $0x0  }
0x3: {  	s1 =	stileid.u32;
	s4 =	srdreg.scid;
	s16 =	simm.s32 $0x80  }
0x4: {  	s17 =	simm.s32 $0x2800;
	s18 =	simm.s32 $0x6800;
	s19 =	simm.s32 $0x1  }
0x5: {  	s20 =	simm.s32 $0x3;
	s21 =	simm.s32 $0x100;
	s22 =	simm.s32 $0x2  }
0x6: {  	s23 =	simm.s32 $0x1480;
	s24 =	simm.s32 $0x4;
	s25 =	simm.s32 $0x1380  }
0x7: {  	s28 =	simm.s32 $0x2780;
	s29 =	simm.s32 $0x0;
	[smem:$0x7FF] =	sst s3  }
0x8: {  	s6 =	smul.u32 $0x14000, s1;
	s7 =	sand.u32 $0x1, s4;
	s4 =	sadd.s32 $0x2BE00, s5  }
0x9: {  	s10 =	sadd.s32 $0x85E00, s5;
	s11 =	sadd.s32 $0x7BE00, s5;
	s26 =	smul.u32 $0x50000, s1  }
0xa: {  	s30 =	sshll.u32 s1, $0x6;
	_ =	strace $0x80000053;
	s9 =	smul.u32 $0x140000, s7  }
0xb: {  	s12 =	sshll.u32 s7, $0x4;
	s7 =	ssub.s32 $0x2, s7;
	s8 =	sshrl.u32 s6, $0x3  }
0xc: {  	s12 =	sor.u32 s1, s12;
	s13 =	sshrl.u32 s7, $0x1;
	s8 =	sadd.s32 s8, s5  }
0xd: {  	s6 =	sadd.s32 s6, s9;
	s9 =	sshrl.u32 s26, $0x2;
	s12 =	smul.u32 $0x2800, s12  }
0xe: {  	s13 =	ssub.s32 s7, s13;
	s26 =	simm.s32 $0x2700;
	s6 =	sshrl.u32 s6, $0x3  }
0xf: {  	s15 =	sadd.s32 s9, s2;
	s14 =	sadd.s32 s6, s5;
	s31 =	sshrl.u32 s12, $0x3  }
0x10: {  	s5 =	sadd.s32 $0x3E00, s8;
	s6 =	sor.u32 $0x1C05, s30;
	s12 =	sadd.s32 $0x280, s31  }
0x11: {  	s7 =	sadd.s32 s10, s31;
	s8 =	sadd.s32 s11, s31;
	s9 =	sadd.s32 s10, s12  }
0x12: {  	s10 =	sadd.s32 s11, s12;
	s11 =	sadd.s32 $0x8FE00, s14;
	s12 =	smax.u32 s13, $0x1  }
0x13: {  	s13 =	sshrl.u32 s15, $0x3;
	s14 =	simm.s32 $0x5;
	s15 =	simm.s32 $0x1400  }
.LBB2_1:
0x14: {  	[spmem:s13], [sflag:s6] =	dma.local [hbm:s5], $0x2800  }
0x15: {  	_ =	swait.ge [sflag:s14], $0x2800  }
0x16: {  	[sflag:s14] =	ssyncset.done $0x0  }
0x17: {  	[sflag:s14] =	ssyncadd.s32 $0xFFFFD800  }
0x18: {  	[bflag:$0x0] =	sbarrier.arrive $0xFFFF  }
0x19: {  	[tilespmem:s3], [sflag:$0x5] =	stream.linear.gather [hbm4b:s7+s3], $0x1400, $0x38;
	[tilespmem:$0x1E800] =	vst v63  }
0x1a: {  	_ =	swait.ge [sflag:s14], $0x1400  }
0x1b: {  	[sflag:s14] =	ssyncset.done $0x0  }
0x1c: {  	[sflag:s14] =	ssyncadd.s32 $0xFFFFEC00  }
0x1d: {  	[tilespmem:s15], [sflag:$0x5] =	stream.linear.gather [hbm4b:s8+s3], $0x1400, $0x38;
	[tilespmem:$0x1E800] =	vst v63  }
0x1e: {  	_ =	swait.ge [sflag:s14], $0x1400  }
0x1f: {  	[sflag:s14] =	ssyncset.done $0x0  }
0x20: {  	[sflag:s14] =	ssyncadd.s32 $0xFFFFEC00  }
0x21: {  	[tilespmem:s17], [sflag:$0x1] =	stream.indirect.gather [hbm4b:s4+s16], $0x80, s3, s16, $0xb8;
	[tilespmem:$0x1E800] =	vst v63  }
0x22: {  	_ = 	snop  }
0x23: {  	[tilespmem:s18], [sflag:$0x2] =	stream.indirect.gather [hbm4b:s4+s16], $0x80, s16, s16, $0xb8;
	[tilespmem:$0x1E800] =	vst v63  }
0x24: {  	_ =	swait.ge [sflag:s19], $0x4000  }
0x25: {  	[sflag:s19] =	ssyncset.done $0x0  }
0x26: {  	[sflag:s19] =	ssyncadd.s32 $0xFFFFC000  }
0x27: {  	[spmem:s2] =	stream.indirect.scatter.add.f32 [tilespmem:s17], [sflag:$0x3], $0x80, s15, s16, $0xb8;
	[tilespmem:$0x1E800] =	vst v63  }
0x28: {  	_ =	swait.ge [sflag:s20], $0x4000  }
0x29: {  	[sflag:s20] =	ssyncset.done $0x0  }
0x2a: {  	[sflag:s20] =	ssyncadd.s32 $0xFFFFC000  }
0x2b: {  	[tilespmem:s17], [sflag:$0x1] =	stream.indirect.gather [hbm4b:s4+s16], $0x80, s21, s16, $0xb8;
	[tilespmem:$0x1E800] =	vst v63  }
0x2c: {  	_ =	swait.ge [sflag:s22], $0x4000  }
0x2d: {  	[sflag:s22] =	ssyncset.done $0x0  }
0x2e: {  	[sflag:s22] =	ssyncadd.s32 $0xFFFFC000  }
0x2f: {  	[spmem:s2] =	stream.indirect.scatter.add.f32 [tilespmem:s18], [sflag:$0x4], $0x80, s23, s16, $0xb8;
	[tilespmem:$0x1E800] =	vst v63  }
0x30: {  	_ =	swait.ge [sflag:s24], $0x4000  }
0x31: {  	[sflag:s24] =	ssyncset.done $0x0  }
0x32: {  	s30 =	simm.s32 $0x180;
	[sflag:s24] =	ssyncadd.s32 $0xFFFFC000  }
0x33: {  	[tilespmem:s18], [sflag:$0x2] =	stream.indirect.gather [hbm4b:s4+s16], $0x80, s30, s16, $0xb8;
	[tilespmem:$0x1E800] =	vst v63  }
0x34: {  	_ =	swait.ge [sflag:s19], $0x4000  }
0x35: {  	[sflag:s19] =	ssyncset.done $0x0  }
0x36: {  	s30 =	simm.s32 $0x1500;
	[sflag:s19] =	ssyncadd.s32 $0xFFFFC000  }
0x37: {  	[spmem:s2] =	stream.indirect.scatter.add.f32 [tilespmem:s17], [sflag:$0x3], $0x80, s30, s16, $0xb8;
	[tilespmem:$0x1E800] =	vst v63  }
0x38: {  	_ =	swait.ge [sflag:s20], $0x4000  }
0x39: {  	[sflag:s20] =	ssyncset.done $0x0  }
0x3a: {  	s30 =	simm.s32 $0x200;
	[sflag:s20] =	ssyncadd.s32 $0xFFFFC000  }
0x3b: {  	[tilespmem:s17], [sflag:$0x1] =	stream.indirect.gather [hbm4b:s4+s16], $0x80, s30, s16, $0xb8;
	[tilespmem:$0x1E800] =	vst v63  }
0x3c: {  	_ =	swait.ge [sflag:s22], $0x4000  }
0x3d: {  	[sflag:s22] =	ssyncset.done $0x0  }
0x3e: {  	s31 =	simm.s32 $0x1580;
	s30 =	simm.s32 $0xFFFFBC00;
	[sflag:s22] =	ssyncadd.s32 $0xFFFFC000  }
.LBB2_2:
0x3f: {  	[spmem:s2] =	stream.indirect.scatter.add.f32 [tilespmem:s18], [sflag:$0x4], $0x80, s31, s16, $0xb8;
	[tilespmem:$0x1E800] =	vst v63  }
0x40: {  	s31 =	smov.u32 s30  }
0x41: {  	p0 =	sne.s32 s30, $0xFFFFFC00;
	s30 =	sadd.s32 $0x400, s30;
	_ =	swait.ge [sflag:s24], $0x4000  }
0x42: {  	s31 =	sshra.s32 s31, $0x2;
	[sflag:s24] =	ssyncset.done $0x0  }
0x43: {  	s0 =	sadd.s32 $0x1380, s31;
	[sflag:s24] =	ssyncadd.s32 $0xFFFFC000  }
0x44: {  	[tilespmem:s18], [sflag:$0x2] =	stream.indirect.gather [hbm4b:s4+s16], $0x80, s0, s16, $0xb8;
	[tilespmem:$0x1E800] =	vst v63  }
0x45: {  	_ =	swait.ge [sflag:s19], $0x4000  }
0x46: {  	[sflag:s19] =	ssyncset.done $0x0  }
0x47: {  	s0 =	sadd.s32 $0x2700, s31;
	[sflag:s19] =	ssyncadd.s32 $0xFFFFC000  }
0x48: {  	[spmem:s2] =	stream.indirect.scatter.add.f32 [tilespmem:s17], [sflag:$0x3], $0x80, s0, s16, $0xb8;
	[tilespmem:$0x1E800] =	vst v63  }
0x49: {  	_ =	swait.ge [sflag:s20], $0x4000  }
0x4a: {  	[sflag:s20] =	ssyncset.done $0x0  }
.Ltmp0:
0x4b: {  	s0 =	sadd.s32 $0x1400, s31;
	[sflag:s20] =	ssyncadd.s32 $0xFFFFC000;
	(pc) =	sbr.rel @p0 .LBB2_2-.Ltmp0, $4  }
0x4c: {  	[tilespmem:s17], [sflag:$0x1] =	stream.indirect.gather [hbm4b:s4+s16], $0x80, s0, s16, $0xb8;
	[tilespmem:$0x1E800] =	vst v63  }
0x4d: {  	_ =	swait.ge [sflag:s22], $0x4000  }
0x4e: {  	[sflag:s22] =	ssyncset.done $0x0  }
0x4f: {  	s31 =	sadd.s32 $0x2780, s31;
	[sflag:s22] =	ssyncadd.s32 $0xFFFFC000  }
0x50: {  	[spmem:s2] =	stream.indirect.scatter.add.f32 [tilespmem:s18], [sflag:$0x4], $0x80, s31, s16, $0xb8;
	[tilespmem:$0x1E800] =	vst v63  }
0x51: {  	_ =	swait.ge [sflag:s24], $0x4000  }
0x52: {  	[sflag:s24] =	ssyncset.done $0x0  }
0x53: {  	[sflag:s24] =	ssyncadd.s32 $0xFFFFC000  }
0x54: {  	[tilespmem:s18], [sflag:$0x2] =	stream.indirect.gather [hbm4b:s4+s16], $0x80, s25, s16, $0xb8;
	[tilespmem:$0x1E800] =	vst v63  }
0x55: {  	_ =	swait.ge [sflag:s19], $0x4000  }
0x56: {  	[sflag:s19] =	ssyncset.done $0x0  }
0x57: {  	[sflag:s19] =	ssyncadd.s32 $0xFFFFC000  }
0x58: {  	[spmem:s2] =	stream.indirect.scatter.add.f32 [tilespmem:s17], [sflag:$0x3], $0x80, s26, s16, $0xb8;
	[tilespmem:$0x1E800] =	vst v63  }
0x59: {  	_ =	swait.ge [sflag:s20], $0x4000  }
0x5a: {  	[sflag:s20] =	ssyncset.done $0x0  }
0x5b: {  	[sflag:s20] =	ssyncadd.s32 $0xFFFFC000  }
0x5c: {  	_ =	swait.ge [sflag:s22], $0x4000  }
0x5d: {  	[sflag:s22] =	ssyncset.done $0x0  }
0x5e: {  	[sflag:s22] =	ssyncadd.s32 $0xFFFFC000  }
0x5f: {  	[spmem:s2] =	stream.indirect.scatter.add.f32 [tilespmem:s18], [sflag:$0x4], $0x80, s28, s16, $0xb8;
	[tilespmem:$0x1E800] =	vst v63  }
0x60: {  	_ =	swait.ge [sflag:s24], $0x4000  }
0x61: {  	[sflag:s24] =	ssyncset.done $0x0  }
0x62: {  	[sflag:s24] =	ssyncadd.s32 $0xFFFFC000  }
0x63: {  	[tilespmem:s3], [sflag:$0x5] =	stream.linear.gather [hbm4b:s9+s3], $0x1400, $0x38;
	[tilespmem:$0x1E800] =	vst v63  }
0x64: {  	_ =	swait.ge [sflag:s14], $0x1400  }
0x65: {  	[sflag:s14] =	ssyncset.done $0x0  }
0x66: {  	[sflag:s14] =	ssyncadd.s32 $0xFFFFEC00  }
0x67: {  	[tilespmem:s15], [sflag:$0x5] =	stream.linear.gather [hbm4b:s10+s3], $0x1400, $0x38;
	[tilespmem:$0x1E800] =	vst v63  }
0x68: {  	_ =	swait.ge [sflag:s14], $0x1400  }
0x69: {  	[sflag:s14] =	ssyncset.done $0x0  }
0x6a: {  	[sflag:s14] =	ssyncadd.s32 $0xFFFFEC00  }
0x6b: {  	[tilespmem:s17], [sflag:$0x1] =	stream.indirect.gather [hbm4b:s4+s16], $0x80, s3, s16, $0xb8;
	[tilespmem:$0x1E800] =	vst v63  }
0x6c: {  	_ = 	snop  }
0x6d: {  	[tilespmem:s18], [sflag:$0x2] =	stream.indirect.gather [hbm4b:s4+s16], $0x80, s16, s16, $0xb8;
	[tilespmem:$0x1E800] =	vst v63  }
0x6e: {  	_ =	swait.ge [sflag:s19], $0x4000  }
0x6f: {  	[sflag:s19] =	ssyncset.done $0x0  }
0x70: {  	[sflag:s19] =	ssyncadd.s32 $0xFFFFC000  }
0x71: {  	[spmem:s2] =	stream.indirect.scatter.add.f32 [tilespmem:s17], [sflag:$0x3], $0x80, s15, s16, $0xb8;
	[tilespmem:$0x1E800] =	vst v63  }
0x72: {  	_ =	swait.ge [sflag:s20], $0x4000  }
0x73: {  	[sflag:s20] =	ssyncset.done $0x0  }
0x74: {  	[sflag:s20] =	ssyncadd.s32 $0xFFFFC000  }
0x75: {  	[tilespmem:s17], [sflag:$0x1] =	stream.indirect.gather [hbm4b:s4+s16], $0x80, s21, s16, $0xb8;
	[tilespmem:$0x1E800] =	vst v63  }
0x76: {  	_ =	swait.ge [sflag:s22], $0x4000  }
0x77: {  	[sflag:s22] =	ssyncset.done $0x0  }
0x78: {  	[sflag:s22] =	ssyncadd.s32 $0xFFFFC000  }
0x79: {  	[spmem:s2] =	stream.indirect.scatter.add.f32 [tilespmem:s18], [sflag:$0x4], $0x80, s23, s16, $0xb8;
	[tilespmem:$0x1E800] =	vst v63  }
0x7a: {  	_ =	swait.ge [sflag:s24], $0x4000  }
0x7b: {  	[sflag:s24] =	ssyncset.done $0x0  }
0x7c: {  	s0 =	simm.s32 $0x180;
	[sflag:s24] =	ssyncadd.s32 $0xFFFFC000  }
0x7d: {  	[tilespmem:s18], [sflag:$0x2] =	stream.indirect.gather [hbm4b:s4+s16], $0x80, s0, s16, $0xb8;
	[tilespmem:$0x1E800] =	vst v63  }
0x7e: {  	_ =	swait.ge [sflag:s19], $0x4000  }
0x7f: {  	[sflag:s19] =	ssyncset.done $0x0  }
0x80: {  	s0 =	simm.s32 $0x1500;
	[sflag:s19] =	ssyncadd.s32 $0xFFFFC000  }
0x81: {  	[spmem:s2] =	stream.indirect.scatter.add.f32 [tilespmem:s17], [sflag:$0x3], $0x80, s0, s16, $0xb8;
	[tilespmem:$0x1E800] =	vst v63  }
0x82: {  	_ =	swait.ge [sflag:s20], $0x4000  }
0x83: {  	[sflag:s20] =	ssyncset.done $0x0  }
0x84: {  	s0 =	simm.s32 $0x200;
	[sflag:s20] =	ssyncadd.s32 $0xFFFFC000  }
0x85: {  	[tilespmem:s17], [sflag:$0x1] =	stream.indirect.gather [hbm4b:s4+s16], $0x80, s0, s16, $0xb8;
	[tilespmem:$0x1E800] =	vst v63  }
0x86: {  	_ =	swait.ge [sflag:s22], $0x4000  }
0x87: {  	[sflag:s22] =	ssyncset.done $0x0  }
0x88: {  	s30 =	simm.s32 $0xFFFFBC00;
	s31 =	simm.s32 $0x1580;
	[sflag:s22] =	ssyncadd.s32 $0xFFFFC000  }
.LBB2_4:
0x89: {  	[spmem:s2] =	stream.indirect.scatter.add.f32 [tilespmem:s18], [sflag:$0x4], $0x80, s31, s16, $0xb8;
	[tilespmem:$0x1E800] =	vst v63  }
0x8a: {  	s0 =	smov.u32 s30  }
0x8b: {  	p0 =	sne.s32 s30, $0xFFFFFC00;
	s30 =	sadd.s32 $0x400, s30;
	_ =	swait.ge [sflag:s24], $0x4000  }
0x8c: {  	s0 =	sshra.s32 s0, $0x2;
	[sflag:s24] =	ssyncset.done $0x0  }
0x8d: {  	s31 =	sadd.s32 $0x1380, s0;
	[sflag:s24] =	ssyncadd.s32 $0xFFFFC000  }
0x8e: {  	[tilespmem:s18], [sflag:$0x2] =	stream.indirect.gather [hbm4b:s4+s16], $0x80, s31, s16, $0xb8;
	[tilespmem:$0x1E800] =	vst v63  }
0x8f: {  	_ =	swait.ge [sflag:s19], $0x4000  }
0x90: {  	[sflag:s19] =	ssyncset.done $0x0  }
0x91: {  	s31 =	sadd.s32 $0x2700, s0;
	[sflag:s19] =	ssyncadd.s32 $0xFFFFC000  }
0x92: {  	[spmem:s2] =	stream.indirect.scatter.add.f32 [tilespmem:s17], [sflag:$0x3], $0x80, s31, s16, $0xb8;
	[tilespmem:$0x1E800] =	vst v63  }
0x93: {  	_ =	swait.ge [sflag:s20], $0x4000  }
0x94: {  	[sflag:s20] =	ssyncset.done $0x0  }
.Ltmp1:
0x95: {  	s31 =	sadd.s32 $0x1400, s0;
	[sflag:s20] =	ssyncadd.s32 $0xFFFFC000;
	(pc) =	sbr.rel @p0 .LBB2_4-.Ltmp1, $4  }
0x96: {  	[tilespmem:s17], [sflag:$0x1] =	stream.indirect.gather [hbm4b:s4+s16], $0x80, s31, s16, $0xb8;
	[tilespmem:$0x1E800] =	vst v63  }
0x97: {  	_ =	swait.ge [sflag:s22], $0x4000  }
0x98: {  	[sflag:s22] =	ssyncset.done $0x0  }
0x99: {  	s31 =	sadd.s32 $0x2780, s0;
	[sflag:s22] =	ssyncadd.s32 $0xFFFFC000  }
0x9a: {  	[spmem:s2] =	stream.indirect.scatter.add.f32 [tilespmem:s18], [sflag:$0x4], $0x80, s31, s16, $0xb8;
	[tilespmem:$0x1E800] =	vst v63  }
0x9b: {  	_ =	swait.ge [sflag:s24], $0x4000  }
0x9c: {  	[sflag:s24] =	ssyncset.done $0x0  }
0x9d: {  	[sflag:s24] =	ssyncadd.s32 $0xFFFFC000  }
0x9e: {  	[tilespmem:s18], [sflag:$0x2] =	stream.indirect.gather [hbm4b:s4+s16], $0x80, s25, s16, $0xb8;
	[tilespmem:$0x1E800] =	vst v63  }
0x9f: {  	_ =	swait.ge [sflag:s19], $0x4000  }
0xa0: {  	[sflag:s19] =	ssyncset.done $0x0  }
0xa1: {  	[sflag:s19] =	ssyncadd.s32 $0xFFFFC000  }
0xa2: {  	[spmem:s2] =	stream.indirect.scatter.add.f32 [tilespmem:s17], [sflag:$0x3], $0x80, s26, s16, $0xb8;
	[tilespmem:$0x1E800] =	vst v63  }
0xa3: {  	_ =	swait.ge [sflag:s20], $0x4000  }
0xa4: {  	[sflag:s20] =	ssyncset.done $0x0  }
0xa5: {  	[sflag:s20] =	ssyncadd.s32 $0xFFFFC000  }
0xa6: {  	_ =	swait.ge [sflag:s22], $0x4000  }
0xa7: {  	[sflag:s22] =	ssyncset.done $0x0  }
0xa8: {  	[sflag:s22] =	ssyncadd.s32 $0xFFFFC000  }
0xa9: {  	[spmem:s2] =	stream.indirect.scatter.add.f32 [tilespmem:s18], [sflag:$0x4], $0x80, s28, s16, $0xb8;
	[tilespmem:$0x1E800] =	vst v63  }
0xaa: {  	_ =	swait.ge [sflag:s24], $0x4000  }
0xab: {  	s29 =	sadd.s32 $0x1, s29;
	[sflag:s24] =	ssyncset.done $0x0  }
0xac: {  	p0 =	sne.s32 s29, s12;
	[sflag:s24] =	ssyncadd.s32 $0xFFFFC000  }
.Ltmp2:
0xad: {  	[bflag:$0x0] =	sbarrier.arrive $0xFFFF;
	(pc) =	sbr.rel @p0 .LBB2_1-.Ltmp2, $4  }
0xae: {  	[hbm:s11], [sflag:s6] =	dma.local [spmem:s13], $0x2800  }
0xaf: {  	_ =	swait.ge [sflag:s14], $0x2800  }
0xb0: {  	[sflag:s14] =	ssyncset.done $0x0  }
0xb1: {  	[sflag:s14] =	ssyncadd.s32 $0xFFFFD800  }
0xb2: {  	_ =	sfence.sel $0x180000  }
0xb3: {  	[bflag:$0x0] =	sbarrier.arrive $0xFFFF  }
0xb4: {  	_ =	strace $0x90000053  }
0xb5: {  	[bflag:$0x2] =	sbarrier.arrive $0xFFFF  }
0xb6: {  	p0 =	sne.s32 s1, $0x0;
	s0 =	rddreg [dreg:$0x2]  }
0xb7: {  	s0 =	sadd.s32 @!p0 $0x100000, s0  }
0xb8: {  	[sflag:s0] =	ssyncadd.tile.s32 @!p0 $0x1;
	_ =	shalt  }
.Lfunc_end2:
_tile_overlayer_lowered:
.L_overlay_start_2:
0xb9: {  	(tag) =	ssettag $0x2  }
0xba: {  	s0 =	rddreg [dreg:$0x0];
	s2 =	stileid.u32  }
0xbb: {  	s1 =	rddreg [dreg:$0x1];
	p0 =	sne.s32 s2, $0x0  }
0xbc: {  	s3 =	rddreg [dreg:$0x2];
	[bflag:$0x3] =	sbarrier.arrive $0xFFFF;
	s2 =	simm.s32 @!p0 $0x1C05  }
0xbd: {  	[timem:s3], [sflag:s2] =	dma.local @!p0 [hbm:s0], s1  }
0xbe: {  	s0 =	simm.s32 @!p0 $0x5  }
0xbf: {  	_ =	swait.ge @!p0 [sflag:s0], s1  }
0xc0: {  	s1 =	ssub.s32 @!p0 $0x0, s1;
	[sflag:s0] =	ssyncset.done @!p0 $0x0  }
0xc1: {  	[sflag:s0] =	ssyncadd.s32 @!p0 s1  }
0xc2: {  	[bflag:$0x3] =	sbarrier.arrive $0xFFFF  }
0xc3: {  	_ =	shalt  }

// kernel: kernel.31.cloned.1.call-start
scs
__scs_entry_jumppad:
0x0: {  	(pc) =	sbr.rel $0x88, $3  }
0x1: {  	(tag) =	ssettag $0x0;
	lr =	simm.s32 $0x1  }
0x2: {  	[smem:$0x3F9B] =	sst lr;
	_ =	strace $0xD0000000  }
0x3: {  	_ = 	snop  }
0x4: {  	_ = 	snop  }
0x5: {  	_ = 	snop  }
0x6: {  	_ = 	snop  }
0x7: {  	_ = 	snop  }
__scs_overlays_trampoline_lowered:
0x8: {  	[smem:$0x3FAA] =	sst s0  }
0x9: {  	[smem:$0x3FAB] =	sst s1  }
0xa: {  	[smem:$0x3FAC] =	sst s2  }
0xb: {  	[smem:$0x3FAD] =	sst s3  }
0xc: {  	[smem:$0x3FAE] =	sst s4  }
0xd: {  	[smem:$0x3FAF] =	sst s5  }
0xe: {  	[smem:$0x3FB0] =	sst s6  }
0xf: {  	[smem:$0x3FB1] =	sst s7  }
0x10: {  	[smem:$0x3FB2] =	sst s8  }
0x11: {  	[smem:$0x3FB3] =	sst s9;
	s0 =	simm.s32 @!p0 $0x0  }
0x12: {  	s1 =	sld [smem:$0x3F99];
	s0 =	simm.s32 @p0 $0x1  }
0x13: {  	[smem:$0x3FB4] =	sst s0;
	s0 =	simm.s32 @!p1 $0x0  }
0x14: {  	s2 =	sld [smem:$0x3F98];
	s0 =	simm.s32 @p1 $0x1  }
0x15: {  	[smem:$0x3FB5] =	sst s0;
	s0 =	simm.s32 @!p2 $0x0  }
0x16: {  	s3 =	sld [smem:$0x3FDB];
	s0 =	simm.s32 @p2 $0x1  }
0x17: {  	s4 =	simm.s32 $0x1BF5;
	[smem:$0x3FB7] =	sst s0  }
0x18: {  	s0 =	sld [smem:$0x3F9A];
	_ =	swait.ge [sflag:s4], $0x0  }
0x19: {  	s7 =	sld [smem:$0x3F9B]  }
0x1a: {  	s8 =	sadd.s32 $0xFFFFE003, lr  }
0x1b: {  	s9 =	sadd.s32 $0xFFFFFEF7, lr;
	s5 =	simm.s32 $0xFFFFFFFF;
	p2 =	slt.u32 s8, $0xFFFFF086  }
0x1c: {  	p1 =	slt.u32 s9, $0xF7A;
	s5 =	simm.s32 @!p2 $0x0  }
0x1d: {  	s5 =	simm.s32 @p1 $0x1;
	p0 =	seq.s32 s7, s2  }
0x1e: {  	s7 =	smul.u32 @!p0 $0xF7A, s2;
	p2 =	seq.s32 @!p0 s5, $0x0  }
0x1f: {  	s9 =	smul.u32 $0xF7A, s1;
	s8 =	simm.s32 @!p0 $0x1BF5;
	p2 =	por !p2, p0  }
0x20: {  	[sflag:s8] =	ssyncset.s32 @!p0 $0xFFFFF086;
	s6 =	sadd.s32 @!p0 s3, s7;
	s7 =	simm.s32 @!p0 $0x108  }
0x21: {  	s3 =	sadd.s32 s3, s9;
	s6 =	sadd.s32 @!p0 $0x88, s6;
	s7 =	simm.s32 @p2 $0x1082  }
0x22: {  	[simem:s7], [sflag:s8] =	dma.local @!p0 [hbm:s6], $0xF7A  }
0x23: {  	s9 =	sor.u32 $0xD0000000, s2;
	s6 =	simm.s32 $0x108;
	_ =	swait.ge @!p0 [sflag:s8], $0x0  }
0x24: {  	s3 =	sadd.s32 $0x88, s3;
	s6 =	simm.s32 @!p1 $0x1082;
	[sflag:s4] =	ssyncset.s32 $0xFFFFF086  }
0x25: {  	[simem:s6], [sflag:s4] =	dma.local [hbm:s3], $0xF7A  }
0x26: {  	[smem:$0x3F9B] =	sst s1;
	(tag) =	ssettag s2;
	_ =	strace s9  }
0x27: {  	s1 =	sld [smem:$0x3FAB]  }
0x28: {  	s2 =	sld [smem:$0x3FAC]  }
0x29: {  	s4 =	sld [smem:$0x3FAE]  }
0x2a: {  	p0 =	seq.s32 s5, $0x0;
	s5 =	sld [smem:$0x3FAF]  }
0x2b: {  	s6 =	sld [smem:$0x3FB0]  }
0x2c: {  	s7 =	sld [smem:$0x3FB1]  }
0x2d: {  	s3 =	simm.s32 $0x108;
	s8 =	sld [smem:$0x3FB2]  }
0x2e: {  	s3 =	simm.s32 @!p0 $0x1082;
	s9 =	sld [smem:$0x3FB3]  }
0x2f: {  	lr =	sadd.s32 s0, s3;
	s0 =	sld [smem:$0x3FAA]  }
0x30: {  	s3 =	sld [smem:$0x3FAD]  }
0x31: {  	[smem:$0x3FB6] =	sst s10  }
0x32: {  	s10 =	sld [smem:$0x3FB4];
	_ =	sdelay $0x3  }
0x33: {  	p0 =	seq.s32 s10, $0x1;
	s10 =	sld [smem:$0x3FB6];
	_ =	sdelay $0x3  }
0x34: {  	[smem:$0x3FB6] =	sst s10  }
0x35: {  	s10 =	sld [smem:$0x3FB5];
	_ =	sdelay $0x3  }
0x36: {  	p1 =	seq.s32 s10, $0x1;
	s10 =	sld [smem:$0x3FB6];
	_ =	sdelay $0x3  }
0x37: {  	[smem:$0x3FB6] =	sst s10  }
0x38: {  	s10 =	sld [smem:$0x3FB7]  }
0x39: {  	_ = 	snop;
	(pc) =	sbr.ind lr, $3  }
0x3a: {  	_ = 	snop  }
0x3b: {  	_ = 	snop  }
0x3c: {  	p2 =	seq.s32 s10, $0x1;
	s10 =	sld [smem:$0x3FB6]  }
0x3d: {  	_ =	shalt  }
0x3e: {  	_ =	shalt  }
0x3f: {  	_ =	shalt  }
0x40: {  	_ =	shalt  }
0x41: {  	_ =	shalt  }
0x42: {  	_ =	shalt  }
0x43: {  	_ =	shalt  }
0x44: {  	_ =	shalt  }
0x45: {  	_ =	shalt  }
0x46: {  	_ =	shalt  }
0x47: {  	_ =	shalt  }
0x48: {  	_ =	shalt  }
0x49: {  	_ =	shalt  }
0x4a: {  	_ =	shalt  }
0x4b: {  	_ =	shalt  }
0x4c: {  	_ =	shalt  }
0x4d: {  	_ =	shalt  }
0x4e: {  	_ =	shalt  }
0x4f: {  	_ =	shalt  }
0x50: {  	_ =	shalt  }
0x51: {  	_ =	shalt  }
0x52: {  	_ =	shalt  }
0x53: {  	_ =	shalt  }
0x54: {  	_ =	shalt  }
0x55: {  	_ =	shalt  }
0x56: {  	_ =	shalt  }
0x57: {  	_ =	shalt  }
0x58: {  	_ =	shalt  }
0x59: {  	_ =	shalt  }
0x5a: {  	_ =	shalt  }
0x5b: {  	_ =	shalt  }
0x5c: {  	_ =	shalt  }
0x5d: {  	_ =	shalt  }
0x5e: {  	_ =	shalt  }
0x5f: {  	_ =	shalt  }
0x60: {  	_ =	shalt  }
0x61: {  	_ =	shalt  }
0x62: {  	_ =	shalt  }
0x63: {  	_ =	shalt  }
0x64: {  	_ =	shalt  }
0x65: {  	_ =	shalt  }
0x66: {  	_ =	shalt  }
0x67: {  	_ =	shalt  }
0x68: {  	_ =	shalt  }
0x69: {  	_ =	shalt  }
0x6a: {  	_ =	shalt  }
0x6b: {  	_ =	shalt  }
0x6c: {  	_ =	shalt  }
0x6d: {  	_ =	shalt  }
0x6e: {  	_ =	shalt  }
0x6f: {  	_ =	shalt  }
0x70: {  	_ =	shalt  }
0x71: {  	_ =	shalt  }
0x72: {  	_ =	shalt  }
0x73: {  	_ =	shalt  }
0x74: {  	_ =	shalt  }
0x75: {  	_ =	shalt  }
0x76: {  	_ =	shalt  }
0x77: {  	_ =	shalt  }
0x78: {  	_ =	shalt  }
0x79: {  	_ =	shalt  }
0x7a: {  	_ =	shalt  }
0x7b: {  	_ =	shalt  }
0x7c: {  	_ =	shalt  }
0x7d: {  	_ =	shalt  }
0x7e: {  	_ =	shalt  }
0x7f: {  	_ =	shalt  }
0x80: {  	_ =	shalt  }
0x81: {  	_ =	shalt  }
0x82: {  	_ =	shalt  }
0x83: {  	_ =	shalt  }
0x84: {  	_ =	shalt  }
0x85: {  	_ =	shalt  }
0x86: {  	_ =	shalt  }
0x87: {  	_ =	shalt  }
.Lfunc_end0:
.L_simem_size_0:
called_computation.5_lowered:
.L_overlay_start_0:
0x88: {  	s2 =	sld [smem:$0x3FD9]  }
0x89: {  	s3 =	sld [smem:$0x3FFE];
	_ =	sdelay $0x1  }
0x8a: {  	s1 =	srdreg.scid  }
0x8b: {  	s0 =	sand.u32 $0x1, s1  }
0x8c: {  	s16 =	sshll.u32 s0, $0xA;
	s2 =	sadd.s32 s3, s2  }
0x8d: {  	s2 =	sadd.s32 s2, s16  }
0x8e: {  	[smem:$0x3FC2] =	sst s2  }
0x8f: {  	_ = 	snop  }
0x90: {  	(tm) =	ssettm $0x1  }
0x91: {  	s17 =	sld [smem:$0x3FFB];
	_ =	sdelay $0x3  }
0x92: {  	_ =	strace s17  }
0x93: {  	s2 =	sld [smem:$0x3FFC];
	_ =	sdelay $0x3  }
0x94: {  	_ =	strace s2  }
0x95: {  	s2 =	sld [smem:$0x3FFD];
	_ =	sdelay $0x3  }
0x96: {  	_ =	strace s2  }
0x97: {  	_ =	strace $0x8FFFFFFF  }
0x98: {  	s18 =	sld [smem:$0x3FDB];
	_ =	sdelay $0x1  }
0x99: {  	s19 =	simm.s32 $_scs_section_size  }
0x9a: {  	s4 =	simm.s32 $_size__tile_overlayer_lowered;
	s5 =	simm.s32 $_tile_overlayer_lowered  }
0x9b: {  	s22 =	simm.s32 $0x1BFF;
	s21 =	sshll.u32 s5, $0x1;
	s2 =	sadd.s32 s19, s18  }
0x9c: {  	s6 =	simm.s32 $0x0;
	s20 =	sshll.u32 s4, $0x1;
	s4 =	sadd.s32 s21, s2  }
0x9d: {  	[timem:s6], [sflag:s22] =	dma.local [hbm:s4], s20  }
0x9e: {  	_ =	swait.ge [sflag:s22], s20  }
0x9f: {  	s3 =	ssub.s32 $0x0, s20;
	[sflag:s22] =	ssyncset.done $0x0  }
0xa0: {  	[sflag:s22] =	ssyncadd.s32 s3;
	_ =	sdelay $0x1  }
0xa1: {  	s23 =	simm.s32 $0x1B8B  }
0xa2: {  	_ =	swait.ge [sflag:s23], $0x1  }
0xa3: {  	[sflag:s23] =	ssyncset.done $0x0  }
0xa4: {  	s25 =	simm.s32 $0x1B8E;
	s24 =	sld [smem:$0x3FFE];
	[sflag:s23] =	ssyncadd.s32 $0xFFFFFFFF  }
0xa5: {  	s26 =	simm.s32 $execute0_lowered;
	[smem:$0x3FD2] =	sst s25  }
0xa6: {  	s4 =	sshll.u32 s26, $0x1;
	_ =	strace $0x80000055;
	[dreg:$0x1] =	wrdreg $0xFFFFFFFF  }
0xa7: {  	s28 =	simm.s32 $_size_execute0_lowered;
	s2 =	sadd.s32 s2, s4;
	[dreg:$0x0] =	wrdreg $0x0  }
0xa8: {  	s4 =	sshll.u32 s28, $0x1;
	[dreg:$0x2] =	wrdreg s2  }
0xa9: {  	[dreg:$0x3] =	wrdreg s4  }
0xaa: {  	[dreg:$0x4] =	wrdreg $0xC0  }
0xab: {  	_ =	task [dreg:s6], $0x5FFFF  }
0xac: {  	[dreg:$0x1] =	wrdreg $0xFFFFFFFF  }
0xad: {  	[dreg:$0x0] =	wrdreg $0x60  }
0xae: {  	[dreg:$0x2] =	wrdreg s24  }
0xaf: {  	[dreg:$0x3] =	wrdreg $0xA8000  }
0xb0: {  	[dreg:$0x4] =	wrdreg $0x9  }
0xb1: {  	_ =	task.clear_ibuf [dreg:s6], $0x5FFFF;
	_ =	strace $0x90000055  }
0xb2: {  	s29 =	simm.s32 $0x9;
	_ =	strace $0x80000057  }
0xb3: {  	_ =	swait.ge [sflag:s29], $0x1  }
0xb4: {  	[sflag:s29] =	ssyncadd.s32 $0xFFFFFFFF  }
0xb5: {  	_ =	strace $0x90000057  }
0xb6: {  	_ =	sfence  }
0xb7: {  	s30 =	sld [smem:$0x0];
	_ =	sdelay $0x2  }
0xb8: {  	s31 =	sshll.u32 s1, $0xD;
	s1 =	sshrl.u32 s1, $0x2  }
0xb9: {  	s3 =	sand.u32 $0x4000, s31;
	s1 =	sadd.s32 s1, s30  }
0xba: {  	s0 =	sor.u32 s3, s0;
	s1 =	sshll.u32 s1, $0x11  }
0xbb: {  	s0 =	sor.u32 s1, s0  }
0xbc: {  	s0 =	sadd.s32 $0x8F2B, s0  }
0xbd: {  	[sflag:s0] =	ssyncadd.remote.s32 $0x1  }
0xbe: {  	_ =	sfence.sel $0xFFFF  }
0xbf: {  	[dreg:$0x0] =	wrdreg $0xFFFFFFFF;
	(pc) =	sbr.abs _section_cstart, $3  }
0xc0: {  	[dreg:$0x1] =	wrdreg $0xFFFFFFFF  }
0xc1: {  	_ =	task.clear_ibuf [dreg:s6], $0x2FFFF;
	_ =	strace $0x9FFFFFFF  }
0xc2: {  	(tm) =	ssettm $0x7FFFFFFF  }
0xc3: {  	_ =	shalt  }
tec
execute0_lowered:
.L_overlay_start_1:
0x0: {  	(tag) =	ssettag $0x1  }
0x1: {  	s5 =	rddreg [dreg:$0x0]  }
0x2: {  	s2 =	rddreg [dreg:$0x1];
	s3 =	simm.s32 $0x0  }
0x3: {  	s1 =	stileid.u32;
	s4 =	srdreg.scid;
	s16 =	simm.s32 $0x80  }
0x4: {  	s17 =	simm.s32 $0x2800;
	s18 =	simm.s32 $0x6800;
	s19 =	simm.s32 $0x1  }
0x5: {  	s20 =	simm.s32 $0x3;
	s21 =	simm.s32 $0x100;
	s22 =	simm.s32 $0x2  }
0x6: {  	s23 =	simm.s32 $0x1480;
	s24 =	simm.s32 $0x4;
	s25 =	simm.s32 $0x1380  }
0x7: {  	s28 =	simm.s32 $0x2780;
	s29 =	simm.s32 $0x0;
	[smem:$0x7FF] =	sst s3  }
0x8: {  	s6 =	smul.u32 $0x14000, s1;
	s7 =	sand.u32 $0x1, s4;
	s4 =	sadd.s32 $0x2BE00, s5  }
0x9: {  	s10 =	sadd.s32 $0x85E00, s5;
	s11 =	sadd.s32 $0x7BE00, s5;
	s26 =	smul.u32 $0x50000, s1  }
0xa: {  	s30 =	sshll.u32 s1, $0x6;
	_ =	strace $0x80000056;
	s9 =	smul.u32 $0x140000, s7  }
0xb: {  	s12 =	sshll.u32 s7, $0x4;
	s7 =	ssub.s32 $0x2, s7;
	s8 =	sshrl.u32 s6, $0x3  }
0xc: {  	s12 =	sor.u32 s1, s12;
	s13 =	sshrl.u32 s7, $0x1;
	s8 =	sadd.s32 s8, s5  }
0xd: {  	s6 =	sadd.s32 s6, s9;
	s9 =	sshrl.u32 s26, $0x2;
	s12 =	smul.u32 $0x2800, s12  }
0xe: {  	s13 =	ssub.s32 s7, s13;
	s26 =	simm.s32 $0x2700;
	s6 =	sshrl.u32 s6, $0x3  }
0xf: {  	s15 =	sadd.s32 s9, s2;
	s14 =	sadd.s32 s6, s5;
	s31 =	sshrl.u32 s12, $0x3  }
0x10: {  	s5 =	sadd.s32 $0x3E00, s8;
	s6 =	sor.u32 $0x1C05, s30;
	s12 =	sadd.s32 $0x280, s31  }
0x11: {  	s7 =	sadd.s32 s10, s31;
	s8 =	sadd.s32 s11, s31;
	s9 =	sadd.s32 s10, s12  }
0x12: {  	s10 =	sadd.s32 s11, s12;
	s11 =	sadd.s32 $0x8FE00, s14;
	s12 =	smax.u32 s13, $0x1  }
0x13: {  	s13 =	sshrl.u32 s15, $0x3;
	s14 =	simm.s32 $0x5;
	s15 =	simm.s32 $0x1400  }
.LBB2_1:
0x14: {  	[spmem:s13], [sflag:s6] =	dma.local [hbm:s5], $0x2800  }
0x15: {  	_ =	swait.ge [sflag:s14], $0x2800  }
0x16: {  	[sflag:s14] =	ssyncset.done $0x0  }
0x17: {  	[sflag:s14] =	ssyncadd.s32 $0xFFFFD800  }
0x18: {  	[bflag:$0x0] =	sbarrier.arrive $0xFFFF  }
0x19: {  	[tilespmem:s3], [sflag:$0x5] =	stream.linear.gather [hbm4b:s7+s3], $0x1400, $0x38;
	[tilespmem:$0x1E800] =	vst v63  }
0x1a: {  	_ =	swait.ge [sflag:s14], $0x1400  }
0x1b: {  	[sflag:s14] =	ssyncset.done $0x0  }
0x1c: {  	[sflag:s14] =	ssyncadd.s32 $0xFFFFEC00  }
0x1d: {  	[tilespmem:s15], [sflag:$0x5] =	stream.linear.gather [hbm4b:s8+s3], $0x1400, $0x38;
	[tilespmem:$0x1E800] =	vst v63  }
0x1e: {  	_ =	swait.ge [sflag:s14], $0x1400  }
0x1f: {  	[sflag:s14] =	ssyncset.done $0x0  }
0x20: {  	[sflag:s14] =	ssyncadd.s32 $0xFFFFEC00  }
0x21: {  	[tilespmem:s17], [sflag:$0x1] =	stream.indirect.gather [hbm4b:s4+s16], $0x80, s3, s16, $0xb8;
	[tilespmem:$0x1E800] =	vst v63  }
0x22: {  	_ = 	snop  }
0x23: {  	[tilespmem:s18], [sflag:$0x2] =	stream.indirect.gather [hbm4b:s4+s16], $0x80, s16, s16, $0xb8;
	[tilespmem:$0x1E800] =	vst v63  }
0x24: {  	_ =	swait.ge [sflag:s19], $0x4000  }
0x25: {  	[sflag:s19] =	ssyncset.done $0x0  }
0x26: {  	[sflag:s19] =	ssyncadd.s32 $0xFFFFC000  }
0x27: {  	[spmem:s2] =	stream.indirect.scatter.add.f32 [tilespmem:s17], [sflag:$0x3], $0x80, s15, s16, $0xb8;
	[tilespmem:$0x1E800] =	vst v63  }
0x28: {  	_ =	swait.ge [sflag:s20], $0x4000  }
0x29: {  	[sflag:s20] =	ssyncset.done $0x0  }
0x2a: {  	[sflag:s20] =	ssyncadd.s32 $0xFFFFC000  }
0x2b: {  	[tilespmem:s17], [sflag:$0x1] =	stream.indirect.gather [hbm4b:s4+s16], $0x80, s21, s16, $0xb8;
	[tilespmem:$0x1E800] =	vst v63  }
0x2c: {  	_ =	swait.ge [sflag:s22], $0x4000  }
0x2d: {  	[sflag:s22] =	ssyncset.done $0x0  }
0x2e: {  	[sflag:s22] =	ssyncadd.s32 $0xFFFFC000  }
0x2f: {  	[spmem:s2] =	stream.indirect.scatter.add.f32 [tilespmem:s18], [sflag:$0x4], $0x80, s23, s16, $0xb8;
	[tilespmem:$0x1E800] =	vst v63  }
0x30: {  	_ =	swait.ge [sflag:s24], $0x4000  }
0x31: {  	[sflag:s24] =	ssyncset.done $0x0  }
0x32: {  	s30 =	simm.s32 $0x180;
	[sflag:s24] =	ssyncadd.s32 $0xFFFFC000  }
0x33: {  	[tilespmem:s18], [sflag:$0x2] =	stream.indirect.gather [hbm4b:s4+s16], $0x80, s30, s16, $0xb8;
	[tilespmem:$0x1E800] =	vst v63  }
0x34: {  	_ =	swait.ge [sflag:s19], $0x4000  }
0x35: {  	[sflag:s19] =	ssyncset.done $0x0  }
0x36: {  	s30 =	simm.s32 $0x1500;
	[sflag:s19] =	ssyncadd.s32 $0xFFFFC000  }
0x37: {  	[spmem:s2] =	stream.indirect.scatter.add.f32 [tilespmem:s17], [sflag:$0x3], $0x80, s30, s16, $0xb8;
	[tilespmem:$0x1E800] =	vst v63  }
0x38: {  	_ =	swait.ge [sflag:s20], $0x4000  }
0x39: {  	[sflag:s20] =	ssyncset.done $0x0  }
0x3a: {  	s30 =	simm.s32 $0x200;
	[sflag:s20] =	ssyncadd.s32 $0xFFFFC000  }
0x3b: {  	[tilespmem:s17], [sflag:$0x1] =	stream.indirect.gather [hbm4b:s4+s16], $0x80, s30, s16, $0xb8;
	[tilespmem:$0x1E800] =	vst v63  }
0x3c: {  	_ =	swait.ge [sflag:s22], $0x4000  }
0x3d: {  	[sflag:s22] =	ssyncset.done $0x0  }
0x3e: {  	s31 =	simm.s32 $0x1580;
	s30 =	simm.s32 $0xFFFFBC00;
	[sflag:s22] =	ssyncadd.s32 $0xFFFFC000  }
.LBB2_2:
0x3f: {  	[spmem:s2] =	stream.indirect.scatter.add.f32 [tilespmem:s18], [sflag:$0x4], $0x80, s31, s16, $0xb8;
	[tilespmem:$0x1E800] =	vst v63  }
0x40: {  	s31 =	smov.u32 s30  }
0x41: {  	p0 =	sne.s32 s30, $0xFFFFFC00;
	s30 =	sadd.s32 $0x400, s30;
	_ =	swait.ge [sflag:s24], $0x4000  }
0x42: {  	s31 =	sshra.s32 s31, $0x2;
	[sflag:s24] =	ssyncset.done $0x0  }
0x43: {  	s0 =	sadd.s32 $0x1380, s31;
	[sflag:s24] =	ssyncadd.s32 $0xFFFFC000  }
0x44: {  	[tilespmem:s18], [sflag:$0x2] =	stream.indirect.gather [hbm4b:s4+s16], $0x80, s0, s16, $0xb8;
	[tilespmem:$0x1E800] =	vst v63  }
0x45: {  	_ =	swait.ge [sflag:s19], $0x4000  }
0x46: {  	[sflag:s19] =	ssyncset.done $0x0  }
0x47: {  	s0 =	sadd.s32 $0x2700, s31;
	[sflag:s19] =	ssyncadd.s32 $0xFFFFC000  }
0x48: {  	[spmem:s2] =	stream.indirect.scatter.add.f32 [tilespmem:s17], [sflag:$0x3], $0x80, s0, s16, $0xb8;
	[tilespmem:$0x1E800] =	vst v63  }
0x49: {  	_ =	swait.ge [sflag:s20], $0x4000  }
0x4a: {  	[sflag:s20] =	ssyncset.done $0x0  }
.Ltmp0:
0x4b: {  	s0 =	sadd.s32 $0x1400, s31;
	[sflag:s20] =	ssyncadd.s32 $0xFFFFC000;
	(pc) =	sbr.rel @p0 .LBB2_2-.Ltmp0, $4  }
0x4c: {  	[tilespmem:s17], [sflag:$0x1] =	stream.indirect.gather [hbm4b:s4+s16], $0x80, s0, s16, $0xb8;
	[tilespmem:$0x1E800] =	vst v63  }
0x4d: {  	_ =	swait.ge [sflag:s22], $0x4000  }
0x4e: {  	[sflag:s22] =	ssyncset.done $0x0  }
0x4f: {  	s31 =	sadd.s32 $0x2780, s31;
	[sflag:s22] =	ssyncadd.s32 $0xFFFFC000  }
0x50: {  	[spmem:s2] =	stream.indirect.scatter.add.f32 [tilespmem:s18], [sflag:$0x4], $0x80, s31, s16, $0xb8;
	[tilespmem:$0x1E800] =	vst v63  }
0x51: {  	_ =	swait.ge [sflag:s24], $0x4000  }
0x52: {  	[sflag:s24] =	ssyncset.done $0x0  }
0x53: {  	[sflag:s24] =	ssyncadd.s32 $0xFFFFC000  }
0x54: {  	[tilespmem:s18], [sflag:$0x2] =	stream.indirect.gather [hbm4b:s4+s16], $0x80, s25, s16, $0xb8;
	[tilespmem:$0x1E800] =	vst v63  }
0x55: {  	_ =	swait.ge [sflag:s19], $0x4000  }
0x56: {  	[sflag:s19] =	ssyncset.done $0x0  }
0x57: {  	[sflag:s19] =	ssyncadd.s32 $0xFFFFC000  }
0x58: {  	[spmem:s2] =	stream.indirect.scatter.add.f32 [tilespmem:s17], [sflag:$0x3], $0x80, s26, s16, $0xb8;
	[tilespmem:$0x1E800] =	vst v63  }
0x59: {  	_ =	swait.ge [sflag:s20], $0x4000  }
0x5a: {  	[sflag:s20] =	ssyncset.done $0x0  }
0x5b: {  	[sflag:s20] =	ssyncadd.s32 $0xFFFFC000  }
0x5c: {  	_ =	swait.ge [sflag:s22], $0x4000  }
0x5d: {  	[sflag:s22] =	ssyncset.done $0x0  }
0x5e: {  	[sflag:s22] =	ssyncadd.s32 $0xFFFFC000  }
0x5f: {  	[spmem:s2] =	stream.indirect.scatter.add.f32 [tilespmem:s18], [sflag:$0x4], $0x80, s28, s16, $0xb8;
	[tilespmem:$0x1E800] =	vst v63  }
0x60: {  	_ =	swait.ge [sflag:s24], $0x4000  }
0x61: {  	[sflag:s24] =	ssyncset.done $0x0  }
0x62: {  	[sflag:s24] =	ssyncadd.s32 $0xFFFFC000  }
0x63: {  	[tilespmem:s3], [sflag:$0x5] =	stream.linear.gather [hbm4b:s9+s3], $0x1400, $0x38;
	[tilespmem:$0x1E800] =	vst v63  }
0x64: {  	_ =	swait.ge [sflag:s14], $0x1400  }
0x65: {  	[sflag:s14] =	ssyncset.done $0x0  }
0x66: {  	[sflag:s14] =	ssyncadd.s32 $0xFFFFEC00  }
0x67: {  	[tilespmem:s15], [sflag:$0x5] =	stream.linear.gather [hbm4b:s10+s3], $0x1400, $0x38;
	[tilespmem:$0x1E800] =	vst v63  }
0x68: {  	_ =	swait.ge [sflag:s14], $0x1400  }
0x69: {  	[sflag:s14] =	ssyncset.done $0x0  }
0x6a: {  	[sflag:s14] =	ssyncadd.s32 $0xFFFFEC00  }
0x6b: {  	[tilespmem:s17], [sflag:$0x1] =	stream.indirect.gather [hbm4b:s4+s16], $0x80, s3, s16, $0xb8;
	[tilespmem:$0x1E800] =	vst v63  }
0x6c: {  	_ = 	snop  }
0x6d: {  	[tilespmem:s18], [sflag:$0x2] =	stream.indirect.gather [hbm4b:s4+s16], $0x80, s16, s16, $0xb8;
	[tilespmem:$0x1E800] =	vst v63  }
0x6e: {  	_ =	swait.ge [sflag:s19], $0x4000  }
0x6f: {  	[sflag:s19] =	ssyncset.done $0x0  }
0x70: {  	[sflag:s19] =	ssyncadd.s32 $0xFFFFC000  }
0x71: {  	[spmem:s2] =	stream.indirect.scatter.add.f32 [tilespmem:s17], [sflag:$0x3], $0x80, s15, s16, $0xb8;
	[tilespmem:$0x1E800] =	vst v63  }
0x72: {  	_ =	swait.ge [sflag:s20], $0x4000  }
0x73: {  	[sflag:s20] =	ssyncset.done $0x0  }
0x74: {  	[sflag:s20] =	ssyncadd.s32 $0xFFFFC000  }
0x75: {  	[tilespmem:s17], [sflag:$0x1] =	stream.indirect.gather [hbm4b:s4+s16], $0x80, s21, s16, $0xb8;
	[tilespmem:$0x1E800] =	vst v63  }
0x76: {  	_ =	swait.ge [sflag:s22], $0x4000  }
0x77: {  	[sflag:s22] =	ssyncset.done $0x0  }
0x78: {  	[sflag:s22] =	ssyncadd.s32 $0xFFFFC000  }
0x79: {  	[spmem:s2] =	stream.indirect.scatter.add.f32 [tilespmem:s18], [sflag:$0x4], $0x80, s23, s16, $0xb8;
	[tilespmem:$0x1E800] =	vst v63  }
0x7a: {  	_ =	swait.ge [sflag:s24], $0x4000  }
0x7b: {  	[sflag:s24] =	ssyncset.done $0x0  }
0x7c: {  	s0 =	simm.s32 $0x180;
	[sflag:s24] =	ssyncadd.s32 $0xFFFFC000  }
0x7d: {  	[tilespmem:s18], [sflag:$0x2] =	stream.indirect.gather [hbm4b:s4+s16], $0x80, s0, s16, $0xb8;
	[tilespmem:$0x1E800] =	vst v63  }
0x7e: {  	_ =	swait.ge [sflag:s19], $0x4000  }
0x7f: {  	[sflag:s19] =	ssyncset.done $0x0  }
0x80: {  	s0 =	simm.s32 $0x1500;
	[sflag:s19] =	ssyncadd.s32 $0xFFFFC000  }
0x81: {  	[spmem:s2] =	stream.indirect.scatter.add.f32 [tilespmem:s17], [sflag:$0x3], $0x80, s0, s16, $0xb8;
	[tilespmem:$0x1E800] =	vst v63  }
0x82: {  	_ =	swait.ge [sflag:s20], $0x4000  }
0x83: {  	[sflag:s20] =	ssyncset.done $0x0  }
0x84: {  	s0 =	simm.s32 $0x200;
	[sflag:s20] =	ssyncadd.s32 $0xFFFFC000  }
0x85: {  	[tilespmem:s17], [sflag:$0x1] =	stream.indirect.gather [hbm4b:s4+s16], $0x80, s0, s16, $0xb8;
	[tilespmem:$0x1E800] =	vst v63  }
0x86: {  	_ =	swait.ge [sflag:s22], $0x4000  }
0x87: {  	[sflag:s22] =	ssyncset.done $0x0  }
0x88: {  	s30 =	simm.s32 $0xFFFFBC00;
	s31 =	simm.s32 $0x1580;
	[sflag:s22] =	ssyncadd.s32 $0xFFFFC000  }
.LBB2_4:
0x89: {  	[spmem:s2] =	stream.indirect.scatter.add.f32 [tilespmem:s18], [sflag:$0x4], $0x80, s31, s16, $0xb8;
	[tilespmem:$0x1E800] =	vst v63  }
0x8a: {  	s0 =	smov.u32 s30  }
0x8b: {  	p0 =	sne.s32 s30, $0xFFFFFC00;
	s30 =	sadd.s32 $0x400, s30;
	_ =	swait.ge [sflag:s24], $0x4000  }
0x8c: {  	s0 =	sshra.s32 s0, $0x2;
	[sflag:s24] =	ssyncset.done $0x0  }
0x8d: {  	s31 =	sadd.s32 $0x1380, s0;
	[sflag:s24] =	ssyncadd.s32 $0xFFFFC000  }
0x8e: {  	[tilespmem:s18], [sflag:$0x2] =	stream.indirect.gather [hbm4b:s4+s16], $0x80, s31, s16, $0xb8;
	[tilespmem:$0x1E800] =	vst v63  }
0x8f: {  	_ =	swait.ge [sflag:s19], $0x4000  }
0x90: {  	[sflag:s19] =	ssyncset.done $0x0  }
0x91: {  	s31 =	sadd.s32 $0x2700, s0;
	[sflag:s19] =	ssyncadd.s32 $0xFFFFC000  }
0x92: {  	[spmem:s2] =	stream.indirect.scatter.add.f32 [tilespmem:s17], [sflag:$0x3], $0x80, s31, s16, $0xb8;
	[tilespmem:$0x1E800] =	vst v63  }
0x93: {  	_ =	swait.ge [sflag:s20], $0x4000  }
0x94: {  	[sflag:s20] =	ssyncset.done $0x0  }
.Ltmp1:
0x95: {  	s31 =	sadd.s32 $0x1400, s0;
	[sflag:s20] =	ssyncadd.s32 $0xFFFFC000;
	(pc) =	sbr.rel @p0 .LBB2_4-.Ltmp1, $4  }
0x96: {  	[tilespmem:s17], [sflag:$0x1] =	stream.indirect.gather [hbm4b:s4+s16], $0x80, s31, s16, $0xb8;
	[tilespmem:$0x1E800] =	vst v63  }
0x97: {  	_ =	swait.ge [sflag:s22], $0x4000  }
0x98: {  	[sflag:s22] =	ssyncset.done $0x0  }
0x99: {  	s31 =	sadd.s32 $0x2780, s0;
	[sflag:s22] =	ssyncadd.s32 $0xFFFFC000  }
0x9a: {  	[spmem:s2] =	stream.indirect.scatter.add.f32 [tilespmem:s18], [sflag:$0x4], $0x80, s31, s16, $0xb8;
	[tilespmem:$0x1E800] =	vst v63  }
0x9b: {  	_ =	swait.ge [sflag:s24], $0x4000  }
0x9c: {  	[sflag:s24] =	ssyncset.done $0x0  }
0x9d: {  	[sflag:s24] =	ssyncadd.s32 $0xFFFFC000  }
0x9e: {  	[tilespmem:s18], [sflag:$0x2] =	stream.indirect.gather [hbm4b:s4+s16], $0x80, s25, s16, $0xb8;
	[tilespmem:$0x1E800] =	vst v63  }
0x9f: {  	_ =	swait.ge [sflag:s19], $0x4000  }
0xa0: {  	[sflag:s19] =	ssyncset.done $0x0  }
0xa1: {  	[sflag:s19] =	ssyncadd.s32 $0xFFFFC000  }
0xa2: {  	[spmem:s2] =	stream.indirect.scatter.add.f32 [tilespmem:s17], [sflag:$0x3], $0x80, s26, s16, $0xb8;
	[tilespmem:$0x1E800] =	vst v63  }
0xa3: {  	_ =	swait.ge [sflag:s20], $0x4000  }
0xa4: {  	[sflag:s20] =	ssyncset.done $0x0  }
0xa5: {  	[sflag:s20] =	ssyncadd.s32 $0xFFFFC000  }
0xa6: {  	_ =	swait.ge [sflag:s22], $0x4000  }
0xa7: {  	[sflag:s22] =	ssyncset.done $0x0  }
0xa8: {  	[sflag:s22] =	ssyncadd.s32 $0xFFFFC000  }
0xa9: {  	[spmem:s2] =	stream.indirect.scatter.add.f32 [tilespmem:s18], [sflag:$0x4], $0x80, s28, s16, $0xb8;
	[tilespmem:$0x1E800] =	vst v63  }
0xaa: {  	_ =	swait.ge [sflag:s24], $0x4000  }
0xab: {  	s29 =	sadd.s32 $0x1, s29;
	[sflag:s24] =	ssyncset.done $0x0  }
0xac: {  	p0 =	sne.s32 s29, s12;
	[sflag:s24] =	ssyncadd.s32 $0xFFFFC000  }
.Ltmp2:
0xad: {  	[bflag:$0x0] =	sbarrier.arrive $0xFFFF;
	(pc) =	sbr.rel @p0 .LBB2_1-.Ltmp2, $4  }
0xae: {  	[hbm:s11], [sflag:s6] =	dma.local [spmem:s13], $0x2800  }
0xaf: {  	_ =	swait.ge [sflag:s14], $0x2800  }
0xb0: {  	[sflag:s14] =	ssyncset.done $0x0  }
0xb1: {  	[sflag:s14] =	ssyncadd.s32 $0xFFFFD800  }
0xb2: {  	_ =	sfence.sel $0x180000  }
0xb3: {  	[bflag:$0x0] =	sbarrier.arrive $0xFFFF  }
0xb4: {  	_ =	strace $0x90000056  }
0xb5: {  	[bflag:$0x2] =	sbarrier.arrive $0xFFFF  }
0xb6: {  	p0 =	sne.s32 s1, $0x0;
	s0 =	rddreg [dreg:$0x2]  }
0xb7: {  	s0 =	sadd.s32 @!p0 $0x100000, s0  }
0xb8: {  	[sflag:s0] =	ssyncadd.tile.s32 @!p0 $0x1;
	_ =	shalt  }
.Lfunc_end2:
_tile_overlayer_lowered:
.L_overlay_start_2:
0xb9: {  	(tag) =	ssettag $0x2  }
0xba: {  	s0 =	rddreg [dreg:$0x0];
	s2 =	stileid.u32  }
0xbb: {  	s1 =	rddreg [dreg:$0x1];
	p0 =	sne.s32 s2, $0x0  }
0xbc: {  	s3 =	rddreg [dreg:$0x2];
	[bflag:$0x3] =	sbarrier.arrive $0xFFFF;
	s2 =	simm.s32 @!p0 $0x1C05  }
0xbd: {  	[timem:s3], [sflag:s2] =	dma.local @!p0 [hbm:s0], s1  }
0xbe: {  	s0 =	simm.s32 @!p0 $0x5  }
0xbf: {  	_ =	swait.ge @!p0 [sflag:s0], s1  }
0xc0: {  	s1 =	ssub.s32 @!p0 $0x0, s1;
	[sflag:s0] =	ssyncset.done @!p0 $0x0  }
0xc1: {  	[sflag:s0] =	ssyncadd.s32 @!p0 s1  }
0xc2: {  	[bflag:$0x3] =	sbarrier.arrive $0xFFFF  }
0xc3: {  	_ =	shalt  }

// kernel: kernel.34.cloned.1.call-start
scs
__scs_entry_jumppad:
0x0: {  	(pc) =	sbr.rel $0x88, $3  }
0x1: {  	(tag) =	ssettag $0x0;
	lr =	simm.s32 $0x1  }
0x2: {  	[smem:$0x3F9B] =	sst lr;
	_ =	strace $0xD0000000  }
0x3: {  	_ = 	snop  }
0x4: {  	_ = 	snop  }
0x5: {  	_ = 	snop  }
0x6: {  	_ = 	snop  }
0x7: {  	_ = 	snop  }
__scs_overlays_trampoline_lowered:
0x8: {  	[smem:$0x3FAA] =	sst s0  }
0x9: {  	[smem:$0x3FAB] =	sst s1  }
0xa: {  	[smem:$0x3FAC] =	sst s2  }
0xb: {  	[smem:$0x3FAD] =	sst s3  }
0xc: {  	[smem:$0x3FAE] =	sst s4  }
0xd: {  	[smem:$0x3FAF] =	sst s5  }
0xe: {  	[smem:$0x3FB0] =	sst s6  }
0xf: {  	[smem:$0x3FB1] =	sst s7  }
0x10: {  	[smem:$0x3FB2] =	sst s8  }
0x11: {  	[smem:$0x3FB3] =	sst s9;
	s0 =	simm.s32 @!p0 $0x0  }
0x12: {  	s1 =	sld [smem:$0x3F99];
	s0 =	simm.s32 @p0 $0x1  }
0x13: {  	[smem:$0x3FB4] =	sst s0;
	s0 =	simm.s32 @!p1 $0x0  }
0x14: {  	s2 =	sld [smem:$0x3F98];
	s0 =	simm.s32 @p1 $0x1  }
0x15: {  	[smem:$0x3FB5] =	sst s0;
	s0 =	simm.s32 @!p2 $0x0  }
0x16: {  	s3 =	sld [smem:$0x3FDB];
	s0 =	simm.s32 @p2 $0x1  }
0x17: {  	s4 =	simm.s32 $0x1BF5;
	[smem:$0x3FB7] =	sst s0  }
0x18: {  	s0 =	sld [smem:$0x3F9A];
	_ =	swait.ge [sflag:s4], $0x0  }
0x19: {  	s7 =	sld [smem:$0x3F9B]  }
0x1a: {  	s8 =	sadd.s32 $0xFFFFE003, lr  }
0x1b: {  	s9 =	sadd.s32 $0xFFFFFEF7, lr;
	s5 =	simm.s32 $0xFFFFFFFF;
	p2 =	slt.u32 s8, $0xFFFFF086  }
0x1c: {  	p1 =	slt.u32 s9, $0xF7A;
	s5 =	simm.s32 @!p2 $0x0  }
0x1d: {  	s5 =	simm.s32 @p1 $0x1;
	p0 =	seq.s32 s7, s2  }
0x1e: {  	s7 =	smul.u32 @!p0 $0xF7A, s2;
	p2 =	seq.s32 @!p0 s5, $0x0  }
0x1f: {  	s9 =	smul.u32 $0xF7A, s1;
	s8 =	simm.s32 @!p0 $0x1BF5;
	p2 =	por !p2, p0  }
0x20: {  	[sflag:s8] =	ssyncset.s32 @!p0 $0xFFFFF086;
	s6 =	sadd.s32 @!p0 s3, s7;
	s7 =	simm.s32 @!p0 $0x108  }
0x21: {  	s3 =	sadd.s32 s3, s9;
	s6 =	sadd.s32 @!p0 $0x88, s6;
	s7 =	simm.s32 @p2 $0x1082  }
0x22: {  	[simem:s7], [sflag:s8] =	dma.local @!p0 [hbm:s6], $0xF7A  }
0x23: {  	s9 =	sor.u32 $0xD0000000, s2;
	s6 =	simm.s32 $0x108;
	_ =	swait.ge @!p0 [sflag:s8], $0x0  }
0x24: {  	s3 =	sadd.s32 $0x88, s3;
	s6 =	simm.s32 @!p1 $0x1082;
	[sflag:s4] =	ssyncset.s32 $0xFFFFF086  }
0x25: {  	[simem:s6], [sflag:s4] =	dma.local [hbm:s3], $0xF7A  }
0x26: {  	[smem:$0x3F9B] =	sst s1;
	(tag) =	ssettag s2;
	_ =	strace s9  }
0x27: {  	s1 =	sld [smem:$0x3FAB]  }
0x28: {  	s2 =	sld [smem:$0x3FAC]  }
0x29: {  	s4 =	sld [smem:$0x3FAE]  }
0x2a: {  	p0 =	seq.s32 s5, $0x0;
	s5 =	sld [smem:$0x3FAF]  }
0x2b: {  	s6 =	sld [smem:$0x3FB0]  }
0x2c: {  	s7 =	sld [smem:$0x3FB1]  }
0x2d: {  	s3 =	simm.s32 $0x108;
	s8 =	sld [smem:$0x3FB2]  }
0x2e: {  	s3 =	simm.s32 @!p0 $0x1082;
	s9 =	sld [smem:$0x3FB3]  }
0x2f: {  	lr =	sadd.s32 s0, s3;
	s0 =	sld [smem:$0x3FAA]  }
0x30: {  	s3 =	sld [smem:$0x3FAD]  }
0x31: {  	[smem:$0x3FB6] =	sst s10  }
0x32: {  	s10 =	sld [smem:$0x3FB4];
	_ =	sdelay $0x3  }
0x33: {  	p0 =	seq.s32 s10, $0x1;
	s10 =	sld [smem:$0x3FB6];
	_ =	sdelay $0x3  }
0x34: {  	[smem:$0x3FB6] =	sst s10  }
0x35: {  	s10 =	sld [smem:$0x3FB5];
	_ =	sdelay $0x3  }
0x36: {  	p1 =	seq.s32 s10, $0x1;
	s10 =	sld [smem:$0x3FB6];
	_ =	sdelay $0x3  }
0x37: {  	[smem:$0x3FB6] =	sst s10  }
0x38: {  	s10 =	sld [smem:$0x3FB7]  }
0x39: {  	_ = 	snop;
	(pc) =	sbr.ind lr, $3  }
0x3a: {  	_ = 	snop  }
0x3b: {  	_ = 	snop  }
0x3c: {  	p2 =	seq.s32 s10, $0x1;
	s10 =	sld [smem:$0x3FB6]  }
0x3d: {  	_ =	shalt  }
0x3e: {  	_ =	shalt  }
0x3f: {  	_ =	shalt  }
0x40: {  	_ =	shalt  }
0x41: {  	_ =	shalt  }
0x42: {  	_ =	shalt  }
0x43: {  	_ =	shalt  }
0x44: {  	_ =	shalt  }
0x45: {  	_ =	shalt  }
0x46: {  	_ =	shalt  }
0x47: {  	_ =	shalt  }
0x48: {  	_ =	shalt  }
0x49: {  	_ =	shalt  }
0x4a: {  	_ =	shalt  }
0x4b: {  	_ =	shalt  }
0x4c: {  	_ =	shalt  }
0x4d: {  	_ =	shalt  }
0x4e: {  	_ =	shalt  }
0x4f: {  	_ =	shalt  }
0x50: {  	_ =	shalt  }
0x51: {  	_ =	shalt  }
0x52: {  	_ =	shalt  }
0x53: {  	_ =	shalt  }
0x54: {  	_ =	shalt  }
0x55: {  	_ =	shalt  }
0x56: {  	_ =	shalt  }
0x57: {  	_ =	shalt  }
0x58: {  	_ =	shalt  }
0x59: {  	_ =	shalt  }
0x5a: {  	_ =	shalt  }
0x5b: {  	_ =	shalt  }
0x5c: {  	_ =	shalt  }
0x5d: {  	_ =	shalt  }
0x5e: {  	_ =	shalt  }
0x5f: {  	_ =	shalt  }
0x60: {  	_ =	shalt  }
0x61: {  	_ =	shalt  }
0x62: {  	_ =	shalt  }
0x63: {  	_ =	shalt  }
0x64: {  	_ =	shalt  }
0x65: {  	_ =	shalt  }
0x66: {  	_ =	shalt  }
0x67: {  	_ =	shalt  }
0x68: {  	_ =	shalt  }
0x69: {  	_ =	shalt  }
0x6a: {  	_ =	shalt  }
0x6b: {  	_ =	shalt  }
0x6c: {  	_ =	shalt  }
0x6d: {  	_ =	shalt  }
0x6e: {  	_ =	shalt  }
0x6f: {  	_ =	shalt  }
0x70: {  	_ =	shalt  }
0x71: {  	_ =	shalt  }
0x72: {  	_ =	shalt  }
0x73: {  	_ =	shalt  }
0x74: {  	_ =	shalt  }
0x75: {  	_ =	shalt  }
0x76: {  	_ =	shalt  }
0x77: {  	_ =	shalt  }
0x78: {  	_ =	shalt  }
0x79: {  	_ =	shalt  }
0x7a: {  	_ =	shalt  }
0x7b: {  	_ =	shalt  }
0x7c: {  	_ =	shalt  }
0x7d: {  	_ =	shalt  }
0x7e: {  	_ =	shalt  }
0x7f: {  	_ =	shalt  }
0x80: {  	_ =	shalt  }
0x81: {  	_ =	shalt  }
0x82: {  	_ =	shalt  }
0x83: {  	_ =	shalt  }
0x84: {  	_ =	shalt  }
0x85: {  	_ =	shalt  }
0x86: {  	_ =	shalt  }
0x87: {  	_ =	shalt  }
.Lfunc_end0:
.L_simem_size_0:
called_computation.6_lowered:
.L_overlay_start_0:
0x88: {  	s2 =	sld [smem:$0x3FD9]  }
0x89: {  	s3 =	sld [smem:$0x3FFE];
	_ =	sdelay $0x1  }
0x8a: {  	s1 =	srdreg.scid  }
0x8b: {  	s0 =	sand.u32 $0x1, s1  }
0x8c: {  	s16 =	sshll.u32 s0, $0xA;
	s2 =	sadd.s32 s3, s2  }
0x8d: {  	s2 =	sadd.s32 s2, s16  }
0x8e: {  	[smem:$0x3FC2] =	sst s2  }
0x8f: {  	_ = 	snop  }
0x90: {  	(tm) =	ssettm $0x1  }
0x91: {  	s17 =	sld [smem:$0x3FFB];
	_ =	sdelay $0x3  }
0x92: {  	_ =	strace s17  }
0x93: {  	s2 =	sld [smem:$0x3FFC];
	_ =	sdelay $0x3  }
0x94: {  	_ =	strace s2  }
0x95: {  	s2 =	sld [smem:$0x3FFD];
	_ =	sdelay $0x3  }
0x96: {  	_ =	strace s2  }
0x97: {  	_ =	strace $0x8FFFFFFF  }
0x98: {  	s18 =	sld [smem:$0x3FDB];
	_ =	sdelay $0x1  }
0x99: {  	s19 =	simm.s32 $_scs_section_size  }
0x9a: {  	s4 =	simm.s32 $_size__tile_overlayer_lowered;
	s5 =	simm.s32 $_tile_overlayer_lowered  }
0x9b: {  	s22 =	simm.s32 $0x1BFF;
	s21 =	sshll.u32 s5, $0x1;
	s2 =	sadd.s32 s19, s18  }
0x9c: {  	s6 =	simm.s32 $0x0;
	s20 =	sshll.u32 s4, $0x1;
	s4 =	sadd.s32 s21, s2  }
0x9d: {  	[timem:s6], [sflag:s22] =	dma.local [hbm:s4], s20  }
0x9e: {  	_ =	swait.ge [sflag:s22], s20  }
0x9f: {  	s3 =	ssub.s32 $0x0, s20;
	[sflag:s22] =	ssyncset.done $0x0  }
0xa0: {  	[sflag:s22] =	ssyncadd.s32 s3;
	_ =	sdelay $0x1  }
0xa1: {  	s23 =	simm.s32 $0x1B8B  }
0xa2: {  	_ =	swait.ge [sflag:s23], $0x1  }
0xa3: {  	[sflag:s23] =	ssyncset.done $0x0  }
0xa4: {  	s25 =	simm.s32 $0x1B8E;
	s24 =	sld [smem:$0x3FFE];
	[sflag:s23] =	ssyncadd.s32 $0xFFFFFFFF  }
0xa5: {  	s26 =	simm.s32 $execute0_lowered;
	[smem:$0x3FD2] =	sst s25  }
0xa6: {  	s4 =	sshll.u32 s26, $0x1;
	_ =	strace $0x80000058;
	[dreg:$0x1] =	wrdreg $0xFFFFFFFF  }
0xa7: {  	s28 =	simm.s32 $_size_execute0_lowered;
	s2 =	sadd.s32 s2, s4;
	[dreg:$0x0] =	wrdreg $0x0  }
0xa8: {  	s4 =	sshll.u32 s28, $0x1;
	[dreg:$0x2] =	wrdreg s2  }
0xa9: {  	[dreg:$0x3] =	wrdreg s4  }
0xaa: {  	[dreg:$0x4] =	wrdreg $0xC0  }
0xab: {  	_ =	task [dreg:s6], $0x5FFFF  }
0xac: {  	[dreg:$0x1] =	wrdreg $0xFFFFFFFF  }
0xad: {  	[dreg:$0x0] =	wrdreg $0x60  }
0xae: {  	[dreg:$0x2] =	wrdreg s24  }
0xaf: {  	[dreg:$0x3] =	wrdreg $0xA8000  }
0xb0: {  	[dreg:$0x4] =	wrdreg $0x9  }
0xb1: {  	_ =	task.clear_ibuf [dreg:s6], $0x5FFFF;
	_ =	strace $0x90000058  }
0xb2: {  	s29 =	simm.s32 $0x9;
	_ =	strace $0x8000005A  }
0xb3: {  	_ =	swait.ge [sflag:s29], $0x1  }
0xb4: {  	[sflag:s29] =	ssyncadd.s32 $0xFFFFFFFF  }
0xb5: {  	_ =	strace $0x9000005A  }
0xb6: {  	_ =	sfence  }
0xb7: {  	s30 =	sld [smem:$0x0];
	_ =	sdelay $0x2  }
0xb8: {  	s31 =	sshll.u32 s1, $0xD;
	s1 =	sshrl.u32 s1, $0x2  }
0xb9: {  	s3 =	sand.u32 $0x4000, s31;
	s1 =	sadd.s32 s1, s30  }
0xba: {  	s0 =	sor.u32 s3, s0;
	s1 =	sshll.u32 s1, $0x11  }
0xbb: {  	s0 =	sor.u32 s1, s0  }
0xbc: {  	s0 =	sadd.s32 $0x8F2B, s0  }
0xbd: {  	[sflag:s0] =	ssyncadd.remote.s32 $0x1  }
0xbe: {  	_ =	sfence.sel $0xFFFF  }
0xbf: {  	[dreg:$0x0] =	wrdreg $0xFFFFFFFF;
	(pc) =	sbr.abs _section_cstart, $3  }
0xc0: {  	[dreg:$0x1] =	wrdreg $0xFFFFFFFF  }
0xc1: {  	_ =	task.clear_ibuf [dreg:s6], $0x2FFFF;
	_ =	strace $0x9FFFFFFF  }
0xc2: {  	(tm) =	ssettm $0x7FFFFFFF  }
0xc3: {  	_ =	shalt  }
tec
execute0_lowered:
.L_overlay_start_1:
0x0: {  	(tag) =	ssettag $0x1  }
0x1: {  	s5 =	rddreg [dreg:$0x0]  }
0x2: {  	s2 =	rddreg [dreg:$0x1];
	s3 =	simm.s32 $0x0  }
0x3: {  	s1 =	stileid.u32;
	s4 =	srdreg.scid;
	s16 =	simm.s32 $0x80  }
0x4: {  	s17 =	simm.s32 $0x2800;
	s18 =	simm.s32 $0x6800;
	s19 =	simm.s32 $0x1  }
0x5: {  	s20 =	simm.s32 $0x3;
	s21 =	simm.s32 $0x100;
	s22 =	simm.s32 $0x2  }
0x6: {  	s23 =	simm.s32 $0x1480;
	s24 =	simm.s32 $0x4;
	s25 =	simm.s32 $0x1380  }
0x7: {  	s28 =	simm.s32 $0x2780;
	s29 =	simm.s32 $0x0;
	[smem:$0x7FF] =	sst s3  }
0x8: {  	s6 =	smul.u32 $0x14000, s1;
	s7 =	sand.u32 $0x1, s4;
	s4 =	sadd.s32 $0x2BE00, s5  }
0x9: {  	s10 =	sadd.s32 $0x85E00, s5;
	s11 =	sadd.s32 $0x7BE00, s5;
	s26 =	smul.u32 $0x50000, s1  }
0xa: {  	s30 =	sshll.u32 s1, $0x6;
	_ =	strace $0x80000059;
	s9 =	smul.u32 $0x140000, s7  }
0xb: {  	s12 =	sshll.u32 s7, $0x4;
	s7 =	ssub.s32 $0x2, s7;
	s8 =	sshrl.u32 s6, $0x3  }
0xc: {  	s12 =	sor.u32 s1, s12;
	s13 =	sshrl.u32 s7, $0x1;
	s8 =	sadd.s32 s8, s5  }
0xd: {  	s6 =	sadd.s32 s6, s9;
	s9 =	sshrl.u32 s26, $0x2;
	s12 =	smul.u32 $0x2800, s12  }
0xe: {  	s13 =	ssub.s32 s7, s13;
	s26 =	simm.s32 $0x2700;
	s6 =	sshrl.u32 s6, $0x3  }
0xf: {  	s15 =	sadd.s32 s9, s2;
	s14 =	sadd.s32 s6, s5;
	s31 =	sshrl.u32 s12, $0x3  }
0x10: {  	s5 =	sadd.s32 $0x3E00, s8;
	s6 =	sor.u32 $0x1C05, s30;
	s12 =	sadd.s32 $0x280, s31  }
0x11: {  	s7 =	sadd.s32 s10, s31;
	s8 =	sadd.s32 s11, s31;
	s9 =	sadd.s32 s10, s12  }
0x12: {  	s10 =	sadd.s32 s11, s12;
	s11 =	sadd.s32 $0x8FE00, s14;
	s12 =	smax.u32 s13, $0x1  }
0x13: {  	s13 =	sshrl.u32 s15, $0x3;
	s14 =	simm.s32 $0x5;
	s15 =	simm.s32 $0x1400  }
.LBB2_1:
0x14: {  	[spmem:s13], [sflag:s6] =	dma.local [hbm:s5], $0x2800  }
0x15: {  	_ =	swait.ge [sflag:s14], $0x2800  }
0x16: {  	[sflag:s14] =	ssyncset.done $0x0  }
0x17: {  	[sflag:s14] =	ssyncadd.s32 $0xFFFFD800  }
0x18: {  	[bflag:$0x0] =	sbarrier.arrive $0xFFFF  }
0x19: {  	[tilespmem:s3], [sflag:$0x5] =	stream.linear.gather [hbm4b:s7+s3], $0x1400, $0x38;
	[tilespmem:$0x1E800] =	vst v63  }
0x1a: {  	_ =	swait.ge [sflag:s14], $0x1400  }
0x1b: {  	[sflag:s14] =	ssyncset.done $0x0  }
0x1c: {  	[sflag:s14] =	ssyncadd.s32 $0xFFFFEC00  }
0x1d: {  	[tilespmem:s15], [sflag:$0x5] =	stream.linear.gather [hbm4b:s8+s3], $0x1400, $0x38;
	[tilespmem:$0x1E800] =	vst v63  }
0x1e: {  	_ =	swait.ge [sflag:s14], $0x1400  }
0x1f: {  	[sflag:s14] =	ssyncset.done $0x0  }
0x20: {  	[sflag:s14] =	ssyncadd.s32 $0xFFFFEC00  }
0x21: {  	[tilespmem:s17], [sflag:$0x1] =	stream.indirect.gather [hbm4b:s4+s16], $0x80, s3, s16, $0xb8;
	[tilespmem:$0x1E800] =	vst v63  }
0x22: {  	_ = 	snop  }
0x23: {  	[tilespmem:s18], [sflag:$0x2] =	stream.indirect.gather [hbm4b:s4+s16], $0x80, s16, s16, $0xb8;
	[tilespmem:$0x1E800] =	vst v63  }
0x24: {  	_ =	swait.ge [sflag:s19], $0x4000  }
0x25: {  	[sflag:s19] =	ssyncset.done $0x0  }
0x26: {  	[sflag:s19] =	ssyncadd.s32 $0xFFFFC000  }
0x27: {  	[spmem:s2] =	stream.indirect.scatter.add.f32 [tilespmem:s17], [sflag:$0x3], $0x80, s15, s16, $0xb8;
	[tilespmem:$0x1E800] =	vst v63  }
0x28: {  	_ =	swait.ge [sflag:s20], $0x4000  }
0x29: {  	[sflag:s20] =	ssyncset.done $0x0  }
0x2a: {  	[sflag:s20] =	ssyncadd.s32 $0xFFFFC000  }
0x2b: {  	[tilespmem:s17], [sflag:$0x1] =	stream.indirect.gather [hbm4b:s4+s16], $0x80, s21, s16, $0xb8;
	[tilespmem:$0x1E800] =	vst v63  }
0x2c: {  	_ =	swait.ge [sflag:s22], $0x4000  }
0x2d: {  	[sflag:s22] =	ssyncset.done $0x0  }
0x2e: {  	[sflag:s22] =	ssyncadd.s32 $0xFFFFC000  }
0x2f: {  	[spmem:s2] =	stream.indirect.scatter.add.f32 [tilespmem:s18], [sflag:$0x4], $0x80, s23, s16, $0xb8;
	[tilespmem:$0x1E800] =	vst v63  }
0x30: {  	_ =	swait.ge [sflag:s24], $0x4000  }
0x31: {  	[sflag:s24] =	ssyncset.done $0x0  }
0x32: {  	s30 =	simm.s32 $0x180;
	[sflag:s24] =	ssyncadd.s32 $0xFFFFC000  }
0x33: {  	[tilespmem:s18], [sflag:$0x2] =	stream.indirect.gather [hbm4b:s4+s16], $0x80, s30, s16, $0xb8;
	[tilespmem:$0x1E800] =	vst v63  }
0x34: {  	_ =	swait.ge [sflag:s19], $0x4000  }
0x35: {  	[sflag:s19] =	ssyncset.done $0x0  }
0x36: {  	s30 =	simm.s32 $0x1500;
	[sflag:s19] =	ssyncadd.s32 $0xFFFFC000  }
0x37: {  	[spmem:s2] =	stream.indirect.scatter.add.f32 [tilespmem:s17], [sflag:$0x3], $0x80, s30, s16, $0xb8;
	[tilespmem:$0x1E800] =	vst v63  }
0x38: {  	_ =	swait.ge [sflag:s20], $0x4000  }
0x39: {  	[sflag:s20] =	ssyncset.done $0x0  }
0x3a: {  	s30 =	simm.s32 $0x200;
	[sflag:s20] =	ssyncadd.s32 $0xFFFFC000  }
0x3b: {  	[tilespmem:s17], [sflag:$0x1] =	stream.indirect.gather [hbm4b:s4+s16], $0x80, s30, s16, $0xb8;
	[tilespmem:$0x1E800] =	vst v63  }
0x3c: {  	_ =	swait.ge [sflag:s22], $0x4000  }
0x3d: {  	[sflag:s22] =	ssyncset.done $0x0  }
0x3e: {  	s31 =	simm.s32 $0x1580;
	s30 =	simm.s32 $0xFFFFBC00;
	[sflag:s22] =	ssyncadd.s32 $0xFFFFC000  }
.LBB2_2:
0x3f: {  	[spmem:s2] =	stream.indirect.scatter.add.f32 [tilespmem:s18], [sflag:$0x4], $0x80, s31, s16, $0xb8;
	[tilespmem:$0x1E800] =	vst v63  }
0x40: {  	s31 =	smov.u32 s30  }
0x41: {  	p0 =	sne.s32 s30, $0xFFFFFC00;
	s30 =	sadd.s32 $0x400, s30;
	_ =	swait.ge [sflag:s24], $0x4000  }
0x42: {  	s31 =	sshra.s32 s31, $0x2;
	[sflag:s24] =	ssyncset.done $0x0  }
0x43: {  	s0 =	sadd.s32 $0x1380, s31;
	[sflag:s24] =	ssyncadd.s32 $0xFFFFC000  }
0x44: {  	[tilespmem:s18], [sflag:$0x2] =	stream.indirect.gather [hbm4b:s4+s16], $0x80, s0, s16, $0xb8;
	[tilespmem:$0x1E800] =	vst v63  }
0x45: {  	_ =	swait.ge [sflag:s19], $0x4000  }
0x46: {  	[sflag:s19] =	ssyncset.done $0x0  }
0x47: {  	s0 =	sadd.s32 $0x2700, s31;
	[sflag:s19] =	ssyncadd.s32 $0xFFFFC000  }
0x48: {  	[spmem:s2] =	stream.indirect.scatter.add.f32 [tilespmem:s17], [sflag:$0x3], $0x80, s0, s16, $0xb8;
	[tilespmem:$0x1E800] =	vst v63  }
0x49: {  	_ =	swait.ge [sflag:s20], $0x4000  }
0x4a: {  	[sflag:s20] =	ssyncset.done $0x0  }
.Ltmp0:
0x4b: {  	s0 =	sadd.s32 $0x1400, s31;
	[sflag:s20] =	ssyncadd.s32 $0xFFFFC000;
	(pc) =	sbr.rel @p0 .LBB2_2-.Ltmp0, $4  }
0x4c: {  	[tilespmem:s17], [sflag:$0x1] =	stream.indirect.gather [hbm4b:s4+s16], $0x80, s0, s16, $0xb8;
	[tilespmem:$0x1E800] =	vst v63  }
0x4d: {  	_ =	swait.ge [sflag:s22], $0x4000  }
0x4e: {  	[sflag:s22] =	ssyncset.done $0x0  }
0x4f: {  	s31 =	sadd.s32 $0x2780, s31;
	[sflag:s22] =	ssyncadd.s32 $0xFFFFC000  }
0x50: {  	[spmem:s2] =	stream.indirect.scatter.add.f32 [tilespmem:s18], [sflag:$0x4], $0x80, s31, s16, $0xb8;
	[tilespmem:$0x1E800] =	vst v63  }
0x51: {  	_ =	swait.ge [sflag:s24], $0x4000  }
0x52: {  	[sflag:s24] =	ssyncset.done $0x0  }
0x53: {  	[sflag:s24] =	ssyncadd.s32 $0xFFFFC000  }
0x54: {  	[tilespmem:s18], [sflag:$0x2] =	stream.indirect.gather [hbm4b:s4+s16], $0x80, s25, s16, $0xb8;
	[tilespmem:$0x1E800] =	vst v63  }
0x55: {  	_ =	swait.ge [sflag:s19], $0x4000  }
0x56: {  	[sflag:s19] =	ssyncset.done $0x0  }
0x57: {  	[sflag:s19] =	ssyncadd.s32 $0xFFFFC000  }
0x58: {  	[spmem:s2] =	stream.indirect.scatter.add.f32 [tilespmem:s17], [sflag:$0x3], $0x80, s26, s16, $0xb8;
	[tilespmem:$0x1E800] =	vst v63  }
0x59: {  	_ =	swait.ge [sflag:s20], $0x4000  }
0x5a: {  	[sflag:s20] =	ssyncset.done $0x0  }
0x5b: {  	[sflag:s20] =	ssyncadd.s32 $0xFFFFC000  }
0x5c: {  	_ =	swait.ge [sflag:s22], $0x4000  }
0x5d: {  	[sflag:s22] =	ssyncset.done $0x0  }
0x5e: {  	[sflag:s22] =	ssyncadd.s32 $0xFFFFC000  }
0x5f: {  	[spmem:s2] =	stream.indirect.scatter.add.f32 [tilespmem:s18], [sflag:$0x4], $0x80, s28, s16, $0xb8;
	[tilespmem:$0x1E800] =	vst v63  }
0x60: {  	_ =	swait.ge [sflag:s24], $0x4000  }
0x61: {  	[sflag:s24] =	ssyncset.done $0x0  }
0x62: {  	[sflag:s24] =	ssyncadd.s32 $0xFFFFC000  }
0x63: {  	[tilespmem:s3], [sflag:$0x5] =	stream.linear.gather [hbm4b:s9+s3], $0x1400, $0x38;
	[tilespmem:$0x1E800] =	vst v63  }
0x64: {  	_ =	swait.ge [sflag:s14], $0x1400  }
0x65: {  	[sflag:s14] =	ssyncset.done $0x0  }
0x66: {  	[sflag:s14] =	ssyncadd.s32 $0xFFFFEC00  }
0x67: {  	[tilespmem:s15], [sflag:$0x5] =	stream.linear.gather [hbm4b:s10+s3], $0x1400, $0x38;
	[tilespmem:$0x1E800] =	vst v63  }
0x68: {  	_ =	swait.ge [sflag:s14], $0x1400  }
0x69: {  	[sflag:s14] =	ssyncset.done $0x0  }
0x6a: {  	[sflag:s14] =	ssyncadd.s32 $0xFFFFEC00  }
0x6b: {  	[tilespmem:s17], [sflag:$0x1] =	stream.indirect.gather [hbm4b:s4+s16], $0x80, s3, s16, $0xb8;
	[tilespmem:$0x1E800] =	vst v63  }
0x6c: {  	_ = 	snop  }
0x6d: {  	[tilespmem:s18], [sflag:$0x2] =	stream.indirect.gather [hbm4b:s4+s16], $0x80, s16, s16, $0xb8;
	[tilespmem:$0x1E800] =	vst v63  }
0x6e: {  	_ =	swait.ge [sflag:s19], $0x4000  }
0x6f: {  	[sflag:s19] =	ssyncset.done $0x0  }
0x70: {  	[sflag:s19] =	ssyncadd.s32 $0xFFFFC000  }
0x71: {  	[spmem:s2] =	stream.indirect.scatter.add.f32 [tilespmem:s17], [sflag:$0x3], $0x80, s15, s16, $0xb8;
	[tilespmem:$0x1E800] =	vst v63  }
0x72: {  	_ =	swait.ge [sflag:s20], $0x4000  }
0x73: {  	[sflag:s20] =	ssyncset.done $0x0  }
0x74: {  	[sflag:s20] =	ssyncadd.s32 $0xFFFFC000  }
0x75: {  	[tilespmem:s17], [sflag:$0x1] =	stream.indirect.gather [hbm4b:s4+s16], $0x80, s21, s16, $0xb8;
	[tilespmem:$0x1E800] =	vst v63  }
0x76: {  	_ =	swait.ge [sflag:s22], $0x4000  }
0x77: {  	[sflag:s22] =	ssyncset.done $0x0  }
0x78: {  	[sflag:s22] =	ssyncadd.s32 $0xFFFFC000  }
0x79: {  	[spmem:s2] =	stream.indirect.scatter.add.f32 [tilespmem:s18], [sflag:$0x4], $0x80, s23, s16, $0xb8;
	[tilespmem:$0x1E800] =	vst v63  }
0x7a: {  	_ =	swait.ge [sflag:s24], $0x4000  }
0x7b: {  	[sflag:s24] =	ssyncset.done $0x0  }
0x7c: {  	s0 =	simm.s32 $0x180;
	[sflag:s24] =	ssyncadd.s32 $0xFFFFC000  }
0x7d: {  	[tilespmem:s18], [sflag:$0x2] =	stream.indirect.gather [hbm4b:s4+s16], $0x80, s0, s16, $0xb8;
	[tilespmem:$0x1E800] =	vst v63  }
0x7e: {  	_ =	swait.ge [sflag:s19], $0x4000  }
0x7f: {  	[sflag:s19] =	ssyncset.done $0x0  }
0x80: {  	s0 =	simm.s32 $0x1500;
	[sflag:s19] =	ssyncadd.s32 $0xFFFFC000  }
0x81: {  	[spmem:s2] =	stream.indirect.scatter.add.f32 [tilespmem:s17], [sflag:$0x3], $0x80, s0, s16, $0xb8;
	[tilespmem:$0x1E800] =	vst v63  }
0x82: {  	_ =	swait.ge [sflag:s20], $0x4000  }
0x83: {  	[sflag:s20] =	ssyncset.done $0x0  }
0x84: {  	s0 =	simm.s32 $0x200;
	[sflag:s20] =	ssyncadd.s32 $0xFFFFC000  }
0x85: {  	[tilespmem:s17], [sflag:$0x1] =	stream.indirect.gather [hbm4b:s4+s16], $0x80, s0, s16, $0xb8;
	[tilespmem:$0x1E800] =	vst v63  }
0x86: {  	_ =	swait.ge [sflag:s22], $0x4000  }
0x87: {  	[sflag:s22] =	ssyncset.done $0x0  }
0x88: {  	s30 =	simm.s32 $0xFFFFBC00;
	s31 =	simm.s32 $0x1580;
	[sflag:s22] =	ssyncadd.s32 $0xFFFFC000  }
.LBB2_4:
0x89: {  	[spmem:s2] =	stream.indirect.scatter.add.f32 [tilespmem:s18], [sflag:$0x4], $0x80, s31, s16, $0xb8;
	[tilespmem:$0x1E800] =	vst v63  }
0x8a: {  	s0 =	smov.u32 s30  }
0x8b: {  	p0 =	sne.s32 s30, $0xFFFFFC00;
	s30 =	sadd.s32 $0x400, s30;
	_ =	swait.ge [sflag:s24], $0x4000  }
0x8c: {  	s0 =	sshra.s32 s0, $0x2;
	[sflag:s24] =	ssyncset.done $0x0  }
0x8d: {  	s31 =	sadd.s32 $0x1380, s0;
	[sflag:s24] =	ssyncadd.s32 $0xFFFFC000  }
0x8e: {  	[tilespmem:s18], [sflag:$0x2] =	stream.indirect.gather [hbm4b:s4+s16], $0x80, s31, s16, $0xb8;
	[tilespmem:$0x1E800] =	vst v63  }
0x8f: {  	_ =	swait.ge [sflag:s19], $0x4000  }
0x90: {  	[sflag:s19] =	ssyncset.done $0x0  }
0x91: {  	s31 =	sadd.s32 $0x2700, s0;
	[sflag:s19] =	ssyncadd.s32 $0xFFFFC000  }
0x92: {  	[spmem:s2] =	stream.indirect.scatter.add.f32 [tilespmem:s17], [sflag:$0x3], $0x80, s31, s16, $0xb8;
	[tilespmem:$0x1E800] =	vst v63  }
0x93: {  	_ =	swait.ge [sflag:s20], $0x4000  }
0x94: {  	[sflag:s20] =	ssyncset.done $0x0  }
.Ltmp1:
0x95: {  	s31 =	sadd.s32 $0x1400, s0;
	[sflag:s20] =	ssyncadd.s32 $0xFFFFC000;
	(pc) =	sbr.rel @p0 .LBB2_4-.Ltmp1, $4  }
0x96: {  	[tilespmem:s17], [sflag:$0x1] =	stream.indirect.gather [hbm4b:s4+s16], $0x80, s31, s16, $0xb8;
	[tilespmem:$0x1E800] =	vst v63  }
0x97: {  	_ =	swait.ge [sflag:s22], $0x4000  }
0x98: {  	[sflag:s22] =	ssyncset.done $0x0  }
0x99: {  	s31 =	sadd.s32 $0x2780, s0;
	[sflag:s22] =	ssyncadd.s32 $0xFFFFC000  }
0x9a: {  	[spmem:s2] =	stream.indirect.scatter.add.f32 [tilespmem:s18], [sflag:$0x4], $0x80, s31, s16, $0xb8;
	[tilespmem:$0x1E800] =	vst v63  }
0x9b: {  	_ =	swait.ge [sflag:s24], $0x4000  }
0x9c: {  	[sflag:s24] =	ssyncset.done $0x0  }
0x9d: {  	[sflag:s24] =	ssyncadd.s32 $0xFFFFC000  }
0x9e: {  	[tilespmem:s18], [sflag:$0x2] =	stream.indirect.gather [hbm4b:s4+s16], $0x80, s25, s16, $0xb8;
	[tilespmem:$0x1E800] =	vst v63  }
0x9f: {  	_ =	swait.ge [sflag:s19], $0x4000  }
0xa0: {  	[sflag:s19] =	ssyncset.done $0x0  }
0xa1: {  	[sflag:s19] =	ssyncadd.s32 $0xFFFFC000  }
0xa2: {  	[spmem:s2] =	stream.indirect.scatter.add.f32 [tilespmem:s17], [sflag:$0x3], $0x80, s26, s16, $0xb8;
	[tilespmem:$0x1E800] =	vst v63  }
0xa3: {  	_ =	swait.ge [sflag:s20], $0x4000  }
0xa4: {  	[sflag:s20] =	ssyncset.done $0x0  }
0xa5: {  	[sflag:s20] =	ssyncadd.s32 $0xFFFFC000  }
0xa6: {  	_ =	swait.ge [sflag:s22], $0x4000  }
0xa7: {  	[sflag:s22] =	ssyncset.done $0x0  }
0xa8: {  	[sflag:s22] =	ssyncadd.s32 $0xFFFFC000  }
0xa9: {  	[spmem:s2] =	stream.indirect.scatter.add.f32 [tilespmem:s18], [sflag:$0x4], $0x80, s28, s16, $0xb8;
	[tilespmem:$0x1E800] =	vst v63  }
0xaa: {  	_ =	swait.ge [sflag:s24], $0x4000  }
0xab: {  	s29 =	sadd.s32 $0x1, s29;
	[sflag:s24] =	ssyncset.done $0x0  }
0xac: {  	p0 =	sne.s32 s29, s12;
	[sflag:s24] =	ssyncadd.s32 $0xFFFFC000  }
.Ltmp2:
0xad: {  	[bflag:$0x0] =	sbarrier.arrive $0xFFFF;
	(pc) =	sbr.rel @p0 .LBB2_1-.Ltmp2, $4  }
0xae: {  	[hbm:s11], [sflag:s6] =	dma.local [spmem:s13], $0x2800  }
0xaf: {  	_ =	swait.ge [sflag:s14], $0x2800  }
0xb0: {  	[sflag:s14] =	ssyncset.done $0x0  }
0xb1: {  	[sflag:s14] =	ssyncadd.s32 $0xFFFFD800  }
0xb2: {  	_ =	sfence.sel $0x180000  }
0xb3: {  	[bflag:$0x0] =	sbarrier.arrive $0xFFFF  }
0xb4: {  	_ =	strace $0x90000059  }
0xb5: {  	[bflag:$0x2] =	sbarrier.arrive $0xFFFF  }
0xb6: {  	p0 =	sne.s32 s1, $0x0;
	s0 =	rddreg [dreg:$0x2]  }
0xb7: {  	s0 =	sadd.s32 @!p0 $0x100000, s0  }
0xb8: {  	[sflag:s0] =	ssyncadd.tile.s32 @!p0 $0x1;
	_ =	shalt  }
.Lfunc_end2:
_tile_overlayer_lowered:
.L_overlay_start_2:
0xb9: {  	(tag) =	ssettag $0x2  }
0xba: {  	s0 =	rddreg [dreg:$0x0];
	s2 =	stileid.u32  }
0xbb: {  	s1 =	rddreg [dreg:$0x1];
	p0 =	sne.s32 s2, $0x0  }
0xbc: {  	s3 =	rddreg [dreg:$0x2];
	[bflag:$0x3] =	sbarrier.arrive $0xFFFF;
	s2 =	simm.s32 @!p0 $0x1C05  }
0xbd: {  	[timem:s3], [sflag:s2] =	dma.local @!p0 [hbm:s0], s1  }
0xbe: {  	s0 =	simm.s32 @!p0 $0x5  }
0xbf: {  	_ =	swait.ge @!p0 [sflag:s0], s1  }
0xc0: {  	s1 =	ssub.s32 @!p0 $0x0, s1;
	[sflag:s0] =	ssyncset.done @!p0 $0x0  }
0xc1: {  	[sflag:s0] =	ssyncadd.s32 @!p0 s1  }
0xc2: {  	[bflag:$0x3] =	sbarrier.arrive $0xFFFF  }
0xc3: {  	_ =	shalt  }

</sc_bundles>
